<compile_context>
chip_gen: v7x
topology: tpu7x:2x2x1
jax: 0.10.2.dev20260603
libtpu: 0.0.44.dev20260713+nightly
codegen_flags: <defaults>
</compile_context>

<pallas_src>
import functools

import jax
import jax.numpy as jnp
from jax import lax
from jax.experimental import pallas as pl
from jax.experimental.pallas import tpu as pltpu
from jax.experimental.pallas import tpu_sc as plsc

BATCH = 16384
DIM = 32
NCOLS = 1000000
NTILES = (NCOLS + 127) // 128

NC = 2
NS = 16
NW = NC * NS
OWN = (NTILES + NW - 1) // NW
CHUNK = 8
NCHUNK = (OWN + CHUNK - 1) // CHUNK
IDX_STAGE = 1024


@functools.cache
def _build():
    mesh = plsc.VectorSubcoreMesh(core_axis_name="c", subcore_axis_name="s")

    @functools.partial(
        pl.kernel,
        mesh=mesh,
        out_type=jax.ShapeDtypeStruct((BATCH * DIM,), jnp.float32),
        scratch_types=[
            pltpu.VMEM((2, IDX_STAGE), jnp.int32),
            pltpu.VMEM((BATCH + 16,), jnp.int32),
            pltpu.VMEM((BATCH + 16,), jnp.int32),
            pltpu.VMEM((256,), jnp.int32),
            pltpu.VMEM((256,), jnp.int32),
            pltpu.VMEM((256 + 16,), jnp.int32),
            pltpu.VMEM((2 * CHUNK, DIM, 128), jnp.float32),
            pltpu.VMEM((8 * DIM,), jnp.float32),
            pltpu.SemaphoreType.DMA((2 * CHUNK,)),
            pltpu.SemaphoreType.DMA((8,)),
            pltpu.SemaphoreType.DMA((2,)),
        ],
        compiler_params=pltpu.CompilerParams(
            use_tc_tiling_on_sc=True, needs_layout_passes=False
        ),
    )
    def gather_kernel(
        idx_hbm,
        xt_hbm,
        out_hbm,
        idx_v,
        list_v,
        clist_v,
        need_v,
        pos_v,
        tiles_v,
        blk_v,
        tmp_v,
        sems,
        wsems,
        isems,
    ):
        wid = lax.axis_index("s") * NC + lax.axis_index("c")
        lo_tile = wid * OWN
        lane = lax.iota(jnp.int32, 16)
        c_hi = lane + 16
        zeros16 = jnp.zeros((16,), jnp.int32)
        ones16 = jnp.ones((16,), jnp.int32)
        for w in range(16):
            need_v[pl.ds(16 * w, 16)] = zeros16

        def fire_idx(st):
            pltpu.async_copy(
                idx_hbm.at[pl.ds(st * IDX_STAGE, IDX_STAGE)],
                idx_v.at[st & 1],
                isems.at[st & 1],
            )

        fire_idx(0)

        def stage(st, cnt):
            pltpu.make_async_copy(
                idx_hbm.at[pl.ds(0, IDX_STAGE)], idx_v.at[st & 1], isems.at[st & 1]
            ).wait()

            @pl.when(st + 1 < BATCH // IDX_STAGE)
            def _():
                fire_idx(st + 1)

            def scan(vi, cnt):
                v = idx_v[st & 1, pl.ds(pl.multiple_of(vi * 16, 16), 16)]
                loc = (v >> 7) - lo_tile
                mask = (loc >= 0) & (loc < OWN)
                b = st * IDX_STAGE + vi * 16 + lane
                key = (loc << 21) | ((v & 127) << 14) | b
                plsc.store_compressed(list_v.at[pl.ds(cnt, 16)], key, mask=mask)
                plsc.store_scatter(need_v, [loc], ones16, mask=mask)
                return cnt + jnp.sum(jnp.where(mask, 1, 0))

            return lax.fori_loop(0, IDX_STAGE // 16, scan, cnt)

        cnt = lax.fori_loop(0, BATCH // IDX_STAGE, stage, 0)

        def build_tiles(w, ntile):
            lv = need_v[pl.ds(16 * w, 16)]
            pos_v[pl.ds(16 * w, 16)] = ntile + plsc.cumsum(lv) - lv
            plsc.store_compressed(
                tiles_v.at[pl.ds(ntile, 16)], 16 * w + lane, mask=lv > 0
            )
            return ntile + jnp.sum(lv)

        ntile = lax.fori_loop(0, 16, build_tiles, 0)
        nchunk = jnp.maximum((ntile + CHUNK - 1) >> 3, 2)

        def fire(cn, b):
            k = cn * CHUNK + b
            tv = tiles_v[pl.ds(pl.multiple_of((k >> 4) * 16, 16), 16)]
            tl = jnp.sum(jnp.where(lane == (k & 15), tv, 0))
            t = jnp.minimum(
                lo_tile + jnp.clip(tl, 0, 255), NTILES - 1
            )
            off = pl.multiple_of(t * 128, 128)
            slot = (cn & 1) * CHUNK + b
            pltpu.async_copy(
                xt_hbm.at[:, pl.ds(off, 128)], blk_v.at[slot], sems.at[slot]
            )

        for b in range(CHUNK):
            fire(0, b)
        for b in range(CHUNK):
            fire(1, b)

        def chunk_body(c, wcnt):
            for b in range(CHUNK):
                slot = (c & 1) * CHUNK + b
                pltpu.make_async_copy(
                    xt_hbm.at[:, pl.ds(0, 128)], blk_v.at[slot], sems.at[slot]
                ).wait()

            p0 = c * CHUNK

            def sel(vi, ccnt):
                kv = list_v[pl.ds(pl.multiple_of(vi * 16, 16), 16)]
                pos = plsc.load_gather(pos_v, [(kv >> 21) & 255])
                mask = (
                    (pos >= p0)
                    & (pos < p0 + CHUNK)
                    & (vi * 16 + lane < cnt)
                )
                kv2 = (pos << 21) | (kv & ((1 << 21) - 1))
                plsc.store_compressed(clist_v.at[pl.ds(ccnt, 16)], kv2, mask=mask)
                return ccnt + jnp.sum(jnp.where(mask, 1, 0))

            ccnt = lax.fori_loop(0, (cnt + 15) >> 4, sel, 0)

            def proc(j, wcnt):
                kv = clist_v[pl.ds(pl.multiple_of((j >> 4) * 16, 16), 16)]
                key = jnp.sum(jnp.where(lane == (j & 15), kv, 0))
                slot = (c & 1) * CHUNK + ((key >> 21) & (CHUNK - 1))
                m = jnp.full((16,), (key >> 14) & 127, jnp.int32)
                b_out = key & 16383
                ws = wcnt & 7

                @pl.when(wcnt >= 8)
                def _():
                    pltpu.make_async_copy(
                        tmp_v.at[pl.ds(0, DIM)],
                        out_hbm.at[pl.ds(0, DIM)],
                        wsems.at[ws],
                    ).wait()

                v_lo = plsc.load_gather(blk_v.at[slot], [lane, m])
                v_hi = plsc.load_gather(blk_v.at[slot], [c_hi, m])
                o = pl.multiple_of(ws * DIM, 16)
                tmp_v[pl.ds(o, 16)] = v_lo
                tmp_v[pl.ds(o + 16, 16)] = v_hi
                pltpu.async_copy(
                    tmp_v.at[pl.ds(o, DIM)],
                    out_hbm.at[pl.ds(b_out * DIM, DIM)],
                    wsems.at[ws],
                )
                return wcnt + 1

            wcnt = lax.fori_loop(0, ccnt, proc, wcnt)

            @pl.when(c + 2 < nchunk)
            def _():
                for b in range(CHUNK):
                    fire(c + 2, b)

            return wcnt

        wcnt = lax.fori_loop(0, nchunk, chunk_body, 0)

        for k in range(8):

            @pl.when(k < wcnt)
            def _():
                pltpu.make_async_copy(
                    tmp_v.at[pl.ds(0, DIM)],
                    out_hbm.at[pl.ds(0, DIM)],
                    wsems.at[k],
                ).wait()

    return gather_kernel


def kernel(domains, embedding_table):
    flat = _build()(domains.astype(jnp.int32), embedding_table.T)
    return flat.reshape(BATCH, DIM)

# --- scband reference (transcript-rebuilt; emitter-appended) ---
"""Pipeline reference for scband-domain-embedding-2559800508674 (READ-ONLY COPY).

The authoritative reference and input builder live on the scoring server;
editing this copy changes nothing except your own understanding.
"""

import jax, jax.numpy as jnp
import numpy as np

N_DOMAINS = 1000000
DOMAIN_DIM = 32
BATCH = 16384

def setup_inputs(seed: int = 0) -> dict:
    key = jax.random.key(seed)
    k_idx, k_tab = jax.random.split(key)
    domains = jax.random.randint(k_idx, (BATCH,), 0, N_DOMAINS, dtype=jnp.int64 if jax.config.jax_enable_x64 else jnp.int32)
    embedding_table = jax.random.normal(k_tab, (N_DOMAINS, DOMAIN_DIM), dtype=jnp.float32)
    return {"domains": domains, "embedding_table": embedding_table}

def reference(domains, embedding_table):
    # DomainEmbedding.forward: batch['domains'] -> nn.Embedding lookup
    # returns {'domain-feature': emb}; we return the array.
    domain_feature = jnp.take(embedding_table, domains, axis=0)
    return domain_feature

if __name__ == "__main__":
    import jax
    _d = setup_inputs()
    print(jax.jit(kernel)(*tuple(_d.values())))

</pallas_src>

<mosaic_0001>
#map = affine_map<(d0, d1) -> (0)>
#map1 = affine_map<(d0, d1) -> (0, 0)>
module attributes {stable_mosaic.version = 14 : i64} {
  func.func @gather_kernel(%arg0: i32, %arg1: i32, %arg2: memref<16384xi32, #tpu.memory_space<hbm>>, %arg3: memref<32x1000000xf32, #tpu.memory_space<hbm>>, %arg4: memref<524288xf32, #tpu.memory_space<hbm>>, %arg5: memref<2x1024xi32, #tpu.memory_space<vmem>>, %arg6: memref<16400xi32, #tpu.memory_space<vmem>>, %arg7: memref<16400xi32, #tpu.memory_space<vmem>>, %arg8: memref<256xi32, #tpu.memory_space<vmem>>, %arg9: memref<256xi32, #tpu.memory_space<vmem>>, %arg10: memref<272xi32, #tpu.memory_space<vmem>>, %arg11: memref<16x32x128xf32, #tpu.memory_space<vmem>>, %arg12: memref<256xf32, #tpu.memory_space<vmem>>, %arg13: memref<16x!tpu.dma_semaphore, #tpu.memory_space<semaphore_mem>>, %arg14: memref<8x!tpu.dma_semaphore, #tpu.memory_space<semaphore_mem>>, %arg15: memref<2x!tpu.dma_semaphore, #tpu.memory_space<semaphore_mem>>) attributes {dimension_semantics = [#tpu.dimension_semantics<core_parallel>, #tpu.dimension_semantics<subcore_parallel>], iteration_bounds = array<i64: 2, 16>, scalar_prefetch = 0 : i64, scratch_operands = 11 : i64, tpu.core_type = #tpu.core_type<sc_vector_subcore>, window_params = [{transform_indices = #map}, {transform_indices = #map1}, {transform_indices = #map}]} {
    %mul3A = arith.constant 2 : i32
    %mul3A_0 = arith.muli %arg1, %mul3A : i32
    %add3A = arith.addi %mul3A_0, %arg0 : i32
    %mul3A_1 = arith.constant 245 : i32
    %mul3A_2 = arith.muli %add3A, %mul3A_1 : i32
    %iota3A = tpu.iota {dimensions = array<i32: 0>} : vector<16xi32>
    %add3A_3 = arith.constant 16 : i32
    %add3A_4 = vector.broadcast %add3A_3 : i32 to vector<16xi32>
    %add3A_5 = arith.addi %iota3A, %add3A_4 : vector<16xi32>
    %broadcast_in_dim3A = arith.constant 0 : i32
    %broadcast_in_dim3A_6 = vector.broadcast %broadcast_in_dim3A : i32 to vector<16xi32>
    %broadcast_in_dim3A_7 = arith.constant 1 : i32
    %broadcast_in_dim3A_8 = vector.broadcast %broadcast_in_dim3A_7 : i32 to vector<16xi32>
    %swap3A = arith.constant 0 : index
    %swap3A_9 = tpu.vector_load %arg8[%swap3A] {strides = array<i32>} : memref<256xi32, #tpu.memory_space<vmem>>, vector<16xi32>,
    tpu.vector_store %arg8[%swap3A], %broadcast_in_dim3A_6 {strides = array<i32>} : memref<256xi32, #tpu.memory_space<vmem>>, vector<16xi32>,
    %swap3A_10 = arith.constant 16 : index
    %swap3A_11 = tpu.vector_load %arg8[%swap3A_10] {strides = array<i32>} : memref<256xi32, #tpu.memory_space<vmem>>, vector<16xi32>,
    tpu.vector_store %arg8[%swap3A_10], %broadcast_in_dim3A_6 {strides = array<i32>} : memref<256xi32, #tpu.memory_space<vmem>>, vector<16xi32>,
    %swap3A_12 = arith.constant 32 : index
    %swap3A_13 = tpu.vector_load %arg8[%swap3A_12] {strides = array<i32>} : memref<256xi32, #tpu.memory_space<vmem>>, vector<16xi32>,
    tpu.vector_store %arg8[%swap3A_12], %broadcast_in_dim3A_6 {strides = array<i32>} : memref<256xi32, #tpu.memory_space<vmem>>, vector<16xi32>,
    %swap3A_14 = arith.constant 48 : index
    %swap3A_15 = tpu.vector_load %arg8[%swap3A_14] {strides = array<i32>} : memref<256xi32, #tpu.memory_space<vmem>>, vector<16xi32>,
    tpu.vector_store %arg8[%swap3A_14], %broadcast_in_dim3A_6 {strides = array<i32>} : memref<256xi32, #tpu.memory_space<vmem>>, vector<16xi32>,
    %swap3A_16 = arith.constant 64 : index
    %swap3A_17 = tpu.vector_load %arg8[%swap3A_16] {strides = array<i32>} : memref<256xi32, #tpu.memory_space<vmem>>, vector<16xi32>,
    tpu.vector_store %arg8[%swap3A_16], %broadcast_in_dim3A_6 {strides = array<i32>} : memref<256xi32, #tpu.memory_space<vmem>>, vector<16xi32>,
    %swap3A_18 = arith.constant 80 : index
    %swap3A_19 = tpu.vector_load %arg8[%swap3A_18] {strides = array<i32>} : memref<256xi32, #tpu.memory_space<vmem>>, vector<16xi32>,
    tpu.vector_store %arg8[%swap3A_18], %broadcast_in_dim3A_6 {strides = array<i32>} : memref<256xi32, #tpu.memory_space<vmem>>, vector<16xi32>,
    %swap3A_20 = arith.constant 96 : index
    %swap3A_21 = tpu.vector_load %arg8[%swap3A_20] {strides = array<i32>} : memref<256xi32, #tpu.memory_space<vmem>>, vector<16xi32>,
    tpu.vector_store %arg8[%swap3A_20], %broadcast_in_dim3A_6 {strides = array<i32>} : memref<256xi32, #tpu.memory_space<vmem>>, vector<16xi32>,
    %swap3A_22 = arith.constant 112 : index
    %swap3A_23 = tpu.vector_load %arg8[%swap3A_22] {strides = array<i32>} : memref<256xi32, #tpu.memory_space<vmem>>, vector<16xi32>,
    tpu.vector_store %arg8[%swap3A_22], %broadcast_in_dim3A_6 {strides = array<i32>} : memref<256xi32, #tpu.memory_space<vmem>>, vector<16xi32>,
    %swap3A_24 = arith.constant 128 : index
    %swap3A_25 = tpu.vector_load %arg8[%swap3A_24] {strides = array<i32>} : memref<256xi32, #tpu.memory_space<vmem>>, vector<16xi32>,
    tpu.vector_store %arg8[%swap3A_24], %broadcast_in_dim3A_6 {strides = array<i32>} : memref<256xi32, #tpu.memory_space<vmem>>, vector<16xi32>,
    %swap3A_26 = arith.constant 144 : index
    %swap3A_27 = tpu.vector_load %arg8[%swap3A_26] {strides = array<i32>} : memref<256xi32, #tpu.memory_space<vmem>>, vector<16xi32>,
    tpu.vector_store %arg8[%swap3A_26], %broadcast_in_dim3A_6 {strides = array<i32>} : memref<256xi32, #tpu.memory_space<vmem>>, vector<16xi32>,
    %swap3A_28 = arith.constant 160 : index
    %swap3A_29 = tpu.vector_load %arg8[%swap3A_28] {strides = array<i32>} : memref<256xi32, #tpu.memory_space<vmem>>, vector<16xi32>,
    tpu.vector_store %arg8[%swap3A_28], %broadcast_in_dim3A_6 {strides = array<i32>} : memref<256xi32, #tpu.memory_space<vmem>>, vector<16xi32>,
    %swap3A_30 = arith.constant 176 : index
    %swap3A_31 = tpu.vector_load %arg8[%swap3A_30] {strides = array<i32>} : memref<256xi32, #tpu.memory_space<vmem>>, vector<16xi32>,
    tpu.vector_store %arg8[%swap3A_30], %broadcast_in_dim3A_6 {strides = array<i32>} : memref<256xi32, #tpu.memory_space<vmem>>, vector<16xi32>,
    %swap3A_32 = arith.constant 192 : index
    %swap3A_33 = tpu.vector_load %arg8[%swap3A_32] {strides = array<i32>} : memref<256xi32, #tpu.memory_space<vmem>>, vector<16xi32>,
    tpu.vector_store %arg8[%swap3A_32], %broadcast_in_dim3A_6 {strides = array<i32>} : memref<256xi32, #tpu.memory_space<vmem>>, vector<16xi32>,
    %swap3A_34 = arith.constant 208 : index
    %swap3A_35 = tpu.vector_load %arg8[%swap3A_34] {strides = array<i32>} : memref<256xi32, #tpu.memory_space<vmem>>, vector<16xi32>,
    tpu.vector_store %arg8[%swap3A_34], %broadcast_in_dim3A_6 {strides = array<i32>} : memref<256xi32, #tpu.memory_space<vmem>>, vector<16xi32>,
    %swap3A_36 = arith.constant 224 : index
    %swap3A_37 = tpu.vector_load %arg8[%swap3A_36] {strides = array<i32>} : memref<256xi32, #tpu.memory_space<vmem>>, vector<16xi32>,
    tpu.vector_store %arg8[%swap3A_36], %broadcast_in_dim3A_6 {strides = array<i32>} : memref<256xi32, #tpu.memory_space<vmem>>, vector<16xi32>,
    %swap3A_38 = arith.constant 240 : index
    %swap3A_39 = tpu.vector_load %arg8[%swap3A_38] {strides = array<i32>} : memref<256xi32, #tpu.memory_space<vmem>>, vector<16xi32>,
    tpu.vector_store %arg8[%swap3A_38], %broadcast_in_dim3A_6 {strides = array<i32>} : memref<256xi32, #tpu.memory_space<vmem>>, vector<16xi32>,
    %dma_start3A = arith.constant 0 : i32
    %dma_start3A_40 = arith.constant 0 : i32
    %dma_start3A_41 = arith.constant 0 : i32
    %dma_start3A_42 = tpu.memref_slice %arg5[%dma_start3A, %dma_start3A_41] : memref<2x1024xi32, #tpu.memory_space<vmem>> -> memref<1x1024xi32, #tpu.memory_space<vmem>>
    %dma_start3A_43 = tpu.memref_squeeze %dma_start3A_42 : memref<1x1024xi32, #tpu.memory_space<vmem>> -> memref<1024xi32, #tpu.memory_space<vmem>>
    %dma_start3A_44 = arith.constant 0 : i32
    %dma_start3A_45 = tpu.memref_slice %arg2[%dma_start3A_44] : memref<16384xi32, #tpu.memory_space<hbm>> -> memref<1024xi32, #tpu.memory_space<hbm>>
    %dma_start3A_46 = tpu.memref_slice %arg15[%dma_start3A_40] : memref<2x!tpu.dma_semaphore, #tpu.memory_space<semaphore_mem>> -> memref<1x!tpu.dma_semaphore, #tpu.memory_space<semaphore_mem>>
    %dma_start3A_47 = tpu.memref_squeeze %dma_start3A_46 : memref<1x!tpu.dma_semaphore, #tpu.memory_space<semaphore_mem>> -> memref<!tpu.dma_semaphore, #tpu.memory_space<semaphore_mem>>
    %dma_start3A_48 = arith.constant 0 : i32
    %dma_start3A_49 = tpu.memref_slice %arg5[%dma_start3A, %dma_start3A_48] : memref<2x1024xi32, #tpu.memory_space<vmem>> -> memref<1x1024xi32, #tpu.memory_space<vmem>>
    %dma_start3A_50 = tpu.memref_squeeze %dma_start3A_49 : memref<1x1024xi32, #tpu.memory_space<vmem>> -> memref<1024xi32, #tpu.memory_space<vmem>>
    %dma_start3A_51 = arith.constant 0 : i32
    %dma_start3A_52 = tpu.memref_slice %arg2[%dma_start3A_51] : memref<16384xi32, #tpu.memory_space<hbm>> -> memref<1024xi32, #tpu.memory_space<hbm>>
    tpu.enqueue_dma source(%dma_start3A_52 : memref<1024xi32, #tpu.memory_space<hbm>>) target(%dma_start3A_50 : memref<1024xi32, #tpu.memory_space<vmem>>) target_semaphore(%dma_start3A_47 : memref<!tpu.dma_semaphore, #tpu.memory_space<semaphore_mem>>)
    %scan3A = arith.constant 0 : i32
    %scan3A_53 = arith.constant 0 : i32
    %scan3A_54 = arith.constant 16 : i32
    %scan3A_55 = arith.addi %scan3A_53, %scan3A_54 : i32
    %scan3A_56 = arith.constant 1 : i32
    %scan3A_57 = scf.for %scan3A_752 = %scan3A_53 to %scan3A_55 step %scan3A_56 iter_args(%scan3A_753 = %scan3A) -> (i32)  : i32 {
      %and3A = arith.constant 1 : i32
      %and3A_754 = arith.andi %scan3A_752, %and3A : i32
      %and3A_755 = arith.constant 1 : i32
      %and3A_756 = arith.andi %scan3A_752, %and3A_755 : i32
      %dma_wait3A = arith.constant 0 : i32
      %dma_wait3A_757 = tpu.memref_slice %arg5[%and3A_754, %dma_wait3A] : memref<2x1024xi32, #tpu.memory_space<vmem>> -> memref<1x1024xi32, #tpu.memory_space<vmem>>
      %dma_wait3A_758 = tpu.memref_squeeze %dma_wait3A_757 : memref<1x1024xi32, #tpu.memory_space<vmem>> -> memref<1024xi32, #tpu.memory_space<vmem>>
      %dma_wait3A_759 = arith.constant 0 : i32
      %dma_wait3A_760 = tpu.memref_slice %arg2[%dma_wait3A_759] : memref<16384xi32, #tpu.memory_space<hbm>> -> memref<1024xi32, #tpu.memory_space<hbm>>
      %dma_wait3A_761 = tpu.memref_slice %arg15[%and3A_756] : memref<2x!tpu.dma_semaphore, #tpu.memory_space<semaphore_mem>> -> memref<1x!tpu.dma_semaphore, #tpu.memory_space<semaphore_mem>>
      %dma_wait3A_762 = tpu.memref_squeeze %dma_wait3A_761 : memref<1x!tpu.dma_semaphore, #tpu.memory_space<semaphore_mem>> -> memref<!tpu.dma_semaphore, #tpu.memory_space<semaphore_mem>>
      %dma_wait3A_763 = arith.constant 0 : i32
      %dma_wait3A_764 = tpu.memref_slice %arg5[%and3A_754, %dma_wait3A_763] : memref<2x1024xi32, #tpu.memory_space<vmem>> -> memref<1x1024xi32, #tpu.memory_space<vmem>>
      %dma_wait3A_765 = tpu.memref_squeeze %dma_wait3A_764 : memref<1x1024xi32, #tpu.memory_space<vmem>> -> memref<1024xi32, #tpu.memory_space<vmem>>
      %dma_wait3A_766 = arith.constant 0 : i32
      %dma_wait3A_767 = tpu.memref_slice %arg2[%dma_wait3A_766] : memref<16384xi32, #tpu.memory_space<hbm>> -> memref<1024xi32, #tpu.memory_space<hbm>>
      tpu.wait_dma2 semaphore(%dma_wait3A_762 : memref<!tpu.dma_semaphore, #tpu.memory_space<semaphore_mem>>) src(%dma_wait3A_767 : memref<1024xi32, #tpu.memory_space<hbm>>) dst(%dma_wait3A_765 : memref<1024xi32, #tpu.memory_space<vmem>>)
      %add3A_768 = arith.constant 1 : i32
      %add3A_769 = arith.addi %scan3A_752, %add3A_768 : i32
      %lt3A = arith.constant 16 : i32
      %lt3A_770 = arith.cmpi slt, %add3A_769, %lt3A : i32
      %convert_element_type3A_771 = arith.extui %lt3A_770 : i1 to i32
      %cond3A_772 = arith.constant 0 : i32
      %cond3A_773 = arith.cmpi ne, %convert_element_type3A_771, %cond3A_772 : i32
      scf.if %cond3A_773 {
        %add3A_780 = arith.constant 1 : i32
        %add3A_781 = arith.addi %scan3A_752, %add3A_780 : i32
        %mul3A_782 = arith.constant 1024 : i32
        %mul3A_783 = arith.muli %add3A_781, %mul3A_782 : i32
        %and3A_784 = arith.constant 1 : i32
        %and3A_785 = arith.andi %add3A_781, %and3A_784 : i32
        %and3A_786 = arith.constant 1 : i32
        %and3A_787 = arith.andi %add3A_781, %and3A_786 : i32
        %dma_start3A_788 = arith.constant 0 : i32
        %dma_start3A_789 = tpu.memref_slice %arg5[%and3A_785, %dma_start3A_788] : memref<2x1024xi32, #tpu.memory_space<vmem>> -> memref<1x1024xi32, #tpu.memory_space<vmem>>
        %dma_start3A_790 = tpu.memref_squeeze %dma_start3A_789 : memref<1x1024xi32, #tpu.memory_space<vmem>> -> memref<1024xi32, #tpu.memory_space<vmem>>
        %dma_start3A_791 = tpu.memref_slice %arg2[%mul3A_783] : memref<16384xi32, #tpu.memory_space<hbm>> -> memref<1024xi32, #tpu.memory_space<hbm>>
        %dma_start3A_792 = tpu.memref_slice %arg15[%and3A_787] : memref<2x!tpu.dma_semaphore, #tpu.memory_space<semaphore_mem>> -> memref<1x!tpu.dma_semaphore, #tpu.memory_space<semaphore_mem>>
        %dma_start3A_793 = tpu.memref_squeeze %dma_start3A_792 : memref<1x!tpu.dma_semaphore, #tpu.memory_space<semaphore_mem>> -> memref<!tpu.dma_semaphore, #tpu.memory_space<semaphore_mem>>
        %dma_start3A_794 = arith.constant 0 : i32
        %dma_start3A_795 = tpu.memref_slice %arg5[%and3A_785, %dma_start3A_794] : memref<2x1024xi32, #tpu.memory_space<vmem>> -> memref<1x1024xi32, #tpu.memory_space<vmem>>
        %dma_start3A_796 = tpu.memref_squeeze %dma_start3A_795 : memref<1x1024xi32, #tpu.memory_space<vmem>> -> memref<1024xi32, #tpu.memory_space<vmem>>
        %dma_start3A_797 = tpu.memref_slice %arg2[%mul3A_783] : memref<16384xi32, #tpu.memory_space<hbm>> -> memref<1024xi32, #tpu.memory_space<hbm>>
        tpu.enqueue_dma source(%dma_start3A_797 : memref<1024xi32, #tpu.memory_space<hbm>>) target(%dma_start3A_796 : memref<1024xi32, #tpu.memory_space<vmem>>) target_semaphore(%dma_start3A_793 : memref<!tpu.dma_semaphore, #tpu.memory_space<semaphore_mem>>)
      } else {
      }
      %scan3A_774 = arith.constant 0 : i32
      %scan3A_775 = arith.constant 64 : i32
      %scan3A_776 = arith.addi %scan3A_774, %scan3A_775 : i32
      %scan3A_777 = arith.constant 1 : i32
      %scan3A_778 = scf.for %scan3A_780 = %scan3A_774 to %scan3A_776 step %scan3A_777 iter_args(%scan3A_781 = %scan3A_753) -> (i32)  : i32 {
        %and3A_782 = arith.constant 1 : i32
        %and3A_783 = arith.andi %scan3A_752, %and3A_782 : i32
        %mul3A_784 = arith.constant 16 : i32
        %mul3A_785 = arith.muli %scan3A_780, %mul3A_784 : i32
        %multiple_of3A_786 = tpu.assume_multiple %mul3A_785, 16 : i32
        %get3A_787 = arith.index_cast %and3A_783 : i32 to index
        %get3A_788 = arith.index_cast %multiple_of3A_786 : i32 to index
        %get3A_789 = tpu.vector_load %arg5[%get3A_787, %get3A_788] {strides = array<i32>} : memref<2x1024xi32, #tpu.memory_space<vmem>>, vector<16xi32>,
        %shift_right_arithmetic3A_790 = arith.constant 7 : i32
        %shift_right_arithmetic3A_791 = vector.broadcast %shift_right_arithmetic3A_790 : i32 to vector<16xi32>
        %shift_right_arithmetic3A_792 = arith.shrsi %get3A_789, %shift_right_arithmetic3A_791 : vector<16xi32>
        %sub3A_793 = vector.broadcast %mul3A_2 : i32 to vector<16xi32>
        %sub3A_794 = arith.subi %shift_right_arithmetic3A_792, %sub3A_793 : vector<16xi32>
        %ge3A = arith.constant 0 : i32
        %ge3A_795 = vector.broadcast %ge3A : i32 to vector<16xi32>
        %ge3A_796 = arith.cmpi sge, %sub3A_794, %ge3A_795 : vector<16xi32>
        %lt3A_797 = arith.constant 245 : i32
        %lt3A_798 = vector.broadcast %lt3A_797 : i32 to vector<16xi32>
        %lt3A_799 = arith.cmpi slt, %sub3A_794, %lt3A_798 : vector<16xi32>
        %and3A_800 = arith.andi %ge3A_796, %lt3A_799 : vector<16xi1>
        %mul3A_801 = arith.constant 1024 : i32
        %mul3A_802 = arith.muli %scan3A_752, %mul3A_801 : i32
        %mul3A_803 = arith.constant 16 : i32
        %mul3A_804 = arith.muli %scan3A_780, %mul3A_803 : i32
        %add3A_805 = arith.addi %mul3A_802, %mul3A_804 : i32
        %add3A_806 = vector.broadcast %add3A_805 : i32 to vector<16xi32>
        %add3A_807 = arith.addi %add3A_806, %iota3A : vector<16xi32>
        %shift_left3A = arith.constant 21 : i32
        %shift_left3A_808 = vector.broadcast %shift_left3A : i32 to vector<16xi32>
        %shift_left3A_809 = arith.shli %sub3A_794, %shift_left3A_808 : vector<16xi32>
        %and3A_810 = arith.constant 127 : i32
        %and3A_811 = vector.broadcast %and3A_810 : i32 to vector<16xi32>
        %and3A_812 = arith.andi %get3A_789, %and3A_811 : vector<16xi32>
        %shift_left3A_813 = arith.constant 14 : i32
        %shift_left3A_814 = vector.broadcast %shift_left3A_813 : i32 to vector<16xi32>
        %shift_left3A_815 = arith.shli %and3A_812, %shift_left3A_814 : vector<16xi32>
        %or3A = arith.ori %shift_left3A_809, %shift_left3A_815 : vector<16xi32>
        %or3A_816 = arith.ori %or3A, %add3A_807 : vector<16xi32>
        %swap3A_817 = arith.index_cast %scan3A_781 : i32 to index
        %swap3A_818 = tpu.vector_load %arg6[%swap3A_817] masked %and3A_800 {strides = array<i32>} : memref<16400xi32, #tpu.memory_space<vmem>>, vector<16xi32>, vector<16xi1>
        tpu.vector_store %arg6[%swap3A_817], %or3A_816 masked %and3A_800 {strides = array<i32>} : memref<16400xi32, #tpu.memory_space<vmem>>, vector<16xi32>, vector<16xi1>
        tpu.vector_store_idx %arg8[%sub3A_794], %broadcast_in_dim3A_8 masked %and3A_800 : memref<256xi32, #tpu.memory_space<vmem>>[vector<16xi32>], vector<16xi32>, vector<16xi1>
        %jit3A_819 = arith.constant 1 : i32
        %jit3A_820 = arith.constant 0 : i32
        %broadcast_in_dim3A_821 = vector.broadcast %jit3A_819 : i32 to vector<16xi32>
        %broadcast_in_dim3A_822 = vector.broadcast %jit3A_820 : i32 to vector<16xi32>
        %select_n3A_823 = arith.select %and3A_800, %broadcast_in_dim3A_821, %broadcast_in_dim3A_822 : vector<16xi1>, vector<16xi32>
        %reduce_sum3A_824 = arith.constant true
        %reduce_sum3A_825 = vector.broadcast %reduce_sum3A_824 : i1 to vector<16xi1>
        %reduce_sum3A_826 = tpu.scan <sum>, %select_n3A_823 masked %reduce_sum3A_825 : vector<16xi32>, vector<16xi1> -> vector<16xi32>
        %reduce_sum3A_827 = vector.extract %reduce_sum3A_826[15] : i32 from vector<16xi32>
        %add3A_828 = arith.addi %scan3A_781, %reduce_sum3A_827 : i32
        scf.yield %add3A_828 : i32
      }
      %scan3A_779 = arith.constant 64 : i32
      scf.yield %scan3A_778 : i32
    }
    %scan3A_58 = arith.constant 16 : i32
    %scan3A_59 = arith.constant 0 : i32
    %scan3A_60 = arith.constant 0 : i32
    %scan3A_61 = arith.constant 16 : i32
    %scan3A_62 = arith.addi %scan3A_60, %scan3A_61 : i32
    %scan3A_63 = arith.constant 1 : i32
    %scan3A_64 = scf.for %scan3A_752 = %scan3A_60 to %scan3A_62 step %scan3A_63 iter_args(%scan3A_753 = %scan3A_59) -> (i32)  : i32 {
      %mul3A_754 = arith.constant 16 : i32
      %mul3A_755 = arith.muli %mul3A_754, %scan3A_752 : i32
      %get3A_756 = arith.index_cast %mul3A_755 : i32 to index
      %get3A_757 = tpu.vector_load %arg8[%get3A_756] {strides = array<i32>} : memref<256xi32, #tpu.memory_space<vmem>>, vector<16xi32>,
      %broadcast_in_dim3A_758 = arith.constant true
      %broadcast_in_dim3A_759 = vector.broadcast %broadcast_in_dim3A_758 : i1 to vector<16xi1>
      %masked_cumsum3A = tpu.scan <sum>, %get3A_757 masked %broadcast_in_dim3A_759 : vector<16xi32>, vector<16xi1> -> vector<16xi32>
      %add3A_760 = vector.broadcast %scan3A_753 : i32 to vector<16xi32>
      %add3A_761 = arith.addi %add3A_760, %masked_cumsum3A : vector<16xi32>
      %sub3A_762 = arith.subi %add3A_761, %get3A_757 : vector<16xi32>
      %mul3A_763 = arith.constant 16 : i32
      %mul3A_764 = arith.muli %mul3A_763, %scan3A_752 : i32
      %swap3A_765 = arith.index_cast %mul3A_764 : i32 to index
      %swap3A_766 = tpu.vector_load %arg9[%swap3A_765] {strides = array<i32>} : memref<256xi32, #tpu.memory_space<vmem>>, vector<16xi32>,
      tpu.vector_store %arg9[%swap3A_765], %sub3A_762 {strides = array<i32>} : memref<256xi32, #tpu.memory_space<vmem>>, vector<16xi32>,
      %mul3A_767 = arith.constant 16 : i32
      %mul3A_768 = arith.muli %mul3A_767, %scan3A_752 : i32
      %add3A_769 = vector.broadcast %mul3A_768 : i32 to vector<16xi32>
      %add3A_770 = arith.addi %add3A_769, %iota3A : vector<16xi32>
      %gt3A_771 = arith.constant 0 : i32
      %gt3A_772 = vector.broadcast %gt3A_771 : i32 to vector<16xi32>
      %gt3A_773 = arith.cmpi sgt, %get3A_757, %gt3A_772 : vector<16xi32>
      %swap3A_774 = arith.index_cast %scan3A_753 : i32 to index
      %swap3A_775 = tpu.vector_load %arg10[%swap3A_774] masked %gt3A_773 {strides = array<i32>} : memref<272xi32, #tpu.memory_space<vmem>>, vector<16xi32>, vector<16xi1>
      tpu.vector_store %arg10[%swap3A_774], %add3A_770 masked %gt3A_773 {strides = array<i32>} : memref<272xi32, #tpu.memory_space<vmem>>, vector<16xi32>, vector<16xi1>
      %reduce_sum3A_776 = arith.constant true
      %reduce_sum3A_777 = vector.broadcast %reduce_sum3A_776 : i1 to vector<16xi1>
      %reduce_sum3A_778 = tpu.scan <sum>, %get3A_757 masked %reduce_sum3A_777 : vector<16xi32>, vector<16xi1> -> vector<16xi32>
      %reduce_sum3A_779 = vector.extract %reduce_sum3A_778[15] : i32 from vector<16xi32>
      %add3A_780 = arith.addi %scan3A_753, %reduce_sum3A_779 : i32
      scf.yield %add3A_780 : i32
    }
    %scan3A_65 = arith.constant 16 : i32
    %add3A_66 = arith.constant 8 : i32
    %add3A_67 = arith.addi %scan3A_64, %add3A_66 : i32
    %sub3A = arith.constant 1 : i32
    %sub3A_68 = arith.subi %add3A_67, %sub3A : i32
    %shift_right_arithmetic3A = arith.constant 3 : i32
    %shift_right_arithmetic3A_69 = arith.shrsi %sub3A_68, %shift_right_arithmetic3A : i32
    %max3A = arith.constant 2 : i32
    %max3A_70 = arith.maxsi %shift_right_arithmetic3A_69, %max3A : i32
    %multiple_of3A = arith.constant 0 : i32
    %multiple_of3A_71 = tpu.assume_multiple %multiple_of3A, 16 : i32
    %get3A = arith.index_cast %multiple_of3A_71 : i32 to index
    %get3A_72 = tpu.vector_load %arg10[%get3A] {strides = array<i32>} : memref<272xi32, #tpu.memory_space<vmem>>, vector<16xi32>,
    %eq3A = arith.constant 0 : i32
    %eq3A_73 = vector.broadcast %eq3A : i32 to vector<16xi32>
    %eq3A_74 = arith.cmpi eq, %iota3A, %eq3A_73 : vector<16xi32>
    %jit3A = arith.constant 0 : i32
    %broadcast_in_dim3A_75 = vector.broadcast %jit3A : i32 to vector<16xi32>
    %select_n3A = arith.select %eq3A_74, %get3A_72, %broadcast_in_dim3A_75 : vector<16xi1>, vector<16xi32>
    %reduce_sum3A = arith.constant true
    %reduce_sum3A_76 = vector.broadcast %reduce_sum3A : i1 to vector<16xi1>
    %reduce_sum3A_77 = tpu.scan <sum>, %select_n3A masked %reduce_sum3A_76 : vector<16xi32>, vector<16xi1> -> vector<16xi32>
    %reduce_sum3A_78 = vector.extract %reduce_sum3A_77[15] : i32 from vector<16xi32>
    %jit3A_79 = arith.constant 0 : i32
    %jit3A_80 = arith.constant 255 : i32
    %max3A_81 = arith.maxsi %jit3A_79, %reduce_sum3A_78 : i32
    %min3A = arith.minsi %jit3A_80, %max3A_81 : i32
    %add3A_82 = arith.addi %mul3A_2, %min3A : i32
    %min3A_83 = arith.constant 7812 : i32
    %min3A_84 = arith.minsi %add3A_82, %min3A_83 : i32
    %mul3A_85 = arith.constant 128 : i32
    %mul3A_86 = arith.muli %min3A_84, %mul3A_85 : i32
    %multiple_of3A_87 = tpu.assume_multiple %mul3A_86, 128 : i32
    %dma_start3A_88 = arith.constant 0 : i32
    %dma_start3A_89 = arith.constant 0 : i32
    %dma_start3A_90 = arith.constant 0 : i32
    %dma_start3A_91 = arith.constant 0 : i32
    %dma_start3A_92 = tpu.memref_slice %arg11[%dma_start3A_88, %dma_start3A_90, %dma_start3A_91] : memref<16x32x128xf32, #tpu.memory_space<vmem>> -> memref<1x32x128xf32, #tpu.memory_space<vmem>>
    %dma_start3A_93 = tpu.memref_squeeze %dma_start3A_92 : memref<1x32x128xf32, #tpu.memory_space<vmem>> -> memref<32x128xf32, #tpu.memory_space<vmem>>
    %dma_start3A_94 = arith.constant 0 : i32
    %dma_start3A_95 = tpu.memref_slice %arg3[%dma_start3A_94, %multiple_of3A_87] : memref<32x1000000xf32, #tpu.memory_space<hbm>> -> memref<32x128xf32, #tpu.memory_space<hbm>>
    %dma_start3A_96 = tpu.memref_slice %arg13[%dma_start3A_89] : memref<16x!tpu.dma_semaphore, #tpu.memory_space<semaphore_mem>> -> memref<1x!tpu.dma_semaphore, #tpu.memory_space<semaphore_mem>>
    %dma_start3A_97 = tpu.memref_squeeze %dma_start3A_96 : memref<1x!tpu.dma_semaphore, #tpu.memory_space<semaphore_mem>> -> memref<!tpu.dma_semaphore, #tpu.memory_space<semaphore_mem>>
    %dma_start3A_98 = arith.constant 0 : i32
    %dma_start3A_99 = arith.constant 0 : i32
    %dma_start3A_100 = tpu.memref_slice %arg11[%dma_start3A_88, %dma_start3A_98, %dma_start3A_99] : memref<16x32x128xf32, #tpu.memory_space<vmem>> -> memref<1x32x128xf32, #tpu.memory_space<vmem>>
    %dma_start3A_101 = tpu.memref_squeeze %dma_start3A_100 : memref<1x32x128xf32, #tpu.memory_space<vmem>> -> memref<32x128xf32, #tpu.memory_space<vmem>>
    %dma_start3A_102 = arith.constant 0 : i32
    %dma_start3A_103 = tpu.memref_slice %arg3[%dma_start3A_102, %multiple_of3A_87] : memref<32x1000000xf32, #tpu.memory_space<hbm>> -> memref<32x128xf32, #tpu.memory_space<hbm>>
    tpu.enqueue_dma source(%dma_start3A_103 : memref<32x128xf32, #tpu.memory_space<hbm>>) target(%dma_start3A_101 : memref<32x128xf32, #tpu.memory_space<vmem>>) target_semaphore(%dma_start3A_97 : memref<!tpu.dma_semaphore, #tpu.memory_space<semaphore_mem>>)
    %multiple_of3A_104 = arith.constant 0 : i32
    %multiple_of3A_105 = tpu.assume_multiple %multiple_of3A_104, 16 : i32
    %get3A_106 = arith.index_cast %multiple_of3A_105 : i32 to index
    %get3A_107 = tpu.vector_load %arg10[%get3A_106] {strides = array<i32>} : memref<272xi32, #tpu.memory_space<vmem>>, vector<16xi32>,
    %eq3A_108 = arith.constant 1 : i32
    %eq3A_109 = vector.broadcast %eq3A_108 : i32 to vector<16xi32>
    %eq3A_110 = arith.cmpi eq, %iota3A, %eq3A_109 : vector<16xi32>
    %jit3A_111 = arith.constant 0 : i32
    %broadcast_in_dim3A_112 = vector.broadcast %jit3A_111 : i32 to vector<16xi32>
    %select_n3A_113 = arith.select %eq3A_110, %get3A_107, %broadcast_in_dim3A_112 : vector<16xi1>, vector<16xi32>
    %reduce_sum3A_114 = arith.constant true
    %reduce_sum3A_115 = vector.broadcast %reduce_sum3A_114 : i1 to vector<16xi1>
    %reduce_sum3A_116 = tpu.scan <sum>, %select_n3A_113 masked %reduce_sum3A_115 : vector<16xi32>, vector<16xi1> -> vector<16xi32>
    %reduce_sum3A_117 = vector.extract %reduce_sum3A_116[15] : i32 from vector<16xi32>
    %jit3A_118 = arith.constant 0 : i32
    %jit3A_119 = arith.constant 255 : i32
    %max3A_120 = arith.maxsi %jit3A_118, %reduce_sum3A_117 : i32
    %min3A_121 = arith.minsi %jit3A_119, %max3A_120 : i32
    %add3A_122 = arith.addi %mul3A_2, %min3A_121 : i32
    %min3A_123 = arith.constant 7812 : i32
    %min3A_124 = arith.minsi %add3A_122, %min3A_123 : i32
    %mul3A_125 = arith.constant 128 : i32
    %mul3A_126 = arith.muli %min3A_124, %mul3A_125 : i32
    %multiple_of3A_127 = tpu.assume_multiple %mul3A_126, 128 : i32
    %dma_start3A_128 = arith.constant 1 : i32
    %dma_start3A_129 = arith.constant 1 : i32
    %dma_start3A_130 = arith.constant 0 : i32
    %dma_start3A_131 = arith.constant 0 : i32
    %dma_start3A_132 = tpu.memref_slice %arg11[%dma_start3A_128, %dma_start3A_130, %dma_start3A_131] : memref<16x32x128xf32, #tpu.memory_space<vmem>> -> memref<1x32x128xf32, #tpu.memory_space<vmem>>
    %dma_start3A_133 = tpu.memref_squeeze %dma_start3A_132 : memref<1x32x128xf32, #tpu.memory_space<vmem>> -> memref<32x128xf32, #tpu.memory_space<vmem>>
    %dma_start3A_134 = arith.constant 0 : i32
    %dma_start3A_135 = tpu.memref_slice %arg3[%dma_start3A_134, %multiple_of3A_127] : memref<32x1000000xf32, #tpu.memory_space<hbm>> -> memref<32x128xf32, #tpu.memory_space<hbm>>
    %dma_start3A_136 = tpu.memref_slice %arg13[%dma_start3A_129] : memref<16x!tpu.dma_semaphore, #tpu.memory_space<semaphore_mem>> -> memref<1x!tpu.dma_semaphore, #tpu.memory_space<semaphore_mem>>
    %dma_start3A_137 = tpu.memref_squeeze %dma_start3A_136 : memref<1x!tpu.dma_semaphore, #tpu.memory_space<semaphore_mem>> -> memref<!tpu.dma_semaphore, #tpu.memory_space<semaphore_mem>>
    %dma_start3A_138 = arith.constant 0 : i32
    %dma_start3A_139 = arith.constant 0 : i32
    %dma_start3A_140 = tpu.memref_slice %arg11[%dma_start3A_128, %dma_start3A_138, %dma_start3A_139] : memref<16x32x128xf32, #tpu.memory_space<vmem>> -> memref<1x32x128xf32, #tpu.memory_space<vmem>>
    %dma_start3A_141 = tpu.memref_squeeze %dma_start3A_140 : memref<1x32x128xf32, #tpu.memory_space<vmem>> -> memref<32x128xf32, #tpu.memory_space<vmem>>
    %dma_start3A_142 = arith.constant 0 : i32
    %dma_start3A_143 = tpu.memref_slice %arg3[%dma_start3A_142, %multiple_of3A_127] : memref<32x1000000xf32, #tpu.memory_space<hbm>> -> memref<32x128xf32, #tpu.memory_space<hbm>>
    tpu.enqueue_dma source(%dma_start3A_143 : memref<32x128xf32, #tpu.memory_space<hbm>>) target(%dma_start3A_141 : memref<32x128xf32, #tpu.memory_space<vmem>>) target_semaphore(%dma_start3A_137 : memref<!tpu.dma_semaphore, #tpu.memory_space<semaphore_mem>>)
    %multiple_of3A_144 = arith.constant 0 : i32
    %multiple_of3A_145 = tpu.assume_multiple %multiple_of3A_144, 16 : i32
    %get3A_146 = arith.index_cast %multiple_of3A_145 : i32 to index
    %get3A_147 = tpu.vector_load %arg10[%get3A_146] {strides = array<i32>} : memref<272xi32, #tpu.memory_space<vmem>>, vector<16xi32>,
    %eq3A_148 = arith.constant 2 : i32
    %eq3A_149 = vector.broadcast %eq3A_148 : i32 to vector<16xi32>
    %eq3A_150 = arith.cmpi eq, %iota3A, %eq3A_149 : vector<16xi32>
    %jit3A_151 = arith.constant 0 : i32
    %broadcast_in_dim3A_152 = vector.broadcast %jit3A_151 : i32 to vector<16xi32>
    %select_n3A_153 = arith.select %eq3A_150, %get3A_147, %broadcast_in_dim3A_152 : vector<16xi1>, vector<16xi32>
    %reduce_sum3A_154 = arith.constant true
    %reduce_sum3A_155 = vector.broadcast %reduce_sum3A_154 : i1 to vector<16xi1>
    %reduce_sum3A_156 = tpu.scan <sum>, %select_n3A_153 masked %reduce_sum3A_155 : vector<16xi32>, vector<16xi1> -> vector<16xi32>
    %reduce_sum3A_157 = vector.extract %reduce_sum3A_156[15] : i32 from vector<16xi32>
    %jit3A_158 = arith.constant 0 : i32
    %jit3A_159 = arith.constant 255 : i32
    %max3A_160 = arith.maxsi %jit3A_158, %reduce_sum3A_157 : i32
    %min3A_161 = arith.minsi %jit3A_159, %max3A_160 : i32
    %add3A_162 = arith.addi %mul3A_2, %min3A_161 : i32
    %min3A_163 = arith.constant 7812 : i32
    %min3A_164 = arith.minsi %add3A_162, %min3A_163 : i32
    %mul3A_165 = arith.constant 128 : i32
    %mul3A_166 = arith.muli %min3A_164, %mul3A_165 : i32
    %multiple_of3A_167 = tpu.assume_multiple %mul3A_166, 128 : i32
    %dma_start3A_168 = arith.constant 2 : i32
    %dma_start3A_169 = arith.constant 2 : i32
    %dma_start3A_170 = arith.constant 0 : i32
    %dma_start3A_171 = arith.constant 0 : i32
    %dma_start3A_172 = tpu.memref_slice %arg11[%dma_start3A_168, %dma_start3A_170, %dma_start3A_171] : memref<16x32x128xf32, #tpu.memory_space<vmem>> -> memref<1x32x128xf32, #tpu.memory_space<vmem>>
    %dma_start3A_173 = tpu.memref_squeeze %dma_start3A_172 : memref<1x32x128xf32, #tpu.memory_space<vmem>> -> memref<32x128xf32, #tpu.memory_space<vmem>>
    %dma_start3A_174 = arith.constant 0 : i32
    %dma_start3A_175 = tpu.memref_slice %arg3[%dma_start3A_174, %multiple_of3A_167] : memref<32x1000000xf32, #tpu.memory_space<hbm>> -> memref<32x128xf32, #tpu.memory_space<hbm>>
    %dma_start3A_176 = tpu.memref_slice %arg13[%dma_start3A_169] : memref<16x!tpu.dma_semaphore, #tpu.memory_space<semaphore_mem>> -> memref<1x!tpu.dma_semaphore, #tpu.memory_space<semaphore_mem>>
    %dma_start3A_177 = tpu.memref_squeeze %dma_start3A_176 : memref<1x!tpu.dma_semaphore, #tpu.memory_space<semaphore_mem>> -> memref<!tpu.dma_semaphore, #tpu.memory_space<semaphore_mem>>
    %dma_start3A_178 = arith.constant 0 : i32
    %dma_start3A_179 = arith.constant 0 : i32
    %dma_start3A_180 = tpu.memref_slice %arg11[%dma_start3A_168, %dma_start3A_178, %dma_start3A_179] : memref<16x32x128xf32, #tpu.memory_space<vmem>> -> memref<1x32x128xf32, #tpu.memory_space<vmem>>
    %dma_start3A_181 = tpu.memref_squeeze %dma_start3A_180 : memref<1x32x128xf32, #tpu.memory_space<vmem>> -> memref<32x128xf32, #tpu.memory_space<vmem>>
    %dma_start3A_182 = arith.constant 0 : i32
    %dma_start3A_183 = tpu.memref_slice %arg3[%dma_start3A_182, %multiple_of3A_167] : memref<32x1000000xf32, #tpu.memory_space<hbm>> -> memref<32x128xf32, #tpu.memory_space<hbm>>
    tpu.enqueue_dma source(%dma_start3A_183 : memref<32x128xf32, #tpu.memory_space<hbm>>) target(%dma_start3A_181 : memref<32x128xf32, #tpu.memory_space<vmem>>) target_semaphore(%dma_start3A_177 : memref<!tpu.dma_semaphore, #tpu.memory_space<semaphore_mem>>)
    %multiple_of3A_184 = arith.constant 0 : i32
    %multiple_of3A_185 = tpu.assume_multiple %multiple_of3A_184, 16 : i32
    %get3A_186 = arith.index_cast %multiple_of3A_185 : i32 to index
    %get3A_187 = tpu.vector_load %arg10[%get3A_186] {strides = array<i32>} : memref<272xi32, #tpu.memory_space<vmem>>, vector<16xi32>,
    %eq3A_188 = arith.constant 3 : i32
    %eq3A_189 = vector.broadcast %eq3A_188 : i32 to vector<16xi32>
    %eq3A_190 = arith.cmpi eq, %iota3A, %eq3A_189 : vector<16xi32>
    %jit3A_191 = arith.constant 0 : i32
    %broadcast_in_dim3A_192 = vector.broadcast %jit3A_191 : i32 to vector<16xi32>
    %select_n3A_193 = arith.select %eq3A_190, %get3A_187, %broadcast_in_dim3A_192 : vector<16xi1>, vector<16xi32>
    %reduce_sum3A_194 = arith.constant true
    %reduce_sum3A_195 = vector.broadcast %reduce_sum3A_194 : i1 to vector<16xi1>
    %reduce_sum3A_196 = tpu.scan <sum>, %select_n3A_193 masked %reduce_sum3A_195 : vector<16xi32>, vector<16xi1> -> vector<16xi32>
    %reduce_sum3A_197 = vector.extract %reduce_sum3A_196[15] : i32 from vector<16xi32>
    %jit3A_198 = arith.constant 0 : i32
    %jit3A_199 = arith.constant 255 : i32
    %max3A_200 = arith.maxsi %jit3A_198, %reduce_sum3A_197 : i32
    %min3A_201 = arith.minsi %jit3A_199, %max3A_200 : i32
    %add3A_202 = arith.addi %mul3A_2, %min3A_201 : i32
    %min3A_203 = arith.constant 7812 : i32
    %min3A_204 = arith.minsi %add3A_202, %min3A_203 : i32
    %mul3A_205 = arith.constant 128 : i32
    %mul3A_206 = arith.muli %min3A_204, %mul3A_205 : i32
    %multiple_of3A_207 = tpu.assume_multiple %mul3A_206, 128 : i32
    %dma_start3A_208 = arith.constant 3 : i32
    %dma_start3A_209 = arith.constant 3 : i32
    %dma_start3A_210 = arith.constant 0 : i32
    %dma_start3A_211 = arith.constant 0 : i32
    %dma_start3A_212 = tpu.memref_slice %arg11[%dma_start3A_208, %dma_start3A_210, %dma_start3A_211] : memref<16x32x128xf32, #tpu.memory_space<vmem>> -> memref<1x32x128xf32, #tpu.memory_space<vmem>>
    %dma_start3A_213 = tpu.memref_squeeze %dma_start3A_212 : memref<1x32x128xf32, #tpu.memory_space<vmem>> -> memref<32x128xf32, #tpu.memory_space<vmem>>
    %dma_start3A_214 = arith.constant 0 : i32
    %dma_start3A_215 = tpu.memref_slice %arg3[%dma_start3A_214, %multiple_of3A_207] : memref<32x1000000xf32, #tpu.memory_space<hbm>> -> memref<32x128xf32, #tpu.memory_space<hbm>>
    %dma_start3A_216 = tpu.memref_slice %arg13[%dma_start3A_209] : memref<16x!tpu.dma_semaphore, #tpu.memory_space<semaphore_mem>> -> memref<1x!tpu.dma_semaphore, #tpu.memory_space<semaphore_mem>>
    %dma_start3A_217 = tpu.memref_squeeze %dma_start3A_216 : memref<1x!tpu.dma_semaphore, #tpu.memory_space<semaphore_mem>> -> memref<!tpu.dma_semaphore, #tpu.memory_space<semaphore_mem>>
    %dma_start3A_218 = arith.constant 0 : i32
    %dma_start3A_219 = arith.constant 0 : i32
    %dma_start3A_220 = tpu.memref_slice %arg11[%dma_start3A_208, %dma_start3A_218, %dma_start3A_219] : memref<16x32x128xf32, #tpu.memory_space<vmem>> -> memref<1x32x128xf32, #tpu.memory_space<vmem>>
    %dma_start3A_221 = tpu.memref_squeeze %dma_start3A_220 : memref<1x32x128xf32, #tpu.memory_space<vmem>> -> memref<32x128xf32, #tpu.memory_space<vmem>>
    %dma_start3A_222 = arith.constant 0 : i32
    %dma_start3A_223 = tpu.memref_slice %arg3[%dma_start3A_222, %multiple_of3A_207] : memref<32x1000000xf32, #tpu.memory_space<hbm>> -> memref<32x128xf32, #tpu.memory_space<hbm>>
    tpu.enqueue_dma source(%dma_start3A_223 : memref<32x128xf32, #tpu.memory_space<hbm>>) target(%dma_start3A_221 : memref<32x128xf32, #tpu.memory_space<vmem>>) target_semaphore(%dma_start3A_217 : memref<!tpu.dma_semaphore, #tpu.memory_space<semaphore_mem>>)
    %multiple_of3A_224 = arith.constant 0 : i32
    %multiple_of3A_225 = tpu.assume_multiple %multiple_of3A_224, 16 : i32
    %get3A_226 = arith.index_cast %multiple_of3A_225 : i32 to index
    %get3A_227 = tpu.vector_load %arg10[%get3A_226] {strides = array<i32>} : memref<272xi32, #tpu.memory_space<vmem>>, vector<16xi32>,
    %eq3A_228 = arith.constant 4 : i32
    %eq3A_229 = vector.broadcast %eq3A_228 : i32 to vector<16xi32>
    %eq3A_230 = arith.cmpi eq, %iota3A, %eq3A_229 : vector<16xi32>
    %jit3A_231 = arith.constant 0 : i32
    %broadcast_in_dim3A_232 = vector.broadcast %jit3A_231 : i32 to vector<16xi32>
    %select_n3A_233 = arith.select %eq3A_230, %get3A_227, %broadcast_in_dim3A_232 : vector<16xi1>, vector<16xi32>
    %reduce_sum3A_234 = arith.constant true
    %reduce_sum3A_235 = vector.broadcast %reduce_sum3A_234 : i1 to vector<16xi1>
    %reduce_sum3A_236 = tpu.scan <sum>, %select_n3A_233 masked %reduce_sum3A_235 : vector<16xi32>, vector<16xi1> -> vector<16xi32>
    %reduce_sum3A_237 = vector.extract %reduce_sum3A_236[15] : i32 from vector<16xi32>
    %jit3A_238 = arith.constant 0 : i32
    %jit3A_239 = arith.constant 255 : i32
    %max3A_240 = arith.maxsi %jit3A_238, %reduce_sum3A_237 : i32
    %min3A_241 = arith.minsi %jit3A_239, %max3A_240 : i32
    %add3A_242 = arith.addi %mul3A_2, %min3A_241 : i32
    %min3A_243 = arith.constant 7812 : i32
    %min3A_244 = arith.minsi %add3A_242, %min3A_243 : i32
    %mul3A_245 = arith.constant 128 : i32
    %mul3A_246 = arith.muli %min3A_244, %mul3A_245 : i32
    %multiple_of3A_247 = tpu.assume_multiple %mul3A_246, 128 : i32
    %dma_start3A_248 = arith.constant 4 : i32
    %dma_start3A_249 = arith.constant 4 : i32
    %dma_start3A_250 = arith.constant 0 : i32
    %dma_start3A_251 = arith.constant 0 : i32
    %dma_start3A_252 = tpu.memref_slice %arg11[%dma_start3A_248, %dma_start3A_250, %dma_start3A_251] : memref<16x32x128xf32, #tpu.memory_space<vmem>> -> memref<1x32x128xf32, #tpu.memory_space<vmem>>
    %dma_start3A_253 = tpu.memref_squeeze %dma_start3A_252 : memref<1x32x128xf32, #tpu.memory_space<vmem>> -> memref<32x128xf32, #tpu.memory_space<vmem>>
    %dma_start3A_254 = arith.constant 0 : i32
    %dma_start3A_255 = tpu.memref_slice %arg3[%dma_start3A_254, %multiple_of3A_247] : memref<32x1000000xf32, #tpu.memory_space<hbm>> -> memref<32x128xf32, #tpu.memory_space<hbm>>
    %dma_start3A_256 = tpu.memref_slice %arg13[%dma_start3A_249] : memref<16x!tpu.dma_semaphore, #tpu.memory_space<semaphore_mem>> -> memref<1x!tpu.dma_semaphore, #tpu.memory_space<semaphore_mem>>
    %dma_start3A_257 = tpu.memref_squeeze %dma_start3A_256 : memref<1x!tpu.dma_semaphore, #tpu.memory_space<semaphore_mem>> -> memref<!tpu.dma_semaphore, #tpu.memory_space<semaphore_mem>>
    %dma_start3A_258 = arith.constant 0 : i32
    %dma_start3A_259 = arith.constant 0 : i32
    %dma_start3A_260 = tpu.memref_slice %arg11[%dma_start3A_248, %dma_start3A_258, %dma_start3A_259] : memref<16x32x128xf32, #tpu.memory_space<vmem>> -> memref<1x32x128xf32, #tpu.memory_space<vmem>>
    %dma_start3A_261 = tpu.memref_squeeze %dma_start3A_260 : memref<1x32x128xf32, #tpu.memory_space<vmem>> -> memref<32x128xf32, #tpu.memory_space<vmem>>
    %dma_start3A_262 = arith.constant 0 : i32
    %dma_start3A_263 = tpu.memref_slice %arg3[%dma_start3A_262, %multiple_of3A_247] : memref<32x1000000xf32, #tpu.memory_space<hbm>> -> memref<32x128xf32, #tpu.memory_space<hbm>>
    tpu.enqueue_dma source(%dma_start3A_263 : memref<32x128xf32, #tpu.memory_space<hbm>>) target(%dma_start3A_261 : memref<32x128xf32, #tpu.memory_space<vmem>>) target_semaphore(%dma_start3A_257 : memref<!tpu.dma_semaphore, #tpu.memory_space<semaphore_mem>>)
    %multiple_of3A_264 = arith.constant 0 : i32
    %multiple_of3A_265 = tpu.assume_multiple %multiple_of3A_264, 16 : i32
    %get3A_266 = arith.index_cast %multiple_of3A_265 : i32 to index
    %get3A_267 = tpu.vector_load %arg10[%get3A_266] {strides = array<i32>} : memref<272xi32, #tpu.memory_space<vmem>>, vector<16xi32>,
    %eq3A_268 = arith.constant 5 : i32
    %eq3A_269 = vector.broadcast %eq3A_268 : i32 to vector<16xi32>
    %eq3A_270 = arith.cmpi eq, %iota3A, %eq3A_269 : vector<16xi32>
    %jit3A_271 = arith.constant 0 : i32
    %broadcast_in_dim3A_272 = vector.broadcast %jit3A_271 : i32 to vector<16xi32>
    %select_n3A_273 = arith.select %eq3A_270, %get3A_267, %broadcast_in_dim3A_272 : vector<16xi1>, vector<16xi32>
    %reduce_sum3A_274 = arith.constant true
    %reduce_sum3A_275 = vector.broadcast %reduce_sum3A_274 : i1 to vector<16xi1>
    %reduce_sum3A_276 = tpu.scan <sum>, %select_n3A_273 masked %reduce_sum3A_275 : vector<16xi32>, vector<16xi1> -> vector<16xi32>
    %reduce_sum3A_277 = vector.extract %reduce_sum3A_276[15] : i32 from vector<16xi32>
    %jit3A_278 = arith.constant 0 : i32
    %jit3A_279 = arith.constant 255 : i32
    %max3A_280 = arith.maxsi %jit3A_278, %reduce_sum3A_277 : i32
    %min3A_281 = arith.minsi %jit3A_279, %max3A_280 : i32
    %add3A_282 = arith.addi %mul3A_2, %min3A_281 : i32
    %min3A_283 = arith.constant 7812 : i32
    %min3A_284 = arith.minsi %add3A_282, %min3A_283 : i32
    %mul3A_285 = arith.constant 128 : i32
    %mul3A_286 = arith.muli %min3A_284, %mul3A_285 : i32
    %multiple_of3A_287 = tpu.assume_multiple %mul3A_286, 128 : i32
    %dma_start3A_288 = arith.constant 5 : i32
    %dma_start3A_289 = arith.constant 5 : i32
    %dma_start3A_290 = arith.constant 0 : i32
    %dma_start3A_291 = arith.constant 0 : i32
    %dma_start3A_292 = tpu.memref_slice %arg11[%dma_start3A_288, %dma_start3A_290, %dma_start3A_291] : memref<16x32x128xf32, #tpu.memory_space<vmem>> -> memref<1x32x128xf32, #tpu.memory_space<vmem>>
    %dma_start3A_293 = tpu.memref_squeeze %dma_start3A_292 : memref<1x32x128xf32, #tpu.memory_space<vmem>> -> memref<32x128xf32, #tpu.memory_space<vmem>>
    %dma_start3A_294 = arith.constant 0 : i32
    %dma_start3A_295 = tpu.memref_slice %arg3[%dma_start3A_294, %multiple_of3A_287] : memref<32x1000000xf32, #tpu.memory_space<hbm>> -> memref<32x128xf32, #tpu.memory_space<hbm>>
    %dma_start3A_296 = tpu.memref_slice %arg13[%dma_start3A_289] : memref<16x!tpu.dma_semaphore, #tpu.memory_space<semaphore_mem>> -> memref<1x!tpu.dma_semaphore, #tpu.memory_space<semaphore_mem>>
    %dma_start3A_297 = tpu.memref_squeeze %dma_start3A_296 : memref<1x!tpu.dma_semaphore, #tpu.memory_space<semaphore_mem>> -> memref<!tpu.dma_semaphore, #tpu.memory_space<semaphore_mem>>
    %dma_start3A_298 = arith.constant 0 : i32
    %dma_start3A_299 = arith.constant 0 : i32
    %dma_start3A_300 = tpu.memref_slice %arg11[%dma_start3A_288, %dma_start3A_298, %dma_start3A_299] : memref<16x32x128xf32, #tpu.memory_space<vmem>> -> memref<1x32x128xf32, #tpu.memory_space<vmem>>
    %dma_start3A_301 = tpu.memref_squeeze %dma_start3A_300 : memref<1x32x128xf32, #tpu.memory_space<vmem>> -> memref<32x128xf32, #tpu.memory_space<vmem>>
    %dma_start3A_302 = arith.constant 0 : i32
    %dma_start3A_303 = tpu.memref_slice %arg3[%dma_start3A_302, %multiple_of3A_287] : memref<32x1000000xf32, #tpu.memory_space<hbm>> -> memref<32x128xf32, #tpu.memory_space<hbm>>
    tpu.enqueue_dma source(%dma_start3A_303 : memref<32x128xf32, #tpu.memory_space<hbm>>) target(%dma_start3A_301 : memref<32x128xf32, #tpu.memory_space<vmem>>) target_semaphore(%dma_start3A_297 : memref<!tpu.dma_semaphore, #tpu.memory_space<semaphore_mem>>)
    %multiple_of3A_304 = arith.constant 0 : i32
    %multiple_of3A_305 = tpu.assume_multiple %multiple_of3A_304, 16 : i32
    %get3A_306 = arith.index_cast %multiple_of3A_305 : i32 to index
    %get3A_307 = tpu.vector_load %arg10[%get3A_306] {strides = array<i32>} : memref<272xi32, #tpu.memory_space<vmem>>, vector<16xi32>,
    %eq3A_308 = arith.constant 6 : i32
    %eq3A_309 = vector.broadcast %eq3A_308 : i32 to vector<16xi32>
    %eq3A_310 = arith.cmpi eq, %iota3A, %eq3A_309 : vector<16xi32>
    %jit3A_311 = arith.constant 0 : i32
    %broadcast_in_dim3A_312 = vector.broadcast %jit3A_311 : i32 to vector<16xi32>
    %select_n3A_313 = arith.select %eq3A_310, %get3A_307, %broadcast_in_dim3A_312 : vector<16xi1>, vector<16xi32>
    %reduce_sum3A_314 = arith.constant true
    %reduce_sum3A_315 = vector.broadcast %reduce_sum3A_314 : i1 to vector<16xi1>
    %reduce_sum3A_316 = tpu.scan <sum>, %select_n3A_313 masked %reduce_sum3A_315 : vector<16xi32>, vector<16xi1> -> vector<16xi32>
    %reduce_sum3A_317 = vector.extract %reduce_sum3A_316[15] : i32 from vector<16xi32>
    %jit3A_318 = arith.constant 0 : i32
    %jit3A_319 = arith.constant 255 : i32
    %max3A_320 = arith.maxsi %jit3A_318, %reduce_sum3A_317 : i32
    %min3A_321 = arith.minsi %jit3A_319, %max3A_320 : i32
    %add3A_322 = arith.addi %mul3A_2, %min3A_321 : i32
    %min3A_323 = arith.constant 7812 : i32
    %min3A_324 = arith.minsi %add3A_322, %min3A_323 : i32
    %mul3A_325 = arith.constant 128 : i32
    %mul3A_326 = arith.muli %min3A_324, %mul3A_325 : i32
    %multiple_of3A_327 = tpu.assume_multiple %mul3A_326, 128 : i32
    %dma_start3A_328 = arith.constant 6 : i32
    %dma_start3A_329 = arith.constant 6 : i32
    %dma_start3A_330 = arith.constant 0 : i32
    %dma_start3A_331 = arith.constant 0 : i32
    %dma_start3A_332 = tpu.memref_slice %arg11[%dma_start3A_328, %dma_start3A_330, %dma_start3A_331] : memref<16x32x128xf32, #tpu.memory_space<vmem>> -> memref<1x32x128xf32, #tpu.memory_space<vmem>>
    %dma_start3A_333 = tpu.memref_squeeze %dma_start3A_332 : memref<1x32x128xf32, #tpu.memory_space<vmem>> -> memref<32x128xf32, #tpu.memory_space<vmem>>
    %dma_start3A_334 = arith.constant 0 : i32
    %dma_start3A_335 = tpu.memref_slice %arg3[%dma_start3A_334, %multiple_of3A_327] : memref<32x1000000xf32, #tpu.memory_space<hbm>> -> memref<32x128xf32, #tpu.memory_space<hbm>>
    %dma_start3A_336 = tpu.memref_slice %arg13[%dma_start3A_329] : memref<16x!tpu.dma_semaphore, #tpu.memory_space<semaphore_mem>> -> memref<1x!tpu.dma_semaphore, #tpu.memory_space<semaphore_mem>>
    %dma_start3A_337 = tpu.memref_squeeze %dma_start3A_336 : memref<1x!tpu.dma_semaphore, #tpu.memory_space<semaphore_mem>> -> memref<!tpu.dma_semaphore, #tpu.memory_space<semaphore_mem>>
    %dma_start3A_338 = arith.constant 0 : i32
    %dma_start3A_339 = arith.constant 0 : i32
    %dma_start3A_340 = tpu.memref_slice %arg11[%dma_start3A_328, %dma_start3A_338, %dma_start3A_339] : memref<16x32x128xf32, #tpu.memory_space<vmem>> -> memref<1x32x128xf32, #tpu.memory_space<vmem>>
    %dma_start3A_341 = tpu.memref_squeeze %dma_start3A_340 : memref<1x32x128xf32, #tpu.memory_space<vmem>> -> memref<32x128xf32, #tpu.memory_space<vmem>>
    %dma_start3A_342 = arith.constant 0 : i32
    %dma_start3A_343 = tpu.memref_slice %arg3[%dma_start3A_342, %multiple_of3A_327] : memref<32x1000000xf32, #tpu.memory_space<hbm>> -> memref<32x128xf32, #tpu.memory_space<hbm>>
    tpu.enqueue_dma source(%dma_start3A_343 : memref<32x128xf32, #tpu.memory_space<hbm>>) target(%dma_start3A_341 : memref<32x128xf32, #tpu.memory_space<vmem>>) target_semaphore(%dma_start3A_337 : memref<!tpu.dma_semaphore, #tpu.memory_space<semaphore_mem>>)
    %multiple_of3A_344 = arith.constant 0 : i32
    %multiple_of3A_345 = tpu.assume_multiple %multiple_of3A_344, 16 : i32
    %get3A_346 = arith.index_cast %multiple_of3A_345 : i32 to index
    %get3A_347 = tpu.vector_load %arg10[%get3A_346] {strides = array<i32>} : memref<272xi32, #tpu.memory_space<vmem>>, vector<16xi32>,
    %eq3A_348 = arith.constant 7 : i32
    %eq3A_349 = vector.broadcast %eq3A_348 : i32 to vector<16xi32>
    %eq3A_350 = arith.cmpi eq, %iota3A, %eq3A_349 : vector<16xi32>
    %jit3A_351 = arith.constant 0 : i32
    %broadcast_in_dim3A_352 = vector.broadcast %jit3A_351 : i32 to vector<16xi32>
    %select_n3A_353 = arith.select %eq3A_350, %get3A_347, %broadcast_in_dim3A_352 : vector<16xi1>, vector<16xi32>
    %reduce_sum3A_354 = arith.constant true
    %reduce_sum3A_355 = vector.broadcast %reduce_sum3A_354 : i1 to vector<16xi1>
    %reduce_sum3A_356 = tpu.scan <sum>, %select_n3A_353 masked %reduce_sum3A_355 : vector<16xi32>, vector<16xi1> -> vector<16xi32>
    %reduce_sum3A_357 = vector.extract %reduce_sum3A_356[15] : i32 from vector<16xi32>
    %jit3A_358 = arith.constant 0 : i32
    %jit3A_359 = arith.constant 255 : i32
    %max3A_360 = arith.maxsi %jit3A_358, %reduce_sum3A_357 : i32
    %min3A_361 = arith.minsi %jit3A_359, %max3A_360 : i32
    %add3A_362 = arith.addi %mul3A_2, %min3A_361 : i32
    %min3A_363 = arith.constant 7812 : i32
    %min3A_364 = arith.minsi %add3A_362, %min3A_363 : i32
    %mul3A_365 = arith.constant 128 : i32
    %mul3A_366 = arith.muli %min3A_364, %mul3A_365 : i32
    %multiple_of3A_367 = tpu.assume_multiple %mul3A_366, 128 : i32
    %dma_start3A_368 = arith.constant 7 : i32
    %dma_start3A_369 = arith.constant 7 : i32
    %dma_start3A_370 = arith.constant 0 : i32
    %dma_start3A_371 = arith.constant 0 : i32
    %dma_start3A_372 = tpu.memref_slice %arg11[%dma_start3A_368, %dma_start3A_370, %dma_start3A_371] : memref<16x32x128xf32, #tpu.memory_space<vmem>> -> memref<1x32x128xf32, #tpu.memory_space<vmem>>
    %dma_start3A_373 = tpu.memref_squeeze %dma_start3A_372 : memref<1x32x128xf32, #tpu.memory_space<vmem>> -> memref<32x128xf32, #tpu.memory_space<vmem>>
    %dma_start3A_374 = arith.constant 0 : i32
    %dma_start3A_375 = tpu.memref_slice %arg3[%dma_start3A_374, %multiple_of3A_367] : memref<32x1000000xf32, #tpu.memory_space<hbm>> -> memref<32x128xf32, #tpu.memory_space<hbm>>
    %dma_start3A_376 = tpu.memref_slice %arg13[%dma_start3A_369] : memref<16x!tpu.dma_semaphore, #tpu.memory_space<semaphore_mem>> -> memref<1x!tpu.dma_semaphore, #tpu.memory_space<semaphore_mem>>
    %dma_start3A_377 = tpu.memref_squeeze %dma_start3A_376 : memref<1x!tpu.dma_semaphore, #tpu.memory_space<semaphore_mem>> -> memref<!tpu.dma_semaphore, #tpu.memory_space<semaphore_mem>>
    %dma_start3A_378 = arith.constant 0 : i32
    %dma_start3A_379 = arith.constant 0 : i32
    %dma_start3A_380 = tpu.memref_slice %arg11[%dma_start3A_368, %dma_start3A_378, %dma_start3A_379] : memref<16x32x128xf32, #tpu.memory_space<vmem>> -> memref<1x32x128xf32, #tpu.memory_space<vmem>>
    %dma_start3A_381 = tpu.memref_squeeze %dma_start3A_380 : memref<1x32x128xf32, #tpu.memory_space<vmem>> -> memref<32x128xf32, #tpu.memory_space<vmem>>
    %dma_start3A_382 = arith.constant 0 : i32
    %dma_start3A_383 = tpu.memref_slice %arg3[%dma_start3A_382, %multiple_of3A_367] : memref<32x1000000xf32, #tpu.memory_space<hbm>> -> memref<32x128xf32, #tpu.memory_space<hbm>>
    tpu.enqueue_dma source(%dma_start3A_383 : memref<32x128xf32, #tpu.memory_space<hbm>>) target(%dma_start3A_381 : memref<32x128xf32, #tpu.memory_space<vmem>>) target_semaphore(%dma_start3A_377 : memref<!tpu.dma_semaphore, #tpu.memory_space<semaphore_mem>>)
    %multiple_of3A_384 = arith.constant 0 : i32
    %multiple_of3A_385 = tpu.assume_multiple %multiple_of3A_384, 16 : i32
    %get3A_386 = arith.index_cast %multiple_of3A_385 : i32 to index
    %get3A_387 = tpu.vector_load %arg10[%get3A_386] {strides = array<i32>} : memref<272xi32, #tpu.memory_space<vmem>>, vector<16xi32>,
    %eq3A_388 = arith.constant 8 : i32
    %eq3A_389 = vector.broadcast %eq3A_388 : i32 to vector<16xi32>
    %eq3A_390 = arith.cmpi eq, %iota3A, %eq3A_389 : vector<16xi32>
    %jit3A_391 = arith.constant 0 : i32
    %broadcast_in_dim3A_392 = vector.broadcast %jit3A_391 : i32 to vector<16xi32>
    %select_n3A_393 = arith.select %eq3A_390, %get3A_387, %broadcast_in_dim3A_392 : vector<16xi1>, vector<16xi32>
    %reduce_sum3A_394 = arith.constant true
    %reduce_sum3A_395 = vector.broadcast %reduce_sum3A_394 : i1 to vector<16xi1>
    %reduce_sum3A_396 = tpu.scan <sum>, %select_n3A_393 masked %reduce_sum3A_395 : vector<16xi32>, vector<16xi1> -> vector<16xi32>
    %reduce_sum3A_397 = vector.extract %reduce_sum3A_396[15] : i32 from vector<16xi32>
    %jit3A_398 = arith.constant 0 : i32
    %jit3A_399 = arith.constant 255 : i32
    %max3A_400 = arith.maxsi %jit3A_398, %reduce_sum3A_397 : i32
    %min3A_401 = arith.minsi %jit3A_399, %max3A_400 : i32
    %add3A_402 = arith.addi %mul3A_2, %min3A_401 : i32
    %min3A_403 = arith.constant 7812 : i32
    %min3A_404 = arith.minsi %add3A_402, %min3A_403 : i32
    %mul3A_405 = arith.constant 128 : i32
    %mul3A_406 = arith.muli %min3A_404, %mul3A_405 : i32
    %multiple_of3A_407 = tpu.assume_multiple %mul3A_406, 128 : i32
    %dma_start3A_408 = arith.constant 8 : i32
    %dma_start3A_409 = arith.constant 8 : i32
    %dma_start3A_410 = arith.constant 0 : i32
    %dma_start3A_411 = arith.constant 0 : i32
    %dma_start3A_412 = tpu.memref_slice %arg11[%dma_start3A_408, %dma_start3A_410, %dma_start3A_411] : memref<16x32x128xf32, #tpu.memory_space<vmem>> -> memref<1x32x128xf32, #tpu.memory_space<vmem>>
    %dma_start3A_413 = tpu.memref_squeeze %dma_start3A_412 : memref<1x32x128xf32, #tpu.memory_space<vmem>> -> memref<32x128xf32, #tpu.memory_space<vmem>>
    %dma_start3A_414 = arith.constant 0 : i32
    %dma_start3A_415 = tpu.memref_slice %arg3[%dma_start3A_414, %multiple_of3A_407] : memref<32x1000000xf32, #tpu.memory_space<hbm>> -> memref<32x128xf32, #tpu.memory_space<hbm>>
    %dma_start3A_416 = tpu.memref_slice %arg13[%dma_start3A_409] : memref<16x!tpu.dma_semaphore, #tpu.memory_space<semaphore_mem>> -> memref<1x!tpu.dma_semaphore, #tpu.memory_space<semaphore_mem>>
    %dma_start3A_417 = tpu.memref_squeeze %dma_start3A_416 : memref<1x!tpu.dma_semaphore, #tpu.memory_space<semaphore_mem>> -> memref<!tpu.dma_semaphore, #tpu.memory_space<semaphore_mem>>
    %dma_start3A_418 = arith.constant 0 : i32
    %dma_start3A_419 = arith.constant 0 : i32
    %dma_start3A_420 = tpu.memref_slice %arg11[%dma_start3A_408, %dma_start3A_418, %dma_start3A_419] : memref<16x32x128xf32, #tpu.memory_space<vmem>> -> memref<1x32x128xf32, #tpu.memory_space<vmem>>
    %dma_start3A_421 = tpu.memref_squeeze %dma_start3A_420 : memref<1x32x128xf32, #tpu.memory_space<vmem>> -> memref<32x128xf32, #tpu.memory_space<vmem>>
    %dma_start3A_422 = arith.constant 0 : i32
    %dma_start3A_423 = tpu.memref_slice %arg3[%dma_start3A_422, %multiple_of3A_407] : memref<32x1000000xf32, #tpu.memory_space<hbm>> -> memref<32x128xf32, #tpu.memory_space<hbm>>
    tpu.enqueue_dma source(%dma_start3A_423 : memref<32x128xf32, #tpu.memory_space<hbm>>) target(%dma_start3A_421 : memref<32x128xf32, #tpu.memory_space<vmem>>) target_semaphore(%dma_start3A_417 : memref<!tpu.dma_semaphore, #tpu.memory_space<semaphore_mem>>)
    %multiple_of3A_424 = arith.constant 0 : i32
    %multiple_of3A_425 = tpu.assume_multiple %multiple_of3A_424, 16 : i32
    %get3A_426 = arith.index_cast %multiple_of3A_425 : i32 to index
    %get3A_427 = tpu.vector_load %arg10[%get3A_426] {strides = array<i32>} : memref<272xi32, #tpu.memory_space<vmem>>, vector<16xi32>,
    %eq3A_428 = arith.constant 9 : i32
    %eq3A_429 = vector.broadcast %eq3A_428 : i32 to vector<16xi32>
    %eq3A_430 = arith.cmpi eq, %iota3A, %eq3A_429 : vector<16xi32>
    %jit3A_431 = arith.constant 0 : i32
    %broadcast_in_dim3A_432 = vector.broadcast %jit3A_431 : i32 to vector<16xi32>
    %select_n3A_433 = arith.select %eq3A_430, %get3A_427, %broadcast_in_dim3A_432 : vector<16xi1>, vector<16xi32>
    %reduce_sum3A_434 = arith.constant true
    %reduce_sum3A_435 = vector.broadcast %reduce_sum3A_434 : i1 to vector<16xi1>
    %reduce_sum3A_436 = tpu.scan <sum>, %select_n3A_433 masked %reduce_sum3A_435 : vector<16xi32>, vector<16xi1> -> vector<16xi32>
    %reduce_sum3A_437 = vector.extract %reduce_sum3A_436[15] : i32 from vector<16xi32>
    %jit3A_438 = arith.constant 0 : i32
    %jit3A_439 = arith.constant 255 : i32
    %max3A_440 = arith.maxsi %jit3A_438, %reduce_sum3A_437 : i32
    %min3A_441 = arith.minsi %jit3A_439, %max3A_440 : i32
    %add3A_442 = arith.addi %mul3A_2, %min3A_441 : i32
    %min3A_443 = arith.constant 7812 : i32
    %min3A_444 = arith.minsi %add3A_442, %min3A_443 : i32
    %mul3A_445 = arith.constant 128 : i32
    %mul3A_446 = arith.muli %min3A_444, %mul3A_445 : i32
    %multiple_of3A_447 = tpu.assume_multiple %mul3A_446, 128 : i32
    %dma_start3A_448 = arith.constant 9 : i32
    %dma_start3A_449 = arith.constant 9 : i32
    %dma_start3A_450 = arith.constant 0 : i32
    %dma_start3A_451 = arith.constant 0 : i32
    %dma_start3A_452 = tpu.memref_slice %arg11[%dma_start3A_448, %dma_start3A_450, %dma_start3A_451] : memref<16x32x128xf32, #tpu.memory_space<vmem>> -> memref<1x32x128xf32, #tpu.memory_space<vmem>>
    %dma_start3A_453 = tpu.memref_squeeze %dma_start3A_452 : memref<1x32x128xf32, #tpu.memory_space<vmem>> -> memref<32x128xf32, #tpu.memory_space<vmem>>
    %dma_start3A_454 = arith.constant 0 : i32
    %dma_start3A_455 = tpu.memref_slice %arg3[%dma_start3A_454, %multiple_of3A_447] : memref<32x1000000xf32, #tpu.memory_space<hbm>> -> memref<32x128xf32, #tpu.memory_space<hbm>>
    %dma_start3A_456 = tpu.memref_slice %arg13[%dma_start3A_449] : memref<16x!tpu.dma_semaphore, #tpu.memory_space<semaphore_mem>> -> memref<1x!tpu.dma_semaphore, #tpu.memory_space<semaphore_mem>>
    %dma_start3A_457 = tpu.memref_squeeze %dma_start3A_456 : memref<1x!tpu.dma_semaphore, #tpu.memory_space<semaphore_mem>> -> memref<!tpu.dma_semaphore, #tpu.memory_space<semaphore_mem>>
    %dma_start3A_458 = arith.constant 0 : i32
    %dma_start3A_459 = arith.constant 0 : i32
    %dma_start3A_460 = tpu.memref_slice %arg11[%dma_start3A_448, %dma_start3A_458, %dma_start3A_459] : memref<16x32x128xf32, #tpu.memory_space<vmem>> -> memref<1x32x128xf32, #tpu.memory_space<vmem>>
    %dma_start3A_461 = tpu.memref_squeeze %dma_start3A_460 : memref<1x32x128xf32, #tpu.memory_space<vmem>> -> memref<32x128xf32, #tpu.memory_space<vmem>>
    %dma_start3A_462 = arith.constant 0 : i32
    %dma_start3A_463 = tpu.memref_slice %arg3[%dma_start3A_462, %multiple_of3A_447] : memref<32x1000000xf32, #tpu.memory_space<hbm>> -> memref<32x128xf32, #tpu.memory_space<hbm>>
    tpu.enqueue_dma source(%dma_start3A_463 : memref<32x128xf32, #tpu.memory_space<hbm>>) target(%dma_start3A_461 : memref<32x128xf32, #tpu.memory_space<vmem>>) target_semaphore(%dma_start3A_457 : memref<!tpu.dma_semaphore, #tpu.memory_space<semaphore_mem>>)
    %multiple_of3A_464 = arith.constant 0 : i32
    %multiple_of3A_465 = tpu.assume_multiple %multiple_of3A_464, 16 : i32
    %get3A_466 = arith.index_cast %multiple_of3A_465 : i32 to index
    %get3A_467 = tpu.vector_load %arg10[%get3A_466] {strides = array<i32>} : memref<272xi32, #tpu.memory_space<vmem>>, vector<16xi32>,
    %eq3A_468 = arith.constant 10 : i32
    %eq3A_469 = vector.broadcast %eq3A_468 : i32 to vector<16xi32>
    %eq3A_470 = arith.cmpi eq, %iota3A, %eq3A_469 : vector<16xi32>
    %jit3A_471 = arith.constant 0 : i32
    %broadcast_in_dim3A_472 = vector.broadcast %jit3A_471 : i32 to vector<16xi32>
    %select_n3A_473 = arith.select %eq3A_470, %get3A_467, %broadcast_in_dim3A_472 : vector<16xi1>, vector<16xi32>
    %reduce_sum3A_474 = arith.constant true
    %reduce_sum3A_475 = vector.broadcast %reduce_sum3A_474 : i1 to vector<16xi1>
    %reduce_sum3A_476 = tpu.scan <sum>, %select_n3A_473 masked %reduce_sum3A_475 : vector<16xi32>, vector<16xi1> -> vector<16xi32>
    %reduce_sum3A_477 = vector.extract %reduce_sum3A_476[15] : i32 from vector<16xi32>
    %jit3A_478 = arith.constant 0 : i32
    %jit3A_479 = arith.constant 255 : i32
    %max3A_480 = arith.maxsi %jit3A_478, %reduce_sum3A_477 : i32
    %min3A_481 = arith.minsi %jit3A_479, %max3A_480 : i32
    %add3A_482 = arith.addi %mul3A_2, %min3A_481 : i32
    %min3A_483 = arith.constant 7812 : i32
    %min3A_484 = arith.minsi %add3A_482, %min3A_483 : i32
    %mul3A_485 = arith.constant 128 : i32
    %mul3A_486 = arith.muli %min3A_484, %mul3A_485 : i32
    %multiple_of3A_487 = tpu.assume_multiple %mul3A_486, 128 : i32
    %dma_start3A_488 = arith.constant 10 : i32
    %dma_start3A_489 = arith.constant 10 : i32
    %dma_start3A_490 = arith.constant 0 : i32
    %dma_start3A_491 = arith.constant 0 : i32
    %dma_start3A_492 = tpu.memref_slice %arg11[%dma_start3A_488, %dma_start3A_490, %dma_start3A_491] : memref<16x32x128xf32, #tpu.memory_space<vmem>> -> memref<1x32x128xf32, #tpu.memory_space<vmem>>
    %dma_start3A_493 = tpu.memref_squeeze %dma_start3A_492 : memref<1x32x128xf32, #tpu.memory_space<vmem>> -> memref<32x128xf32, #tpu.memory_space<vmem>>
    %dma_start3A_494 = arith.constant 0 : i32
    %dma_start3A_495 = tpu.memref_slice %arg3[%dma_start3A_494, %multiple_of3A_487] : memref<32x1000000xf32, #tpu.memory_space<hbm>> -> memref<32x128xf32, #tpu.memory_space<hbm>>
    %dma_start3A_496 = tpu.memref_slice %arg13[%dma_start3A_489] : memref<16x!tpu.dma_semaphore, #tpu.memory_space<semaphore_mem>> -> memref<1x!tpu.dma_semaphore, #tpu.memory_space<semaphore_mem>>
    %dma_start3A_497 = tpu.memref_squeeze %dma_start3A_496 : memref<1x!tpu.dma_semaphore, #tpu.memory_space<semaphore_mem>> -> memref<!tpu.dma_semaphore, #tpu.memory_space<semaphore_mem>>
    %dma_start3A_498 = arith.constant 0 : i32
    %dma_start3A_499 = arith.constant 0 : i32
    %dma_start3A_500 = tpu.memref_slice %arg11[%dma_start3A_488, %dma_start3A_498, %dma_start3A_499] : memref<16x32x128xf32, #tpu.memory_space<vmem>> -> memref<1x32x128xf32, #tpu.memory_space<vmem>>
    %dma_start3A_501 = tpu.memref_squeeze %dma_start3A_500 : memref<1x32x128xf32, #tpu.memory_space<vmem>> -> memref<32x128xf32, #tpu.memory_space<vmem>>
    %dma_start3A_502 = arith.constant 0 : i32
    %dma_start3A_503 = tpu.memref_slice %arg3[%dma_start3A_502, %multiple_of3A_487] : memref<32x1000000xf32, #tpu.memory_space<hbm>> -> memref<32x128xf32, #tpu.memory_space<hbm>>
    tpu.enqueue_dma source(%dma_start3A_503 : memref<32x128xf32, #tpu.memory_space<hbm>>) target(%dma_start3A_501 : memref<32x128xf32, #tpu.memory_space<vmem>>) target_semaphore(%dma_start3A_497 : memref<!tpu.dma_semaphore, #tpu.memory_space<semaphore_mem>>)
    %multiple_of3A_504 = arith.constant 0 : i32
    %multiple_of3A_505 = tpu.assume_multiple %multiple_of3A_504, 16 : i32
    %get3A_506 = arith.index_cast %multiple_of3A_505 : i32 to index
    %get3A_507 = tpu.vector_load %arg10[%get3A_506] {strides = array<i32>} : memref<272xi32, #tpu.memory_space<vmem>>, vector<16xi32>,
    %eq3A_508 = arith.constant 11 : i32
    %eq3A_509 = vector.broadcast %eq3A_508 : i32 to vector<16xi32>
    %eq3A_510 = arith.cmpi eq, %iota3A, %eq3A_509 : vector<16xi32>
    %jit3A_511 = arith.constant 0 : i32
    %broadcast_in_dim3A_512 = vector.broadcast %jit3A_511 : i32 to vector<16xi32>
    %select_n3A_513 = arith.select %eq3A_510, %get3A_507, %broadcast_in_dim3A_512 : vector<16xi1>, vector<16xi32>
    %reduce_sum3A_514 = arith.constant true
    %reduce_sum3A_515 = vector.broadcast %reduce_sum3A_514 : i1 to vector<16xi1>
    %reduce_sum3A_516 = tpu.scan <sum>, %select_n3A_513 masked %reduce_sum3A_515 : vector<16xi32>, vector<16xi1> -> vector<16xi32>
    %reduce_sum3A_517 = vector.extract %reduce_sum3A_516[15] : i32 from vector<16xi32>
    %jit3A_518 = arith.constant 0 : i32
    %jit3A_519 = arith.constant 255 : i32
    %max3A_520 = arith.maxsi %jit3A_518, %reduce_sum3A_517 : i32
    %min3A_521 = arith.minsi %jit3A_519, %max3A_520 : i32
    %add3A_522 = arith.addi %mul3A_2, %min3A_521 : i32
    %min3A_523 = arith.constant 7812 : i32
    %min3A_524 = arith.minsi %add3A_522, %min3A_523 : i32
    %mul3A_525 = arith.constant 128 : i32
    %mul3A_526 = arith.muli %min3A_524, %mul3A_525 : i32
    %multiple_of3A_527 = tpu.assume_multiple %mul3A_526, 128 : i32
    %dma_start3A_528 = arith.constant 11 : i32
    %dma_start3A_529 = arith.constant 11 : i32
    %dma_start3A_530 = arith.constant 0 : i32
    %dma_start3A_531 = arith.constant 0 : i32
    %dma_start3A_532 = tpu.memref_slice %arg11[%dma_start3A_528, %dma_start3A_530, %dma_start3A_531] : memref<16x32x128xf32, #tpu.memory_space<vmem>> -> memref<1x32x128xf32, #tpu.memory_space<vmem>>
    %dma_start3A_533 = tpu.memref_squeeze %dma_start3A_532 : memref<1x32x128xf32, #tpu.memory_space<vmem>> -> memref<32x128xf32, #tpu.memory_space<vmem>>
    %dma_start3A_534 = arith.constant 0 : i32
    %dma_start3A_535 = tpu.memref_slice %arg3[%dma_start3A_534, %multiple_of3A_527] : memref<32x1000000xf32, #tpu.memory_space<hbm>> -> memref<32x128xf32, #tpu.memory_space<hbm>>
    %dma_start3A_536 = tpu.memref_slice %arg13[%dma_start3A_529] : memref<16x!tpu.dma_semaphore, #tpu.memory_space<semaphore_mem>> -> memref<1x!tpu.dma_semaphore, #tpu.memory_space<semaphore_mem>>
    %dma_start3A_537 = tpu.memref_squeeze %dma_start3A_536 : memref<1x!tpu.dma_semaphore, #tpu.memory_space<semaphore_mem>> -> memref<!tpu.dma_semaphore, #tpu.memory_space<semaphore_mem>>
    %dma_start3A_538 = arith.constant 0 : i32
    %dma_start3A_539 = arith.constant 0 : i32
    %dma_start3A_540 = tpu.memref_slice %arg11[%dma_start3A_528, %dma_start3A_538, %dma_start3A_539] : memref<16x32x128xf32, #tpu.memory_space<vmem>> -> memref<1x32x128xf32, #tpu.memory_space<vmem>>
    %dma_start3A_541 = tpu.memref_squeeze %dma_start3A_540 : memref<1x32x128xf32, #tpu.memory_space<vmem>> -> memref<32x128xf32, #tpu.memory_space<vmem>>
    %dma_start3A_542 = arith.constant 0 : i32
    %dma_start3A_543 = tpu.memref_slice %arg3[%dma_start3A_542, %multiple_of3A_527] : memref<32x1000000xf32, #tpu.memory_space<hbm>> -> memref<32x128xf32, #tpu.memory_space<hbm>>
    tpu.enqueue_dma source(%dma_start3A_543 : memref<32x128xf32, #tpu.memory_space<hbm>>) target(%dma_start3A_541 : memref<32x128xf32, #tpu.memory_space<vmem>>) target_semaphore(%dma_start3A_537 : memref<!tpu.dma_semaphore, #tpu.memory_space<semaphore_mem>>)
    %multiple_of3A_544 = arith.constant 0 : i32
    %multiple_of3A_545 = tpu.assume_multiple %multiple_of3A_544, 16 : i32
    %get3A_546 = arith.index_cast %multiple_of3A_545 : i32 to index
    %get3A_547 = tpu.vector_load %arg10[%get3A_546] {strides = array<i32>} : memref<272xi32, #tpu.memory_space<vmem>>, vector<16xi32>,
    %eq3A_548 = arith.constant 12 : i32
    %eq3A_549 = vector.broadcast %eq3A_548 : i32 to vector<16xi32>
    %eq3A_550 = arith.cmpi eq, %iota3A, %eq3A_549 : vector<16xi32>
    %jit3A_551 = arith.constant 0 : i32
    %broadcast_in_dim3A_552 = vector.broadcast %jit3A_551 : i32 to vector<16xi32>
    %select_n3A_553 = arith.select %eq3A_550, %get3A_547, %broadcast_in_dim3A_552 : vector<16xi1>, vector<16xi32>
    %reduce_sum3A_554 = arith.constant true
    %reduce_sum3A_555 = vector.broadcast %reduce_sum3A_554 : i1 to vector<16xi1>
    %reduce_sum3A_556 = tpu.scan <sum>, %select_n3A_553 masked %reduce_sum3A_555 : vector<16xi32>, vector<16xi1> -> vector<16xi32>
    %reduce_sum3A_557 = vector.extract %reduce_sum3A_556[15] : i32 from vector<16xi32>
    %jit3A_558 = arith.constant 0 : i32
    %jit3A_559 = arith.constant 255 : i32
    %max3A_560 = arith.maxsi %jit3A_558, %reduce_sum3A_557 : i32
    %min3A_561 = arith.minsi %jit3A_559, %max3A_560 : i32
    %add3A_562 = arith.addi %mul3A_2, %min3A_561 : i32
    %min3A_563 = arith.constant 7812 : i32
    %min3A_564 = arith.minsi %add3A_562, %min3A_563 : i32
    %mul3A_565 = arith.constant 128 : i32
    %mul3A_566 = arith.muli %min3A_564, %mul3A_565 : i32
    %multiple_of3A_567 = tpu.assume_multiple %mul3A_566, 128 : i32
    %dma_start3A_568 = arith.constant 12 : i32
    %dma_start3A_569 = arith.constant 12 : i32
    %dma_start3A_570 = arith.constant 0 : i32
    %dma_start3A_571 = arith.constant 0 : i32
    %dma_start3A_572 = tpu.memref_slice %arg11[%dma_start3A_568, %dma_start3A_570, %dma_start3A_571] : memref<16x32x128xf32, #tpu.memory_space<vmem>> -> memref<1x32x128xf32, #tpu.memory_space<vmem>>
    %dma_start3A_573 = tpu.memref_squeeze %dma_start3A_572 : memref<1x32x128xf32, #tpu.memory_space<vmem>> -> memref<32x128xf32, #tpu.memory_space<vmem>>
    %dma_start3A_574 = arith.constant 0 : i32
    %dma_start3A_575 = tpu.memref_slice %arg3[%dma_start3A_574, %multiple_of3A_567] : memref<32x1000000xf32, #tpu.memory_space<hbm>> -> memref<32x128xf32, #tpu.memory_space<hbm>>
    %dma_start3A_576 = tpu.memref_slice %arg13[%dma_start3A_569] : memref<16x!tpu.dma_semaphore, #tpu.memory_space<semaphore_mem>> -> memref<1x!tpu.dma_semaphore, #tpu.memory_space<semaphore_mem>>
    %dma_start3A_577 = tpu.memref_squeeze %dma_start3A_576 : memref<1x!tpu.dma_semaphore, #tpu.memory_space<semaphore_mem>> -> memref<!tpu.dma_semaphore, #tpu.memory_space<semaphore_mem>>
    %dma_start3A_578 = arith.constant 0 : i32
    %dma_start3A_579 = arith.constant 0 : i32
    %dma_start3A_580 = tpu.memref_slice %arg11[%dma_start3A_568, %dma_start3A_578, %dma_start3A_579] : memref<16x32x128xf32, #tpu.memory_space<vmem>> -> memref<1x32x128xf32, #tpu.memory_space<vmem>>
    %dma_start3A_581 = tpu.memref_squeeze %dma_start3A_580 : memref<1x32x128xf32, #tpu.memory_space<vmem>> -> memref<32x128xf32, #tpu.memory_space<vmem>>
    %dma_start3A_582 = arith.constant 0 : i32
    %dma_start3A_583 = tpu.memref_slice %arg3[%dma_start3A_582, %multiple_of3A_567] : memref<32x1000000xf32, #tpu.memory_space<hbm>> -> memref<32x128xf32, #tpu.memory_space<hbm>>
    tpu.enqueue_dma source(%dma_start3A_583 : memref<32x128xf32, #tpu.memory_space<hbm>>) target(%dma_start3A_581 : memref<32x128xf32, #tpu.memory_space<vmem>>) target_semaphore(%dma_start3A_577 : memref<!tpu.dma_semaphore, #tpu.memory_space<semaphore_mem>>)
    %multiple_of3A_584 = arith.constant 0 : i32
    %multiple_of3A_585 = tpu.assume_multiple %multiple_of3A_584, 16 : i32
    %get3A_586 = arith.index_cast %multiple_of3A_585 : i32 to index
    %get3A_587 = tpu.vector_load %arg10[%get3A_586] {strides = array<i32>} : memref<272xi32, #tpu.memory_space<vmem>>, vector<16xi32>,
    %eq3A_588 = arith.constant 13 : i32
    %eq3A_589 = vector.broadcast %eq3A_588 : i32 to vector<16xi32>
    %eq3A_590 = arith.cmpi eq, %iota3A, %eq3A_589 : vector<16xi32>
    %jit3A_591 = arith.constant 0 : i32
    %broadcast_in_dim3A_592 = vector.broadcast %jit3A_591 : i32 to vector<16xi32>
    %select_n3A_593 = arith.select %eq3A_590, %get3A_587, %broadcast_in_dim3A_592 : vector<16xi1>, vector<16xi32>
    %reduce_sum3A_594 = arith.constant true
    %reduce_sum3A_595 = vector.broadcast %reduce_sum3A_594 : i1 to vector<16xi1>
    %reduce_sum3A_596 = tpu.scan <sum>, %select_n3A_593 masked %reduce_sum3A_595 : vector<16xi32>, vector<16xi1> -> vector<16xi32>
    %reduce_sum3A_597 = vector.extract %reduce_sum3A_596[15] : i32 from vector<16xi32>
    %jit3A_598 = arith.constant 0 : i32
    %jit3A_599 = arith.constant 255 : i32
    %max3A_600 = arith.maxsi %jit3A_598, %reduce_sum3A_597 : i32
    %min3A_601 = arith.minsi %jit3A_599, %max3A_600 : i32
    %add3A_602 = arith.addi %mul3A_2, %min3A_601 : i32
    %min3A_603 = arith.constant 7812 : i32
    %min3A_604 = arith.minsi %add3A_602, %min3A_603 : i32
    %mul3A_605 = arith.constant 128 : i32
    %mul3A_606 = arith.muli %min3A_604, %mul3A_605 : i32
    %multiple_of3A_607 = tpu.assume_multiple %mul3A_606, 128 : i32
    %dma_start3A_608 = arith.constant 13 : i32
    %dma_start3A_609 = arith.constant 13 : i32
    %dma_start3A_610 = arith.constant 0 : i32
    %dma_start3A_611 = arith.constant 0 : i32
    %dma_start3A_612 = tpu.memref_slice %arg11[%dma_start3A_608, %dma_start3A_610, %dma_start3A_611] : memref<16x32x128xf32, #tpu.memory_space<vmem>> -> memref<1x32x128xf32, #tpu.memory_space<vmem>>
    %dma_start3A_613 = tpu.memref_squeeze %dma_start3A_612 : memref<1x32x128xf32, #tpu.memory_space<vmem>> -> memref<32x128xf32, #tpu.memory_space<vmem>>
    %dma_start3A_614 = arith.constant 0 : i32
    %dma_start3A_615 = tpu.memref_slice %arg3[%dma_start3A_614, %multiple_of3A_607] : memref<32x1000000xf32, #tpu.memory_space<hbm>> -> memref<32x128xf32, #tpu.memory_space<hbm>>
    %dma_start3A_616 = tpu.memref_slice %arg13[%dma_start3A_609] : memref<16x!tpu.dma_semaphore, #tpu.memory_space<semaphore_mem>> -> memref<1x!tpu.dma_semaphore, #tpu.memory_space<semaphore_mem>>
    %dma_start3A_617 = tpu.memref_squeeze %dma_start3A_616 : memref<1x!tpu.dma_semaphore, #tpu.memory_space<semaphore_mem>> -> memref<!tpu.dma_semaphore, #tpu.memory_space<semaphore_mem>>
    %dma_start3A_618 = arith.constant 0 : i32
    %dma_start3A_619 = arith.constant 0 : i32
    %dma_start3A_620 = tpu.memref_slice %arg11[%dma_start3A_608, %dma_start3A_618, %dma_start3A_619] : memref<16x32x128xf32, #tpu.memory_space<vmem>> -> memref<1x32x128xf32, #tpu.memory_space<vmem>>
    %dma_start3A_621 = tpu.memref_squeeze %dma_start3A_620 : memref<1x32x128xf32, #tpu.memory_space<vmem>> -> memref<32x128xf32, #tpu.memory_space<vmem>>
    %dma_start3A_622 = arith.constant 0 : i32
    %dma_start3A_623 = tpu.memref_slice %arg3[%dma_start3A_622, %multiple_of3A_607] : memref<32x1000000xf32, #tpu.memory_space<hbm>> -> memref<32x128xf32, #tpu.memory_space<hbm>>
    tpu.enqueue_dma source(%dma_start3A_623 : memref<32x128xf32, #tpu.memory_space<hbm>>) target(%dma_start3A_621 : memref<32x128xf32, #tpu.memory_space<vmem>>) target_semaphore(%dma_start3A_617 : memref<!tpu.dma_semaphore, #tpu.memory_space<semaphore_mem>>)
    %multiple_of3A_624 = arith.constant 0 : i32
    %multiple_of3A_625 = tpu.assume_multiple %multiple_of3A_624, 16 : i32
    %get3A_626 = arith.index_cast %multiple_of3A_625 : i32 to index
    %get3A_627 = tpu.vector_load %arg10[%get3A_626] {strides = array<i32>} : memref<272xi32, #tpu.memory_space<vmem>>, vector<16xi32>,
    %eq3A_628 = arith.constant 14 : i32
    %eq3A_629 = vector.broadcast %eq3A_628 : i32 to vector<16xi32>
    %eq3A_630 = arith.cmpi eq, %iota3A, %eq3A_629 : vector<16xi32>
    %jit3A_631 = arith.constant 0 : i32
    %broadcast_in_dim3A_632 = vector.broadcast %jit3A_631 : i32 to vector<16xi32>
    %select_n3A_633 = arith.select %eq3A_630, %get3A_627, %broadcast_in_dim3A_632 : vector<16xi1>, vector<16xi32>
    %reduce_sum3A_634 = arith.constant true
    %reduce_sum3A_635 = vector.broadcast %reduce_sum3A_634 : i1 to vector<16xi1>
    %reduce_sum3A_636 = tpu.scan <sum>, %select_n3A_633 masked %reduce_sum3A_635 : vector<16xi32>, vector<16xi1> -> vector<16xi32>
    %reduce_sum3A_637 = vector.extract %reduce_sum3A_636[15] : i32 from vector<16xi32>
    %jit3A_638 = arith.constant 0 : i32
    %jit3A_639 = arith.constant 255 : i32
    %max3A_640 = arith.maxsi %jit3A_638, %reduce_sum3A_637 : i32
    %min3A_641 = arith.minsi %jit3A_639, %max3A_640 : i32
    %add3A_642 = arith.addi %mul3A_2, %min3A_641 : i32
    %min3A_643 = arith.constant 7812 : i32
    %min3A_644 = arith.minsi %add3A_642, %min3A_643 : i32
    %mul3A_645 = arith.constant 128 : i32
    %mul3A_646 = arith.muli %min3A_644, %mul3A_645 : i32
    %multiple_of3A_647 = tpu.assume_multiple %mul3A_646, 128 : i32
    %dma_start3A_648 = arith.constant 14 : i32
    %dma_start3A_649 = arith.constant 14 : i32
    %dma_start3A_650 = arith.constant 0 : i32
    %dma_start3A_651 = arith.constant 0 : i32
    %dma_start3A_652 = tpu.memref_slice %arg11[%dma_start3A_648, %dma_start3A_650, %dma_start3A_651] : memref<16x32x128xf32, #tpu.memory_space<vmem>> -> memref<1x32x128xf32, #tpu.memory_space<vmem>>
    %dma_start3A_653 = tpu.memref_squeeze %dma_start3A_652 : memref<1x32x128xf32, #tpu.memory_space<vmem>> -> memref<32x128xf32, #tpu.memory_space<vmem>>
    %dma_start3A_654 = arith.constant 0 : i32
    %dma_start3A_655 = tpu.memref_slice %arg3[%dma_start3A_654, %multiple_of3A_647] : memref<32x1000000xf32, #tpu.memory_space<hbm>> -> memref<32x128xf32, #tpu.memory_space<hbm>>
    %dma_start3A_656 = tpu.memref_slice %arg13[%dma_start3A_649] : memref<16x!tpu.dma_semaphore, #tpu.memory_space<semaphore_mem>> -> memref<1x!tpu.dma_semaphore, #tpu.memory_space<semaphore_mem>>
    %dma_start3A_657 = tpu.memref_squeeze %dma_start3A_656 : memref<1x!tpu.dma_semaphore, #tpu.memory_space<semaphore_mem>> -> memref<!tpu.dma_semaphore, #tpu.memory_space<semaphore_mem>>
    %dma_start3A_658 = arith.constant 0 : i32
    %dma_start3A_659 = arith.constant 0 : i32
    %dma_start3A_660 = tpu.memref_slice %arg11[%dma_start3A_648, %dma_start3A_658, %dma_start3A_659] : memref<16x32x128xf32, #tpu.memory_space<vmem>> -> memref<1x32x128xf32, #tpu.memory_space<vmem>>
    %dma_start3A_661 = tpu.memref_squeeze %dma_start3A_660 : memref<1x32x128xf32, #tpu.memory_space<vmem>> -> memref<32x128xf32, #tpu.memory_space<vmem>>
    %dma_start3A_662 = arith.constant 0 : i32
    %dma_start3A_663 = tpu.memref_slice %arg3[%dma_start3A_662, %multiple_of3A_647] : memref<32x1000000xf32, #tpu.memory_space<hbm>> -> memref<32x128xf32, #tpu.memory_space<hbm>>
    tpu.enqueue_dma source(%dma_start3A_663 : memref<32x128xf32, #tpu.memory_space<hbm>>) target(%dma_start3A_661 : memref<32x128xf32, #tpu.memory_space<vmem>>) target_semaphore(%dma_start3A_657 : memref<!tpu.dma_semaphore, #tpu.memory_space<semaphore_mem>>)
    %multiple_of3A_664 = arith.constant 0 : i32
    %multiple_of3A_665 = tpu.assume_multiple %multiple_of3A_664, 16 : i32
    %get3A_666 = arith.index_cast %multiple_of3A_665 : i32 to index
    %get3A_667 = tpu.vector_load %arg10[%get3A_666] {strides = array<i32>} : memref<272xi32, #tpu.memory_space<vmem>>, vector<16xi32>,
    %eq3A_668 = arith.constant 15 : i32
    %eq3A_669 = vector.broadcast %eq3A_668 : i32 to vector<16xi32>
    %eq3A_670 = arith.cmpi eq, %iota3A, %eq3A_669 : vector<16xi32>
    %jit3A_671 = arith.constant 0 : i32
    %broadcast_in_dim3A_672 = vector.broadcast %jit3A_671 : i32 to vector<16xi32>
    %select_n3A_673 = arith.select %eq3A_670, %get3A_667, %broadcast_in_dim3A_672 : vector<16xi1>, vector<16xi32>
    %reduce_sum3A_674 = arith.constant true
    %reduce_sum3A_675 = vector.broadcast %reduce_sum3A_674 : i1 to vector<16xi1>
    %reduce_sum3A_676 = tpu.scan <sum>, %select_n3A_673 masked %reduce_sum3A_675 : vector<16xi32>, vector<16xi1> -> vector<16xi32>
    %reduce_sum3A_677 = vector.extract %reduce_sum3A_676[15] : i32 from vector<16xi32>
    %jit3A_678 = arith.constant 0 : i32
    %jit3A_679 = arith.constant 255 : i32
    %max3A_680 = arith.maxsi %jit3A_678, %reduce_sum3A_677 : i32
    %min3A_681 = arith.minsi %jit3A_679, %max3A_680 : i32
    %add3A_682 = arith.addi %mul3A_2, %min3A_681 : i32
    %min3A_683 = arith.constant 7812 : i32
    %min3A_684 = arith.minsi %add3A_682, %min3A_683 : i32
    %mul3A_685 = arith.constant 128 : i32
    %mul3A_686 = arith.muli %min3A_684, %mul3A_685 : i32
    %multiple_of3A_687 = tpu.assume_multiple %mul3A_686, 128 : i32
    %dma_start3A_688 = arith.constant 15 : i32
    %dma_start3A_689 = arith.constant 15 : i32
    %dma_start3A_690 = arith.constant 0 : i32
    %dma_start3A_691 = arith.constant 0 : i32
    %dma_start3A_692 = tpu.memref_slice %arg11[%dma_start3A_688, %dma_start3A_690, %dma_start3A_691] : memref<16x32x128xf32, #tpu.memory_space<vmem>> -> memref<1x32x128xf32, #tpu.memory_space<vmem>>
    %dma_start3A_693 = tpu.memref_squeeze %dma_start3A_692 : memref<1x32x128xf32, #tpu.memory_space<vmem>> -> memref<32x128xf32, #tpu.memory_space<vmem>>
    %dma_start3A_694 = arith.constant 0 : i32
    %dma_start3A_695 = tpu.memref_slice %arg3[%dma_start3A_694, %multiple_of3A_687] : memref<32x1000000xf32, #tpu.memory_space<hbm>> -> memref<32x128xf32, #tpu.memory_space<hbm>>
    %dma_start3A_696 = tpu.memref_slice %arg13[%dma_start3A_689] : memref<16x!tpu.dma_semaphore, #tpu.memory_space<semaphore_mem>> -> memref<1x!tpu.dma_semaphore, #tpu.memory_space<semaphore_mem>>
    %dma_start3A_697 = tpu.memref_squeeze %dma_start3A_696 : memref<1x!tpu.dma_semaphore, #tpu.memory_space<semaphore_mem>> -> memref<!tpu.dma_semaphore, #tpu.memory_space<semaphore_mem>>
    %dma_start3A_698 = arith.constant 0 : i32
    %dma_start3A_699 = arith.constant 0 : i32
    %dma_start3A_700 = tpu.memref_slice %arg11[%dma_start3A_688, %dma_start3A_698, %dma_start3A_699] : memref<16x32x128xf32, #tpu.memory_space<vmem>> -> memref<1x32x128xf32, #tpu.memory_space<vmem>>
    %dma_start3A_701 = tpu.memref_squeeze %dma_start3A_700 : memref<1x32x128xf32, #tpu.memory_space<vmem>> -> memref<32x128xf32, #tpu.memory_space<vmem>>
    %dma_start3A_702 = arith.constant 0 : i32
    %dma_start3A_703 = tpu.memref_slice %arg3[%dma_start3A_702, %multiple_of3A_687] : memref<32x1000000xf32, #tpu.memory_space<hbm>> -> memref<32x128xf32, #tpu.memory_space<hbm>>
    tpu.enqueue_dma source(%dma_start3A_703 : memref<32x128xf32, #tpu.memory_space<hbm>>) target(%dma_start3A_701 : memref<32x128xf32, #tpu.memory_space<vmem>>) target_semaphore(%dma_start3A_697 : memref<!tpu.dma_semaphore, #tpu.memory_space<semaphore_mem>>)
    %while3A = arith.constant 0 : i32
    %while3A_704 = arith.constant 0 : i32
    %while3A_705 = arith.subi %max3A_70, %while3A : i32
    %while3A_706 = arith.addi %while3A, %while3A_705 : i32
    %while3A_707 = arith.constant 1 : i32
    %while3A_708 = arith.divsi %while3A_705, %while3A_707 : i32
    %while3A_709 = arith.muli %while3A_708, %while3A_707 : i32
    %while3A_710 = arith.addi %while3A, %while3A_709 : i32
    %while3A_711 = arith.constant 1 : i32
    %while3A_712 = scf.for %while3A_752 = %while3A to %while3A_710 step %while3A_711 iter_args(%while3A_753 = %while3A_704) -> (i32)  : i32 {
      %and3A = arith.constant 1 : i32
      %and3A_754 = arith.andi %while3A_752, %and3A : i32
      %mul3A_755 = arith.constant 8 : i32
      %mul3A_756 = arith.muli %and3A_754, %mul3A_755 : i32
      %add3A_757 = arith.constant 0 : i32
      %add3A_758 = arith.addi %mul3A_756, %add3A_757 : i32
      %dma_wait3A = arith.constant 0 : i32
      %dma_wait3A_759 = arith.constant 0 : i32
      %dma_wait3A_760 = tpu.memref_slice %arg11[%add3A_758, %dma_wait3A, %dma_wait3A_759] : memref<16x32x128xf32, #tpu.memory_space<vmem>> -> memref<1x32x128xf32, #tpu.memory_space<vmem>>
      %dma_wait3A_761 = tpu.memref_squeeze %dma_wait3A_760 : memref<1x32x128xf32, #tpu.memory_space<vmem>> -> memref<32x128xf32, #tpu.memory_space<vmem>>
      %dma_wait3A_762 = arith.constant 0 : i32
      %dma_wait3A_763 = arith.constant 0 : i32
      %dma_wait3A_764 = tpu.memref_slice %arg3[%dma_wait3A_762, %dma_wait3A_763] : memref<32x1000000xf32, #tpu.memory_space<hbm>> -> memref<32x128xf32, #tpu.memory_space<hbm>>
      %dma_wait3A_765 = tpu.memref_slice %arg13[%add3A_758] : memref<16x!tpu.dma_semaphore, #tpu.memory_space<semaphore_mem>> -> memref<1x!tpu.dma_semaphore, #tpu.memory_space<semaphore_mem>>
      %dma_wait3A_766 = tpu.memref_squeeze %dma_wait3A_765 : memref<1x!tpu.dma_semaphore, #tpu.memory_space<semaphore_mem>> -> memref<!tpu.dma_semaphore, #tpu.memory_space<semaphore_mem>>
      %dma_wait3A_767 = arith.constant 0 : i32
      %dma_wait3A_768 = arith.constant 0 : i32
      %dma_wait3A_769 = tpu.memref_slice %arg11[%add3A_758, %dma_wait3A_767, %dma_wait3A_768] : memref<16x32x128xf32, #tpu.memory_space<vmem>> -> memref<1x32x128xf32, #tpu.memory_space<vmem>>
      %dma_wait3A_770 = tpu.memref_squeeze %dma_wait3A_769 : memref<1x32x128xf32, #tpu.memory_space<vmem>> -> memref<32x128xf32, #tpu.memory_space<vmem>>
      %dma_wait3A_771 = arith.constant 0 : i32
      %dma_wait3A_772 = arith.constant 0 : i32
      %dma_wait3A_773 = tpu.memref_slice %arg3[%dma_wait3A_771, %dma_wait3A_772] : memref<32x1000000xf32, #tpu.memory_space<hbm>> -> memref<32x128xf32, #tpu.memory_space<hbm>>
      tpu.wait_dma2 semaphore(%dma_wait3A_766 : memref<!tpu.dma_semaphore, #tpu.memory_space<semaphore_mem>>) src(%dma_wait3A_773 : memref<32x128xf32, #tpu.memory_space<hbm>>) dst(%dma_wait3A_770 : memref<32x128xf32, #tpu.memory_space<vmem>>)
      %and3A_774 = arith.constant 1 : i32
      %and3A_775 = arith.andi %while3A_752, %and3A_774 : i32
      %mul3A_776 = arith.constant 8 : i32
      %mul3A_777 = arith.muli %and3A_775, %mul3A_776 : i32
      %add3A_778 = arith.constant 1 : i32
      %add3A_779 = arith.addi %mul3A_777, %add3A_778 : i32
      %dma_wait3A_780 = arith.constant 0 : i32
      %dma_wait3A_781 = arith.constant 0 : i32
      %dma_wait3A_782 = tpu.memref_slice %arg11[%add3A_779, %dma_wait3A_780, %dma_wait3A_781] : memref<16x32x128xf32, #tpu.memory_space<vmem>> -> memref<1x32x128xf32, #tpu.memory_space<vmem>>
      %dma_wait3A_783 = tpu.memref_squeeze %dma_wait3A_782 : memref<1x32x128xf32, #tpu.memory_space<vmem>> -> memref<32x128xf32, #tpu.memory_space<vmem>>
      %dma_wait3A_784 = arith.constant 0 : i32
      %dma_wait3A_785 = arith.constant 0 : i32
      %dma_wait3A_786 = tpu.memref_slice %arg3[%dma_wait3A_784, %dma_wait3A_785] : memref<32x1000000xf32, #tpu.memory_space<hbm>> -> memref<32x128xf32, #tpu.memory_space<hbm>>
      %dma_wait3A_787 = tpu.memref_slice %arg13[%add3A_779] : memref<16x!tpu.dma_semaphore, #tpu.memory_space<semaphore_mem>> -> memref<1x!tpu.dma_semaphore, #tpu.memory_space<semaphore_mem>>
      %dma_wait3A_788 = tpu.memref_squeeze %dma_wait3A_787 : memref<1x!tpu.dma_semaphore, #tpu.memory_space<semaphore_mem>> -> memref<!tpu.dma_semaphore, #tpu.memory_space<semaphore_mem>>
      %dma_wait3A_789 = arith.constant 0 : i32
      %dma_wait3A_790 = arith.constant 0 : i32
      %dma_wait3A_791 = tpu.memref_slice %arg11[%add3A_779, %dma_wait3A_789, %dma_wait3A_790] : memref<16x32x128xf32, #tpu.memory_space<vmem>> -> memref<1x32x128xf32, #tpu.memory_space<vmem>>
      %dma_wait3A_792 = tpu.memref_squeeze %dma_wait3A_791 : memref<1x32x128xf32, #tpu.memory_space<vmem>> -> memref<32x128xf32, #tpu.memory_space<vmem>>
      %dma_wait3A_793 = arith.constant 0 : i32
      %dma_wait3A_794 = arith.constant 0 : i32
      %dma_wait3A_795 = tpu.memref_slice %arg3[%dma_wait3A_793, %dma_wait3A_794] : memref<32x1000000xf32, #tpu.memory_space<hbm>> -> memref<32x128xf32, #tpu.memory_space<hbm>>
      tpu.wait_dma2 semaphore(%dma_wait3A_788 : memref<!tpu.dma_semaphore, #tpu.memory_space<semaphore_mem>>) src(%dma_wait3A_795 : memref<32x128xf32, #tpu.memory_space<hbm>>) dst(%dma_wait3A_792 : memref<32x128xf32, #tpu.memory_space<vmem>>)
      %and3A_796 = arith.constant 1 : i32
      %and3A_797 = arith.andi %while3A_752, %and3A_796 : i32
      %mul3A_798 = arith.constant 8 : i32
      %mul3A_799 = arith.muli %and3A_797, %mul3A_798 : i32
      %add3A_800 = arith.constant 2 : i32
      %add3A_801 = arith.addi %mul3A_799, %add3A_800 : i32
      %dma_wait3A_802 = arith.constant 0 : i32
      %dma_wait3A_803 = arith.constant 0 : i32
      %dma_wait3A_804 = tpu.memref_slice %arg11[%add3A_801, %dma_wait3A_802, %dma_wait3A_803] : memref<16x32x128xf32, #tpu.memory_space<vmem>> -> memref<1x32x128xf32, #tpu.memory_space<vmem>>
      %dma_wait3A_805 = tpu.memref_squeeze %dma_wait3A_804 : memref<1x32x128xf32, #tpu.memory_space<vmem>> -> memref<32x128xf32, #tpu.memory_space<vmem>>
      %dma_wait3A_806 = arith.constant 0 : i32
      %dma_wait3A_807 = arith.constant 0 : i32
      %dma_wait3A_808 = tpu.memref_slice %arg3[%dma_wait3A_806, %dma_wait3A_807] : memref<32x1000000xf32, #tpu.memory_space<hbm>> -> memref<32x128xf32, #tpu.memory_space<hbm>>
      %dma_wait3A_809 = tpu.memref_slice %arg13[%add3A_801] : memref<16x!tpu.dma_semaphore, #tpu.memory_space<semaphore_mem>> -> memref<1x!tpu.dma_semaphore, #tpu.memory_space<semaphore_mem>>
      %dma_wait3A_810 = tpu.memref_squeeze %dma_wait3A_809 : memref<1x!tpu.dma_semaphore, #tpu.memory_space<semaphore_mem>> -> memref<!tpu.dma_semaphore, #tpu.memory_space<semaphore_mem>>
      %dma_wait3A_811 = arith.constant 0 : i32
      %dma_wait3A_812 = arith.constant 0 : i32
      %dma_wait3A_813 = tpu.memref_slice %arg11[%add3A_801, %dma_wait3A_811, %dma_wait3A_812] : memref<16x32x128xf32, #tpu.memory_space<vmem>> -> memref<1x32x128xf32, #tpu.memory_space<vmem>>
      %dma_wait3A_814 = tpu.memref_squeeze %dma_wait3A_813 : memref<1x32x128xf32, #tpu.memory_space<vmem>> -> memref<32x128xf32, #tpu.memory_space<vmem>>
      %dma_wait3A_815 = arith.constant 0 : i32
      %dma_wait3A_816 = arith.constant 0 : i32
      %dma_wait3A_817 = tpu.memref_slice %arg3[%dma_wait3A_815, %dma_wait3A_816] : memref<32x1000000xf32, #tpu.memory_space<hbm>> -> memref<32x128xf32, #tpu.memory_space<hbm>>
      tpu.wait_dma2 semaphore(%dma_wait3A_810 : memref<!tpu.dma_semaphore, #tpu.memory_space<semaphore_mem>>) src(%dma_wait3A_817 : memref<32x128xf32, #tpu.memory_space<hbm>>) dst(%dma_wait3A_814 : memref<32x128xf32, #tpu.memory_space<vmem>>)
      %and3A_818 = arith.constant 1 : i32
      %and3A_819 = arith.andi %while3A_752, %and3A_818 : i32
      %mul3A_820 = arith.constant 8 : i32
      %mul3A_821 = arith.muli %and3A_819, %mul3A_820 : i32
      %add3A_822 = arith.constant 3 : i32
      %add3A_823 = arith.addi %mul3A_821, %add3A_822 : i32
      %dma_wait3A_824 = arith.constant 0 : i32
      %dma_wait3A_825 = arith.constant 0 : i32
      %dma_wait3A_826 = tpu.memref_slice %arg11[%add3A_823, %dma_wait3A_824, %dma_wait3A_825] : memref<16x32x128xf32, #tpu.memory_space<vmem>> -> memref<1x32x128xf32, #tpu.memory_space<vmem>>
      %dma_wait3A_827 = tpu.memref_squeeze %dma_wait3A_826 : memref<1x32x128xf32, #tpu.memory_space<vmem>> -> memref<32x128xf32, #tpu.memory_space<vmem>>
      %dma_wait3A_828 = arith.constant 0 : i32
      %dma_wait3A_829 = arith.constant 0 : i32
      %dma_wait3A_830 = tpu.memref_slice %arg3[%dma_wait3A_828, %dma_wait3A_829] : memref<32x1000000xf32, #tpu.memory_space<hbm>> -> memref<32x128xf32, #tpu.memory_space<hbm>>
      %dma_wait3A_831 = tpu.memref_slice %arg13[%add3A_823] : memref<16x!tpu.dma_semaphore, #tpu.memory_space<semaphore_mem>> -> memref<1x!tpu.dma_semaphore, #tpu.memory_space<semaphore_mem>>
      %dma_wait3A_832 = tpu.memref_squeeze %dma_wait3A_831 : memref<1x!tpu.dma_semaphore, #tpu.memory_space<semaphore_mem>> -> memref<!tpu.dma_semaphore, #tpu.memory_space<semaphore_mem>>
      %dma_wait3A_833 = arith.constant 0 : i32
      %dma_wait3A_834 = arith.constant 0 : i32
      %dma_wait3A_835 = tpu.memref_slice %arg11[%add3A_823, %dma_wait3A_833, %dma_wait3A_834] : memref<16x32x128xf32, #tpu.memory_space<vmem>> -> memref<1x32x128xf32, #tpu.memory_space<vmem>>
      %dma_wait3A_836 = tpu.memref_squeeze %dma_wait3A_835 : memref<1x32x128xf32, #tpu.memory_space<vmem>> -> memref<32x128xf32, #tpu.memory_space<vmem>>
      %dma_wait3A_837 = arith.constant 0 : i32
      %dma_wait3A_838 = arith.constant 0 : i32
      %dma_wait3A_839 = tpu.memref_slice %arg3[%dma_wait3A_837, %dma_wait3A_838] : memref<32x1000000xf32, #tpu.memory_space<hbm>> -> memref<32x128xf32, #tpu.memory_space<hbm>>
      tpu.wait_dma2 semaphore(%dma_wait3A_832 : memref<!tpu.dma_semaphore, #tpu.memory_space<semaphore_mem>>) src(%dma_wait3A_839 : memref<32x128xf32, #tpu.memory_space<hbm>>) dst(%dma_wait3A_836 : memref<32x128xf32, #tpu.memory_space<vmem>>)
      %and3A_840 = arith.constant 1 : i32
      %and3A_841 = arith.andi %while3A_752, %and3A_840 : i32
      %mul3A_842 = arith.constant 8 : i32
      %mul3A_843 = arith.muli %and3A_841, %mul3A_842 : i32
      %add3A_844 = arith.constant 4 : i32
      %add3A_845 = arith.addi %mul3A_843, %add3A_844 : i32
      %dma_wait3A_846 = arith.constant 0 : i32
      %dma_wait3A_847 = arith.constant 0 : i32
      %dma_wait3A_848 = tpu.memref_slice %arg11[%add3A_845, %dma_wait3A_846, %dma_wait3A_847] : memref<16x32x128xf32, #tpu.memory_space<vmem>> -> memref<1x32x128xf32, #tpu.memory_space<vmem>>
      %dma_wait3A_849 = tpu.memref_squeeze %dma_wait3A_848 : memref<1x32x128xf32, #tpu.memory_space<vmem>> -> memref<32x128xf32, #tpu.memory_space<vmem>>
      %dma_wait3A_850 = arith.constant 0 : i32
      %dma_wait3A_851 = arith.constant 0 : i32
      %dma_wait3A_852 = tpu.memref_slice %arg3[%dma_wait3A_850, %dma_wait3A_851] : memref<32x1000000xf32, #tpu.memory_space<hbm>> -> memref<32x128xf32, #tpu.memory_space<hbm>>
      %dma_wait3A_853 = tpu.memref_slice %arg13[%add3A_845] : memref<16x!tpu.dma_semaphore, #tpu.memory_space<semaphore_mem>> -> memref<1x!tpu.dma_semaphore, #tpu.memory_space<semaphore_mem>>
      %dma_wait3A_854 = tpu.memref_squeeze %dma_wait3A_853 : memref<1x!tpu.dma_semaphore, #tpu.memory_space<semaphore_mem>> -> memref<!tpu.dma_semaphore, #tpu.memory_space<semaphore_mem>>
      %dma_wait3A_855 = arith.constant 0 : i32
      %dma_wait3A_856 = arith.constant 0 : i32
      %dma_wait3A_857 = tpu.memref_slice %arg11[%add3A_845, %dma_wait3A_855, %dma_wait3A_856] : memref<16x32x128xf32, #tpu.memory_space<vmem>> -> memref<1x32x128xf32, #tpu.memory_space<vmem>>
      %dma_wait3A_858 = tpu.memref_squeeze %dma_wait3A_857 : memref<1x32x128xf32, #tpu.memory_space<vmem>> -> memref<32x128xf32, #tpu.memory_space<vmem>>
      %dma_wait3A_859 = arith.constant 0 : i32
      %dma_wait3A_860 = arith.constant 0 : i32
      %dma_wait3A_861 = tpu.memref_slice %arg3[%dma_wait3A_859, %dma_wait3A_860] : memref<32x1000000xf32, #tpu.memory_space<hbm>> -> memref<32x128xf32, #tpu.memory_space<hbm>>
      tpu.wait_dma2 semaphore(%dma_wait3A_854 : memref<!tpu.dma_semaphore, #tpu.memory_space<semaphore_mem>>) src(%dma_wait3A_861 : memref<32x128xf32, #tpu.memory_space<hbm>>) dst(%dma_wait3A_858 : memref<32x128xf32, #tpu.memory_space<vmem>>)
      %and3A_862 = arith.constant 1 : i32
      %and3A_863 = arith.andi %while3A_752, %and3A_862 : i32
      %mul3A_864 = arith.constant 8 : i32
      %mul3A_865 = arith.muli %and3A_863, %mul3A_864 : i32
      %add3A_866 = arith.constant 5 : i32
      %add3A_867 = arith.addi %mul3A_865, %add3A_866 : i32
      %dma_wait3A_868 = arith.constant 0 : i32
      %dma_wait3A_869 = arith.constant 0 : i32
      %dma_wait3A_870 = tpu.memref_slice %arg11[%add3A_867, %dma_wait3A_868, %dma_wait3A_869] : memref<16x32x128xf32, #tpu.memory_space<vmem>> -> memref<1x32x128xf32, #tpu.memory_space<vmem>>
      %dma_wait3A_871 = tpu.memref_squeeze %dma_wait3A_870 : memref<1x32x128xf32, #tpu.memory_space<vmem>> -> memref<32x128xf32, #tpu.memory_space<vmem>>
      %dma_wait3A_872 = arith.constant 0 : i32
      %dma_wait3A_873 = arith.constant 0 : i32
      %dma_wait3A_874 = tpu.memref_slice %arg3[%dma_wait3A_872, %dma_wait3A_873] : memref<32x1000000xf32, #tpu.memory_space<hbm>> -> memref<32x128xf32, #tpu.memory_space<hbm>>
      %dma_wait3A_875 = tpu.memref_slice %arg13[%add3A_867] : memref<16x!tpu.dma_semaphore, #tpu.memory_space<semaphore_mem>> -> memref<1x!tpu.dma_semaphore, #tpu.memory_space<semaphore_mem>>
      %dma_wait3A_876 = tpu.memref_squeeze %dma_wait3A_875 : memref<1x!tpu.dma_semaphore, #tpu.memory_space<semaphore_mem>> -> memref<!tpu.dma_semaphore, #tpu.memory_space<semaphore_mem>>
      %dma_wait3A_877 = arith.constant 0 : i32
      %dma_wait3A_878 = arith.constant 0 : i32
      %dma_wait3A_879 = tpu.memref_slice %arg11[%add3A_867, %dma_wait3A_877, %dma_wait3A_878] : memref<16x32x128xf32, #tpu.memory_space<vmem>> -> memref<1x32x128xf32, #tpu.memory_space<vmem>>
      %dma_wait3A_880 = tpu.memref_squeeze %dma_wait3A_879 : memref<1x32x128xf32, #tpu.memory_space<vmem>> -> memref<32x128xf32, #tpu.memory_space<vmem>>
      %dma_wait3A_881 = arith.constant 0 : i32
      %dma_wait3A_882 = arith.constant 0 : i32
      %dma_wait3A_883 = tpu.memref_slice %arg3[%dma_wait3A_881, %dma_wait3A_882] : memref<32x1000000xf32, #tpu.memory_space<hbm>> -> memref<32x128xf32, #tpu.memory_space<hbm>>
      tpu.wait_dma2 semaphore(%dma_wait3A_876 : memref<!tpu.dma_semaphore, #tpu.memory_space<semaphore_mem>>) src(%dma_wait3A_883 : memref<32x128xf32, #tpu.memory_space<hbm>>) dst(%dma_wait3A_880 : memref<32x128xf32, #tpu.memory_space<vmem>>)
      %and3A_884 = arith.constant 1 : i32
      %and3A_885 = arith.andi %while3A_752, %and3A_884 : i32
      %mul3A_886 = arith.constant 8 : i32
      %mul3A_887 = arith.muli %and3A_885, %mul3A_886 : i32
      %add3A_888 = arith.constant 6 : i32
      %add3A_889 = arith.addi %mul3A_887, %add3A_888 : i32
      %dma_wait3A_890 = arith.constant 0 : i32
      %dma_wait3A_891 = arith.constant 0 : i32
      %dma_wait3A_892 = tpu.memref_slice %arg11[%add3A_889, %dma_wait3A_890, %dma_wait3A_891] : memref<16x32x128xf32, #tpu.memory_space<vmem>> -> memref<1x32x128xf32, #tpu.memory_space<vmem>>
      %dma_wait3A_893 = tpu.memref_squeeze %dma_wait3A_892 : memref<1x32x128xf32, #tpu.memory_space<vmem>> -> memref<32x128xf32, #tpu.memory_space<vmem>>
      %dma_wait3A_894 = arith.constant 0 : i32
      %dma_wait3A_895 = arith.constant 0 : i32
      %dma_wait3A_896 = tpu.memref_slice %arg3[%dma_wait3A_894, %dma_wait3A_895] : memref<32x1000000xf32, #tpu.memory_space<hbm>> -> memref<32x128xf32, #tpu.memory_space<hbm>>
      %dma_wait3A_897 = tpu.memref_slice %arg13[%add3A_889] : memref<16x!tpu.dma_semaphore, #tpu.memory_space<semaphore_mem>> -> memref<1x!tpu.dma_semaphore, #tpu.memory_space<semaphore_mem>>
      %dma_wait3A_898 = tpu.memref_squeeze %dma_wait3A_897 : memref<1x!tpu.dma_semaphore, #tpu.memory_space<semaphore_mem>> -> memref<!tpu.dma_semaphore, #tpu.memory_space<semaphore_mem>>
      %dma_wait3A_899 = arith.constant 0 : i32
      %dma_wait3A_900 = arith.constant 0 : i32
      %dma_wait3A_901 = tpu.memref_slice %arg11[%add3A_889, %dma_wait3A_899, %dma_wait3A_900] : memref<16x32x128xf32, #tpu.memory_space<vmem>> -> memref<1x32x128xf32, #tpu.memory_space<vmem>>
      %dma_wait3A_902 = tpu.memref_squeeze %dma_wait3A_901 : memref<1x32x128xf32, #tpu.memory_space<vmem>> -> memref<32x128xf32, #tpu.memory_space<vmem>>
      %dma_wait3A_903 = arith.constant 0 : i32
      %dma_wait3A_904 = arith.constant 0 : i32
      %dma_wait3A_905 = tpu.memref_slice %arg3[%dma_wait3A_903, %dma_wait3A_904] : memref<32x1000000xf32, #tpu.memory_space<hbm>> -> memref<32x128xf32, #tpu.memory_space<hbm>>
      tpu.wait_dma2 semaphore(%dma_wait3A_898 : memref<!tpu.dma_semaphore, #tpu.memory_space<semaphore_mem>>) src(%dma_wait3A_905 : memref<32x128xf32, #tpu.memory_space<hbm>>) dst(%dma_wait3A_902 : memref<32x128xf32, #tpu.memory_space<vmem>>)
      %and3A_906 = arith.constant 1 : i32
      %and3A_907 = arith.andi %while3A_752, %and3A_906 : i32
      %mul3A_908 = arith.constant 8 : i32
      %mul3A_909 = arith.muli %and3A_907, %mul3A_908 : i32
      %add3A_910 = arith.constant 7 : i32
      %add3A_911 = arith.addi %mul3A_909, %add3A_910 : i32
      %dma_wait3A_912 = arith.constant 0 : i32
      %dma_wait3A_913 = arith.constant 0 : i32
      %dma_wait3A_914 = tpu.memref_slice %arg11[%add3A_911, %dma_wait3A_912, %dma_wait3A_913] : memref<16x32x128xf32, #tpu.memory_space<vmem>> -> memref<1x32x128xf32, #tpu.memory_space<vmem>>
      %dma_wait3A_915 = tpu.memref_squeeze %dma_wait3A_914 : memref<1x32x128xf32, #tpu.memory_space<vmem>> -> memref<32x128xf32, #tpu.memory_space<vmem>>
      %dma_wait3A_916 = arith.constant 0 : i32
      %dma_wait3A_917 = arith.constant 0 : i32
      %dma_wait3A_918 = tpu.memref_slice %arg3[%dma_wait3A_916, %dma_wait3A_917] : memref<32x1000000xf32, #tpu.memory_space<hbm>> -> memref<32x128xf32, #tpu.memory_space<hbm>>
      %dma_wait3A_919 = tpu.memref_slice %arg13[%add3A_911] : memref<16x!tpu.dma_semaphore, #tpu.memory_space<semaphore_mem>> -> memref<1x!tpu.dma_semaphore, #tpu.memory_space<semaphore_mem>>
      %dma_wait3A_920 = tpu.memref_squeeze %dma_wait3A_919 : memref<1x!tpu.dma_semaphore, #tpu.memory_space<semaphore_mem>> -> memref<!tpu.dma_semaphore, #tpu.memory_space<semaphore_mem>>
      %dma_wait3A_921 = arith.constant 0 : i32
      %dma_wait3A_922 = arith.constant 0 : i32
      %dma_wait3A_923 = tpu.memref_slice %arg11[%add3A_911, %dma_wait3A_921, %dma_wait3A_922] : memref<16x32x128xf32, #tpu.memory_space<vmem>> -> memref<1x32x128xf32, #tpu.memory_space<vmem>>
      %dma_wait3A_924 = tpu.memref_squeeze %dma_wait3A_923 : memref<1x32x128xf32, #tpu.memory_space<vmem>> -> memref<32x128xf32, #tpu.memory_space<vmem>>
      %dma_wait3A_925 = arith.constant 0 : i32
      %dma_wait3A_926 = arith.constant 0 : i32
      %dma_wait3A_927 = tpu.memref_slice %arg3[%dma_wait3A_925, %dma_wait3A_926] : memref<32x1000000xf32, #tpu.memory_space<hbm>> -> memref<32x128xf32, #tpu.memory_space<hbm>>
      tpu.wait_dma2 semaphore(%dma_wait3A_920 : memref<!tpu.dma_semaphore, #tpu.memory_space<semaphore_mem>>) src(%dma_wait3A_927 : memref<32x128xf32, #tpu.memory_space<hbm>>) dst(%dma_wait3A_924 : memref<32x128xf32, #tpu.memory_space<vmem>>)
      %mul3A_928 = arith.constant 8 : i32
      %mul3A_929 = arith.muli %while3A_752, %mul3A_928 : i32
      %add3A_930 = arith.constant 15 : i32
      %add3A_931 = arith.addi %scan3A_57, %add3A_930 : i32
      %shift_right_arithmetic3A_932 = arith.constant 4 : i32
      %shift_right_arithmetic3A_933 = arith.shrsi %add3A_931, %shift_right_arithmetic3A_932 : i32
      %while3A_934 = arith.constant 0 : i32
      %while3A_935 = arith.constant 0 : i32
      %while3A_936 = arith.subi %shift_right_arithmetic3A_933, %while3A_934 : i32
      %while3A_937 = arith.addi %while3A_934, %while3A_936 : i32
      %while3A_938 = arith.constant 1 : i32
      %while3A_939 = arith.divsi %while3A_936, %while3A_938 : i32
      %while3A_940 = arith.muli %while3A_939, %while3A_938 : i32
      %while3A_941 = arith.addi %while3A_934, %while3A_940 : i32
      %while3A_942 = arith.constant 1 : i32
      %while3A_943 = scf.for %while3A_962 = %while3A_934 to %while3A_941 step %while3A_942 iter_args(%while3A_963 = %while3A_935) -> (i32)  : i32 {
        %mul3A_964 = arith.constant 16 : i32
        %mul3A_965 = arith.muli %while3A_962, %mul3A_964 : i32
        %multiple_of3A_966 = tpu.assume_multiple %mul3A_965, 16 : i32
        %get3A_967 = arith.index_cast %multiple_of3A_966 : i32 to index
        %get3A_968 = tpu.vector_load %arg6[%get3A_967] {strides = array<i32>} : memref<16400xi32, #tpu.memory_space<vmem>>, vector<16xi32>,
        %shift_right_arithmetic3A_969 = arith.constant 21 : i32
        %shift_right_arithmetic3A_970 = vector.broadcast %shift_right_arithmetic3A_969 : i32 to vector<16xi32>
        %shift_right_arithmetic3A_971 = arith.shrsi %get3A_968, %shift_right_arithmetic3A_970 : vector<16xi32>
        %and3A_972 = arith.constant 255 : i32
        %and3A_973 = vector.broadcast %and3A_972 : i32 to vector<16xi32>
        %and3A_974 = arith.andi %shift_right_arithmetic3A_971, %and3A_973 : vector<16xi32>
        %gather3A = tpu.vector_load_idx %arg9[%and3A_974] : memref<256xi32, #tpu.memory_space<vmem>>[vector<16xi32>], vector<16xi32>,
        %ge3A = vector.broadcast %mul3A_929 : i32 to vector<16xi32>
        %ge3A_975 = arith.cmpi sge, %gather3A, %ge3A : vector<16xi32>
        %add3A_976 = arith.constant 8 : i32
        %add3A_977 = arith.addi %mul3A_929, %add3A_976 : i32
        %lt3A_978 = vector.broadcast %add3A_977 : i32 to vector<16xi32>
        %lt3A_979 = arith.cmpi slt, %gather3A, %lt3A_978 : vector<16xi32>
        %and3A_980 = arith.andi %ge3A_975, %lt3A_979 : vector<16xi1>
        %mul3A_981 = arith.constant 16 : i32
        %mul3A_982 = arith.muli %while3A_962, %mul3A_981 : i32
        %add3A_983 = vector.broadcast %mul3A_982 : i32 to vector<16xi32>
        %add3A_984 = arith.addi %add3A_983, %iota3A : vector<16xi32>
        %lt3A_985 = vector.broadcast %scan3A_57 : i32 to vector<16xi32>
        %lt3A_986 = arith.cmpi slt, %add3A_984, %lt3A_985 : vector<16xi32>
        %and3A_987 = arith.andi %and3A_980, %lt3A_986 : vector<16xi1>
        %shift_left3A = arith.constant 21 : i32
        %shift_left3A_988 = vector.broadcast %shift_left3A : i32 to vector<16xi32>
        %shift_left3A_989 = arith.shli %gather3A, %shift_left3A_988 : vector<16xi32>
        %and3A_990 = arith.constant 2097151 : i32
        %and3A_991 = vector.broadcast %and3A_990 : i32 to vector<16xi32>
        %and3A_992 = arith.andi %get3A_968, %and3A_991 : vector<16xi32>
        %or3A = arith.ori %shift_left3A_989, %and3A_992 : vector<16xi32>
        %swap3A_993 = arith.index_cast %while3A_963 : i32 to index
        %swap3A_994 = tpu.vector_load %arg7[%swap3A_993] masked %and3A_987 {strides = array<i32>} : memref<16400xi32, #tpu.memory_space<vmem>>, vector<16xi32>, vector<16xi1>
        tpu.vector_store %arg7[%swap3A_993], %or3A masked %and3A_987 {strides = array<i32>} : memref<16400xi32, #tpu.memory_space<vmem>>, vector<16xi32>, vector<16xi1>
        %jit3A_995 = arith.constant 1 : i32
        %jit3A_996 = arith.constant 0 : i32
        %broadcast_in_dim3A_997 = vector.broadcast %jit3A_995 : i32 to vector<16xi32>
        %broadcast_in_dim3A_998 = vector.broadcast %jit3A_996 : i32 to vector<16xi32>
        %select_n3A_999 = arith.select %and3A_987, %broadcast_in_dim3A_997, %broadcast_in_dim3A_998 : vector<16xi1>, vector<16xi32>
        %reduce_sum3A_1000 = arith.constant true
        %reduce_sum3A_1001 = vector.broadcast %reduce_sum3A_1000 : i1 to vector<16xi1>
        %reduce_sum3A_1002 = tpu.scan <sum>, %select_n3A_999 masked %reduce_sum3A_1001 : vector<16xi32>, vector<16xi1> -> vector<16xi32>
        %reduce_sum3A_1003 = vector.extract %reduce_sum3A_1002[15] : i32 from vector<16xi32>
        %add3A_1004 = arith.addi %while3A_963, %reduce_sum3A_1003 : i32
        scf.yield %add3A_1004 : i32
      }
      %while3A_944 = arith.constant 1 : i32
      %while3A_945 = scf.for %while3A_962 = %while3A_941 to %while3A_937 step %while3A_944 iter_args(%while3A_963 = %while3A_943) -> (i32)  : i32 {
        %mul3A_964 = arith.constant 16 : i32
        %mul3A_965 = arith.muli %while3A_962, %mul3A_964 : i32
        %multiple_of3A_966 = tpu.assume_multiple %mul3A_965, 16 : i32
        %get3A_967 = arith.index_cast %multiple_of3A_966 : i32 to index
        %get3A_968 = tpu.vector_load %arg6[%get3A_967] {strides = array<i32>} : memref<16400xi32, #tpu.memory_space<vmem>>, vector<16xi32>,
        %shift_right_arithmetic3A_969 = arith.constant 21 : i32
        %shift_right_arithmetic3A_970 = vector.broadcast %shift_right_arithmetic3A_969 : i32 to vector<16xi32>
        %shift_right_arithmetic3A_971 = arith.shrsi %get3A_968, %shift_right_arithmetic3A_970 : vector<16xi32>
        %and3A_972 = arith.constant 255 : i32
        %and3A_973 = vector.broadcast %and3A_972 : i32 to vector<16xi32>
        %and3A_974 = arith.andi %shift_right_arithmetic3A_971, %and3A_973 : vector<16xi32>
        %gather3A = tpu.vector_load_idx %arg9[%and3A_974] : memref<256xi32, #tpu.memory_space<vmem>>[vector<16xi32>], vector<16xi32>,
        %ge3A = vector.broadcast %mul3A_929 : i32 to vector<16xi32>
        %ge3A_975 = arith.cmpi sge, %gather3A, %ge3A : vector<16xi32>
        %add3A_976 = arith.constant 8 : i32
        %add3A_977 = arith.addi %mul3A_929, %add3A_976 : i32
        %lt3A_978 = vector.broadcast %add3A_977 : i32 to vector<16xi32>
        %lt3A_979 = arith.cmpi slt, %gather3A, %lt3A_978 : vector<16xi32>
        %and3A_980 = arith.andi %ge3A_975, %lt3A_979 : vector<16xi1>
        %mul3A_981 = arith.constant 16 : i32
        %mul3A_982 = arith.muli %while3A_962, %mul3A_981 : i32
        %add3A_983 = vector.broadcast %mul3A_982 : i32 to vector<16xi32>
        %add3A_984 = arith.addi %add3A_983, %iota3A : vector<16xi32>
        %lt3A_985 = vector.broadcast %scan3A_57 : i32 to vector<16xi32>
        %lt3A_986 = arith.cmpi slt, %add3A_984, %lt3A_985 : vector<16xi32>
        %and3A_987 = arith.andi %and3A_980, %lt3A_986 : vector<16xi1>
        %shift_left3A = arith.constant 21 : i32
        %shift_left3A_988 = vector.broadcast %shift_left3A : i32 to vector<16xi32>
        %shift_left3A_989 = arith.shli %gather3A, %shift_left3A_988 : vector<16xi32>
        %and3A_990 = arith.constant 2097151 : i32
        %and3A_991 = vector.broadcast %and3A_990 : i32 to vector<16xi32>
        %and3A_992 = arith.andi %get3A_968, %and3A_991 : vector<16xi32>
        %or3A = arith.ori %shift_left3A_989, %and3A_992 : vector<16xi32>
        %swap3A_993 = arith.index_cast %while3A_963 : i32 to index
        %swap3A_994 = tpu.vector_load %arg7[%swap3A_993] masked %and3A_987 {strides = array<i32>} : memref<16400xi32, #tpu.memory_space<vmem>>, vector<16xi32>, vector<16xi1>
        tpu.vector_store %arg7[%swap3A_993], %or3A masked %and3A_987 {strides = array<i32>} : memref<16400xi32, #tpu.memory_space<vmem>>, vector<16xi32>, vector<16xi1>
        %jit3A_995 = arith.constant 1 : i32
        %jit3A_996 = arith.constant 0 : i32
        %broadcast_in_dim3A_997 = vector.broadcast %jit3A_995 : i32 to vector<16xi32>
        %broadcast_in_dim3A_998 = vector.broadcast %jit3A_996 : i32 to vector<16xi32>
        %select_n3A_999 = arith.select %and3A_987, %broadcast_in_dim3A_997, %broadcast_in_dim3A_998 : vector<16xi1>, vector<16xi32>
        %reduce_sum3A_1000 = arith.constant true
        %reduce_sum3A_1001 = vector.broadcast %reduce_sum3A_1000 : i1 to vector<16xi1>
        %reduce_sum3A_1002 = tpu.scan <sum>, %select_n3A_999 masked %reduce_sum3A_1001 : vector<16xi32>, vector<16xi1> -> vector<16xi32>
        %reduce_sum3A_1003 = vector.extract %reduce_sum3A_1002[15] : i32 from vector<16xi32>
        %add3A_1004 = arith.addi %while3A_963, %reduce_sum3A_1003 : i32
        scf.yield %add3A_1004 : i32
      }
      %while3A_946 = arith.constant 0 : i32
      %while3A_947 = arith.subi %while3A_945, %while3A_946 : i32
      %while3A_948 = arith.addi %while3A_946, %while3A_947 : i32
      %while3A_949 = arith.constant 1 : i32
      %while3A_950 = arith.divsi %while3A_947, %while3A_949 : i32
      %while3A_951 = arith.muli %while3A_950, %while3A_949 : i32
      %while3A_952 = arith.addi %while3A_946, %while3A_951 : i32
      %while3A_953 = arith.constant 1 : i32
      %while3A_954 = scf.for %while3A_962 = %while3A_946 to %while3A_952 step %while3A_953 iter_args(%while3A_963 = %while3A_753) -> (i32)  : i32 {
        %shift_right_arithmetic3A_964 = arith.constant 4 : i32
        %shift_right_arithmetic3A_965 = arith.shrsi %while3A_962, %shift_right_arithmetic3A_964 : i32
        %mul3A_966 = arith.constant 16 : i32
        %mul3A_967 = arith.muli %shift_right_arithmetic3A_965, %mul3A_966 : i32
        %multiple_of3A_968 = tpu.assume_multiple %mul3A_967, 16 : i32
        %get3A_969 = arith.index_cast %multiple_of3A_968 : i32 to index
        %get3A_970 = tpu.vector_load %arg7[%get3A_969] {strides = array<i32>} : memref<16400xi32, #tpu.memory_space<vmem>>, vector<16xi32>,
        %and3A_971 = arith.constant 15 : i32
        %and3A_972 = arith.andi %while3A_962, %and3A_971 : i32
        %eq3A_973 = vector.broadcast %and3A_972 : i32 to vector<16xi32>
        %eq3A_974 = arith.cmpi eq, %iota3A, %eq3A_973 : vector<16xi32>
        %jit3A_975 = arith.constant 0 : i32
        %broadcast_in_dim3A_976 = vector.broadcast %jit3A_975 : i32 to vector<16xi32>
        %select_n3A_977 = arith.select %eq3A_974, %get3A_970, %broadcast_in_dim3A_976 : vector<16xi1>, vector<16xi32>
        %reduce_sum3A_978 = arith.constant true
        %reduce_sum3A_979 = vector.broadcast %reduce_sum3A_978 : i1 to vector<16xi1>
        %reduce_sum3A_980 = tpu.scan <sum>, %select_n3A_977 masked %reduce_sum3A_979 : vector<16xi32>, vector<16xi1> -> vector<16xi32>
        %reduce_sum3A_981 = vector.extract %reduce_sum3A_980[15] : i32 from vector<16xi32>
        %and3A_982 = arith.constant 1 : i32
        %and3A_983 = arith.andi %while3A_752, %and3A_982 : i32
        %mul3A_984 = arith.constant 8 : i32
        %mul3A_985 = arith.muli %and3A_983, %mul3A_984 : i32
        %shift_right_arithmetic3A_986 = arith.constant 21 : i32
        %shift_right_arithmetic3A_987 = arith.shrsi %reduce_sum3A_981, %shift_right_arithmetic3A_986 : i32
        %and3A_988 = arith.constant 7 : i32
        %and3A_989 = arith.andi %shift_right_arithmetic3A_987, %and3A_988 : i32
        %add3A_990 = arith.addi %mul3A_985, %and3A_989 : i32
        %shift_right_arithmetic3A_991 = arith.constant 14 : i32
        %shift_right_arithmetic3A_992 = arith.shrsi %reduce_sum3A_981, %shift_right_arithmetic3A_991 : i32
        %and3A_993 = arith.constant 127 : i32
        %and3A_994 = arith.andi %shift_right_arithmetic3A_992, %and3A_993 : i32
        %broadcast_in_dim3A_995 = vector.broadcast %and3A_994 : i32 to vector<16xi32>
        %and3A_996 = arith.constant 16383 : i32
        %and3A_997 = arith.andi %reduce_sum3A_981, %and3A_996 : i32
        %and3A_998 = arith.constant 7 : i32
        %and3A_999 = arith.andi %while3A_963, %and3A_998 : i32
        %ge3A = arith.constant 8 : i32
        %ge3A_1000 = arith.cmpi sge, %while3A_963, %ge3A : i32
        %convert_element_type3A_1001 = arith.extui %ge3A_1000 : i1 to i32
        %cond3A_1002 = arith.constant 0 : i32
        %cond3A_1003 = arith.cmpi ne, %convert_element_type3A_1001, %cond3A_1002 : i32
        scf.if %cond3A_1003 {
          %dma_wait3A_1032 = arith.constant 0 : i32
          %dma_wait3A_1033 = tpu.memref_slice %arg12[%dma_wait3A_1032] : memref<256xf32, #tpu.memory_space<vmem>> -> memref<32xf32, #tpu.memory_space<vmem>>
          %dma_wait3A_1034 = arith.constant 0 : i32
          %dma_wait3A_1035 = tpu.memref_slice %arg4[%dma_wait3A_1034] : memref<524288xf32, #tpu.memory_space<hbm>> -> memref<32xf32, #tpu.memory_space<hbm>>
          %dma_wait3A_1036 = tpu.memref_slice %arg14[%and3A_999] : memref<8x!tpu.dma_semaphore, #tpu.memory_space<semaphore_mem>> -> memref<1x!tpu.dma_semaphore, #tpu.memory_space<semaphore_mem>>
          %dma_wait3A_1037 = tpu.memref_squeeze %dma_wait3A_1036 : memref<1x!tpu.dma_semaphore, #tpu.memory_space<semaphore_mem>> -> memref<!tpu.dma_semaphore, #tpu.memory_space<semaphore_mem>>
          %dma_wait3A_1038 = arith.constant 0 : i32
          %dma_wait3A_1039 = tpu.memref_slice %arg4[%dma_wait3A_1038] : memref<524288xf32, #tpu.memory_space<hbm>> -> memref<32xf32, #tpu.memory_space<hbm>>
          %dma_wait3A_1040 = arith.constant 0 : i32
          %dma_wait3A_1041 = tpu.memref_slice %arg12[%dma_wait3A_1040] : memref<256xf32, #tpu.memory_space<vmem>> -> memref<32xf32, #tpu.memory_space<vmem>>
          tpu.wait_dma2 semaphore(%dma_wait3A_1037 : memref<!tpu.dma_semaphore, #tpu.memory_space<semaphore_mem>>) src(%dma_wait3A_1041 : memref<32xf32, #tpu.memory_space<vmem>>) dst(%dma_wait3A_1039 : memref<32xf32, #tpu.memory_space<hbm>>)
        } else {
        }
        %gather3A = arith.constant 0 : i32
        %gather3A_1004 = arith.constant 0 : i32
        %gather3A_1005 = tpu.memref_slice %arg11[%add3A_990, %gather3A, %gather3A_1004] : memref<16x32x128xf32, #tpu.memory_space<vmem>> -> memref<1x32x128xf32, #tpu.memory_space<vmem>>
        %gather3A_1006 = tpu.memref_squeeze %gather3A_1005 : memref<1x32x128xf32, #tpu.memory_space<vmem>> -> memref<32x128xf32, #tpu.memory_space<vmem>>
        %gather3A_1007 = tpu.vector_load_idx %gather3A_1006[%iota3A, %broadcast_in_dim3A_995] : memref<32x128xf32, #tpu.memory_space<vmem>>[vector<16xi32>, vector<16xi32>], vector<16xf32>,
        %gather3A_1008 = arith.constant 0 : i32
        %gather3A_1009 = arith.constant 0 : i32
        %gather3A_1010 = tpu.memref_slice %arg11[%add3A_990, %gather3A_1008, %gather3A_1009] : memref<16x32x128xf32, #tpu.memory_space<vmem>> -> memref<1x32x128xf32, #tpu.memory_space<vmem>>
        %gather3A_1011 = tpu.memref_squeeze %gather3A_1010 : memref<1x32x128xf32, #tpu.memory_space<vmem>> -> memref<32x128xf32, #tpu.memory_space<vmem>>
        %gather3A_1012 = tpu.vector_load_idx %gather3A_1011[%add3A_5, %broadcast_in_dim3A_995] : memref<32x128xf32, #tpu.memory_space<vmem>>[vector<16xi32>, vector<16xi32>], vector<16xf32>,
        %mul3A_1013 = arith.constant 32 : i32
        %mul3A_1014 = arith.muli %and3A_999, %mul3A_1013 : i32
        %multiple_of3A_1015 = tpu.assume_multiple %mul3A_1014, 16 : i32
        %swap3A_1016 = arith.index_cast %multiple_of3A_1015 : i32 to index
        %swap3A_1017 = tpu.vector_load %arg12[%swap3A_1016] {strides = array<i32>} : memref<256xf32, #tpu.memory_space<vmem>>, vector<16xf32>,
        tpu.vector_store %arg12[%swap3A_1016], %gather3A_1007 {strides = array<i32>} : memref<256xf32, #tpu.memory_space<vmem>>, vector<16xf32>,
        %add3A_1018 = arith.constant 16 : i32
        %add3A_1019 = arith.addi %multiple_of3A_1015, %add3A_1018 : i32
        %swap3A_1020 = arith.index_cast %add3A_1019 : i32 to index
        %swap3A_1021 = tpu.vector_load %arg12[%swap3A_1020] {strides = array<i32>} : memref<256xf32, #tpu.memory_space<vmem>>, vector<16xf32>,
        tpu.vector_store %arg12[%swap3A_1020], %gather3A_1012 {strides = array<i32>} : memref<256xf32, #tpu.memory_space<vmem>>, vector<16xf32>,
        %mul3A_1022 = arith.constant 32 : i32
        %mul3A_1023 = arith.muli %and3A_997, %mul3A_1022 : i32
        %dma_start3A_1024 = tpu.memref_slice %arg12[%multiple_of3A_1015] : memref<256xf32, #tpu.memory_space<vmem>> -> memref<32xf32, #tpu.memory_space<vmem>>
        %dma_start3A_1025 = tpu.memref_slice %arg4[%mul3A_1023] : memref<524288xf32, #tpu.memory_space<hbm>> -> memref<32xf32, #tpu.memory_space<hbm>>
        %dma_start3A_1026 = tpu.memref_slice %arg14[%and3A_999] : memref<8x!tpu.dma_semaphore, #tpu.memory_space<semaphore_mem>> -> memref<1x!tpu.dma_semaphore, #tpu.memory_space<semaphore_mem>>
        %dma_start3A_1027 = tpu.memref_squeeze %dma_start3A_1026 : memref<1x!tpu.dma_semaphore, #tpu.memory_space<semaphore_mem>> -> memref<!tpu.dma_semaphore, #tpu.memory_space<semaphore_mem>>
        %dma_start3A_1028 = tpu.memref_slice %arg4[%mul3A_1023] : memref<524288xf32, #tpu.memory_space<hbm>> -> memref<32xf32, #tpu.memory_space<hbm>>
        %dma_start3A_1029 = tpu.memref_slice %arg12[%multiple_of3A_1015] : memref<256xf32, #tpu.memory_space<vmem>> -> memref<32xf32, #tpu.memory_space<vmem>>
        tpu.enqueue_dma source(%dma_start3A_1029 : memref<32xf32, #tpu.memory_space<vmem>>) target(%dma_start3A_1028 : memref<32xf32, #tpu.memory_space<hbm>>) target_semaphore(%dma_start3A_1027 : memref<!tpu.dma_semaphore, #tpu.memory_space<semaphore_mem>>)
        %add3A_1030 = arith.constant 1 : i32
        %add3A_1031 = arith.addi %while3A_963, %add3A_1030 : i32
        scf.yield %add3A_1031 : i32
      }
      %while3A_955 = arith.constant 1 : i32
      %while3A_956 = scf.for %while3A_962 = %while3A_952 to %while3A_948 step %while3A_955 iter_args(%while3A_963 = %while3A_954) -> (i32)  : i32 {
        %shift_right_arithmetic3A_964 = arith.constant 4 : i32
        %shift_right_arithmetic3A_965 = arith.shrsi %while3A_962, %shift_right_arithmetic3A_964 : i32
        %mul3A_966 = arith.constant 16 : i32
        %mul3A_967 = arith.muli %shift_right_arithmetic3A_965, %mul3A_966 : i32
        %multiple_of3A_968 = tpu.assume_multiple %mul3A_967, 16 : i32
        %get3A_969 = arith.index_cast %multiple_of3A_968 : i32 to index
        %get3A_970 = tpu.vector_load %arg7[%get3A_969] {strides = array<i32>} : memref<16400xi32, #tpu.memory_space<vmem>>, vector<16xi32>,
        %and3A_971 = arith.constant 15 : i32
        %and3A_972 = arith.andi %while3A_962, %and3A_971 : i32
        %eq3A_973 = vector.broadcast %and3A_972 : i32 to vector<16xi32>
        %eq3A_974 = arith.cmpi eq, %iota3A, %eq3A_973 : vector<16xi32>
        %jit3A_975 = arith.constant 0 : i32
        %broadcast_in_dim3A_976 = vector.broadcast %jit3A_975 : i32 to vector<16xi32>
        %select_n3A_977 = arith.select %eq3A_974, %get3A_970, %broadcast_in_dim3A_976 : vector<16xi1>, vector<16xi32>
        %reduce_sum3A_978 = arith.constant true
        %reduce_sum3A_979 = vector.broadcast %reduce_sum3A_978 : i1 to vector<16xi1>
        %reduce_sum3A_980 = tpu.scan <sum>, %select_n3A_977 masked %reduce_sum3A_979 : vector<16xi32>, vector<16xi1> -> vector<16xi32>
        %reduce_sum3A_981 = vector.extract %reduce_sum3A_980[15] : i32 from vector<16xi32>
        %and3A_982 = arith.constant 1 : i32
        %and3A_983 = arith.andi %while3A_752, %and3A_982 : i32
        %mul3A_984 = arith.constant 8 : i32
        %mul3A_985 = arith.muli %and3A_983, %mul3A_984 : i32
        %shift_right_arithmetic3A_986 = arith.constant 21 : i32
        %shift_right_arithmetic3A_987 = arith.shrsi %reduce_sum3A_981, %shift_right_arithmetic3A_986 : i32
        %and3A_988 = arith.constant 7 : i32
        %and3A_989 = arith.andi %shift_right_arithmetic3A_987, %and3A_988 : i32
        %add3A_990 = arith.addi %mul3A_985, %and3A_989 : i32
        %shift_right_arithmetic3A_991 = arith.constant 14 : i32
        %shift_right_arithmetic3A_992 = arith.shrsi %reduce_sum3A_981, %shift_right_arithmetic3A_991 : i32
        %and3A_993 = arith.constant 127 : i32
        %and3A_994 = arith.andi %shift_right_arithmetic3A_992, %and3A_993 : i32
        %broadcast_in_dim3A_995 = vector.broadcast %and3A_994 : i32 to vector<16xi32>
        %and3A_996 = arith.constant 16383 : i32
        %and3A_997 = arith.andi %reduce_sum3A_981, %and3A_996 : i32
        %and3A_998 = arith.constant 7 : i32
        %and3A_999 = arith.andi %while3A_963, %and3A_998 : i32
        %ge3A = arith.constant 8 : i32
        %ge3A_1000 = arith.cmpi sge, %while3A_963, %ge3A : i32
        %convert_element_type3A_1001 = arith.extui %ge3A_1000 : i1 to i32
        %cond3A_1002 = arith.constant 0 : i32
        %cond3A_1003 = arith.cmpi ne, %convert_element_type3A_1001, %cond3A_1002 : i32
        scf.if %cond3A_1003 {
          %dma_wait3A_1032 = arith.constant 0 : i32
          %dma_wait3A_1033 = tpu.memref_slice %arg12[%dma_wait3A_1032] : memref<256xf32, #tpu.memory_space<vmem>> -> memref<32xf32, #tpu.memory_space<vmem>>
          %dma_wait3A_1034 = arith.constant 0 : i32
          %dma_wait3A_1035 = tpu.memref_slice %arg4[%dma_wait3A_1034] : memref<524288xf32, #tpu.memory_space<hbm>> -> memref<32xf32, #tpu.memory_space<hbm>>
          %dma_wait3A_1036 = tpu.memref_slice %arg14[%and3A_999] : memref<8x!tpu.dma_semaphore, #tpu.memory_space<semaphore_mem>> -> memref<1x!tpu.dma_semaphore, #tpu.memory_space<semaphore_mem>>
          %dma_wait3A_1037 = tpu.memref_squeeze %dma_wait3A_1036 : memref<1x!tpu.dma_semaphore, #tpu.memory_space<semaphore_mem>> -> memref<!tpu.dma_semaphore, #tpu.memory_space<semaphore_mem>>
          %dma_wait3A_1038 = arith.constant 0 : i32
          %dma_wait3A_1039 = tpu.memref_slice %arg4[%dma_wait3A_1038] : memref<524288xf32, #tpu.memory_space<hbm>> -> memref<32xf32, #tpu.memory_space<hbm>>
          %dma_wait3A_1040 = arith.constant 0 : i32
          %dma_wait3A_1041 = tpu.memref_slice %arg12[%dma_wait3A_1040] : memref<256xf32, #tpu.memory_space<vmem>> -> memref<32xf32, #tpu.memory_space<vmem>>
          tpu.wait_dma2 semaphore(%dma_wait3A_1037 : memref<!tpu.dma_semaphore, #tpu.memory_space<semaphore_mem>>) src(%dma_wait3A_1041 : memref<32xf32, #tpu.memory_space<vmem>>) dst(%dma_wait3A_1039 : memref<32xf32, #tpu.memory_space<hbm>>)
        } else {
        }
        %gather3A = arith.constant 0 : i32
        %gather3A_1004 = arith.constant 0 : i32
        %gather3A_1005 = tpu.memref_slice %arg11[%add3A_990, %gather3A, %gather3A_1004] : memref<16x32x128xf32, #tpu.memory_space<vmem>> -> memref<1x32x128xf32, #tpu.memory_space<vmem>>
        %gather3A_1006 = tpu.memref_squeeze %gather3A_1005 : memref<1x32x128xf32, #tpu.memory_space<vmem>> -> memref<32x128xf32, #tpu.memory_space<vmem>>
        %gather3A_1007 = tpu.vector_load_idx %gather3A_1006[%iota3A, %broadcast_in_dim3A_995] : memref<32x128xf32, #tpu.memory_space<vmem>>[vector<16xi32>, vector<16xi32>], vector<16xf32>,
        %gather3A_1008 = arith.constant 0 : i32
        %gather3A_1009 = arith.constant 0 : i32
        %gather3A_1010 = tpu.memref_slice %arg11[%add3A_990, %gather3A_1008, %gather3A_1009] : memref<16x32x128xf32, #tpu.memory_space<vmem>> -> memref<1x32x128xf32, #tpu.memory_space<vmem>>
        %gather3A_1011 = tpu.memref_squeeze %gather3A_1010 : memref<1x32x128xf32, #tpu.memory_space<vmem>> -> memref<32x128xf32, #tpu.memory_space<vmem>>
        %gather3A_1012 = tpu.vector_load_idx %gather3A_1011[%add3A_5, %broadcast_in_dim3A_995] : memref<32x128xf32, #tpu.memory_space<vmem>>[vector<16xi32>, vector<16xi32>], vector<16xf32>,
        %mul3A_1013 = arith.constant 32 : i32
        %mul3A_1014 = arith.muli %and3A_999, %mul3A_1013 : i32
        %multiple_of3A_1015 = tpu.assume_multiple %mul3A_1014, 16 : i32
        %swap3A_1016 = arith.index_cast %multiple_of3A_1015 : i32 to index
        %swap3A_1017 = tpu.vector_load %arg12[%swap3A_1016] {strides = array<i32>} : memref<256xf32, #tpu.memory_space<vmem>>, vector<16xf32>,
        tpu.vector_store %arg12[%swap3A_1016], %gather3A_1007 {strides = array<i32>} : memref<256xf32, #tpu.memory_space<vmem>>, vector<16xf32>,
        %add3A_1018 = arith.constant 16 : i32
        %add3A_1019 = arith.addi %multiple_of3A_1015, %add3A_1018 : i32
        %swap3A_1020 = arith.index_cast %add3A_1019 : i32 to index
        %swap3A_1021 = tpu.vector_load %arg12[%swap3A_1020] {strides = array<i32>} : memref<256xf32, #tpu.memory_space<vmem>>, vector<16xf32>,
        tpu.vector_store %arg12[%swap3A_1020], %gather3A_1012 {strides = array<i32>} : memref<256xf32, #tpu.memory_space<vmem>>, vector<16xf32>,
        %mul3A_1022 = arith.constant 32 : i32
        %mul3A_1023 = arith.muli %and3A_997, %mul3A_1022 : i32
        %dma_start3A_1024 = tpu.memref_slice %arg12[%multiple_of3A_1015] : memref<256xf32, #tpu.memory_space<vmem>> -> memref<32xf32, #tpu.memory_space<vmem>>
        %dma_start3A_1025 = tpu.memref_slice %arg4[%mul3A_1023] : memref<524288xf32, #tpu.memory_space<hbm>> -> memref<32xf32, #tpu.memory_space<hbm>>
        %dma_start3A_1026 = tpu.memref_slice %arg14[%and3A_999] : memref<8x!tpu.dma_semaphore, #tpu.memory_space<semaphore_mem>> -> memref<1x!tpu.dma_semaphore, #tpu.memory_space<semaphore_mem>>
        %dma_start3A_1027 = tpu.memref_squeeze %dma_start3A_1026 : memref<1x!tpu.dma_semaphore, #tpu.memory_space<semaphore_mem>> -> memref<!tpu.dma_semaphore, #tpu.memory_space<semaphore_mem>>
        %dma_start3A_1028 = tpu.memref_slice %arg4[%mul3A_1023] : memref<524288xf32, #tpu.memory_space<hbm>> -> memref<32xf32, #tpu.memory_space<hbm>>
        %dma_start3A_1029 = tpu.memref_slice %arg12[%multiple_of3A_1015] : memref<256xf32, #tpu.memory_space<vmem>> -> memref<32xf32, #tpu.memory_space<vmem>>
        tpu.enqueue_dma source(%dma_start3A_1029 : memref<32xf32, #tpu.memory_space<vmem>>) target(%dma_start3A_1028 : memref<32xf32, #tpu.memory_space<hbm>>) target_semaphore(%dma_start3A_1027 : memref<!tpu.dma_semaphore, #tpu.memory_space<semaphore_mem>>)
        %add3A_1030 = arith.constant 1 : i32
        %add3A_1031 = arith.addi %while3A_963, %add3A_1030 : i32
        scf.yield %add3A_1031 : i32
      }
      %add3A_957 = arith.constant 2 : i32
      %add3A_958 = arith.addi %while3A_752, %add3A_957 : i32
      %lt3A = arith.cmpi slt, %add3A_958, %max3A_70 : i32
      %convert_element_type3A_959 = arith.extui %lt3A : i1 to i32
      %cond3A_960 = arith.constant 0 : i32
      %cond3A_961 = arith.cmpi ne, %convert_element_type3A_959, %cond3A_960 : i32
      scf.if %cond3A_961 {
        %add3A_962 = arith.constant 2 : i32
        %add3A_963 = arith.addi %while3A_752, %add3A_962 : i32
        %mul3A_964 = arith.constant 8 : i32
        %mul3A_965 = arith.muli %add3A_963, %mul3A_964 : i32
        %add3A_966 = arith.constant 0 : i32
        %add3A_967 = arith.addi %mul3A_965, %add3A_966 : i32
        %shift_right_arithmetic3A_968 = arith.constant 4 : i32
        %shift_right_arithmetic3A_969 = arith.shrsi %add3A_967, %shift_right_arithmetic3A_968 : i32
        %mul3A_970 = arith.constant 16 : i32
        %mul3A_971 = arith.muli %shift_right_arithmetic3A_969, %mul3A_970 : i32
        %multiple_of3A_972 = tpu.assume_multiple %mul3A_971, 16 : i32
        %get3A_973 = arith.index_cast %multiple_of3A_972 : i32 to index
        %get3A_974 = tpu.vector_load %arg10[%get3A_973] {strides = array<i32>} : memref<272xi32, #tpu.memory_space<vmem>>, vector<16xi32>,
        %and3A_975 = arith.constant 15 : i32
        %and3A_976 = arith.andi %add3A_967, %and3A_975 : i32
        %eq3A_977 = vector.broadcast %and3A_976 : i32 to vector<16xi32>
        %eq3A_978 = arith.cmpi eq, %iota3A, %eq3A_977 : vector<16xi32>
        %jit3A_979 = arith.constant 0 : i32
        %broadcast_in_dim3A_980 = vector.broadcast %jit3A_979 : i32 to vector<16xi32>
        %select_n3A_981 = arith.select %eq3A_978, %get3A_974, %broadcast_in_dim3A_980 : vector<16xi1>, vector<16xi32>
        %reduce_sum3A_982 = arith.constant true
        %reduce_sum3A_983 = vector.broadcast %reduce_sum3A_982 : i1 to vector<16xi1>
        %reduce_sum3A_984 = tpu.scan <sum>, %select_n3A_981 masked %reduce_sum3A_983 : vector<16xi32>, vector<16xi1> -> vector<16xi32>
        %reduce_sum3A_985 = vector.extract %reduce_sum3A_984[15] : i32 from vector<16xi32>
        %jit3A_986 = arith.constant 0 : i32
        %jit3A_987 = arith.constant 255 : i32
        %max3A_988 = arith.maxsi %jit3A_986, %reduce_sum3A_985 : i32
        %min3A_989 = arith.minsi %jit3A_987, %max3A_988 : i32
        %add3A_990 = arith.addi %mul3A_2, %min3A_989 : i32
        %min3A_991 = arith.constant 7812 : i32
        %min3A_992 = arith.minsi %add3A_990, %min3A_991 : i32
        %mul3A_993 = arith.constant 128 : i32
        %mul3A_994 = arith.muli %min3A_992, %mul3A_993 : i32
        %multiple_of3A_995 = tpu.assume_multiple %mul3A_994, 128 : i32
        %and3A_996 = arith.constant 1 : i32
        %and3A_997 = arith.andi %add3A_963, %and3A_996 : i32
        %mul3A_998 = arith.constant 8 : i32
        %mul3A_999 = arith.muli %and3A_997, %mul3A_998 : i32
        %add3A_1000 = arith.constant 0 : i32
        %add3A_1001 = arith.addi %mul3A_999, %add3A_1000 : i32
        %dma_start3A_1002 = arith.constant 0 : i32
        %dma_start3A_1003 = arith.constant 0 : i32
        %dma_start3A_1004 = tpu.memref_slice %arg11[%add3A_1001, %dma_start3A_1002, %dma_start3A_1003] : memref<16x32x128xf32, #tpu.memory_space<vmem>> -> memref<1x32x128xf32, #tpu.memory_space<vmem>>
        %dma_start3A_1005 = tpu.memref_squeeze %dma_start3A_1004 : memref<1x32x128xf32, #tpu.memory_space<vmem>> -> memref<32x128xf32, #tpu.memory_space<vmem>>
        %dma_start3A_1006 = arith.constant 0 : i32
        %dma_start3A_1007 = tpu.memref_slice %arg3[%dma_start3A_1006, %multiple_of3A_995] : memref<32x1000000xf32, #tpu.memory_space<hbm>> -> memref<32x128xf32, #tpu.memory_space<hbm>>
        %dma_start3A_1008 = tpu.memref_slice %arg13[%add3A_1001] : memref<16x!tpu.dma_semaphore, #tpu.memory_space<semaphore_mem>> -> memref<1x!tpu.dma_semaphore, #tpu.memory_space<semaphore_mem>>
        %dma_start3A_1009 = tpu.memref_squeeze %dma_start3A_1008 : memref<1x!tpu.dma_semaphore, #tpu.memory_space<semaphore_mem>> -> memref<!tpu.dma_semaphore, #tpu.memory_space<semaphore_mem>>
        %dma_start3A_1010 = arith.constant 0 : i32
        %dma_start3A_1011 = arith.constant 0 : i32
        %dma_start3A_1012 = tpu.memref_slice %arg11[%add3A_1001, %dma_start3A_1010, %dma_start3A_1011] : memref<16x32x128xf32, #tpu.memory_space<vmem>> -> memref<1x32x128xf32, #tpu.memory_space<vmem>>
        %dma_start3A_1013 = tpu.memref_squeeze %dma_start3A_1012 : memref<1x32x128xf32, #tpu.memory_space<vmem>> -> memref<32x128xf32, #tpu.memory_space<vmem>>
        %dma_start3A_1014 = arith.constant 0 : i32
        %dma_start3A_1015 = tpu.memref_slice %arg3[%dma_start3A_1014, %multiple_of3A_995] : memref<32x1000000xf32, #tpu.memory_space<hbm>> -> memref<32x128xf32, #tpu.memory_space<hbm>>
        tpu.enqueue_dma source(%dma_start3A_1015 : memref<32x128xf32, #tpu.memory_space<hbm>>) target(%dma_start3A_1013 : memref<32x128xf32, #tpu.memory_space<vmem>>) target_semaphore(%dma_start3A_1009 : memref<!tpu.dma_semaphore, #tpu.memory_space<semaphore_mem>>)
        %add3A_1016 = arith.constant 2 : i32
        %add3A_1017 = arith.addi %while3A_752, %add3A_1016 : i32
        %mul3A_1018 = arith.constant 8 : i32
        %mul3A_1019 = arith.muli %add3A_1017, %mul3A_1018 : i32
        %add3A_1020 = arith.constant 1 : i32
        %add3A_1021 = arith.addi %mul3A_1019, %add3A_1020 : i32
        %shift_right_arithmetic3A_1022 = arith.constant 4 : i32
        %shift_right_arithmetic3A_1023 = arith.shrsi %add3A_1021, %shift_right_arithmetic3A_1022 : i32
        %mul3A_1024 = arith.constant 16 : i32
        %mul3A_1025 = arith.muli %shift_right_arithmetic3A_1023, %mul3A_1024 : i32
        %multiple_of3A_1026 = tpu.assume_multiple %mul3A_1025, 16 : i32
        %get3A_1027 = arith.index_cast %multiple_of3A_1026 : i32 to index
        %get3A_1028 = tpu.vector_load %arg10[%get3A_1027] {strides = array<i32>} : memref<272xi32, #tpu.memory_space<vmem>>, vector<16xi32>,
        %and3A_1029 = arith.constant 15 : i32
        %and3A_1030 = arith.andi %add3A_1021, %and3A_1029 : i32
        %eq3A_1031 = vector.broadcast %and3A_1030 : i32 to vector<16xi32>
        %eq3A_1032 = arith.cmpi eq, %iota3A, %eq3A_1031 : vector<16xi32>
        %jit3A_1033 = arith.constant 0 : i32
        %broadcast_in_dim3A_1034 = vector.broadcast %jit3A_1033 : i32 to vector<16xi32>
        %select_n3A_1035 = arith.select %eq3A_1032, %get3A_1028, %broadcast_in_dim3A_1034 : vector<16xi1>, vector<16xi32>
        %reduce_sum3A_1036 = arith.constant true
        %reduce_sum3A_1037 = vector.broadcast %reduce_sum3A_1036 : i1 to vector<16xi1>
        %reduce_sum3A_1038 = tpu.scan <sum>, %select_n3A_1035 masked %reduce_sum3A_1037 : vector<16xi32>, vector<16xi1> -> vector<16xi32>
        %reduce_sum3A_1039 = vector.extract %reduce_sum3A_1038[15] : i32 from vector<16xi32>
        %jit3A_1040 = arith.constant 0 : i32
        %jit3A_1041 = arith.constant 255 : i32
        %max3A_1042 = arith.maxsi %jit3A_1040, %reduce_sum3A_1039 : i32
        %min3A_1043 = arith.minsi %jit3A_1041, %max3A_1042 : i32
        %add3A_1044 = arith.addi %mul3A_2, %min3A_1043 : i32
        %min3A_1045 = arith.constant 7812 : i32
        %min3A_1046 = arith.minsi %add3A_1044, %min3A_1045 : i32
        %mul3A_1047 = arith.constant 128 : i32
        %mul3A_1048 = arith.muli %min3A_1046, %mul3A_1047 : i32
        %multiple_of3A_1049 = tpu.assume_multiple %mul3A_1048, 128 : i32
        %and3A_1050 = arith.constant 1 : i32
        %and3A_1051 = arith.andi %add3A_1017, %and3A_1050 : i32
        %mul3A_1052 = arith.constant 8 : i32
        %mul3A_1053 = arith.muli %and3A_1051, %mul3A_1052 : i32
        %add3A_1054 = arith.constant 1 : i32
        %add3A_1055 = arith.addi %mul3A_1053, %add3A_1054 : i32
        %dma_start3A_1056 = arith.constant 0 : i32
        %dma_start3A_1057 = arith.constant 0 : i32
        %dma_start3A_1058 = tpu.memref_slice %arg11[%add3A_1055, %dma_start3A_1056, %dma_start3A_1057] : memref<16x32x128xf32, #tpu.memory_space<vmem>> -> memref<1x32x128xf32, #tpu.memory_space<vmem>>
        %dma_start3A_1059 = tpu.memref_squeeze %dma_start3A_1058 : memref<1x32x128xf32, #tpu.memory_space<vmem>> -> memref<32x128xf32, #tpu.memory_space<vmem>>
        %dma_start3A_1060 = arith.constant 0 : i32
        %dma_start3A_1061 = tpu.memref_slice %arg3[%dma_start3A_1060, %multiple_of3A_1049] : memref<32x1000000xf32, #tpu.memory_space<hbm>> -> memref<32x128xf32, #tpu.memory_space<hbm>>
        %dma_start3A_1062 = tpu.memref_slice %arg13[%add3A_1055] : memref<16x!tpu.dma_semaphore, #tpu.memory_space<semaphore_mem>> -> memref<1x!tpu.dma_semaphore, #tpu.memory_space<semaphore_mem>>
        %dma_start3A_1063 = tpu.memref_squeeze %dma_start3A_1062 : memref<1x!tpu.dma_semaphore, #tpu.memory_space<semaphore_mem>> -> memref<!tpu.dma_semaphore, #tpu.memory_space<semaphore_mem>>
        %dma_start3A_1064 = arith.constant 0 : i32
        %dma_start3A_1065 = arith.constant 0 : i32
        %dma_start3A_1066 = tpu.memref_slice %arg11[%add3A_1055, %dma_start3A_1064, %dma_start3A_1065] : memref<16x32x128xf32, #tpu.memory_space<vmem>> -> memref<1x32x128xf32, #tpu.memory_space<vmem>>
        %dma_start3A_1067 = tpu.memref_squeeze %dma_start3A_1066 : memref<1x32x128xf32, #tpu.memory_space<vmem>> -> memref<32x128xf32, #tpu.memory_space<vmem>>
        %dma_start3A_1068 = arith.constant 0 : i32
        %dma_start3A_1069 = tpu.memref_slice %arg3[%dma_start3A_1068, %multiple_of3A_1049] : memref<32x1000000xf32, #tpu.memory_space<hbm>> -> memref<32x128xf32, #tpu.memory_space<hbm>>
        tpu.enqueue_dma source(%dma_start3A_1069 : memref<32x128xf32, #tpu.memory_space<hbm>>) target(%dma_start3A_1067 : memref<32x128xf32, #tpu.memory_space<vmem>>) target_semaphore(%dma_start3A_1063 : memref<!tpu.dma_semaphore, #tpu.memory_space<semaphore_mem>>)
        %add3A_1070 = arith.constant 2 : i32
        %add3A_1071 = arith.addi %while3A_752, %add3A_1070 : i32
        %mul3A_1072 = arith.constant 8 : i32
        %mul3A_1073 = arith.muli %add3A_1071, %mul3A_1072 : i32
        %add3A_1074 = arith.constant 2 : i32
        %add3A_1075 = arith.addi %mul3A_1073, %add3A_1074 : i32
        %shift_right_arithmetic3A_1076 = arith.constant 4 : i32
        %shift_right_arithmetic3A_1077 = arith.shrsi %add3A_1075, %shift_right_arithmetic3A_1076 : i32
        %mul3A_1078 = arith.constant 16 : i32
        %mul3A_1079 = arith.muli %shift_right_arithmetic3A_1077, %mul3A_1078 : i32
        %multiple_of3A_1080 = tpu.assume_multiple %mul3A_1079, 16 : i32
        %get3A_1081 = arith.index_cast %multiple_of3A_1080 : i32 to index
        %get3A_1082 = tpu.vector_load %arg10[%get3A_1081] {strides = array<i32>} : memref<272xi32, #tpu.memory_space<vmem>>, vector<16xi32>,
        %and3A_1083 = arith.constant 15 : i32
        %and3A_1084 = arith.andi %add3A_1075, %and3A_1083 : i32
        %eq3A_1085 = vector.broadcast %and3A_1084 : i32 to vector<16xi32>
        %eq3A_1086 = arith.cmpi eq, %iota3A, %eq3A_1085 : vector<16xi32>
        %jit3A_1087 = arith.constant 0 : i32
        %broadcast_in_dim3A_1088 = vector.broadcast %jit3A_1087 : i32 to vector<16xi32>
        %select_n3A_1089 = arith.select %eq3A_1086, %get3A_1082, %broadcast_in_dim3A_1088 : vector<16xi1>, vector<16xi32>
        %reduce_sum3A_1090 = arith.constant true
        %reduce_sum3A_1091 = vector.broadcast %reduce_sum3A_1090 : i1 to vector<16xi1>
        %reduce_sum3A_1092 = tpu.scan <sum>, %select_n3A_1089 masked %reduce_sum3A_1091 : vector<16xi32>, vector<16xi1> -> vector<16xi32>
        %reduce_sum3A_1093 = vector.extract %reduce_sum3A_1092[15] : i32 from vector<16xi32>
        %jit3A_1094 = arith.constant 0 : i32
        %jit3A_1095 = arith.constant 255 : i32
        %max3A_1096 = arith.maxsi %jit3A_1094, %reduce_sum3A_1093 : i32
        %min3A_1097 = arith.minsi %jit3A_1095, %max3A_1096 : i32
        %add3A_1098 = arith.addi %mul3A_2, %min3A_1097 : i32
        %min3A_1099 = arith.constant 7812 : i32
        %min3A_1100 = arith.minsi %add3A_1098, %min3A_1099 : i32
        %mul3A_1101 = arith.constant 128 : i32
        %mul3A_1102 = arith.muli %min3A_1100, %mul3A_1101 : i32
        %multiple_of3A_1103 = tpu.assume_multiple %mul3A_1102, 128 : i32
        %and3A_1104 = arith.constant 1 : i32
        %and3A_1105 = arith.andi %add3A_1071, %and3A_1104 : i32
        %mul3A_1106 = arith.constant 8 : i32
        %mul3A_1107 = arith.muli %and3A_1105, %mul3A_1106 : i32
        %add3A_1108 = arith.constant 2 : i32
        %add3A_1109 = arith.addi %mul3A_1107, %add3A_1108 : i32
        %dma_start3A_1110 = arith.constant 0 : i32
        %dma_start3A_1111 = arith.constant 0 : i32
        %dma_start3A_1112 = tpu.memref_slice %arg11[%add3A_1109, %dma_start3A_1110, %dma_start3A_1111] : memref<16x32x128xf32, #tpu.memory_space<vmem>> -> memref<1x32x128xf32, #tpu.memory_space<vmem>>
        %dma_start3A_1113 = tpu.memref_squeeze %dma_start3A_1112 : memref<1x32x128xf32, #tpu.memory_space<vmem>> -> memref<32x128xf32, #tpu.memory_space<vmem>>
        %dma_start3A_1114 = arith.constant 0 : i32
        %dma_start3A_1115 = tpu.memref_slice %arg3[%dma_start3A_1114, %multiple_of3A_1103] : memref<32x1000000xf32, #tpu.memory_space<hbm>> -> memref<32x128xf32, #tpu.memory_space<hbm>>
        %dma_start3A_1116 = tpu.memref_slice %arg13[%add3A_1109] : memref<16x!tpu.dma_semaphore, #tpu.memory_space<semaphore_mem>> -> memref<1x!tpu.dma_semaphore, #tpu.memory_space<semaphore_mem>>
        %dma_start3A_1117 = tpu.memref_squeeze %dma_start3A_1116 : memref<1x!tpu.dma_semaphore, #tpu.memory_space<semaphore_mem>> -> memref<!tpu.dma_semaphore, #tpu.memory_space<semaphore_mem>>
        %dma_start3A_1118 = arith.constant 0 : i32
        %dma_start3A_1119 = arith.constant 0 : i32
        %dma_start3A_1120 = tpu.memref_slice %arg11[%add3A_1109, %dma_start3A_1118, %dma_start3A_1119] : memref<16x32x128xf32, #tpu.memory_space<vmem>> -> memref<1x32x128xf32, #tpu.memory_space<vmem>>
        %dma_start3A_1121 = tpu.memref_squeeze %dma_start3A_1120 : memref<1x32x128xf32, #tpu.memory_space<vmem>> -> memref<32x128xf32, #tpu.memory_space<vmem>>
        %dma_start3A_1122 = arith.constant 0 : i32
        %dma_start3A_1123 = tpu.memref_slice %arg3[%dma_start3A_1122, %multiple_of3A_1103] : memref<32x1000000xf32, #tpu.memory_space<hbm>> -> memref<32x128xf32, #tpu.memory_space<hbm>>
        tpu.enqueue_dma source(%dma_start3A_1123 : memref<32x128xf32, #tpu.memory_space<hbm>>) target(%dma_start3A_1121 : memref<32x128xf32, #tpu.memory_space<vmem>>) target_semaphore(%dma_start3A_1117 : memref<!tpu.dma_semaphore, #tpu.memory_space<semaphore_mem>>)
        %add3A_1124 = arith.constant 2 : i32
        %add3A_1125 = arith.addi %while3A_752, %add3A_1124 : i32
        %mul3A_1126 = arith.constant 8 : i32
        %mul3A_1127 = arith.muli %add3A_1125, %mul3A_1126 : i32
        %add3A_1128 = arith.constant 3 : i32
        %add3A_1129 = arith.addi %mul3A_1127, %add3A_1128 : i32
        %shift_right_arithmetic3A_1130 = arith.constant 4 : i32
        %shift_right_arithmetic3A_1131 = arith.shrsi %add3A_1129, %shift_right_arithmetic3A_1130 : i32
        %mul3A_1132 = arith.constant 16 : i32
        %mul3A_1133 = arith.muli %shift_right_arithmetic3A_1131, %mul3A_1132 : i32
        %multiple_of3A_1134 = tpu.assume_multiple %mul3A_1133, 16 : i32
        %get3A_1135 = arith.index_cast %multiple_of3A_1134 : i32 to index
        %get3A_1136 = tpu.vector_load %arg10[%get3A_1135] {strides = array<i32>} : memref<272xi32, #tpu.memory_space<vmem>>, vector<16xi32>,
        %and3A_1137 = arith.constant 15 : i32
        %and3A_1138 = arith.andi %add3A_1129, %and3A_1137 : i32
        %eq3A_1139 = vector.broadcast %and3A_1138 : i32 to vector<16xi32>
        %eq3A_1140 = arith.cmpi eq, %iota3A, %eq3A_1139 : vector<16xi32>
        %jit3A_1141 = arith.constant 0 : i32
        %broadcast_in_dim3A_1142 = vector.broadcast %jit3A_1141 : i32 to vector<16xi32>
        %select_n3A_1143 = arith.select %eq3A_1140, %get3A_1136, %broadcast_in_dim3A_1142 : vector<16xi1>, vector<16xi32>
        %reduce_sum3A_1144 = arith.constant true
        %reduce_sum3A_1145 = vector.broadcast %reduce_sum3A_1144 : i1 to vector<16xi1>
        %reduce_sum3A_1146 = tpu.scan <sum>, %select_n3A_1143 masked %reduce_sum3A_1145 : vector<16xi32>, vector<16xi1> -> vector<16xi32>
        %reduce_sum3A_1147 = vector.extract %reduce_sum3A_1146[15] : i32 from vector<16xi32>
        %jit3A_1148 = arith.constant 0 : i32
        %jit3A_1149 = arith.constant 255 : i32
        %max3A_1150 = arith.maxsi %jit3A_1148, %reduce_sum3A_1147 : i32
        %min3A_1151 = arith.minsi %jit3A_1149, %max3A_1150 : i32
        %add3A_1152 = arith.addi %mul3A_2, %min3A_1151 : i32
        %min3A_1153 = arith.constant 7812 : i32
        %min3A_1154 = arith.minsi %add3A_1152, %min3A_1153 : i32
        %mul3A_1155 = arith.constant 128 : i32
        %mul3A_1156 = arith.muli %min3A_1154, %mul3A_1155 : i32
        %multiple_of3A_1157 = tpu.assume_multiple %mul3A_1156, 128 : i32
        %and3A_1158 = arith.constant 1 : i32
        %and3A_1159 = arith.andi %add3A_1125, %and3A_1158 : i32
        %mul3A_1160 = arith.constant 8 : i32
        %mul3A_1161 = arith.muli %and3A_1159, %mul3A_1160 : i32
        %add3A_1162 = arith.constant 3 : i32
        %add3A_1163 = arith.addi %mul3A_1161, %add3A_1162 : i32
        %dma_start3A_1164 = arith.constant 0 : i32
        %dma_start3A_1165 = arith.constant 0 : i32
        %dma_start3A_1166 = tpu.memref_slice %arg11[%add3A_1163, %dma_start3A_1164, %dma_start3A_1165] : memref<16x32x128xf32, #tpu.memory_space<vmem>> -> memref<1x32x128xf32, #tpu.memory_space<vmem>>
        %dma_start3A_1167 = tpu.memref_squeeze %dma_start3A_1166 : memref<1x32x128xf32, #tpu.memory_space<vmem>> -> memref<32x128xf32, #tpu.memory_space<vmem>>
        %dma_start3A_1168 = arith.constant 0 : i32
        %dma_start3A_1169 = tpu.memref_slice %arg3[%dma_start3A_1168, %multiple_of3A_1157] : memref<32x1000000xf32, #tpu.memory_space<hbm>> -> memref<32x128xf32, #tpu.memory_space<hbm>>
        %dma_start3A_1170 = tpu.memref_slice %arg13[%add3A_1163] : memref<16x!tpu.dma_semaphore, #tpu.memory_space<semaphore_mem>> -> memref<1x!tpu.dma_semaphore, #tpu.memory_space<semaphore_mem>>
        %dma_start3A_1171 = tpu.memref_squeeze %dma_start3A_1170 : memref<1x!tpu.dma_semaphore, #tpu.memory_space<semaphore_mem>> -> memref<!tpu.dma_semaphore, #tpu.memory_space<semaphore_mem>>
        %dma_start3A_1172 = arith.constant 0 : i32
        %dma_start3A_1173 = arith.constant 0 : i32
        %dma_start3A_1174 = tpu.memref_slice %arg11[%add3A_1163, %dma_start3A_1172, %dma_start3A_1173] : memref<16x32x128xf32, #tpu.memory_space<vmem>> -> memref<1x32x128xf32, #tpu.memory_space<vmem>>
        %dma_start3A_1175 = tpu.memref_squeeze %dma_start3A_1174 : memref<1x32x128xf32, #tpu.memory_space<vmem>> -> memref<32x128xf32, #tpu.memory_space<vmem>>
        %dma_start3A_1176 = arith.constant 0 : i32
        %dma_start3A_1177 = tpu.memref_slice %arg3[%dma_start3A_1176, %multiple_of3A_1157] : memref<32x1000000xf32, #tpu.memory_space<hbm>> -> memref<32x128xf32, #tpu.memory_space<hbm>>
        tpu.enqueue_dma source(%dma_start3A_1177 : memref<32x128xf32, #tpu.memory_space<hbm>>) target(%dma_start3A_1175 : memref<32x128xf32, #tpu.memory_space<vmem>>) target_semaphore(%dma_start3A_1171 : memref<!tpu.dma_semaphore, #tpu.memory_space<semaphore_mem>>)
        %add3A_1178 = arith.constant 2 : i32
        %add3A_1179 = arith.addi %while3A_752, %add3A_1178 : i32
        %mul3A_1180 = arith.constant 8 : i32
        %mul3A_1181 = arith.muli %add3A_1179, %mul3A_1180 : i32
        %add3A_1182 = arith.constant 4 : i32
        %add3A_1183 = arith.addi %mul3A_1181, %add3A_1182 : i32
        %shift_right_arithmetic3A_1184 = arith.constant 4 : i32
        %shift_right_arithmetic3A_1185 = arith.shrsi %add3A_1183, %shift_right_arithmetic3A_1184 : i32
        %mul3A_1186 = arith.constant 16 : i32
        %mul3A_1187 = arith.muli %shift_right_arithmetic3A_1185, %mul3A_1186 : i32
        %multiple_of3A_1188 = tpu.assume_multiple %mul3A_1187, 16 : i32
        %get3A_1189 = arith.index_cast %multiple_of3A_1188 : i32 to index
        %get3A_1190 = tpu.vector_load %arg10[%get3A_1189] {strides = array<i32>} : memref<272xi32, #tpu.memory_space<vmem>>, vector<16xi32>,
        %and3A_1191 = arith.constant 15 : i32
        %and3A_1192 = arith.andi %add3A_1183, %and3A_1191 : i32
        %eq3A_1193 = vector.broadcast %and3A_1192 : i32 to vector<16xi32>
        %eq3A_1194 = arith.cmpi eq, %iota3A, %eq3A_1193 : vector<16xi32>
        %jit3A_1195 = arith.constant 0 : i32
        %broadcast_in_dim3A_1196 = vector.broadcast %jit3A_1195 : i32 to vector<16xi32>
        %select_n3A_1197 = arith.select %eq3A_1194, %get3A_1190, %broadcast_in_dim3A_1196 : vector<16xi1>, vector<16xi32>
        %reduce_sum3A_1198 = arith.constant true
        %reduce_sum3A_1199 = vector.broadcast %reduce_sum3A_1198 : i1 to vector<16xi1>
        %reduce_sum3A_1200 = tpu.scan <sum>, %select_n3A_1197 masked %reduce_sum3A_1199 : vector<16xi32>, vector<16xi1> -> vector<16xi32>
        %reduce_sum3A_1201 = vector.extract %reduce_sum3A_1200[15] : i32 from vector<16xi32>
        %jit3A_1202 = arith.constant 0 : i32
        %jit3A_1203 = arith.constant 255 : i32
        %max3A_1204 = arith.maxsi %jit3A_1202, %reduce_sum3A_1201 : i32
        %min3A_1205 = arith.minsi %jit3A_1203, %max3A_1204 : i32
        %add3A_1206 = arith.addi %mul3A_2, %min3A_1205 : i32
        %min3A_1207 = arith.constant 7812 : i32
        %min3A_1208 = arith.minsi %add3A_1206, %min3A_1207 : i32
        %mul3A_1209 = arith.constant 128 : i32
        %mul3A_1210 = arith.muli %min3A_1208, %mul3A_1209 : i32
        %multiple_of3A_1211 = tpu.assume_multiple %mul3A_1210, 128 : i32
        %and3A_1212 = arith.constant 1 : i32
        %and3A_1213 = arith.andi %add3A_1179, %and3A_1212 : i32
        %mul3A_1214 = arith.constant 8 : i32
        %mul3A_1215 = arith.muli %and3A_1213, %mul3A_1214 : i32
        %add3A_1216 = arith.constant 4 : i32
        %add3A_1217 = arith.addi %mul3A_1215, %add3A_1216 : i32
        %dma_start3A_1218 = arith.constant 0 : i32
        %dma_start3A_1219 = arith.constant 0 : i32
        %dma_start3A_1220 = tpu.memref_slice %arg11[%add3A_1217, %dma_start3A_1218, %dma_start3A_1219] : memref<16x32x128xf32, #tpu.memory_space<vmem>> -> memref<1x32x128xf32, #tpu.memory_space<vmem>>
        %dma_start3A_1221 = tpu.memref_squeeze %dma_start3A_1220 : memref<1x32x128xf32, #tpu.memory_space<vmem>> -> memref<32x128xf32, #tpu.memory_space<vmem>>
        %dma_start3A_1222 = arith.constant 0 : i32
        %dma_start3A_1223 = tpu.memref_slice %arg3[%dma_start3A_1222, %multiple_of3A_1211] : memref<32x1000000xf32, #tpu.memory_space<hbm>> -> memref<32x128xf32, #tpu.memory_space<hbm>>
        %dma_start3A_1224 = tpu.memref_slice %arg13[%add3A_1217] : memref<16x!tpu.dma_semaphore, #tpu.memory_space<semaphore_mem>> -> memref<1x!tpu.dma_semaphore, #tpu.memory_space<semaphore_mem>>
        %dma_start3A_1225 = tpu.memref_squeeze %dma_start3A_1224 : memref<1x!tpu.dma_semaphore, #tpu.memory_space<semaphore_mem>> -> memref<!tpu.dma_semaphore, #tpu.memory_space<semaphore_mem>>
        %dma_start3A_1226 = arith.constant 0 : i32
        %dma_start3A_1227 = arith.constant 0 : i32
        %dma_start3A_1228 = tpu.memref_slice %arg11[%add3A_1217, %dma_start3A_1226, %dma_start3A_1227] : memref<16x32x128xf32, #tpu.memory_space<vmem>> -> memref<1x32x128xf32, #tpu.memory_space<vmem>>
        %dma_start3A_1229 = tpu.memref_squeeze %dma_start3A_1228 : memref<1x32x128xf32, #tpu.memory_space<vmem>> -> memref<32x128xf32, #tpu.memory_space<vmem>>
        %dma_start3A_1230 = arith.constant 0 : i32
        %dma_start3A_1231 = tpu.memref_slice %arg3[%dma_start3A_1230, %multiple_of3A_1211] : memref<32x1000000xf32, #tpu.memory_space<hbm>> -> memref<32x128xf32, #tpu.memory_space<hbm>>
        tpu.enqueue_dma source(%dma_start3A_1231 : memref<32x128xf32, #tpu.memory_space<hbm>>) target(%dma_start3A_1229 : memref<32x128xf32, #tpu.memory_space<vmem>>) target_semaphore(%dma_start3A_1225 : memref<!tpu.dma_semaphore, #tpu.memory_space<semaphore_mem>>)
        %add3A_1232 = arith.constant 2 : i32
        %add3A_1233 = arith.addi %while3A_752, %add3A_1232 : i32
        %mul3A_1234 = arith.constant 8 : i32
        %mul3A_1235 = arith.muli %add3A_1233, %mul3A_1234 : i32
        %add3A_1236 = arith.constant 5 : i32
        %add3A_1237 = arith.addi %mul3A_1235, %add3A_1236 : i32
        %shift_right_arithmetic3A_1238 = arith.constant 4 : i32
        %shift_right_arithmetic3A_1239 = arith.shrsi %add3A_1237, %shift_right_arithmetic3A_1238 : i32
        %mul3A_1240 = arith.constant 16 : i32
        %mul3A_1241 = arith.muli %shift_right_arithmetic3A_1239, %mul3A_1240 : i32
        %multiple_of3A_1242 = tpu.assume_multiple %mul3A_1241, 16 : i32
        %get3A_1243 = arith.index_cast %multiple_of3A_1242 : i32 to index
        %get3A_1244 = tpu.vector_load %arg10[%get3A_1243] {strides = array<i32>} : memref<272xi32, #tpu.memory_space<vmem>>, vector<16xi32>,
        %and3A_1245 = arith.constant 15 : i32
        %and3A_1246 = arith.andi %add3A_1237, %and3A_1245 : i32
        %eq3A_1247 = vector.broadcast %and3A_1246 : i32 to vector<16xi32>
        %eq3A_1248 = arith.cmpi eq, %iota3A, %eq3A_1247 : vector<16xi32>
        %jit3A_1249 = arith.constant 0 : i32
        %broadcast_in_dim3A_1250 = vector.broadcast %jit3A_1249 : i32 to vector<16xi32>
        %select_n3A_1251 = arith.select %eq3A_1248, %get3A_1244, %broadcast_in_dim3A_1250 : vector<16xi1>, vector<16xi32>
        %reduce_sum3A_1252 = arith.constant true
        %reduce_sum3A_1253 = vector.broadcast %reduce_sum3A_1252 : i1 to vector<16xi1>
        %reduce_sum3A_1254 = tpu.scan <sum>, %select_n3A_1251 masked %reduce_sum3A_1253 : vector<16xi32>, vector<16xi1> -> vector<16xi32>
        %reduce_sum3A_1255 = vector.extract %reduce_sum3A_1254[15] : i32 from vector<16xi32>
        %jit3A_1256 = arith.constant 0 : i32
        %jit3A_1257 = arith.constant 255 : i32
        %max3A_1258 = arith.maxsi %jit3A_1256, %reduce_sum3A_1255 : i32
        %min3A_1259 = arith.minsi %jit3A_1257, %max3A_1258 : i32
        %add3A_1260 = arith.addi %mul3A_2, %min3A_1259 : i32
        %min3A_1261 = arith.constant 7812 : i32
        %min3A_1262 = arith.minsi %add3A_1260, %min3A_1261 : i32
        %mul3A_1263 = arith.constant 128 : i32
        %mul3A_1264 = arith.muli %min3A_1262, %mul3A_1263 : i32
        %multiple_of3A_1265 = tpu.assume_multiple %mul3A_1264, 128 : i32
        %and3A_1266 = arith.constant 1 : i32
        %and3A_1267 = arith.andi %add3A_1233, %and3A_1266 : i32
        %mul3A_1268 = arith.constant 8 : i32
        %mul3A_1269 = arith.muli %and3A_1267, %mul3A_1268 : i32
        %add3A_1270 = arith.constant 5 : i32
        %add3A_1271 = arith.addi %mul3A_1269, %add3A_1270 : i32
        %dma_start3A_1272 = arith.constant 0 : i32
        %dma_start3A_1273 = arith.constant 0 : i32
        %dma_start3A_1274 = tpu.memref_slice %arg11[%add3A_1271, %dma_start3A_1272, %dma_start3A_1273] : memref<16x32x128xf32, #tpu.memory_space<vmem>> -> memref<1x32x128xf32, #tpu.memory_space<vmem>>
        %dma_start3A_1275 = tpu.memref_squeeze %dma_start3A_1274 : memref<1x32x128xf32, #tpu.memory_space<vmem>> -> memref<32x128xf32, #tpu.memory_space<vmem>>
        %dma_start3A_1276 = arith.constant 0 : i32
        %dma_start3A_1277 = tpu.memref_slice %arg3[%dma_start3A_1276, %multiple_of3A_1265] : memref<32x1000000xf32, #tpu.memory_space<hbm>> -> memref<32x128xf32, #tpu.memory_space<hbm>>
        %dma_start3A_1278 = tpu.memref_slice %arg13[%add3A_1271] : memref<16x!tpu.dma_semaphore, #tpu.memory_space<semaphore_mem>> -> memref<1x!tpu.dma_semaphore, #tpu.memory_space<semaphore_mem>>
        %dma_start3A_1279 = tpu.memref_squeeze %dma_start3A_1278 : memref<1x!tpu.dma_semaphore, #tpu.memory_space<semaphore_mem>> -> memref<!tpu.dma_semaphore, #tpu.memory_space<semaphore_mem>>
        %dma_start3A_1280 = arith.constant 0 : i32
        %dma_start3A_1281 = arith.constant 0 : i32
        %dma_start3A_1282 = tpu.memref_slice %arg11[%add3A_1271, %dma_start3A_1280, %dma_start3A_1281] : memref<16x32x128xf32, #tpu.memory_space<vmem>> -> memref<1x32x128xf32, #tpu.memory_space<vmem>>
        %dma_start3A_1283 = tpu.memref_squeeze %dma_start3A_1282 : memref<1x32x128xf32, #tpu.memory_space<vmem>> -> memref<32x128xf32, #tpu.memory_space<vmem>>
        %dma_start3A_1284 = arith.constant 0 : i32
        %dma_start3A_1285 = tpu.memref_slice %arg3[%dma_start3A_1284, %multiple_of3A_1265] : memref<32x1000000xf32, #tpu.memory_space<hbm>> -> memref<32x128xf32, #tpu.memory_space<hbm>>
        tpu.enqueue_dma source(%dma_start3A_1285 : memref<32x128xf32, #tpu.memory_space<hbm>>) target(%dma_start3A_1283 : memref<32x128xf32, #tpu.memory_space<vmem>>) target_semaphore(%dma_start3A_1279 : memref<!tpu.dma_semaphore, #tpu.memory_space<semaphore_mem>>)
        %add3A_1286 = arith.constant 2 : i32
        %add3A_1287 = arith.addi %while3A_752, %add3A_1286 : i32
        %mul3A_1288 = arith.constant 8 : i32
        %mul3A_1289 = arith.muli %add3A_1287, %mul3A_1288 : i32
        %add3A_1290 = arith.constant 6 : i32
        %add3A_1291 = arith.addi %mul3A_1289, %add3A_1290 : i32
        %shift_right_arithmetic3A_1292 = arith.constant 4 : i32
        %shift_right_arithmetic3A_1293 = arith.shrsi %add3A_1291, %shift_right_arithmetic3A_1292 : i32
        %mul3A_1294 = arith.constant 16 : i32
        %mul3A_1295 = arith.muli %shift_right_arithmetic3A_1293, %mul3A_1294 : i32
        %multiple_of3A_1296 = tpu.assume_multiple %mul3A_1295, 16 : i32
        %get3A_1297 = arith.index_cast %multiple_of3A_1296 : i32 to index
        %get3A_1298 = tpu.vector_load %arg10[%get3A_1297] {strides = array<i32>} : memref<272xi32, #tpu.memory_space<vmem>>, vector<16xi32>,
        %and3A_1299 = arith.constant 15 : i32
        %and3A_1300 = arith.andi %add3A_1291, %and3A_1299 : i32
        %eq3A_1301 = vector.broadcast %and3A_1300 : i32 to vector<16xi32>
        %eq3A_1302 = arith.cmpi eq, %iota3A, %eq3A_1301 : vector<16xi32>
        %jit3A_1303 = arith.constant 0 : i32
        %broadcast_in_dim3A_1304 = vector.broadcast %jit3A_1303 : i32 to vector<16xi32>
        %select_n3A_1305 = arith.select %eq3A_1302, %get3A_1298, %broadcast_in_dim3A_1304 : vector<16xi1>, vector<16xi32>
        %reduce_sum3A_1306 = arith.constant true
        %reduce_sum3A_1307 = vector.broadcast %reduce_sum3A_1306 : i1 to vector<16xi1>
        %reduce_sum3A_1308 = tpu.scan <sum>, %select_n3A_1305 masked %reduce_sum3A_1307 : vector<16xi32>, vector<16xi1> -> vector<16xi32>
        %reduce_sum3A_1309 = vector.extract %reduce_sum3A_1308[15] : i32 from vector<16xi32>
        %jit3A_1310 = arith.constant 0 : i32
        %jit3A_1311 = arith.constant 255 : i32
        %max3A_1312 = arith.maxsi %jit3A_1310, %reduce_sum3A_1309 : i32
        %min3A_1313 = arith.minsi %jit3A_1311, %max3A_1312 : i32
        %add3A_1314 = arith.addi %mul3A_2, %min3A_1313 : i32
        %min3A_1315 = arith.constant 7812 : i32
        %min3A_1316 = arith.minsi %add3A_1314, %min3A_1315 : i32
        %mul3A_1317 = arith.constant 128 : i32
        %mul3A_1318 = arith.muli %min3A_1316, %mul3A_1317 : i32
        %multiple_of3A_1319 = tpu.assume_multiple %mul3A_1318, 128 : i32
        %and3A_1320 = arith.constant 1 : i32
        %and3A_1321 = arith.andi %add3A_1287, %and3A_1320 : i32
        %mul3A_1322 = arith.constant 8 : i32
        %mul3A_1323 = arith.muli %and3A_1321, %mul3A_1322 : i32
        %add3A_1324 = arith.constant 6 : i32
        %add3A_1325 = arith.addi %mul3A_1323, %add3A_1324 : i32
        %dma_start3A_1326 = arith.constant 0 : i32
        %dma_start3A_1327 = arith.constant 0 : i32
        %dma_start3A_1328 = tpu.memref_slice %arg11[%add3A_1325, %dma_start3A_1326, %dma_start3A_1327] : memref<16x32x128xf32, #tpu.memory_space<vmem>> -> memref<1x32x128xf32, #tpu.memory_space<vmem>>
        %dma_start3A_1329 = tpu.memref_squeeze %dma_start3A_1328 : memref<1x32x128xf32, #tpu.memory_space<vmem>> -> memref<32x128xf32, #tpu.memory_space<vmem>>
        %dma_start3A_1330 = arith.constant 0 : i32
        %dma_start3A_1331 = tpu.memref_slice %arg3[%dma_start3A_1330, %multiple_of3A_1319] : memref<32x1000000xf32, #tpu.memory_space<hbm>> -> memref<32x128xf32, #tpu.memory_space<hbm>>
        %dma_start3A_1332 = tpu.memref_slice %arg13[%add3A_1325] : memref<16x!tpu.dma_semaphore, #tpu.memory_space<semaphore_mem>> -> memref<1x!tpu.dma_semaphore, #tpu.memory_space<semaphore_mem>>
        %dma_start3A_1333 = tpu.memref_squeeze %dma_start3A_1332 : memref<1x!tpu.dma_semaphore, #tpu.memory_space<semaphore_mem>> -> memref<!tpu.dma_semaphore, #tpu.memory_space<semaphore_mem>>
        %dma_start3A_1334 = arith.constant 0 : i32
        %dma_start3A_1335 = arith.constant 0 : i32
        %dma_start3A_1336 = tpu.memref_slice %arg11[%add3A_1325, %dma_start3A_1334, %dma_start3A_1335] : memref<16x32x128xf32, #tpu.memory_space<vmem>> -> memref<1x32x128xf32, #tpu.memory_space<vmem>>
        %dma_start3A_1337 = tpu.memref_squeeze %dma_start3A_1336 : memref<1x32x128xf32, #tpu.memory_space<vmem>> -> memref<32x128xf32, #tpu.memory_space<vmem>>
        %dma_start3A_1338 = arith.constant 0 : i32
        %dma_start3A_1339 = tpu.memref_slice %arg3[%dma_start3A_1338, %multiple_of3A_1319] : memref<32x1000000xf32, #tpu.memory_space<hbm>> -> memref<32x128xf32, #tpu.memory_space<hbm>>
        tpu.enqueue_dma source(%dma_start3A_1339 : memref<32x128xf32, #tpu.memory_space<hbm>>) target(%dma_start3A_1337 : memref<32x128xf32, #tpu.memory_space<vmem>>) target_semaphore(%dma_start3A_1333 : memref<!tpu.dma_semaphore, #tpu.memory_space<semaphore_mem>>)
        %add3A_1340 = arith.constant 2 : i32
        %add3A_1341 = arith.addi %while3A_752, %add3A_1340 : i32
        %mul3A_1342 = arith.constant 8 : i32
        %mul3A_1343 = arith.muli %add3A_1341, %mul3A_1342 : i32
        %add3A_1344 = arith.constant 7 : i32
        %add3A_1345 = arith.addi %mul3A_1343, %add3A_1344 : i32
        %shift_right_arithmetic3A_1346 = arith.constant 4 : i32
        %shift_right_arithmetic3A_1347 = arith.shrsi %add3A_1345, %shift_right_arithmetic3A_1346 : i32
        %mul3A_1348 = arith.constant 16 : i32
        %mul3A_1349 = arith.muli %shift_right_arithmetic3A_1347, %mul3A_1348 : i32
        %multiple_of3A_1350 = tpu.assume_multiple %mul3A_1349, 16 : i32
        %get3A_1351 = arith.index_cast %multiple_of3A_1350 : i32 to index
        %get3A_1352 = tpu.vector_load %arg10[%get3A_1351] {strides = array<i32>} : memref<272xi32, #tpu.memory_space<vmem>>, vector<16xi32>,
        %and3A_1353 = arith.constant 15 : i32
        %and3A_1354 = arith.andi %add3A_1345, %and3A_1353 : i32
        %eq3A_1355 = vector.broadcast %and3A_1354 : i32 to vector<16xi32>
        %eq3A_1356 = arith.cmpi eq, %iota3A, %eq3A_1355 : vector<16xi32>
        %jit3A_1357 = arith.constant 0 : i32
        %broadcast_in_dim3A_1358 = vector.broadcast %jit3A_1357 : i32 to vector<16xi32>
        %select_n3A_1359 = arith.select %eq3A_1356, %get3A_1352, %broadcast_in_dim3A_1358 : vector<16xi1>, vector<16xi32>
        %reduce_sum3A_1360 = arith.constant true
        %reduce_sum3A_1361 = vector.broadcast %reduce_sum3A_1360 : i1 to vector<16xi1>
        %reduce_sum3A_1362 = tpu.scan <sum>, %select_n3A_1359 masked %reduce_sum3A_1361 : vector<16xi32>, vector<16xi1> -> vector<16xi32>
        %reduce_sum3A_1363 = vector.extract %reduce_sum3A_1362[15] : i32 from vector<16xi32>
        %jit3A_1364 = arith.constant 0 : i32
        %jit3A_1365 = arith.constant 255 : i32
        %max3A_1366 = arith.maxsi %jit3A_1364, %reduce_sum3A_1363 : i32
        %min3A_1367 = arith.minsi %jit3A_1365, %max3A_1366 : i32
        %add3A_1368 = arith.addi %mul3A_2, %min3A_1367 : i32
        %min3A_1369 = arith.constant 7812 : i32
        %min3A_1370 = arith.minsi %add3A_1368, %min3A_1369 : i32
        %mul3A_1371 = arith.constant 128 : i32
        %mul3A_1372 = arith.muli %min3A_1370, %mul3A_1371 : i32
        %multiple_of3A_1373 = tpu.assume_multiple %mul3A_1372, 128 : i32
        %and3A_1374 = arith.constant 1 : i32
        %and3A_1375 = arith.andi %add3A_1341, %and3A_1374 : i32
        %mul3A_1376 = arith.constant 8 : i32
        %mul3A_1377 = arith.muli %and3A_1375, %mul3A_1376 : i32
        %add3A_1378 = arith.constant 7 : i32
        %add3A_1379 = arith.addi %mul3A_1377, %add3A_1378 : i32
        %dma_start3A_1380 = arith.constant 0 : i32
        %dma_start3A_1381 = arith.constant 0 : i32
        %dma_start3A_1382 = tpu.memref_slice %arg11[%add3A_1379, %dma_start3A_1380, %dma_start3A_1381] : memref<16x32x128xf32, #tpu.memory_space<vmem>> -> memref<1x32x128xf32, #tpu.memory_space<vmem>>
        %dma_start3A_1383 = tpu.memref_squeeze %dma_start3A_1382 : memref<1x32x128xf32, #tpu.memory_space<vmem>> -> memref<32x128xf32, #tpu.memory_space<vmem>>
        %dma_start3A_1384 = arith.constant 0 : i32
        %dma_start3A_1385 = tpu.memref_slice %arg3[%dma_start3A_1384, %multiple_of3A_1373] : memref<32x1000000xf32, #tpu.memory_space<hbm>> -> memref<32x128xf32, #tpu.memory_space<hbm>>
        %dma_start3A_1386 = tpu.memref_slice %arg13[%add3A_1379] : memref<16x!tpu.dma_semaphore, #tpu.memory_space<semaphore_mem>> -> memref<1x!tpu.dma_semaphore, #tpu.memory_space<semaphore_mem>>
        %dma_start3A_1387 = tpu.memref_squeeze %dma_start3A_1386 : memref<1x!tpu.dma_semaphore, #tpu.memory_space<semaphore_mem>> -> memref<!tpu.dma_semaphore, #tpu.memory_space<semaphore_mem>>
        %dma_start3A_1388 = arith.constant 0 : i32
        %dma_start3A_1389 = arith.constant 0 : i32
        %dma_start3A_1390 = tpu.memref_slice %arg11[%add3A_1379, %dma_start3A_1388, %dma_start3A_1389] : memref<16x32x128xf32, #tpu.memory_space<vmem>> -> memref<1x32x128xf32, #tpu.memory_space<vmem>>
        %dma_start3A_1391 = tpu.memref_squeeze %dma_start3A_1390 : memref<1x32x128xf32, #tpu.memory_space<vmem>> -> memref<32x128xf32, #tpu.memory_space<vmem>>
        %dma_start3A_1392 = arith.constant 0 : i32
        %dma_start3A_1393 = tpu.memref_slice %arg3[%dma_start3A_1392, %multiple_of3A_1373] : memref<32x1000000xf32, #tpu.memory_space<hbm>> -> memref<32x128xf32, #tpu.memory_space<hbm>>
        tpu.enqueue_dma source(%dma_start3A_1393 : memref<32x128xf32, #tpu.memory_space<hbm>>) target(%dma_start3A_1391 : memref<32x128xf32, #tpu.memory_space<vmem>>) target_semaphore(%dma_start3A_1387 : memref<!tpu.dma_semaphore, #tpu.memory_space<semaphore_mem>>)
      } else {
      }
      scf.yield %while3A_956 : i32
    }
    %while3A_713 = arith.constant 1 : i32
    %while3A_714 = scf.for %while3A_752 = %while3A_710 to %while3A_706 step %while3A_713 iter_args(%while3A_753 = %while3A_712) -> (i32)  : i32 {
      %and3A = arith.constant 1 : i32
      %and3A_754 = arith.andi %while3A_752, %and3A : i32
      %mul3A_755 = arith.constant 8 : i32
      %mul3A_756 = arith.muli %and3A_754, %mul3A_755 : i32
      %add3A_757 = arith.constant 0 : i32
      %add3A_758 = arith.addi %mul3A_756, %add3A_757 : i32
      %dma_wait3A = arith.constant 0 : i32
      %dma_wait3A_759 = arith.constant 0 : i32
      %dma_wait3A_760 = tpu.memref_slice %arg11[%add3A_758, %dma_wait3A, %dma_wait3A_759] : memref<16x32x128xf32, #tpu.memory_space<vmem>> -> memref<1x32x128xf32, #tpu.memory_space<vmem>>
      %dma_wait3A_761 = tpu.memref_squeeze %dma_wait3A_760 : memref<1x32x128xf32, #tpu.memory_space<vmem>> -> memref<32x128xf32, #tpu.memory_space<vmem>>
      %dma_wait3A_762 = arith.constant 0 : i32
      %dma_wait3A_763 = arith.constant 0 : i32
      %dma_wait3A_764 = tpu.memref_slice %arg3[%dma_wait3A_762, %dma_wait3A_763] : memref<32x1000000xf32, #tpu.memory_space<hbm>> -> memref<32x128xf32, #tpu.memory_space<hbm>>
      %dma_wait3A_765 = tpu.memref_slice %arg13[%add3A_758] : memref<16x!tpu.dma_semaphore, #tpu.memory_space<semaphore_mem>> -> memref<1x!tpu.dma_semaphore, #tpu.memory_space<semaphore_mem>>
      %dma_wait3A_766 = tpu.memref_squeeze %dma_wait3A_765 : memref<1x!tpu.dma_semaphore, #tpu.memory_space<semaphore_mem>> -> memref<!tpu.dma_semaphore, #tpu.memory_space<semaphore_mem>>
      %dma_wait3A_767 = arith.constant 0 : i32
      %dma_wait3A_768 = arith.constant 0 : i32
      %dma_wait3A_769 = tpu.memref_slice %arg11[%add3A_758, %dma_wait3A_767, %dma_wait3A_768] : memref<16x32x128xf32, #tpu.memory_space<vmem>> -> memref<1x32x128xf32, #tpu.memory_space<vmem>>
      %dma_wait3A_770 = tpu.memref_squeeze %dma_wait3A_769 : memref<1x32x128xf32, #tpu.memory_space<vmem>> -> memref<32x128xf32, #tpu.memory_space<vmem>>
      %dma_wait3A_771 = arith.constant 0 : i32
      %dma_wait3A_772 = arith.constant 0 : i32
      %dma_wait3A_773 = tpu.memref_slice %arg3[%dma_wait3A_771, %dma_wait3A_772] : memref<32x1000000xf32, #tpu.memory_space<hbm>> -> memref<32x128xf32, #tpu.memory_space<hbm>>
      tpu.wait_dma2 semaphore(%dma_wait3A_766 : memref<!tpu.dma_semaphore, #tpu.memory_space<semaphore_mem>>) src(%dma_wait3A_773 : memref<32x128xf32, #tpu.memory_space<hbm>>) dst(%dma_wait3A_770 : memref<32x128xf32, #tpu.memory_space<vmem>>)
      %and3A_774 = arith.constant 1 : i32
      %and3A_775 = arith.andi %while3A_752, %and3A_774 : i32
      %mul3A_776 = arith.constant 8 : i32
      %mul3A_777 = arith.muli %and3A_775, %mul3A_776 : i32
      %add3A_778 = arith.constant 1 : i32
      %add3A_779 = arith.addi %mul3A_777, %add3A_778 : i32
      %dma_wait3A_780 = arith.constant 0 : i32
      %dma_wait3A_781 = arith.constant 0 : i32
      %dma_wait3A_782 = tpu.memref_slice %arg11[%add3A_779, %dma_wait3A_780, %dma_wait3A_781] : memref<16x32x128xf32, #tpu.memory_space<vmem>> -> memref<1x32x128xf32, #tpu.memory_space<vmem>>
      %dma_wait3A_783 = tpu.memref_squeeze %dma_wait3A_782 : memref<1x32x128xf32, #tpu.memory_space<vmem>> -> memref<32x128xf32, #tpu.memory_space<vmem>>
      %dma_wait3A_784 = arith.constant 0 : i32
      %dma_wait3A_785 = arith.constant 0 : i32
      %dma_wait3A_786 = tpu.memref_slice %arg3[%dma_wait3A_784, %dma_wait3A_785] : memref<32x1000000xf32, #tpu.memory_space<hbm>> -> memref<32x128xf32, #tpu.memory_space<hbm>>
      %dma_wait3A_787 = tpu.memref_slice %arg13[%add3A_779] : memref<16x!tpu.dma_semaphore, #tpu.memory_space<semaphore_mem>> -> memref<1x!tpu.dma_semaphore, #tpu.memory_space<semaphore_mem>>
      %dma_wait3A_788 = tpu.memref_squeeze %dma_wait3A_787 : memref<1x!tpu.dma_semaphore, #tpu.memory_space<semaphore_mem>> -> memref<!tpu.dma_semaphore, #tpu.memory_space<semaphore_mem>>
      %dma_wait3A_789 = arith.constant 0 : i32
      %dma_wait3A_790 = arith.constant 0 : i32
      %dma_wait3A_791 = tpu.memref_slice %arg11[%add3A_779, %dma_wait3A_789, %dma_wait3A_790] : memref<16x32x128xf32, #tpu.memory_space<vmem>> -> memref<1x32x128xf32, #tpu.memory_space<vmem>>
      %dma_wait3A_792 = tpu.memref_squeeze %dma_wait3A_791 : memref<1x32x128xf32, #tpu.memory_space<vmem>> -> memref<32x128xf32, #tpu.memory_space<vmem>>
      %dma_wait3A_793 = arith.constant 0 : i32
      %dma_wait3A_794 = arith.constant 0 : i32
      %dma_wait3A_795 = tpu.memref_slice %arg3[%dma_wait3A_793, %dma_wait3A_794] : memref<32x1000000xf32, #tpu.memory_space<hbm>> -> memref<32x128xf32, #tpu.memory_space<hbm>>
      tpu.wait_dma2 semaphore(%dma_wait3A_788 : memref<!tpu.dma_semaphore, #tpu.memory_space<semaphore_mem>>) src(%dma_wait3A_795 : memref<32x128xf32, #tpu.memory_space<hbm>>) dst(%dma_wait3A_792 : memref<32x128xf32, #tpu.memory_space<vmem>>)
      %and3A_796 = arith.constant 1 : i32
      %and3A_797 = arith.andi %while3A_752, %and3A_796 : i32
      %mul3A_798 = arith.constant 8 : i32
      %mul3A_799 = arith.muli %and3A_797, %mul3A_798 : i32
      %add3A_800 = arith.constant 2 : i32
      %add3A_801 = arith.addi %mul3A_799, %add3A_800 : i32
      %dma_wait3A_802 = arith.constant 0 : i32
      %dma_wait3A_803 = arith.constant 0 : i32
      %dma_wait3A_804 = tpu.memref_slice %arg11[%add3A_801, %dma_wait3A_802, %dma_wait3A_803] : memref<16x32x128xf32, #tpu.memory_space<vmem>> -> memref<1x32x128xf32, #tpu.memory_space<vmem>>
      %dma_wait3A_805 = tpu.memref_squeeze %dma_wait3A_804 : memref<1x32x128xf32, #tpu.memory_space<vmem>> -> memref<32x128xf32, #tpu.memory_space<vmem>>
      %dma_wait3A_806 = arith.constant 0 : i32
      %dma_wait3A_807 = arith.constant 0 : i32
      %dma_wait3A_808 = tpu.memref_slice %arg3[%dma_wait3A_806, %dma_wait3A_807] : memref<32x1000000xf32, #tpu.memory_space<hbm>> -> memref<32x128xf32, #tpu.memory_space<hbm>>
      %dma_wait3A_809 = tpu.memref_slice %arg13[%add3A_801] : memref<16x!tpu.dma_semaphore, #tpu.memory_space<semaphore_mem>> -> memref<1x!tpu.dma_semaphore, #tpu.memory_space<semaphore_mem>>
      %dma_wait3A_810 = tpu.memref_squeeze %dma_wait3A_809 : memref<1x!tpu.dma_semaphore, #tpu.memory_space<semaphore_mem>> -> memref<!tpu.dma_semaphore, #tpu.memory_space<semaphore_mem>>
      %dma_wait3A_811 = arith.constant 0 : i32
      %dma_wait3A_812 = arith.constant 0 : i32
      %dma_wait3A_813 = tpu.memref_slice %arg11[%add3A_801, %dma_wait3A_811, %dma_wait3A_812] : memref<16x32x128xf32, #tpu.memory_space<vmem>> -> memref<1x32x128xf32, #tpu.memory_space<vmem>>
      %dma_wait3A_814 = tpu.memref_squeeze %dma_wait3A_813 : memref<1x32x128xf32, #tpu.memory_space<vmem>> -> memref<32x128xf32, #tpu.memory_space<vmem>>
      %dma_wait3A_815 = arith.constant 0 : i32
      %dma_wait3A_816 = arith.constant 0 : i32
      %dma_wait3A_817 = tpu.memref_slice %arg3[%dma_wait3A_815, %dma_wait3A_816] : memref<32x1000000xf32, #tpu.memory_space<hbm>> -> memref<32x128xf32, #tpu.memory_space<hbm>>
      tpu.wait_dma2 semaphore(%dma_wait3A_810 : memref<!tpu.dma_semaphore, #tpu.memory_space<semaphore_mem>>) src(%dma_wait3A_817 : memref<32x128xf32, #tpu.memory_space<hbm>>) dst(%dma_wait3A_814 : memref<32x128xf32, #tpu.memory_space<vmem>>)
      %and3A_818 = arith.constant 1 : i32
      %and3A_819 = arith.andi %while3A_752, %and3A_818 : i32
      %mul3A_820 = arith.constant 8 : i32
      %mul3A_821 = arith.muli %and3A_819, %mul3A_820 : i32
      %add3A_822 = arith.constant 3 : i32
      %add3A_823 = arith.addi %mul3A_821, %add3A_822 : i32
      %dma_wait3A_824 = arith.constant 0 : i32
      %dma_wait3A_825 = arith.constant 0 : i32
      %dma_wait3A_826 = tpu.memref_slice %arg11[%add3A_823, %dma_wait3A_824, %dma_wait3A_825] : memref<16x32x128xf32, #tpu.memory_space<vmem>> -> memref<1x32x128xf32, #tpu.memory_space<vmem>>
      %dma_wait3A_827 = tpu.memref_squeeze %dma_wait3A_826 : memref<1x32x128xf32, #tpu.memory_space<vmem>> -> memref<32x128xf32, #tpu.memory_space<vmem>>
      %dma_wait3A_828 = arith.constant 0 : i32
      %dma_wait3A_829 = arith.constant 0 : i32
      %dma_wait3A_830 = tpu.memref_slice %arg3[%dma_wait3A_828, %dma_wait3A_829] : memref<32x1000000xf32, #tpu.memory_space<hbm>> -> memref<32x128xf32, #tpu.memory_space<hbm>>
      %dma_wait3A_831 = tpu.memref_slice %arg13[%add3A_823] : memref<16x!tpu.dma_semaphore, #tpu.memory_space<semaphore_mem>> -> memref<1x!tpu.dma_semaphore, #tpu.memory_space<semaphore_mem>>
      %dma_wait3A_832 = tpu.memref_squeeze %dma_wait3A_831 : memref<1x!tpu.dma_semaphore, #tpu.memory_space<semaphore_mem>> -> memref<!tpu.dma_semaphore, #tpu.memory_space<semaphore_mem>>
      %dma_wait3A_833 = arith.constant 0 : i32
      %dma_wait3A_834 = arith.constant 0 : i32
      %dma_wait3A_835 = tpu.memref_slice %arg11[%add3A_823, %dma_wait3A_833, %dma_wait3A_834] : memref<16x32x128xf32, #tpu.memory_space<vmem>> -> memref<1x32x128xf32, #tpu.memory_space<vmem>>
      %dma_wait3A_836 = tpu.memref_squeeze %dma_wait3A_835 : memref<1x32x128xf32, #tpu.memory_space<vmem>> -> memref<32x128xf32, #tpu.memory_space<vmem>>
      %dma_wait3A_837 = arith.constant 0 : i32
      %dma_wait3A_838 = arith.constant 0 : i32
      %dma_wait3A_839 = tpu.memref_slice %arg3[%dma_wait3A_837, %dma_wait3A_838] : memref<32x1000000xf32, #tpu.memory_space<hbm>> -> memref<32x128xf32, #tpu.memory_space<hbm>>
      tpu.wait_dma2 semaphore(%dma_wait3A_832 : memref<!tpu.dma_semaphore, #tpu.memory_space<semaphore_mem>>) src(%dma_wait3A_839 : memref<32x128xf32, #tpu.memory_space<hbm>>) dst(%dma_wait3A_836 : memref<32x128xf32, #tpu.memory_space<vmem>>)
      %and3A_840 = arith.constant 1 : i32
      %and3A_841 = arith.andi %while3A_752, %and3A_840 : i32
      %mul3A_842 = arith.constant 8 : i32
      %mul3A_843 = arith.muli %and3A_841, %mul3A_842 : i32
      %add3A_844 = arith.constant 4 : i32
      %add3A_845 = arith.addi %mul3A_843, %add3A_844 : i32
      %dma_wait3A_846 = arith.constant 0 : i32
      %dma_wait3A_847 = arith.constant 0 : i32
      %dma_wait3A_848 = tpu.memref_slice %arg11[%add3A_845, %dma_wait3A_846, %dma_wait3A_847] : memref<16x32x128xf32, #tpu.memory_space<vmem>> -> memref<1x32x128xf32, #tpu.memory_space<vmem>>
      %dma_wait3A_849 = tpu.memref_squeeze %dma_wait3A_848 : memref<1x32x128xf32, #tpu.memory_space<vmem>> -> memref<32x128xf32, #tpu.memory_space<vmem>>
      %dma_wait3A_850 = arith.constant 0 : i32
      %dma_wait3A_851 = arith.constant 0 : i32
      %dma_wait3A_852 = tpu.memref_slice %arg3[%dma_wait3A_850, %dma_wait3A_851] : memref<32x1000000xf32, #tpu.memory_space<hbm>> -> memref<32x128xf32, #tpu.memory_space<hbm>>
      %dma_wait3A_853 = tpu.memref_slice %arg13[%add3A_845] : memref<16x!tpu.dma_semaphore, #tpu.memory_space<semaphore_mem>> -> memref<1x!tpu.dma_semaphore, #tpu.memory_space<semaphore_mem>>
      %dma_wait3A_854 = tpu.memref_squeeze %dma_wait3A_853 : memref<1x!tpu.dma_semaphore, #tpu.memory_space<semaphore_mem>> -> memref<!tpu.dma_semaphore, #tpu.memory_space<semaphore_mem>>
      %dma_wait3A_855 = arith.constant 0 : i32
      %dma_wait3A_856 = arith.constant 0 : i32
      %dma_wait3A_857 = tpu.memref_slice %arg11[%add3A_845, %dma_wait3A_855, %dma_wait3A_856] : memref<16x32x128xf32, #tpu.memory_space<vmem>> -> memref<1x32x128xf32, #tpu.memory_space<vmem>>
      %dma_wait3A_858 = tpu.memref_squeeze %dma_wait3A_857 : memref<1x32x128xf32, #tpu.memory_space<vmem>> -> memref<32x128xf32, #tpu.memory_space<vmem>>
      %dma_wait3A_859 = arith.constant 0 : i32
      %dma_wait3A_860 = arith.constant 0 : i32
      %dma_wait3A_861 = tpu.memref_slice %arg3[%dma_wait3A_859, %dma_wait3A_860] : memref<32x1000000xf32, #tpu.memory_space<hbm>> -> memref<32x128xf32, #tpu.memory_space<hbm>>
      tpu.wait_dma2 semaphore(%dma_wait3A_854 : memref<!tpu.dma_semaphore, #tpu.memory_space<semaphore_mem>>) src(%dma_wait3A_861 : memref<32x128xf32, #tpu.memory_space<hbm>>) dst(%dma_wait3A_858 : memref<32x128xf32, #tpu.memory_space<vmem>>)
      %and3A_862 = arith.constant 1 : i32
      %and3A_863 = arith.andi %while3A_752, %and3A_862 : i32
      %mul3A_864 = arith.constant 8 : i32
      %mul3A_865 = arith.muli %and3A_863, %mul3A_864 : i32
      %add3A_866 = arith.constant 5 : i32
      %add3A_867 = arith.addi %mul3A_865, %add3A_866 : i32
      %dma_wait3A_868 = arith.constant 0 : i32
      %dma_wait3A_869 = arith.constant 0 : i32
      %dma_wait3A_870 = tpu.memref_slice %arg11[%add3A_867, %dma_wait3A_868, %dma_wait3A_869] : memref<16x32x128xf32, #tpu.memory_space<vmem>> -> memref<1x32x128xf32, #tpu.memory_space<vmem>>
      %dma_wait3A_871 = tpu.memref_squeeze %dma_wait3A_870 : memref<1x32x128xf32, #tpu.memory_space<vmem>> -> memref<32x128xf32, #tpu.memory_space<vmem>>
      %dma_wait3A_872 = arith.constant 0 : i32
      %dma_wait3A_873 = arith.constant 0 : i32
      %dma_wait3A_874 = tpu.memref_slice %arg3[%dma_wait3A_872, %dma_wait3A_873] : memref<32x1000000xf32, #tpu.memory_space<hbm>> -> memref<32x128xf32, #tpu.memory_space<hbm>>
      %dma_wait3A_875 = tpu.memref_slice %arg13[%add3A_867] : memref<16x!tpu.dma_semaphore, #tpu.memory_space<semaphore_mem>> -> memref<1x!tpu.dma_semaphore, #tpu.memory_space<semaphore_mem>>
      %dma_wait3A_876 = tpu.memref_squeeze %dma_wait3A_875 : memref<1x!tpu.dma_semaphore, #tpu.memory_space<semaphore_mem>> -> memref<!tpu.dma_semaphore, #tpu.memory_space<semaphore_mem>>
      %dma_wait3A_877 = arith.constant 0 : i32
      %dma_wait3A_878 = arith.constant 0 : i32
      %dma_wait3A_879 = tpu.memref_slice %arg11[%add3A_867, %dma_wait3A_877, %dma_wait3A_878] : memref<16x32x128xf32, #tpu.memory_space<vmem>> -> memref<1x32x128xf32, #tpu.memory_space<vmem>>
      %dma_wait3A_880 = tpu.memref_squeeze %dma_wait3A_879 : memref<1x32x128xf32, #tpu.memory_space<vmem>> -> memref<32x128xf32, #tpu.memory_space<vmem>>
      %dma_wait3A_881 = arith.constant 0 : i32
      %dma_wait3A_882 = arith.constant 0 : i32
      %dma_wait3A_883 = tpu.memref_slice %arg3[%dma_wait3A_881, %dma_wait3A_882] : memref<32x1000000xf32, #tpu.memory_space<hbm>> -> memref<32x128xf32, #tpu.memory_space<hbm>>
      tpu.wait_dma2 semaphore(%dma_wait3A_876 : memref<!tpu.dma_semaphore, #tpu.memory_space<semaphore_mem>>) src(%dma_wait3A_883 : memref<32x128xf32, #tpu.memory_space<hbm>>) dst(%dma_wait3A_880 : memref<32x128xf32, #tpu.memory_space<vmem>>)
      %and3A_884 = arith.constant 1 : i32
      %and3A_885 = arith.andi %while3A_752, %and3A_884 : i32
      %mul3A_886 = arith.constant 8 : i32
      %mul3A_887 = arith.muli %and3A_885, %mul3A_886 : i32
      %add3A_888 = arith.constant 6 : i32
      %add3A_889 = arith.addi %mul3A_887, %add3A_888 : i32
      %dma_wait3A_890 = arith.constant 0 : i32
      %dma_wait3A_891 = arith.constant 0 : i32
      %dma_wait3A_892 = tpu.memref_slice %arg11[%add3A_889, %dma_wait3A_890, %dma_wait3A_891] : memref<16x32x128xf32, #tpu.memory_space<vmem>> -> memref<1x32x128xf32, #tpu.memory_space<vmem>>
      %dma_wait3A_893 = tpu.memref_squeeze %dma_wait3A_892 : memref<1x32x128xf32, #tpu.memory_space<vmem>> -> memref<32x128xf32, #tpu.memory_space<vmem>>
      %dma_wait3A_894 = arith.constant 0 : i32
      %dma_wait3A_895 = arith.constant 0 : i32
      %dma_wait3A_896 = tpu.memref_slice %arg3[%dma_wait3A_894, %dma_wait3A_895] : memref<32x1000000xf32, #tpu.memory_space<hbm>> -> memref<32x128xf32, #tpu.memory_space<hbm>>
      %dma_wait3A_897 = tpu.memref_slice %arg13[%add3A_889] : memref<16x!tpu.dma_semaphore, #tpu.memory_space<semaphore_mem>> -> memref<1x!tpu.dma_semaphore, #tpu.memory_space<semaphore_mem>>
      %dma_wait3A_898 = tpu.memref_squeeze %dma_wait3A_897 : memref<1x!tpu.dma_semaphore, #tpu.memory_space<semaphore_mem>> -> memref<!tpu.dma_semaphore, #tpu.memory_space<semaphore_mem>>
      %dma_wait3A_899 = arith.constant 0 : i32
      %dma_wait3A_900 = arith.constant 0 : i32
      %dma_wait3A_901 = tpu.memref_slice %arg11[%add3A_889, %dma_wait3A_899, %dma_wait3A_900] : memref<16x32x128xf32, #tpu.memory_space<vmem>> -> memref<1x32x128xf32, #tpu.memory_space<vmem>>
      %dma_wait3A_902 = tpu.memref_squeeze %dma_wait3A_901 : memref<1x32x128xf32, #tpu.memory_space<vmem>> -> memref<32x128xf32, #tpu.memory_space<vmem>>
      %dma_wait3A_903 = arith.constant 0 : i32
      %dma_wait3A_904 = arith.constant 0 : i32
      %dma_wait3A_905 = tpu.memref_slice %arg3[%dma_wait3A_903, %dma_wait3A_904] : memref<32x1000000xf32, #tpu.memory_space<hbm>> -> memref<32x128xf32, #tpu.memory_space<hbm>>
      tpu.wait_dma2 semaphore(%dma_wait3A_898 : memref<!tpu.dma_semaphore, #tpu.memory_space<semaphore_mem>>) src(%dma_wait3A_905 : memref<32x128xf32, #tpu.memory_space<hbm>>) dst(%dma_wait3A_902 : memref<32x128xf32, #tpu.memory_space<vmem>>)
      %and3A_906 = arith.constant 1 : i32
      %and3A_907 = arith.andi %while3A_752, %and3A_906 : i32
      %mul3A_908 = arith.constant 8 : i32
      %mul3A_909 = arith.muli %and3A_907, %mul3A_908 : i32
      %add3A_910 = arith.constant 7 : i32
      %add3A_911 = arith.addi %mul3A_909, %add3A_910 : i32
      %dma_wait3A_912 = arith.constant 0 : i32
      %dma_wait3A_913 = arith.constant 0 : i32
      %dma_wait3A_914 = tpu.memref_slice %arg11[%add3A_911, %dma_wait3A_912, %dma_wait3A_913] : memref<16x32x128xf32, #tpu.memory_space<vmem>> -> memref<1x32x128xf32, #tpu.memory_space<vmem>>
      %dma_wait3A_915 = tpu.memref_squeeze %dma_wait3A_914 : memref<1x32x128xf32, #tpu.memory_space<vmem>> -> memref<32x128xf32, #tpu.memory_space<vmem>>
      %dma_wait3A_916 = arith.constant 0 : i32
      %dma_wait3A_917 = arith.constant 0 : i32
      %dma_wait3A_918 = tpu.memref_slice %arg3[%dma_wait3A_916, %dma_wait3A_917] : memref<32x1000000xf32, #tpu.memory_space<hbm>> -> memref<32x128xf32, #tpu.memory_space<hbm>>
      %dma_wait3A_919 = tpu.memref_slice %arg13[%add3A_911] : memref<16x!tpu.dma_semaphore, #tpu.memory_space<semaphore_mem>> -> memref<1x!tpu.dma_semaphore, #tpu.memory_space<semaphore_mem>>
      %dma_wait3A_920 = tpu.memref_squeeze %dma_wait3A_919 : memref<1x!tpu.dma_semaphore, #tpu.memory_space<semaphore_mem>> -> memref<!tpu.dma_semaphore, #tpu.memory_space<semaphore_mem>>
      %dma_wait3A_921 = arith.constant 0 : i32
      %dma_wait3A_922 = arith.constant 0 : i32
      %dma_wait3A_923 = tpu.memref_slice %arg11[%add3A_911, %dma_wait3A_921, %dma_wait3A_922] : memref<16x32x128xf32, #tpu.memory_space<vmem>> -> memref<1x32x128xf32, #tpu.memory_space<vmem>>
      %dma_wait3A_924 = tpu.memref_squeeze %dma_wait3A_923 : memref<1x32x128xf32, #tpu.memory_space<vmem>> -> memref<32x128xf32, #tpu.memory_space<vmem>>
      %dma_wait3A_925 = arith.constant 0 : i32
      %dma_wait3A_926 = arith.constant 0 : i32
      %dma_wait3A_927 = tpu.memref_slice %arg3[%dma_wait3A_925, %dma_wait3A_926] : memref<32x1000000xf32, #tpu.memory_space<hbm>> -> memref<32x128xf32, #tpu.memory_space<hbm>>
      tpu.wait_dma2 semaphore(%dma_wait3A_920 : memref<!tpu.dma_semaphore, #tpu.memory_space<semaphore_mem>>) src(%dma_wait3A_927 : memref<32x128xf32, #tpu.memory_space<hbm>>) dst(%dma_wait3A_924 : memref<32x128xf32, #tpu.memory_space<vmem>>)
      %mul3A_928 = arith.constant 8 : i32
      %mul3A_929 = arith.muli %while3A_752, %mul3A_928 : i32
      %add3A_930 = arith.constant 15 : i32
      %add3A_931 = arith.addi %scan3A_57, %add3A_930 : i32
      %shift_right_arithmetic3A_932 = arith.constant 4 : i32
      %shift_right_arithmetic3A_933 = arith.shrsi %add3A_931, %shift_right_arithmetic3A_932 : i32
      %while3A_934 = arith.constant 0 : i32
      %while3A_935 = arith.constant 0 : i32
      %while3A_936 = arith.subi %shift_right_arithmetic3A_933, %while3A_934 : i32
      %while3A_937 = arith.addi %while3A_934, %while3A_936 : i32
      %while3A_938 = arith.constant 1 : i32
      %while3A_939 = arith.divsi %while3A_936, %while3A_938 : i32
      %while3A_940 = arith.muli %while3A_939, %while3A_938 : i32
      %while3A_941 = arith.addi %while3A_934, %while3A_940 : i32
      %while3A_942 = arith.constant 1 : i32
      %while3A_943 = scf.for %while3A_962 = %while3A_934 to %while3A_941 step %while3A_942 iter_args(%while3A_963 = %while3A_935) -> (i32)  : i32 {
        %mul3A_964 = arith.constant 16 : i32
        %mul3A_965 = arith.muli %while3A_962, %mul3A_964 : i32
        %multiple_of3A_966 = tpu.assume_multiple %mul3A_965, 16 : i32
        %get3A_967 = arith.index_cast %multiple_of3A_966 : i32 to index
        %get3A_968 = tpu.vector_load %arg6[%get3A_967] {strides = array<i32>} : memref<16400xi32, #tpu.memory_space<vmem>>, vector<16xi32>,
        %shift_right_arithmetic3A_969 = arith.constant 21 : i32
        %shift_right_arithmetic3A_970 = vector.broadcast %shift_right_arithmetic3A_969 : i32 to vector<16xi32>
        %shift_right_arithmetic3A_971 = arith.shrsi %get3A_968, %shift_right_arithmetic3A_970 : vector<16xi32>
        %and3A_972 = arith.constant 255 : i32
        %and3A_973 = vector.broadcast %and3A_972 : i32 to vector<16xi32>
        %and3A_974 = arith.andi %shift_right_arithmetic3A_971, %and3A_973 : vector<16xi32>
        %gather3A = tpu.vector_load_idx %arg9[%and3A_974] : memref<256xi32, #tpu.memory_space<vmem>>[vector<16xi32>], vector<16xi32>,
        %ge3A = vector.broadcast %mul3A_929 : i32 to vector<16xi32>
        %ge3A_975 = arith.cmpi sge, %gather3A, %ge3A : vector<16xi32>
        %add3A_976 = arith.constant 8 : i32
        %add3A_977 = arith.addi %mul3A_929, %add3A_976 : i32
        %lt3A_978 = vector.broadcast %add3A_977 : i32 to vector<16xi32>
        %lt3A_979 = arith.cmpi slt, %gather3A, %lt3A_978 : vector<16xi32>
        %and3A_980 = arith.andi %ge3A_975, %lt3A_979 : vector<16xi1>
        %mul3A_981 = arith.constant 16 : i32
        %mul3A_982 = arith.muli %while3A_962, %mul3A_981 : i32
        %add3A_983 = vector.broadcast %mul3A_982 : i32 to vector<16xi32>
        %add3A_984 = arith.addi %add3A_983, %iota3A : vector<16xi32>
        %lt3A_985 = vector.broadcast %scan3A_57 : i32 to vector<16xi32>
        %lt3A_986 = arith.cmpi slt, %add3A_984, %lt3A_985 : vector<16xi32>
        %and3A_987 = arith.andi %and3A_980, %lt3A_986 : vector<16xi1>
        %shift_left3A = arith.constant 21 : i32
        %shift_left3A_988 = vector.broadcast %shift_left3A : i32 to vector<16xi32>
        %shift_left3A_989 = arith.shli %gather3A, %shift_left3A_988 : vector<16xi32>
        %and3A_990 = arith.constant 2097151 : i32
        %and3A_991 = vector.broadcast %and3A_990 : i32 to vector<16xi32>
        %and3A_992 = arith.andi %get3A_968, %and3A_991 : vector<16xi32>
        %or3A = arith.ori %shift_left3A_989, %and3A_992 : vector<16xi32>
        %swap3A_993 = arith.index_cast %while3A_963 : i32 to index
        %swap3A_994 = tpu.vector_load %arg7[%swap3A_993] masked %and3A_987 {strides = array<i32>} : memref<16400xi32, #tpu.memory_space<vmem>>, vector<16xi32>, vector<16xi1>
        tpu.vector_store %arg7[%swap3A_993], %or3A masked %and3A_987 {strides = array<i32>} : memref<16400xi32, #tpu.memory_space<vmem>>, vector<16xi32>, vector<16xi1>
        %jit3A_995 = arith.constant 1 : i32
        %jit3A_996 = arith.constant 0 : i32
        %broadcast_in_dim3A_997 = vector.broadcast %jit3A_995 : i32 to vector<16xi32>
        %broadcast_in_dim3A_998 = vector.broadcast %jit3A_996 : i32 to vector<16xi32>
        %select_n3A_999 = arith.select %and3A_987, %broadcast_in_dim3A_997, %broadcast_in_dim3A_998 : vector<16xi1>, vector<16xi32>
        %reduce_sum3A_1000 = arith.constant true
        %reduce_sum3A_1001 = vector.broadcast %reduce_sum3A_1000 : i1 to vector<16xi1>
        %reduce_sum3A_1002 = tpu.scan <sum>, %select_n3A_999 masked %reduce_sum3A_1001 : vector<16xi32>, vector<16xi1> -> vector<16xi32>
        %reduce_sum3A_1003 = vector.extract %reduce_sum3A_1002[15] : i32 from vector<16xi32>
        %add3A_1004 = arith.addi %while3A_963, %reduce_sum3A_1003 : i32
        scf.yield %add3A_1004 : i32
      }
      %while3A_944 = arith.constant 1 : i32
      %while3A_945 = scf.for %while3A_962 = %while3A_941 to %while3A_937 step %while3A_944 iter_args(%while3A_963 = %while3A_943) -> (i32)  : i32 {
        %mul3A_964 = arith.constant 16 : i32
        %mul3A_965 = arith.muli %while3A_962, %mul3A_964 : i32
        %multiple_of3A_966 = tpu.assume_multiple %mul3A_965, 16 : i32
        %get3A_967 = arith.index_cast %multiple_of3A_966 : i32 to index
        %get3A_968 = tpu.vector_load %arg6[%get3A_967] {strides = array<i32>} : memref<16400xi32, #tpu.memory_space<vmem>>, vector<16xi32>,
        %shift_right_arithmetic3A_969 = arith.constant 21 : i32
        %shift_right_arithmetic3A_970 = vector.broadcast %shift_right_arithmetic3A_969 : i32 to vector<16xi32>
        %shift_right_arithmetic3A_971 = arith.shrsi %get3A_968, %shift_right_arithmetic3A_970 : vector<16xi32>
        %and3A_972 = arith.constant 255 : i32
        %and3A_973 = vector.broadcast %and3A_972 : i32 to vector<16xi32>
        %and3A_974 = arith.andi %shift_right_arithmetic3A_971, %and3A_973 : vector<16xi32>
        %gather3A = tpu.vector_load_idx %arg9[%and3A_974] : memref<256xi32, #tpu.memory_space<vmem>>[vector<16xi32>], vector<16xi32>,
        %ge3A = vector.broadcast %mul3A_929 : i32 to vector<16xi32>
        %ge3A_975 = arith.cmpi sge, %gather3A, %ge3A : vector<16xi32>
        %add3A_976 = arith.constant 8 : i32
        %add3A_977 = arith.addi %mul3A_929, %add3A_976 : i32
        %lt3A_978 = vector.broadcast %add3A_977 : i32 to vector<16xi32>
        %lt3A_979 = arith.cmpi slt, %gather3A, %lt3A_978 : vector<16xi32>
        %and3A_980 = arith.andi %ge3A_975, %lt3A_979 : vector<16xi1>
        %mul3A_981 = arith.constant 16 : i32
        %mul3A_982 = arith.muli %while3A_962, %mul3A_981 : i32
        %add3A_983 = vector.broadcast %mul3A_982 : i32 to vector<16xi32>
        %add3A_984 = arith.addi %add3A_983, %iota3A : vector<16xi32>
        %lt3A_985 = vector.broadcast %scan3A_57 : i32 to vector<16xi32>
        %lt3A_986 = arith.cmpi slt, %add3A_984, %lt3A_985 : vector<16xi32>
        %and3A_987 = arith.andi %and3A_980, %lt3A_986 : vector<16xi1>
        %shift_left3A = arith.constant 21 : i32
        %shift_left3A_988 = vector.broadcast %shift_left3A : i32 to vector<16xi32>
        %shift_left3A_989 = arith.shli %gather3A, %shift_left3A_988 : vector<16xi32>
        %and3A_990 = arith.constant 2097151 : i32
        %and3A_991 = vector.broadcast %and3A_990 : i32 to vector<16xi32>
        %and3A_992 = arith.andi %get3A_968, %and3A_991 : vector<16xi32>
        %or3A = arith.ori %shift_left3A_989, %and3A_992 : vector<16xi32>
        %swap3A_993 = arith.index_cast %while3A_963 : i32 to index
        %swap3A_994 = tpu.vector_load %arg7[%swap3A_993] masked %and3A_987 {strides = array<i32>} : memref<16400xi32, #tpu.memory_space<vmem>>, vector<16xi32>, vector<16xi1>
        tpu.vector_store %arg7[%swap3A_993], %or3A masked %and3A_987 {strides = array<i32>} : memref<16400xi32, #tpu.memory_space<vmem>>, vector<16xi32>, vector<16xi1>
        %jit3A_995 = arith.constant 1 : i32
        %jit3A_996 = arith.constant 0 : i32
        %broadcast_in_dim3A_997 = vector.broadcast %jit3A_995 : i32 to vector<16xi32>
        %broadcast_in_dim3A_998 = vector.broadcast %jit3A_996 : i32 to vector<16xi32>
        %select_n3A_999 = arith.select %and3A_987, %broadcast_in_dim3A_997, %broadcast_in_dim3A_998 : vector<16xi1>, vector<16xi32>
        %reduce_sum3A_1000 = arith.constant true
        %reduce_sum3A_1001 = vector.broadcast %reduce_sum3A_1000 : i1 to vector<16xi1>
        %reduce_sum3A_1002 = tpu.scan <sum>, %select_n3A_999 masked %reduce_sum3A_1001 : vector<16xi32>, vector<16xi1> -> vector<16xi32>
        %reduce_sum3A_1003 = vector.extract %reduce_sum3A_1002[15] : i32 from vector<16xi32>
        %add3A_1004 = arith.addi %while3A_963, %reduce_sum3A_1003 : i32
        scf.yield %add3A_1004 : i32
      }
      %while3A_946 = arith.constant 0 : i32
      %while3A_947 = arith.subi %while3A_945, %while3A_946 : i32
      %while3A_948 = arith.addi %while3A_946, %while3A_947 : i32
      %while3A_949 = arith.constant 1 : i32
      %while3A_950 = arith.divsi %while3A_947, %while3A_949 : i32
      %while3A_951 = arith.muli %while3A_950, %while3A_949 : i32
      %while3A_952 = arith.addi %while3A_946, %while3A_951 : i32
      %while3A_953 = arith.constant 1 : i32
      %while3A_954 = scf.for %while3A_962 = %while3A_946 to %while3A_952 step %while3A_953 iter_args(%while3A_963 = %while3A_753) -> (i32)  : i32 {
        %shift_right_arithmetic3A_964 = arith.constant 4 : i32
        %shift_right_arithmetic3A_965 = arith.shrsi %while3A_962, %shift_right_arithmetic3A_964 : i32
        %mul3A_966 = arith.constant 16 : i32
        %mul3A_967 = arith.muli %shift_right_arithmetic3A_965, %mul3A_966 : i32
        %multiple_of3A_968 = tpu.assume_multiple %mul3A_967, 16 : i32
        %get3A_969 = arith.index_cast %multiple_of3A_968 : i32 to index
        %get3A_970 = tpu.vector_load %arg7[%get3A_969] {strides = array<i32>} : memref<16400xi32, #tpu.memory_space<vmem>>, vector<16xi32>,
        %and3A_971 = arith.constant 15 : i32
        %and3A_972 = arith.andi %while3A_962, %and3A_971 : i32
        %eq3A_973 = vector.broadcast %and3A_972 : i32 to vector<16xi32>
        %eq3A_974 = arith.cmpi eq, %iota3A, %eq3A_973 : vector<16xi32>
        %jit3A_975 = arith.constant 0 : i32
        %broadcast_in_dim3A_976 = vector.broadcast %jit3A_975 : i32 to vector<16xi32>
        %select_n3A_977 = arith.select %eq3A_974, %get3A_970, %broadcast_in_dim3A_976 : vector<16xi1>, vector<16xi32>
        %reduce_sum3A_978 = arith.constant true
        %reduce_sum3A_979 = vector.broadcast %reduce_sum3A_978 : i1 to vector<16xi1>
        %reduce_sum3A_980 = tpu.scan <sum>, %select_n3A_977 masked %reduce_sum3A_979 : vector<16xi32>, vector<16xi1> -> vector<16xi32>
        %reduce_sum3A_981 = vector.extract %reduce_sum3A_980[15] : i32 from vector<16xi32>
        %and3A_982 = arith.constant 1 : i32
        %and3A_983 = arith.andi %while3A_752, %and3A_982 : i32
        %mul3A_984 = arith.constant 8 : i32
        %mul3A_985 = arith.muli %and3A_983, %mul3A_984 : i32
        %shift_right_arithmetic3A_986 = arith.constant 21 : i32
        %shift_right_arithmetic3A_987 = arith.shrsi %reduce_sum3A_981, %shift_right_arithmetic3A_986 : i32
        %and3A_988 = arith.constant 7 : i32
        %and3A_989 = arith.andi %shift_right_arithmetic3A_987, %and3A_988 : i32
        %add3A_990 = arith.addi %mul3A_985, %and3A_989 : i32
        %shift_right_arithmetic3A_991 = arith.constant 14 : i32
        %shift_right_arithmetic3A_992 = arith.shrsi %reduce_sum3A_981, %shift_right_arithmetic3A_991 : i32
        %and3A_993 = arith.constant 127 : i32
        %and3A_994 = arith.andi %shift_right_arithmetic3A_992, %and3A_993 : i32
        %broadcast_in_dim3A_995 = vector.broadcast %and3A_994 : i32 to vector<16xi32>
        %and3A_996 = arith.constant 16383 : i32
        %and3A_997 = arith.andi %reduce_sum3A_981, %and3A_996 : i32
        %and3A_998 = arith.constant 7 : i32
        %and3A_999 = arith.andi %while3A_963, %and3A_998 : i32
        %ge3A = arith.constant 8 : i32
        %ge3A_1000 = arith.cmpi sge, %while3A_963, %ge3A : i32
        %convert_element_type3A_1001 = arith.extui %ge3A_1000 : i1 to i32
        %cond3A_1002 = arith.constant 0 : i32
        %cond3A_1003 = arith.cmpi ne, %convert_element_type3A_1001, %cond3A_1002 : i32
        scf.if %cond3A_1003 {
          %dma_wait3A_1032 = arith.constant 0 : i32
          %dma_wait3A_1033 = tpu.memref_slice %arg12[%dma_wait3A_1032] : memref<256xf32, #tpu.memory_space<vmem>> -> memref<32xf32, #tpu.memory_space<vmem>>
          %dma_wait3A_1034 = arith.constant 0 : i32
          %dma_wait3A_1035 = tpu.memref_slice %arg4[%dma_wait3A_1034] : memref<524288xf32, #tpu.memory_space<hbm>> -> memref<32xf32, #tpu.memory_space<hbm>>
          %dma_wait3A_1036 = tpu.memref_slice %arg14[%and3A_999] : memref<8x!tpu.dma_semaphore, #tpu.memory_space<semaphore_mem>> -> memref<1x!tpu.dma_semaphore, #tpu.memory_space<semaphore_mem>>
          %dma_wait3A_1037 = tpu.memref_squeeze %dma_wait3A_1036 : memref<1x!tpu.dma_semaphore, #tpu.memory_space<semaphore_mem>> -> memref<!tpu.dma_semaphore, #tpu.memory_space<semaphore_mem>>
          %dma_wait3A_1038 = arith.constant 0 : i32
          %dma_wait3A_1039 = tpu.memref_slice %arg4[%dma_wait3A_1038] : memref<524288xf32, #tpu.memory_space<hbm>> -> memref<32xf32, #tpu.memory_space<hbm>>
          %dma_wait3A_1040 = arith.constant 0 : i32
          %dma_wait3A_1041 = tpu.memref_slice %arg12[%dma_wait3A_1040] : memref<256xf32, #tpu.memory_space<vmem>> -> memref<32xf32, #tpu.memory_space<vmem>>
          tpu.wait_dma2 semaphore(%dma_wait3A_1037 : memref<!tpu.dma_semaphore, #tpu.memory_space<semaphore_mem>>) src(%dma_wait3A_1041 : memref<32xf32, #tpu.memory_space<vmem>>) dst(%dma_wait3A_1039 : memref<32xf32, #tpu.memory_space<hbm>>)
        } else {
        }
        %gather3A = arith.constant 0 : i32
        %gather3A_1004 = arith.constant 0 : i32
        %gather3A_1005 = tpu.memref_slice %arg11[%add3A_990, %gather3A, %gather3A_1004] : memref<16x32x128xf32, #tpu.memory_space<vmem>> -> memref<1x32x128xf32, #tpu.memory_space<vmem>>
        %gather3A_1006 = tpu.memref_squeeze %gather3A_1005 : memref<1x32x128xf32, #tpu.memory_space<vmem>> -> memref<32x128xf32, #tpu.memory_space<vmem>>
        %gather3A_1007 = tpu.vector_load_idx %gather3A_1006[%iota3A, %broadcast_in_dim3A_995] : memref<32x128xf32, #tpu.memory_space<vmem>>[vector<16xi32>, vector<16xi32>], vector<16xf32>,
        %gather3A_1008 = arith.constant 0 : i32
        %gather3A_1009 = arith.constant 0 : i32
        %gather3A_1010 = tpu.memref_slice %arg11[%add3A_990, %gather3A_1008, %gather3A_1009] : memref<16x32x128xf32, #tpu.memory_space<vmem>> -> memref<1x32x128xf32, #tpu.memory_space<vmem>>
        %gather3A_1011 = tpu.memref_squeeze %gather3A_1010 : memref<1x32x128xf32, #tpu.memory_space<vmem>> -> memref<32x128xf32, #tpu.memory_space<vmem>>
        %gather3A_1012 = tpu.vector_load_idx %gather3A_1011[%add3A_5, %broadcast_in_dim3A_995] : memref<32x128xf32, #tpu.memory_space<vmem>>[vector<16xi32>, vector<16xi32>], vector<16xf32>,
        %mul3A_1013 = arith.constant 32 : i32
        %mul3A_1014 = arith.muli %and3A_999, %mul3A_1013 : i32
        %multiple_of3A_1015 = tpu.assume_multiple %mul3A_1014, 16 : i32
        %swap3A_1016 = arith.index_cast %multiple_of3A_1015 : i32 to index
        %swap3A_1017 = tpu.vector_load %arg12[%swap3A_1016] {strides = array<i32>} : memref<256xf32, #tpu.memory_space<vmem>>, vector<16xf32>,
        tpu.vector_store %arg12[%swap3A_1016], %gather3A_1007 {strides = array<i32>} : memref<256xf32, #tpu.memory_space<vmem>>, vector<16xf32>,
        %add3A_1018 = arith.constant 16 : i32
        %add3A_1019 = arith.addi %multiple_of3A_1015, %add3A_1018 : i32
        %swap3A_1020 = arith.index_cast %add3A_1019 : i32 to index
        %swap3A_1021 = tpu.vector_load %arg12[%swap3A_1020] {strides = array<i32>} : memref<256xf32, #tpu.memory_space<vmem>>, vector<16xf32>,
        tpu.vector_store %arg12[%swap3A_1020], %gather3A_1012 {strides = array<i32>} : memref<256xf32, #tpu.memory_space<vmem>>, vector<16xf32>,
        %mul3A_1022 = arith.constant 32 : i32
        %mul3A_1023 = arith.muli %and3A_997, %mul3A_1022 : i32
        %dma_start3A_1024 = tpu.memref_slice %arg12[%multiple_of3A_1015] : memref<256xf32, #tpu.memory_space<vmem>> -> memref<32xf32, #tpu.memory_space<vmem>>
        %dma_start3A_1025 = tpu.memref_slice %arg4[%mul3A_1023] : memref<524288xf32, #tpu.memory_space<hbm>> -> memref<32xf32, #tpu.memory_space<hbm>>
        %dma_start3A_1026 = tpu.memref_slice %arg14[%and3A_999] : memref<8x!tpu.dma_semaphore, #tpu.memory_space<semaphore_mem>> -> memref<1x!tpu.dma_semaphore, #tpu.memory_space<semaphore_mem>>
        %dma_start3A_1027 = tpu.memref_squeeze %dma_start3A_1026 : memref<1x!tpu.dma_semaphore, #tpu.memory_space<semaphore_mem>> -> memref<!tpu.dma_semaphore, #tpu.memory_space<semaphore_mem>>
        %dma_start3A_1028 = tpu.memref_slice %arg4[%mul3A_1023] : memref<524288xf32, #tpu.memory_space<hbm>> -> memref<32xf32, #tpu.memory_space<hbm>>
        %dma_start3A_1029 = tpu.memref_slice %arg12[%multiple_of3A_1015] : memref<256xf32, #tpu.memory_space<vmem>> -> memref<32xf32, #tpu.memory_space<vmem>>
        tpu.enqueue_dma source(%dma_start3A_1029 : memref<32xf32, #tpu.memory_space<vmem>>) target(%dma_start3A_1028 : memref<32xf32, #tpu.memory_space<hbm>>) target_semaphore(%dma_start3A_1027 : memref<!tpu.dma_semaphore, #tpu.memory_space<semaphore_mem>>)
        %add3A_1030 = arith.constant 1 : i32
        %add3A_1031 = arith.addi %while3A_963, %add3A_1030 : i32
        scf.yield %add3A_1031 : i32
      }
      %while3A_955 = arith.constant 1 : i32
      %while3A_956 = scf.for %while3A_962 = %while3A_952 to %while3A_948 step %while3A_955 iter_args(%while3A_963 = %while3A_954) -> (i32)  : i32 {
        %shift_right_arithmetic3A_964 = arith.constant 4 : i32
        %shift_right_arithmetic3A_965 = arith.shrsi %while3A_962, %shift_right_arithmetic3A_964 : i32
        %mul3A_966 = arith.constant 16 : i32
        %mul3A_967 = arith.muli %shift_right_arithmetic3A_965, %mul3A_966 : i32
        %multiple_of3A_968 = tpu.assume_multiple %mul3A_967, 16 : i32
        %get3A_969 = arith.index_cast %multiple_of3A_968 : i32 to index
        %get3A_970 = tpu.vector_load %arg7[%get3A_969] {strides = array<i32>} : memref<16400xi32, #tpu.memory_space<vmem>>, vector<16xi32>,
        %and3A_971 = arith.constant 15 : i32
        %and3A_972 = arith.andi %while3A_962, %and3A_971 : i32
        %eq3A_973 = vector.broadcast %and3A_972 : i32 to vector<16xi32>
        %eq3A_974 = arith.cmpi eq, %iota3A, %eq3A_973 : vector<16xi32>
        %jit3A_975 = arith.constant 0 : i32
        %broadcast_in_dim3A_976 = vector.broadcast %jit3A_975 : i32 to vector<16xi32>
        %select_n3A_977 = arith.select %eq3A_974, %get3A_970, %broadcast_in_dim3A_976 : vector<16xi1>, vector<16xi32>
        %reduce_sum3A_978 = arith.constant true
        %reduce_sum3A_979 = vector.broadcast %reduce_sum3A_978 : i1 to vector<16xi1>
        %reduce_sum3A_980 = tpu.scan <sum>, %select_n3A_977 masked %reduce_sum3A_979 : vector<16xi32>, vector<16xi1> -> vector<16xi32>
        %reduce_sum3A_981 = vector.extract %reduce_sum3A_980[15] : i32 from vector<16xi32>
        %and3A_982 = arith.constant 1 : i32
        %and3A_983 = arith.andi %while3A_752, %and3A_982 : i32
        %mul3A_984 = arith.constant 8 : i32
        %mul3A_985 = arith.muli %and3A_983, %mul3A_984 : i32
        %shift_right_arithmetic3A_986 = arith.constant 21 : i32
        %shift_right_arithmetic3A_987 = arith.shrsi %reduce_sum3A_981, %shift_right_arithmetic3A_986 : i32
        %and3A_988 = arith.constant 7 : i32
        %and3A_989 = arith.andi %shift_right_arithmetic3A_987, %and3A_988 : i32
        %add3A_990 = arith.addi %mul3A_985, %and3A_989 : i32
        %shift_right_arithmetic3A_991 = arith.constant 14 : i32
        %shift_right_arithmetic3A_992 = arith.shrsi %reduce_sum3A_981, %shift_right_arithmetic3A_991 : i32
        %and3A_993 = arith.constant 127 : i32
        %and3A_994 = arith.andi %shift_right_arithmetic3A_992, %and3A_993 : i32
        %broadcast_in_dim3A_995 = vector.broadcast %and3A_994 : i32 to vector<16xi32>
        %and3A_996 = arith.constant 16383 : i32
        %and3A_997 = arith.andi %reduce_sum3A_981, %and3A_996 : i32
        %and3A_998 = arith.constant 7 : i32
        %and3A_999 = arith.andi %while3A_963, %and3A_998 : i32
        %ge3A = arith.constant 8 : i32
        %ge3A_1000 = arith.cmpi sge, %while3A_963, %ge3A : i32
        %convert_element_type3A_1001 = arith.extui %ge3A_1000 : i1 to i32
        %cond3A_1002 = arith.constant 0 : i32
        %cond3A_1003 = arith.cmpi ne, %convert_element_type3A_1001, %cond3A_1002 : i32
        scf.if %cond3A_1003 {
          %dma_wait3A_1032 = arith.constant 0 : i32
          %dma_wait3A_1033 = tpu.memref_slice %arg12[%dma_wait3A_1032] : memref<256xf32, #tpu.memory_space<vmem>> -> memref<32xf32, #tpu.memory_space<vmem>>
          %dma_wait3A_1034 = arith.constant 0 : i32
          %dma_wait3A_1035 = tpu.memref_slice %arg4[%dma_wait3A_1034] : memref<524288xf32, #tpu.memory_space<hbm>> -> memref<32xf32, #tpu.memory_space<hbm>>
          %dma_wait3A_1036 = tpu.memref_slice %arg14[%and3A_999] : memref<8x!tpu.dma_semaphore, #tpu.memory_space<semaphore_mem>> -> memref<1x!tpu.dma_semaphore, #tpu.memory_space<semaphore_mem>>
          %dma_wait3A_1037 = tpu.memref_squeeze %dma_wait3A_1036 : memref<1x!tpu.dma_semaphore, #tpu.memory_space<semaphore_mem>> -> memref<!tpu.dma_semaphore, #tpu.memory_space<semaphore_mem>>
          %dma_wait3A_1038 = arith.constant 0 : i32
          %dma_wait3A_1039 = tpu.memref_slice %arg4[%dma_wait3A_1038] : memref<524288xf32, #tpu.memory_space<hbm>> -> memref<32xf32, #tpu.memory_space<hbm>>
          %dma_wait3A_1040 = arith.constant 0 : i32
          %dma_wait3A_1041 = tpu.memref_slice %arg12[%dma_wait3A_1040] : memref<256xf32, #tpu.memory_space<vmem>> -> memref<32xf32, #tpu.memory_space<vmem>>
          tpu.wait_dma2 semaphore(%dma_wait3A_1037 : memref<!tpu.dma_semaphore, #tpu.memory_space<semaphore_mem>>) src(%dma_wait3A_1041 : memref<32xf32, #tpu.memory_space<vmem>>) dst(%dma_wait3A_1039 : memref<32xf32, #tpu.memory_space<hbm>>)
        } else {
        }
        %gather3A = arith.constant 0 : i32
        %gather3A_1004 = arith.constant 0 : i32
        %gather3A_1005 = tpu.memref_slice %arg11[%add3A_990, %gather3A, %gather3A_1004] : memref<16x32x128xf32, #tpu.memory_space<vmem>> -> memref<1x32x128xf32, #tpu.memory_space<vmem>>
        %gather3A_1006 = tpu.memref_squeeze %gather3A_1005 : memref<1x32x128xf32, #tpu.memory_space<vmem>> -> memref<32x128xf32, #tpu.memory_space<vmem>>
        %gather3A_1007 = tpu.vector_load_idx %gather3A_1006[%iota3A, %broadcast_in_dim3A_995] : memref<32x128xf32, #tpu.memory_space<vmem>>[vector<16xi32>, vector<16xi32>], vector<16xf32>,
        %gather3A_1008 = arith.constant 0 : i32
        %gather3A_1009 = arith.constant 0 : i32
        %gather3A_1010 = tpu.memref_slice %arg11[%add3A_990, %gather3A_1008, %gather3A_1009] : memref<16x32x128xf32, #tpu.memory_space<vmem>> -> memref<1x32x128xf32, #tpu.memory_space<vmem>>
        %gather3A_1011 = tpu.memref_squeeze %gather3A_1010 : memref<1x32x128xf32, #tpu.memory_space<vmem>> -> memref<32x128xf32, #tpu.memory_space<vmem>>
        %gather3A_1012 = tpu.vector_load_idx %gather3A_1011[%add3A_5, %broadcast_in_dim3A_995] : memref<32x128xf32, #tpu.memory_space<vmem>>[vector<16xi32>, vector<16xi32>], vector<16xf32>,
        %mul3A_1013 = arith.constant 32 : i32
        %mul3A_1014 = arith.muli %and3A_999, %mul3A_1013 : i32
        %multiple_of3A_1015 = tpu.assume_multiple %mul3A_1014, 16 : i32
        %swap3A_1016 = arith.index_cast %multiple_of3A_1015 : i32 to index
        %swap3A_1017 = tpu.vector_load %arg12[%swap3A_1016] {strides = array<i32>} : memref<256xf32, #tpu.memory_space<vmem>>, vector<16xf32>,
        tpu.vector_store %arg12[%swap3A_1016], %gather3A_1007 {strides = array<i32>} : memref<256xf32, #tpu.memory_space<vmem>>, vector<16xf32>,
        %add3A_1018 = arith.constant 16 : i32
        %add3A_1019 = arith.addi %multiple_of3A_1015, %add3A_1018 : i32
        %swap3A_1020 = arith.index_cast %add3A_1019 : i32 to index
        %swap3A_1021 = tpu.vector_load %arg12[%swap3A_1020] {strides = array<i32>} : memref<256xf32, #tpu.memory_space<vmem>>, vector<16xf32>,
        tpu.vector_store %arg12[%swap3A_1020], %gather3A_1012 {strides = array<i32>} : memref<256xf32, #tpu.memory_space<vmem>>, vector<16xf32>,
        %mul3A_1022 = arith.constant 32 : i32
        %mul3A_1023 = arith.muli %and3A_997, %mul3A_1022 : i32
        %dma_start3A_1024 = tpu.memref_slice %arg12[%multiple_of3A_1015] : memref<256xf32, #tpu.memory_space<vmem>> -> memref<32xf32, #tpu.memory_space<vmem>>
        %dma_start3A_1025 = tpu.memref_slice %arg4[%mul3A_1023] : memref<524288xf32, #tpu.memory_space<hbm>> -> memref<32xf32, #tpu.memory_space<hbm>>
        %dma_start3A_1026 = tpu.memref_slice %arg14[%and3A_999] : memref<8x!tpu.dma_semaphore, #tpu.memory_space<semaphore_mem>> -> memref<1x!tpu.dma_semaphore, #tpu.memory_space<semaphore_mem>>
        %dma_start3A_1027 = tpu.memref_squeeze %dma_start3A_1026 : memref<1x!tpu.dma_semaphore, #tpu.memory_space<semaphore_mem>> -> memref<!tpu.dma_semaphore, #tpu.memory_space<semaphore_mem>>
        %dma_start3A_1028 = tpu.memref_slice %arg4[%mul3A_1023] : memref<524288xf32, #tpu.memory_space<hbm>> -> memref<32xf32, #tpu.memory_space<hbm>>
        %dma_start3A_1029 = tpu.memref_slice %arg12[%multiple_of3A_1015] : memref<256xf32, #tpu.memory_space<vmem>> -> memref<32xf32, #tpu.memory_space<vmem>>
        tpu.enqueue_dma source(%dma_start3A_1029 : memref<32xf32, #tpu.memory_space<vmem>>) target(%dma_start3A_1028 : memref<32xf32, #tpu.memory_space<hbm>>) target_semaphore(%dma_start3A_1027 : memref<!tpu.dma_semaphore, #tpu.memory_space<semaphore_mem>>)
        %add3A_1030 = arith.constant 1 : i32
        %add3A_1031 = arith.addi %while3A_963, %add3A_1030 : i32
        scf.yield %add3A_1031 : i32
      }
      %add3A_957 = arith.constant 2 : i32
      %add3A_958 = arith.addi %while3A_752, %add3A_957 : i32
      %lt3A = arith.cmpi slt, %add3A_958, %max3A_70 : i32
      %convert_element_type3A_959 = arith.extui %lt3A : i1 to i32
      %cond3A_960 = arith.constant 0 : i32
      %cond3A_961 = arith.cmpi ne, %convert_element_type3A_959, %cond3A_960 : i32
      scf.if %cond3A_961 {
        %add3A_962 = arith.constant 2 : i32
        %add3A_963 = arith.addi %while3A_752, %add3A_962 : i32
        %mul3A_964 = arith.constant 8 : i32
        %mul3A_965 = arith.muli %add3A_963, %mul3A_964 : i32
        %add3A_966 = arith.constant 0 : i32
        %add3A_967 = arith.addi %mul3A_965, %add3A_966 : i32
        %shift_right_arithmetic3A_968 = arith.constant 4 : i32
        %shift_right_arithmetic3A_969 = arith.shrsi %add3A_967, %shift_right_arithmetic3A_968 : i32
        %mul3A_970 = arith.constant 16 : i32
        %mul3A_971 = arith.muli %shift_right_arithmetic3A_969, %mul3A_970 : i32
        %multiple_of3A_972 = tpu.assume_multiple %mul3A_971, 16 : i32
        %get3A_973 = arith.index_cast %multiple_of3A_972 : i32 to index
        %get3A_974 = tpu.vector_load %arg10[%get3A_973] {strides = array<i32>} : memref<272xi32, #tpu.memory_space<vmem>>, vector<16xi32>,
        %and3A_975 = arith.constant 15 : i32
        %and3A_976 = arith.andi %add3A_967, %and3A_975 : i32
        %eq3A_977 = vector.broadcast %and3A_976 : i32 to vector<16xi32>
        %eq3A_978 = arith.cmpi eq, %iota3A, %eq3A_977 : vector<16xi32>
        %jit3A_979 = arith.constant 0 : i32
        %broadcast_in_dim3A_980 = vector.broadcast %jit3A_979 : i32 to vector<16xi32>
        %select_n3A_981 = arith.select %eq3A_978, %get3A_974, %broadcast_in_dim3A_980 : vector<16xi1>, vector<16xi32>
        %reduce_sum3A_982 = arith.constant true
        %reduce_sum3A_983 = vector.broadcast %reduce_sum3A_982 : i1 to vector<16xi1>
        %reduce_sum3A_984 = tpu.scan <sum>, %select_n3A_981 masked %reduce_sum3A_983 : vector<16xi32>, vector<16xi1> -> vector<16xi32>
        %reduce_sum3A_985 = vector.extract %reduce_sum3A_984[15] : i32 from vector<16xi32>
        %jit3A_986 = arith.constant 0 : i32
        %jit3A_987 = arith.constant 255 : i32
        %max3A_988 = arith.maxsi %jit3A_986, %reduce_sum3A_985 : i32
        %min3A_989 = arith.minsi %jit3A_987, %max3A_988 : i32
        %add3A_990 = arith.addi %mul3A_2, %min3A_989 : i32
        %min3A_991 = arith.constant 7812 : i32
        %min3A_992 = arith.minsi %add3A_990, %min3A_991 : i32
        %mul3A_993 = arith.constant 128 : i32
        %mul3A_994 = arith.muli %min3A_992, %mul3A_993 : i32
        %multiple_of3A_995 = tpu.assume_multiple %mul3A_994, 128 : i32
        %and3A_996 = arith.constant 1 : i32
        %and3A_997 = arith.andi %add3A_963, %and3A_996 : i32
        %mul3A_998 = arith.constant 8 : i32
        %mul3A_999 = arith.muli %and3A_997, %mul3A_998 : i32
        %add3A_1000 = arith.constant 0 : i32
        %add3A_1001 = arith.addi %mul3A_999, %add3A_1000 : i32
        %dma_start3A_1002 = arith.constant 0 : i32
        %dma_start3A_1003 = arith.constant 0 : i32
        %dma_start3A_1004 = tpu.memref_slice %arg11[%add3A_1001, %dma_start3A_1002, %dma_start3A_1003] : memref<16x32x128xf32, #tpu.memory_space<vmem>> -> memref<1x32x128xf32, #tpu.memory_space<vmem>>
        %dma_start3A_1005 = tpu.memref_squeeze %dma_start3A_1004 : memref<1x32x128xf32, #tpu.memory_space<vmem>> -> memref<32x128xf32, #tpu.memory_space<vmem>>
        %dma_start3A_1006 = arith.constant 0 : i32
        %dma_start3A_1007 = tpu.memref_slice %arg3[%dma_start3A_1006, %multiple_of3A_995] : memref<32x1000000xf32, #tpu.memory_space<hbm>> -> memref<32x128xf32, #tpu.memory_space<hbm>>
        %dma_start3A_1008 = tpu.memref_slice %arg13[%add3A_1001] : memref<16x!tpu.dma_semaphore, #tpu.memory_space<semaphore_mem>> -> memref<1x!tpu.dma_semaphore, #tpu.memory_space<semaphore_mem>>
        %dma_start3A_1009 = tpu.memref_squeeze %dma_start3A_1008 : memref<1x!tpu.dma_semaphore, #tpu.memory_space<semaphore_mem>> -> memref<!tpu.dma_semaphore, #tpu.memory_space<semaphore_mem>>
        %dma_start3A_1010 = arith.constant 0 : i32
        %dma_start3A_1011 = arith.constant 0 : i32
        %dma_start3A_1012 = tpu.memref_slice %arg11[%add3A_1001, %dma_start3A_1010, %dma_start3A_1011] : memref<16x32x128xf32, #tpu.memory_space<vmem>> -> memref<1x32x128xf32, #tpu.memory_space<vmem>>
        %dma_start3A_1013 = tpu.memref_squeeze %dma_start3A_1012 : memref<1x32x128xf32, #tpu.memory_space<vmem>> -> memref<32x128xf32, #tpu.memory_space<vmem>>
        %dma_start3A_1014 = arith.constant 0 : i32
        %dma_start3A_1015 = tpu.memref_slice %arg3[%dma_start3A_1014, %multiple_of3A_995] : memref<32x1000000xf32, #tpu.memory_space<hbm>> -> memref<32x128xf32, #tpu.memory_space<hbm>>
        tpu.enqueue_dma source(%dma_start3A_1015 : memref<32x128xf32, #tpu.memory_space<hbm>>) target(%dma_start3A_1013 : memref<32x128xf32, #tpu.memory_space<vmem>>) target_semaphore(%dma_start3A_1009 : memref<!tpu.dma_semaphore, #tpu.memory_space<semaphore_mem>>)
        %add3A_1016 = arith.constant 2 : i32
        %add3A_1017 = arith.addi %while3A_752, %add3A_1016 : i32
        %mul3A_1018 = arith.constant 8 : i32
        %mul3A_1019 = arith.muli %add3A_1017, %mul3A_1018 : i32
        %add3A_1020 = arith.constant 1 : i32
        %add3A_1021 = arith.addi %mul3A_1019, %add3A_1020 : i32
        %shift_right_arithmetic3A_1022 = arith.constant 4 : i32
        %shift_right_arithmetic3A_1023 = arith.shrsi %add3A_1021, %shift_right_arithmetic3A_1022 : i32
        %mul3A_1024 = arith.constant 16 : i32
        %mul3A_1025 = arith.muli %shift_right_arithmetic3A_1023, %mul3A_1024 : i32
        %multiple_of3A_1026 = tpu.assume_multiple %mul3A_1025, 16 : i32
        %get3A_1027 = arith.index_cast %multiple_of3A_1026 : i32 to index
        %get3A_1028 = tpu.vector_load %arg10[%get3A_1027] {strides = array<i32>} : memref<272xi32, #tpu.memory_space<vmem>>, vector<16xi32>,
        %and3A_1029 = arith.constant 15 : i32
        %and3A_1030 = arith.andi %add3A_1021, %and3A_1029 : i32
        %eq3A_1031 = vector.broadcast %and3A_1030 : i32 to vector<16xi32>
        %eq3A_1032 = arith.cmpi eq, %iota3A, %eq3A_1031 : vector<16xi32>
        %jit3A_1033 = arith.constant 0 : i32
        %broadcast_in_dim3A_1034 = vector.broadcast %jit3A_1033 : i32 to vector<16xi32>
        %select_n3A_1035 = arith.select %eq3A_1032, %get3A_1028, %broadcast_in_dim3A_1034 : vector<16xi1>, vector<16xi32>
        %reduce_sum3A_1036 = arith.constant true
        %reduce_sum3A_1037 = vector.broadcast %reduce_sum3A_1036 : i1 to vector<16xi1>
        %reduce_sum3A_1038 = tpu.scan <sum>, %select_n3A_1035 masked %reduce_sum3A_1037 : vector<16xi32>, vector<16xi1> -> vector<16xi32>
        %reduce_sum3A_1039 = vector.extract %reduce_sum3A_1038[15] : i32 from vector<16xi32>
        %jit3A_1040 = arith.constant 0 : i32
        %jit3A_1041 = arith.constant 255 : i32
        %max3A_1042 = arith.maxsi %jit3A_1040, %reduce_sum3A_1039 : i32
        %min3A_1043 = arith.minsi %jit3A_1041, %max3A_1042 : i32
        %add3A_1044 = arith.addi %mul3A_2, %min3A_1043 : i32
        %min3A_1045 = arith.constant 7812 : i32
        %min3A_1046 = arith.minsi %add3A_1044, %min3A_1045 : i32
        %mul3A_1047 = arith.constant 128 : i32
        %mul3A_1048 = arith.muli %min3A_1046, %mul3A_1047 : i32
        %multiple_of3A_1049 = tpu.assume_multiple %mul3A_1048, 128 : i32
        %and3A_1050 = arith.constant 1 : i32
        %and3A_1051 = arith.andi %add3A_1017, %and3A_1050 : i32
        %mul3A_1052 = arith.constant 8 : i32
        %mul3A_1053 = arith.muli %and3A_1051, %mul3A_1052 : i32
        %add3A_1054 = arith.constant 1 : i32
        %add3A_1055 = arith.addi %mul3A_1053, %add3A_1054 : i32
        %dma_start3A_1056 = arith.constant 0 : i32
        %dma_start3A_1057 = arith.constant 0 : i32
        %dma_start3A_1058 = tpu.memref_slice %arg11[%add3A_1055, %dma_start3A_1056, %dma_start3A_1057] : memref<16x32x128xf32, #tpu.memory_space<vmem>> -> memref<1x32x128xf32, #tpu.memory_space<vmem>>
        %dma_start3A_1059 = tpu.memref_squeeze %dma_start3A_1058 : memref<1x32x128xf32, #tpu.memory_space<vmem>> -> memref<32x128xf32, #tpu.memory_space<vmem>>
        %dma_start3A_1060 = arith.constant 0 : i32
        %dma_start3A_1061 = tpu.memref_slice %arg3[%dma_start3A_1060, %multiple_of3A_1049] : memref<32x1000000xf32, #tpu.memory_space<hbm>> -> memref<32x128xf32, #tpu.memory_space<hbm>>
        %dma_start3A_1062 = tpu.memref_slice %arg13[%add3A_1055] : memref<16x!tpu.dma_semaphore, #tpu.memory_space<semaphore_mem>> -> memref<1x!tpu.dma_semaphore, #tpu.memory_space<semaphore_mem>>
        %dma_start3A_1063 = tpu.memref_squeeze %dma_start3A_1062 : memref<1x!tpu.dma_semaphore, #tpu.memory_space<semaphore_mem>> -> memref<!tpu.dma_semaphore, #tpu.memory_space<semaphore_mem>>
        %dma_start3A_1064 = arith.constant 0 : i32
        %dma_start3A_1065 = arith.constant 0 : i32
        %dma_start3A_1066 = tpu.memref_slice %arg11[%add3A_1055, %dma_start3A_1064, %dma_start3A_1065] : memref<16x32x128xf32, #tpu.memory_space<vmem>> -> memref<1x32x128xf32, #tpu.memory_space<vmem>>
        %dma_start3A_1067 = tpu.memref_squeeze %dma_start3A_1066 : memref<1x32x128xf32, #tpu.memory_space<vmem>> -> memref<32x128xf32, #tpu.memory_space<vmem>>
        %dma_start3A_1068 = arith.constant 0 : i32
        %dma_start3A_1069 = tpu.memref_slice %arg3[%dma_start3A_1068, %multiple_of3A_1049] : memref<32x1000000xf32, #tpu.memory_space<hbm>> -> memref<32x128xf32, #tpu.memory_space<hbm>>
        tpu.enqueue_dma source(%dma_start3A_1069 : memref<32x128xf32, #tpu.memory_space<hbm>>) target(%dma_start3A_1067 : memref<32x128xf32, #tpu.memory_space<vmem>>) target_semaphore(%dma_start3A_1063 : memref<!tpu.dma_semaphore, #tpu.memory_space<semaphore_mem>>)
        %add3A_1070 = arith.constant 2 : i32
        %add3A_1071 = arith.addi %while3A_752, %add3A_1070 : i32
        %mul3A_1072 = arith.constant 8 : i32
        %mul3A_1073 = arith.muli %add3A_1071, %mul3A_1072 : i32
        %add3A_1074 = arith.constant 2 : i32
        %add3A_1075 = arith.addi %mul3A_1073, %add3A_1074 : i32
        %shift_right_arithmetic3A_1076 = arith.constant 4 : i32
        %shift_right_arithmetic3A_1077 = arith.shrsi %add3A_1075, %shift_right_arithmetic3A_1076 : i32
        %mul3A_1078 = arith.constant 16 : i32
        %mul3A_1079 = arith.muli %shift_right_arithmetic3A_1077, %mul3A_1078 : i32
        %multiple_of3A_1080 = tpu.assume_multiple %mul3A_1079, 16 : i32
        %get3A_1081 = arith.index_cast %multiple_of3A_1080 : i32 to index
        %get3A_1082 = tpu.vector_load %arg10[%get3A_1081] {strides = array<i32>} : memref<272xi32, #tpu.memory_space<vmem>>, vector<16xi32>,
        %and3A_1083 = arith.constant 15 : i32
        %and3A_1084 = arith.andi %add3A_1075, %and3A_1083 : i32
        %eq3A_1085 = vector.broadcast %and3A_1084 : i32 to vector<16xi32>
        %eq3A_1086 = arith.cmpi eq, %iota3A, %eq3A_1085 : vector<16xi32>
        %jit3A_1087 = arith.constant 0 : i32
        %broadcast_in_dim3A_1088 = vector.broadcast %jit3A_1087 : i32 to vector<16xi32>
        %select_n3A_1089 = arith.select %eq3A_1086, %get3A_1082, %broadcast_in_dim3A_1088 : vector<16xi1>, vector<16xi32>
        %reduce_sum3A_1090 = arith.constant true
        %reduce_sum3A_1091 = vector.broadcast %reduce_sum3A_1090 : i1 to vector<16xi1>
        %reduce_sum3A_1092 = tpu.scan <sum>, %select_n3A_1089 masked %reduce_sum3A_1091 : vector<16xi32>, vector<16xi1> -> vector<16xi32>
        %reduce_sum3A_1093 = vector.extract %reduce_sum3A_1092[15] : i32 from vector<16xi32>
        %jit3A_1094 = arith.constant 0 : i32
        %jit3A_1095 = arith.constant 255 : i32
        %max3A_1096 = arith.maxsi %jit3A_1094, %reduce_sum3A_1093 : i32
        %min3A_1097 = arith.minsi %jit3A_1095, %max3A_1096 : i32
        %add3A_1098 = arith.addi %mul3A_2, %min3A_1097 : i32
        %min3A_1099 = arith.constant 7812 : i32
        %min3A_1100 = arith.minsi %add3A_1098, %min3A_1099 : i32
        %mul3A_1101 = arith.constant 128 : i32
        %mul3A_1102 = arith.muli %min3A_1100, %mul3A_1101 : i32
        %multiple_of3A_1103 = tpu.assume_multiple %mul3A_1102, 128 : i32
        %and3A_1104 = arith.constant 1 : i32
        %and3A_1105 = arith.andi %add3A_1071, %and3A_1104 : i32
        %mul3A_1106 = arith.constant 8 : i32
        %mul3A_1107 = arith.muli %and3A_1105, %mul3A_1106 : i32
        %add3A_1108 = arith.constant 2 : i32
        %add3A_1109 = arith.addi %mul3A_1107, %add3A_1108 : i32
        %dma_start3A_1110 = arith.constant 0 : i32
        %dma_start3A_1111 = arith.constant 0 : i32
        %dma_start3A_1112 = tpu.memref_slice %arg11[%add3A_1109, %dma_start3A_1110, %dma_start3A_1111] : memref<16x32x128xf32, #tpu.memory_space<vmem>> -> memref<1x32x128xf32, #tpu.memory_space<vmem>>
        %dma_start3A_1113 = tpu.memref_squeeze %dma_start3A_1112 : memref<1x32x128xf32, #tpu.memory_space<vmem>> -> memref<32x128xf32, #tpu.memory_space<vmem>>
        %dma_start3A_1114 = arith.constant 0 : i32
        %dma_start3A_1115 = tpu.memref_slice %arg3[%dma_start3A_1114, %multiple_of3A_1103] : memref<32x1000000xf32, #tpu.memory_space<hbm>> -> memref<32x128xf32, #tpu.memory_space<hbm>>
        %dma_start3A_1116 = tpu.memref_slice %arg13[%add3A_1109] : memref<16x!tpu.dma_semaphore, #tpu.memory_space<semaphore_mem>> -> memref<1x!tpu.dma_semaphore, #tpu.memory_space<semaphore_mem>>
        %dma_start3A_1117 = tpu.memref_squeeze %dma_start3A_1116 : memref<1x!tpu.dma_semaphore, #tpu.memory_space<semaphore_mem>> -> memref<!tpu.dma_semaphore, #tpu.memory_space<semaphore_mem>>
        %dma_start3A_1118 = arith.constant 0 : i32
        %dma_start3A_1119 = arith.constant 0 : i32
        %dma_start3A_1120 = tpu.memref_slice %arg11[%add3A_1109, %dma_start3A_1118, %dma_start3A_1119] : memref<16x32x128xf32, #tpu.memory_space<vmem>> -> memref<1x32x128xf32, #tpu.memory_space<vmem>>
        %dma_start3A_1121 = tpu.memref_squeeze %dma_start3A_1120 : memref<1x32x128xf32, #tpu.memory_space<vmem>> -> memref<32x128xf32, #tpu.memory_space<vmem>>
        %dma_start3A_1122 = arith.constant 0 : i32
        %dma_start3A_1123 = tpu.memref_slice %arg3[%dma_start3A_1122, %multiple_of3A_1103] : memref<32x1000000xf32, #tpu.memory_space<hbm>> -> memref<32x128xf32, #tpu.memory_space<hbm>>
        tpu.enqueue_dma source(%dma_start3A_1123 : memref<32x128xf32, #tpu.memory_space<hbm>>) target(%dma_start3A_1121 : memref<32x128xf32, #tpu.memory_space<vmem>>) target_semaphore(%dma_start3A_1117 : memref<!tpu.dma_semaphore, #tpu.memory_space<semaphore_mem>>)
        %add3A_1124 = arith.constant 2 : i32
        %add3A_1125 = arith.addi %while3A_752, %add3A_1124 : i32
        %mul3A_1126 = arith.constant 8 : i32
        %mul3A_1127 = arith.muli %add3A_1125, %mul3A_1126 : i32
        %add3A_1128 = arith.constant 3 : i32
        %add3A_1129 = arith.addi %mul3A_1127, %add3A_1128 : i32
        %shift_right_arithmetic3A_1130 = arith.constant 4 : i32
        %shift_right_arithmetic3A_1131 = arith.shrsi %add3A_1129, %shift_right_arithmetic3A_1130 : i32
        %mul3A_1132 = arith.constant 16 : i32
        %mul3A_1133 = arith.muli %shift_right_arithmetic3A_1131, %mul3A_1132 : i32
        %multiple_of3A_1134 = tpu.assume_multiple %mul3A_1133, 16 : i32
        %get3A_1135 = arith.index_cast %multiple_of3A_1134 : i32 to index
        %get3A_1136 = tpu.vector_load %arg10[%get3A_1135] {strides = array<i32>} : memref<272xi32, #tpu.memory_space<vmem>>, vector<16xi32>,
        %and3A_1137 = arith.constant 15 : i32
        %and3A_1138 = arith.andi %add3A_1129, %and3A_1137 : i32
        %eq3A_1139 = vector.broadcast %and3A_1138 : i32 to vector<16xi32>
        %eq3A_1140 = arith.cmpi eq, %iota3A, %eq3A_1139 : vector<16xi32>
        %jit3A_1141 = arith.constant 0 : i32
        %broadcast_in_dim3A_1142 = vector.broadcast %jit3A_1141 : i32 to vector<16xi32>
        %select_n3A_1143 = arith.select %eq3A_1140, %get3A_1136, %broadcast_in_dim3A_1142 : vector<16xi1>, vector<16xi32>
        %reduce_sum3A_1144 = arith.constant true
        %reduce_sum3A_1145 = vector.broadcast %reduce_sum3A_1144 : i1 to vector<16xi1>
        %reduce_sum3A_1146 = tpu.scan <sum>, %select_n3A_1143 masked %reduce_sum3A_1145 : vector<16xi32>, vector<16xi1> -> vector<16xi32>
        %reduce_sum3A_1147 = vector.extract %reduce_sum3A_1146[15] : i32 from vector<16xi32>
        %jit3A_1148 = arith.constant 0 : i32
        %jit3A_1149 = arith.constant 255 : i32
        %max3A_1150 = arith.maxsi %jit3A_1148, %reduce_sum3A_1147 : i32
        %min3A_1151 = arith.minsi %jit3A_1149, %max3A_1150 : i32
        %add3A_1152 = arith.addi %mul3A_2, %min3A_1151 : i32
        %min3A_1153 = arith.constant 7812 : i32
        %min3A_1154 = arith.minsi %add3A_1152, %min3A_1153 : i32
        %mul3A_1155 = arith.constant 128 : i32
        %mul3A_1156 = arith.muli %min3A_1154, %mul3A_1155 : i32
        %multiple_of3A_1157 = tpu.assume_multiple %mul3A_1156, 128 : i32
        %and3A_1158 = arith.constant 1 : i32
        %and3A_1159 = arith.andi %add3A_1125, %and3A_1158 : i32
        %mul3A_1160 = arith.constant 8 : i32
        %mul3A_1161 = arith.muli %and3A_1159, %mul3A_1160 : i32
        %add3A_1162 = arith.constant 3 : i32
        %add3A_1163 = arith.addi %mul3A_1161, %add3A_1162 : i32
        %dma_start3A_1164 = arith.constant 0 : i32
        %dma_start3A_1165 = arith.constant 0 : i32
        %dma_start3A_1166 = tpu.memref_slice %arg11[%add3A_1163, %dma_start3A_1164, %dma_start3A_1165] : memref<16x32x128xf32, #tpu.memory_space<vmem>> -> memref<1x32x128xf32, #tpu.memory_space<vmem>>
        %dma_start3A_1167 = tpu.memref_squeeze %dma_start3A_1166 : memref<1x32x128xf32, #tpu.memory_space<vmem>> -> memref<32x128xf32, #tpu.memory_space<vmem>>
        %dma_start3A_1168 = arith.constant 0 : i32
        %dma_start3A_1169 = tpu.memref_slice %arg3[%dma_start3A_1168, %multiple_of3A_1157] : memref<32x1000000xf32, #tpu.memory_space<hbm>> -> memref<32x128xf32, #tpu.memory_space<hbm>>
        %dma_start3A_1170 = tpu.memref_slice %arg13[%add3A_1163] : memref<16x!tpu.dma_semaphore, #tpu.memory_space<semaphore_mem>> -> memref<1x!tpu.dma_semaphore, #tpu.memory_space<semaphore_mem>>
        %dma_start3A_1171 = tpu.memref_squeeze %dma_start3A_1170 : memref<1x!tpu.dma_semaphore, #tpu.memory_space<semaphore_mem>> -> memref<!tpu.dma_semaphore, #tpu.memory_space<semaphore_mem>>
        %dma_start3A_1172 = arith.constant 0 : i32
        %dma_start3A_1173 = arith.constant 0 : i32
        %dma_start3A_1174 = tpu.memref_slice %arg11[%add3A_1163, %dma_start3A_1172, %dma_start3A_1173] : memref<16x32x128xf32, #tpu.memory_space<vmem>> -> memref<1x32x128xf32, #tpu.memory_space<vmem>>
        %dma_start3A_1175 = tpu.memref_squeeze %dma_start3A_1174 : memref<1x32x128xf32, #tpu.memory_space<vmem>> -> memref<32x128xf32, #tpu.memory_space<vmem>>
        %dma_start3A_1176 = arith.constant 0 : i32
        %dma_start3A_1177 = tpu.memref_slice %arg3[%dma_start3A_1176, %multiple_of3A_1157] : memref<32x1000000xf32, #tpu.memory_space<hbm>> -> memref<32x128xf32, #tpu.memory_space<hbm>>
        tpu.enqueue_dma source(%dma_start3A_1177 : memref<32x128xf32, #tpu.memory_space<hbm>>) target(%dma_start3A_1175 : memref<32x128xf32, #tpu.memory_space<vmem>>) target_semaphore(%dma_start3A_1171 : memref<!tpu.dma_semaphore, #tpu.memory_space<semaphore_mem>>)
        %add3A_1178 = arith.constant 2 : i32
        %add3A_1179 = arith.addi %while3A_752, %add3A_1178 : i32
        %mul3A_1180 = arith.constant 8 : i32
        %mul3A_1181 = arith.muli %add3A_1179, %mul3A_1180 : i32
        %add3A_1182 = arith.constant 4 : i32
        %add3A_1183 = arith.addi %mul3A_1181, %add3A_1182 : i32
        %shift_right_arithmetic3A_1184 = arith.constant 4 : i32
        %shift_right_arithmetic3A_1185 = arith.shrsi %add3A_1183, %shift_right_arithmetic3A_1184 : i32
        %mul3A_1186 = arith.constant 16 : i32
        %mul3A_1187 = arith.muli %shift_right_arithmetic3A_1185, %mul3A_1186 : i32
        %multiple_of3A_1188 = tpu.assume_multiple %mul3A_1187, 16 : i32
        %get3A_1189 = arith.index_cast %multiple_of3A_1188 : i32 to index
        %get3A_1190 = tpu.vector_load %arg10[%get3A_1189] {strides = array<i32>} : memref<272xi32, #tpu.memory_space<vmem>>, vector<16xi32>,
        %and3A_1191 = arith.constant 15 : i32
        %and3A_1192 = arith.andi %add3A_1183, %and3A_1191 : i32
        %eq3A_1193 = vector.broadcast %and3A_1192 : i32 to vector<16xi32>
        %eq3A_1194 = arith.cmpi eq, %iota3A, %eq3A_1193 : vector<16xi32>
        %jit3A_1195 = arith.constant 0 : i32
        %broadcast_in_dim3A_1196 = vector.broadcast %jit3A_1195 : i32 to vector<16xi32>
        %select_n3A_1197 = arith.select %eq3A_1194, %get3A_1190, %broadcast_in_dim3A_1196 : vector<16xi1>, vector<16xi32>
        %reduce_sum3A_1198 = arith.constant true
        %reduce_sum3A_1199 = vector.broadcast %reduce_sum3A_1198 : i1 to vector<16xi1>
        %reduce_sum3A_1200 = tpu.scan <sum>, %select_n3A_1197 masked %reduce_sum3A_1199 : vector<16xi32>, vector<16xi1> -> vector<16xi32>
        %reduce_sum3A_1201 = vector.extract %reduce_sum3A_1200[15] : i32 from vector<16xi32>
        %jit3A_1202 = arith.constant 0 : i32
        %jit3A_1203 = arith.constant 255 : i32
        %max3A_1204 = arith.maxsi %jit3A_1202, %reduce_sum3A_1201 : i32
        %min3A_1205 = arith.minsi %jit3A_1203, %max3A_1204 : i32
        %add3A_1206 = arith.addi %mul3A_2, %min3A_1205 : i32
        %min3A_1207 = arith.constant 7812 : i32
        %min3A_1208 = arith.minsi %add3A_1206, %min3A_1207 : i32
        %mul3A_1209 = arith.constant 128 : i32
        %mul3A_1210 = arith.muli %min3A_1208, %mul3A_1209 : i32
        %multiple_of3A_1211 = tpu.assume_multiple %mul3A_1210, 128 : i32
        %and3A_1212 = arith.constant 1 : i32
        %and3A_1213 = arith.andi %add3A_1179, %and3A_1212 : i32
        %mul3A_1214 = arith.constant 8 : i32
        %mul3A_1215 = arith.muli %and3A_1213, %mul3A_1214 : i32
        %add3A_1216 = arith.constant 4 : i32
        %add3A_1217 = arith.addi %mul3A_1215, %add3A_1216 : i32
        %dma_start3A_1218 = arith.constant 0 : i32
        %dma_start3A_1219 = arith.constant 0 : i32
        %dma_start3A_1220 = tpu.memref_slice %arg11[%add3A_1217, %dma_start3A_1218, %dma_start3A_1219] : memref<16x32x128xf32, #tpu.memory_space<vmem>> -> memref<1x32x128xf32, #tpu.memory_space<vmem>>
        %dma_start3A_1221 = tpu.memref_squeeze %dma_start3A_1220 : memref<1x32x128xf32, #tpu.memory_space<vmem>> -> memref<32x128xf32, #tpu.memory_space<vmem>>
        %dma_start3A_1222 = arith.constant 0 : i32
        %dma_start3A_1223 = tpu.memref_slice %arg3[%dma_start3A_1222, %multiple_of3A_1211] : memref<32x1000000xf32, #tpu.memory_space<hbm>> -> memref<32x128xf32, #tpu.memory_space<hbm>>
        %dma_start3A_1224 = tpu.memref_slice %arg13[%add3A_1217] : memref<16x!tpu.dma_semaphore, #tpu.memory_space<semaphore_mem>> -> memref<1x!tpu.dma_semaphore, #tpu.memory_space<semaphore_mem>>
        %dma_start3A_1225 = tpu.memref_squeeze %dma_start3A_1224 : memref<1x!tpu.dma_semaphore, #tpu.memory_space<semaphore_mem>> -> memref<!tpu.dma_semaphore, #tpu.memory_space<semaphore_mem>>
        %dma_start3A_1226 = arith.constant 0 : i32
        %dma_start3A_1227 = arith.constant 0 : i32
        %dma_start3A_1228 = tpu.memref_slice %arg11[%add3A_1217, %dma_start3A_1226, %dma_start3A_1227] : memref<16x32x128xf32, #tpu.memory_space<vmem>> -> memref<1x32x128xf32, #tpu.memory_space<vmem>>
        %dma_start3A_1229 = tpu.memref_squeeze %dma_start3A_1228 : memref<1x32x128xf32, #tpu.memory_space<vmem>> -> memref<32x128xf32, #tpu.memory_space<vmem>>
        %dma_start3A_1230 = arith.constant 0 : i32
        %dma_start3A_1231 = tpu.memref_slice %arg3[%dma_start3A_1230, %multiple_of3A_1211] : memref<32x1000000xf32, #tpu.memory_space<hbm>> -> memref<32x128xf32, #tpu.memory_space<hbm>>
        tpu.enqueue_dma source(%dma_start3A_1231 : memref<32x128xf32, #tpu.memory_space<hbm>>) target(%dma_start3A_1229 : memref<32x128xf32, #tpu.memory_space<vmem>>) target_semaphore(%dma_start3A_1225 : memref<!tpu.dma_semaphore, #tpu.memory_space<semaphore_mem>>)
        %add3A_1232 = arith.constant 2 : i32
        %add3A_1233 = arith.addi %while3A_752, %add3A_1232 : i32
        %mul3A_1234 = arith.constant 8 : i32
        %mul3A_1235 = arith.muli %add3A_1233, %mul3A_1234 : i32
        %add3A_1236 = arith.constant 5 : i32
        %add3A_1237 = arith.addi %mul3A_1235, %add3A_1236 : i32
        %shift_right_arithmetic3A_1238 = arith.constant 4 : i32
        %shift_right_arithmetic3A_1239 = arith.shrsi %add3A_1237, %shift_right_arithmetic3A_1238 : i32
        %mul3A_1240 = arith.constant 16 : i32
        %mul3A_1241 = arith.muli %shift_right_arithmetic3A_1239, %mul3A_1240 : i32
        %multiple_of3A_1242 = tpu.assume_multiple %mul3A_1241, 16 : i32
        %get3A_1243 = arith.index_cast %multiple_of3A_1242 : i32 to index
        %get3A_1244 = tpu.vector_load %arg10[%get3A_1243] {strides = array<i32>} : memref<272xi32, #tpu.memory_space<vmem>>, vector<16xi32>,
        %and3A_1245 = arith.constant 15 : i32
        %and3A_1246 = arith.andi %add3A_1237, %and3A_1245 : i32
        %eq3A_1247 = vector.broadcast %and3A_1246 : i32 to vector<16xi32>
        %eq3A_1248 = arith.cmpi eq, %iota3A, %eq3A_1247 : vector<16xi32>
        %jit3A_1249 = arith.constant 0 : i32
        %broadcast_in_dim3A_1250 = vector.broadcast %jit3A_1249 : i32 to vector<16xi32>
        %select_n3A_1251 = arith.select %eq3A_1248, %get3A_1244, %broadcast_in_dim3A_1250 : vector<16xi1>, vector<16xi32>
        %reduce_sum3A_1252 = arith.constant true
        %reduce_sum3A_1253 = vector.broadcast %reduce_sum3A_1252 : i1 to vector<16xi1>
        %reduce_sum3A_1254 = tpu.scan <sum>, %select_n3A_1251 masked %reduce_sum3A_1253 : vector<16xi32>, vector<16xi1> -> vector<16xi32>
        %reduce_sum3A_1255 = vector.extract %reduce_sum3A_1254[15] : i32 from vector<16xi32>
        %jit3A_1256 = arith.constant 0 : i32
        %jit3A_1257 = arith.constant 255 : i32
        %max3A_1258 = arith.maxsi %jit3A_1256, %reduce_sum3A_1255 : i32
        %min3A_1259 = arith.minsi %jit3A_1257, %max3A_1258 : i32
        %add3A_1260 = arith.addi %mul3A_2, %min3A_1259 : i32
        %min3A_1261 = arith.constant 7812 : i32
        %min3A_1262 = arith.minsi %add3A_1260, %min3A_1261 : i32
        %mul3A_1263 = arith.constant 128 : i32
        %mul3A_1264 = arith.muli %min3A_1262, %mul3A_1263 : i32
        %multiple_of3A_1265 = tpu.assume_multiple %mul3A_1264, 128 : i32
        %and3A_1266 = arith.constant 1 : i32
        %and3A_1267 = arith.andi %add3A_1233, %and3A_1266 : i32
        %mul3A_1268 = arith.constant 8 : i32
        %mul3A_1269 = arith.muli %and3A_1267, %mul3A_1268 : i32
        %add3A_1270 = arith.constant 5 : i32
        %add3A_1271 = arith.addi %mul3A_1269, %add3A_1270 : i32
        %dma_start3A_1272 = arith.constant 0 : i32
        %dma_start3A_1273 = arith.constant 0 : i32
        %dma_start3A_1274 = tpu.memref_slice %arg11[%add3A_1271, %dma_start3A_1272, %dma_start3A_1273] : memref<16x32x128xf32, #tpu.memory_space<vmem>> -> memref<1x32x128xf32, #tpu.memory_space<vmem>>
        %dma_start3A_1275 = tpu.memref_squeeze %dma_start3A_1274 : memref<1x32x128xf32, #tpu.memory_space<vmem>> -> memref<32x128xf32, #tpu.memory_space<vmem>>
        %dma_start3A_1276 = arith.constant 0 : i32
        %dma_start3A_1277 = tpu.memref_slice %arg3[%dma_start3A_1276, %multiple_of3A_1265] : memref<32x1000000xf32, #tpu.memory_space<hbm>> -> memref<32x128xf32, #tpu.memory_space<hbm>>
        %dma_start3A_1278 = tpu.memref_slice %arg13[%add3A_1271] : memref<16x!tpu.dma_semaphore, #tpu.memory_space<semaphore_mem>> -> memref<1x!tpu.dma_semaphore, #tpu.memory_space<semaphore_mem>>
        %dma_start3A_1279 = tpu.memref_squeeze %dma_start3A_1278 : memref<1x!tpu.dma_semaphore, #tpu.memory_space<semaphore_mem>> -> memref<!tpu.dma_semaphore, #tpu.memory_space<semaphore_mem>>
        %dma_start3A_1280 = arith.constant 0 : i32
        %dma_start3A_1281 = arith.constant 0 : i32
        %dma_start3A_1282 = tpu.memref_slice %arg11[%add3A_1271, %dma_start3A_1280, %dma_start3A_1281] : memref<16x32x128xf32, #tpu.memory_space<vmem>> -> memref<1x32x128xf32, #tpu.memory_space<vmem>>
        %dma_start3A_1283 = tpu.memref_squeeze %dma_start3A_1282 : memref<1x32x128xf32, #tpu.memory_space<vmem>> -> memref<32x128xf32, #tpu.memory_space<vmem>>
        %dma_start3A_1284 = arith.constant 0 : i32
        %dma_start3A_1285 = tpu.memref_slice %arg3[%dma_start3A_1284, %multiple_of3A_1265] : memref<32x1000000xf32, #tpu.memory_space<hbm>> -> memref<32x128xf32, #tpu.memory_space<hbm>>
        tpu.enqueue_dma source(%dma_start3A_1285 : memref<32x128xf32, #tpu.memory_space<hbm>>) target(%dma_start3A_1283 : memref<32x128xf32, #tpu.memory_space<vmem>>) target_semaphore(%dma_start3A_1279 : memref<!tpu.dma_semaphore, #tpu.memory_space<semaphore_mem>>)
        %add3A_1286 = arith.constant 2 : i32
        %add3A_1287 = arith.addi %while3A_752, %add3A_1286 : i32
        %mul3A_1288 = arith.constant 8 : i32
        %mul3A_1289 = arith.muli %add3A_1287, %mul3A_1288 : i32
        %add3A_1290 = arith.constant 6 : i32
        %add3A_1291 = arith.addi %mul3A_1289, %add3A_1290 : i32
        %shift_right_arithmetic3A_1292 = arith.constant 4 : i32
        %shift_right_arithmetic3A_1293 = arith.shrsi %add3A_1291, %shift_right_arithmetic3A_1292 : i32
        %mul3A_1294 = arith.constant 16 : i32
        %mul3A_1295 = arith.muli %shift_right_arithmetic3A_1293, %mul3A_1294 : i32
        %multiple_of3A_1296 = tpu.assume_multiple %mul3A_1295, 16 : i32
        %get3A_1297 = arith.index_cast %multiple_of3A_1296 : i32 to index
        %get3A_1298 = tpu.vector_load %arg10[%get3A_1297] {strides = array<i32>} : memref<272xi32, #tpu.memory_space<vmem>>, vector<16xi32>,
        %and3A_1299 = arith.constant 15 : i32
        %and3A_1300 = arith.andi %add3A_1291, %and3A_1299 : i32
        %eq3A_1301 = vector.broadcast %and3A_1300 : i32 to vector<16xi32>
        %eq3A_1302 = arith.cmpi eq, %iota3A, %eq3A_1301 : vector<16xi32>
        %jit3A_1303 = arith.constant 0 : i32
        %broadcast_in_dim3A_1304 = vector.broadcast %jit3A_1303 : i32 to vector<16xi32>
        %select_n3A_1305 = arith.select %eq3A_1302, %get3A_1298, %broadcast_in_dim3A_1304 : vector<16xi1>, vector<16xi32>
        %reduce_sum3A_1306 = arith.constant true
        %reduce_sum3A_1307 = vector.broadcast %reduce_sum3A_1306 : i1 to vector<16xi1>
        %reduce_sum3A_1308 = tpu.scan <sum>, %select_n3A_1305 masked %reduce_sum3A_1307 : vector<16xi32>, vector<16xi1> -> vector<16xi32>
        %reduce_sum3A_1309 = vector.extract %reduce_sum3A_1308[15] : i32 from vector<16xi32>
        %jit3A_1310 = arith.constant 0 : i32
        %jit3A_1311 = arith.constant 255 : i32
        %max3A_1312 = arith.maxsi %jit3A_1310, %reduce_sum3A_1309 : i32
        %min3A_1313 = arith.minsi %jit3A_1311, %max3A_1312 : i32
        %add3A_1314 = arith.addi %mul3A_2, %min3A_1313 : i32
        %min3A_1315 = arith.constant 7812 : i32
        %min3A_1316 = arith.minsi %add3A_1314, %min3A_1315 : i32
        %mul3A_1317 = arith.constant 128 : i32
        %mul3A_1318 = arith.muli %min3A_1316, %mul3A_1317 : i32
        %multiple_of3A_1319 = tpu.assume_multiple %mul3A_1318, 128 : i32
        %and3A_1320 = arith.constant 1 : i32
        %and3A_1321 = arith.andi %add3A_1287, %and3A_1320 : i32
        %mul3A_1322 = arith.constant 8 : i32
        %mul3A_1323 = arith.muli %and3A_1321, %mul3A_1322 : i32
        %add3A_1324 = arith.constant 6 : i32
        %add3A_1325 = arith.addi %mul3A_1323, %add3A_1324 : i32
        %dma_start3A_1326 = arith.constant 0 : i32
        %dma_start3A_1327 = arith.constant 0 : i32
        %dma_start3A_1328 = tpu.memref_slice %arg11[%add3A_1325, %dma_start3A_1326, %dma_start3A_1327] : memref<16x32x128xf32, #tpu.memory_space<vmem>> -> memref<1x32x128xf32, #tpu.memory_space<vmem>>
        %dma_start3A_1329 = tpu.memref_squeeze %dma_start3A_1328 : memref<1x32x128xf32, #tpu.memory_space<vmem>> -> memref<32x128xf32, #tpu.memory_space<vmem>>
        %dma_start3A_1330 = arith.constant 0 : i32
        %dma_start3A_1331 = tpu.memref_slice %arg3[%dma_start3A_1330, %multiple_of3A_1319] : memref<32x1000000xf32, #tpu.memory_space<hbm>> -> memref<32x128xf32, #tpu.memory_space<hbm>>
        %dma_start3A_1332 = tpu.memref_slice %arg13[%add3A_1325] : memref<16x!tpu.dma_semaphore, #tpu.memory_space<semaphore_mem>> -> memref<1x!tpu.dma_semaphore, #tpu.memory_space<semaphore_mem>>
        %dma_start3A_1333 = tpu.memref_squeeze %dma_start3A_1332 : memref<1x!tpu.dma_semaphore, #tpu.memory_space<semaphore_mem>> -> memref<!tpu.dma_semaphore, #tpu.memory_space<semaphore_mem>>
        %dma_start3A_1334 = arith.constant 0 : i32
        %dma_start3A_1335 = arith.constant 0 : i32
        %dma_start3A_1336 = tpu.memref_slice %arg11[%add3A_1325, %dma_start3A_1334, %dma_start3A_1335] : memref<16x32x128xf32, #tpu.memory_space<vmem>> -> memref<1x32x128xf32, #tpu.memory_space<vmem>>
        %dma_start3A_1337 = tpu.memref_squeeze %dma_start3A_1336 : memref<1x32x128xf32, #tpu.memory_space<vmem>> -> memref<32x128xf32, #tpu.memory_space<vmem>>
        %dma_start3A_1338 = arith.constant 0 : i32
        %dma_start3A_1339 = tpu.memref_slice %arg3[%dma_start3A_1338, %multiple_of3A_1319] : memref<32x1000000xf32, #tpu.memory_space<hbm>> -> memref<32x128xf32, #tpu.memory_space<hbm>>
        tpu.enqueue_dma source(%dma_start3A_1339 : memref<32x128xf32, #tpu.memory_space<hbm>>) target(%dma_start3A_1337 : memref<32x128xf32, #tpu.memory_space<vmem>>) target_semaphore(%dma_start3A_1333 : memref<!tpu.dma_semaphore, #tpu.memory_space<semaphore_mem>>)
        %add3A_1340 = arith.constant 2 : i32
        %add3A_1341 = arith.addi %while3A_752, %add3A_1340 : i32
        %mul3A_1342 = arith.constant 8 : i32
        %mul3A_1343 = arith.muli %add3A_1341, %mul3A_1342 : i32
        %add3A_1344 = arith.constant 7 : i32
        %add3A_1345 = arith.addi %mul3A_1343, %add3A_1344 : i32
        %shift_right_arithmetic3A_1346 = arith.constant 4 : i32
        %shift_right_arithmetic3A_1347 = arith.shrsi %add3A_1345, %shift_right_arithmetic3A_1346 : i32
        %mul3A_1348 = arith.constant 16 : i32
        %mul3A_1349 = arith.muli %shift_right_arithmetic3A_1347, %mul3A_1348 : i32
        %multiple_of3A_1350 = tpu.assume_multiple %mul3A_1349, 16 : i32
        %get3A_1351 = arith.index_cast %multiple_of3A_1350 : i32 to index
        %get3A_1352 = tpu.vector_load %arg10[%get3A_1351] {strides = array<i32>} : memref<272xi32, #tpu.memory_space<vmem>>, vector<16xi32>,
        %and3A_1353 = arith.constant 15 : i32
        %and3A_1354 = arith.andi %add3A_1345, %and3A_1353 : i32
        %eq3A_1355 = vector.broadcast %and3A_1354 : i32 to vector<16xi32>
        %eq3A_1356 = arith.cmpi eq, %iota3A, %eq3A_1355 : vector<16xi32>
        %jit3A_1357 = arith.constant 0 : i32
        %broadcast_in_dim3A_1358 = vector.broadcast %jit3A_1357 : i32 to vector<16xi32>
        %select_n3A_1359 = arith.select %eq3A_1356, %get3A_1352, %broadcast_in_dim3A_1358 : vector<16xi1>, vector<16xi32>
        %reduce_sum3A_1360 = arith.constant true
        %reduce_sum3A_1361 = vector.broadcast %reduce_sum3A_1360 : i1 to vector<16xi1>
        %reduce_sum3A_1362 = tpu.scan <sum>, %select_n3A_1359 masked %reduce_sum3A_1361 : vector<16xi32>, vector<16xi1> -> vector<16xi32>
        %reduce_sum3A_1363 = vector.extract %reduce_sum3A_1362[15] : i32 from vector<16xi32>
        %jit3A_1364 = arith.constant 0 : i32
        %jit3A_1365 = arith.constant 255 : i32
        %max3A_1366 = arith.maxsi %jit3A_1364, %reduce_sum3A_1363 : i32
        %min3A_1367 = arith.minsi %jit3A_1365, %max3A_1366 : i32
        %add3A_1368 = arith.addi %mul3A_2, %min3A_1367 : i32
        %min3A_1369 = arith.constant 7812 : i32
        %min3A_1370 = arith.minsi %add3A_1368, %min3A_1369 : i32
        %mul3A_1371 = arith.constant 128 : i32
        %mul3A_1372 = arith.muli %min3A_1370, %mul3A_1371 : i32
        %multiple_of3A_1373 = tpu.assume_multiple %mul3A_1372, 128 : i32
        %and3A_1374 = arith.constant 1 : i32
        %and3A_1375 = arith.andi %add3A_1341, %and3A_1374 : i32
        %mul3A_1376 = arith.constant 8 : i32
        %mul3A_1377 = arith.muli %and3A_1375, %mul3A_1376 : i32
        %add3A_1378 = arith.constant 7 : i32
        %add3A_1379 = arith.addi %mul3A_1377, %add3A_1378 : i32
        %dma_start3A_1380 = arith.constant 0 : i32
        %dma_start3A_1381 = arith.constant 0 : i32
        %dma_start3A_1382 = tpu.memref_slice %arg11[%add3A_1379, %dma_start3A_1380, %dma_start3A_1381] : memref<16x32x128xf32, #tpu.memory_space<vmem>> -> memref<1x32x128xf32, #tpu.memory_space<vmem>>
        %dma_start3A_1383 = tpu.memref_squeeze %dma_start3A_1382 : memref<1x32x128xf32, #tpu.memory_space<vmem>> -> memref<32x128xf32, #tpu.memory_space<vmem>>
        %dma_start3A_1384 = arith.constant 0 : i32
        %dma_start3A_1385 = tpu.memref_slice %arg3[%dma_start3A_1384, %multiple_of3A_1373] : memref<32x1000000xf32, #tpu.memory_space<hbm>> -> memref<32x128xf32, #tpu.memory_space<hbm>>
        %dma_start3A_1386 = tpu.memref_slice %arg13[%add3A_1379] : memref<16x!tpu.dma_semaphore, #tpu.memory_space<semaphore_mem>> -> memref<1x!tpu.dma_semaphore, #tpu.memory_space<semaphore_mem>>
        %dma_start3A_1387 = tpu.memref_squeeze %dma_start3A_1386 : memref<1x!tpu.dma_semaphore, #tpu.memory_space<semaphore_mem>> -> memref<!tpu.dma_semaphore, #tpu.memory_space<semaphore_mem>>
        %dma_start3A_1388 = arith.constant 0 : i32
        %dma_start3A_1389 = arith.constant 0 : i32
        %dma_start3A_1390 = tpu.memref_slice %arg11[%add3A_1379, %dma_start3A_1388, %dma_start3A_1389] : memref<16x32x128xf32, #tpu.memory_space<vmem>> -> memref<1x32x128xf32, #tpu.memory_space<vmem>>
        %dma_start3A_1391 = tpu.memref_squeeze %dma_start3A_1390 : memref<1x32x128xf32, #tpu.memory_space<vmem>> -> memref<32x128xf32, #tpu.memory_space<vmem>>
        %dma_start3A_1392 = arith.constant 0 : i32
        %dma_start3A_1393 = tpu.memref_slice %arg3[%dma_start3A_1392, %multiple_of3A_1373] : memref<32x1000000xf32, #tpu.memory_space<hbm>> -> memref<32x128xf32, #tpu.memory_space<hbm>>
        tpu.enqueue_dma source(%dma_start3A_1393 : memref<32x128xf32, #tpu.memory_space<hbm>>) target(%dma_start3A_1391 : memref<32x128xf32, #tpu.memory_space<vmem>>) target_semaphore(%dma_start3A_1387 : memref<!tpu.dma_semaphore, #tpu.memory_space<semaphore_mem>>)
      } else {
      }
      scf.yield %while3A_956 : i32
    }
    %gt3A = arith.constant 0 : i32
    %gt3A_715 = arith.cmpi sgt, %while3A_714, %gt3A : i32
    %convert_element_type3A = arith.extui %gt3A_715 : i1 to i32
    %cond3A = arith.constant 0 : i32
    %cond3A_716 = arith.cmpi ne, %convert_element_type3A, %cond3A : i32
    scf.if %cond3A_716 {
      %dma_wait3A = arith.constant 0 : i32
      %dma_wait3A_752 = arith.constant 0 : i32
      %dma_wait3A_753 = tpu.memref_slice %arg12[%dma_wait3A_752] : memref<256xf32, #tpu.memory_space<vmem>> -> memref<32xf32, #tpu.memory_space<vmem>>
      %dma_wait3A_754 = arith.constant 0 : i32
      %dma_wait3A_755 = tpu.memref_slice %arg4[%dma_wait3A_754] : memref<524288xf32, #tpu.memory_space<hbm>> -> memref<32xf32, #tpu.memory_space<hbm>>
      %dma_wait3A_756 = tpu.memref_slice %arg14[%dma_wait3A] : memref<8x!tpu.dma_semaphore, #tpu.memory_space<semaphore_mem>> -> memref<1x!tpu.dma_semaphore, #tpu.memory_space<semaphore_mem>>
      %dma_wait3A_757 = tpu.memref_squeeze %dma_wait3A_756 : memref<1x!tpu.dma_semaphore, #tpu.memory_space<semaphore_mem>> -> memref<!tpu.dma_semaphore, #tpu.memory_space<semaphore_mem>>
      %dma_wait3A_758 = arith.constant 0 : i32
      %dma_wait3A_759 = tpu.memref_slice %arg4[%dma_wait3A_758] : memref<524288xf32, #tpu.memory_space<hbm>> -> memref<32xf32, #tpu.memory_space<hbm>>
      %dma_wait3A_760 = arith.constant 0 : i32
      %dma_wait3A_761 = tpu.memref_slice %arg12[%dma_wait3A_760] : memref<256xf32, #tpu.memory_space<vmem>> -> memref<32xf32, #tpu.memory_space<vmem>>
      tpu.wait_dma2 semaphore(%dma_wait3A_757 : memref<!tpu.dma_semaphore, #tpu.memory_space<semaphore_mem>>) src(%dma_wait3A_761 : memref<32xf32, #tpu.memory_space<vmem>>) dst(%dma_wait3A_759 : memref<32xf32, #tpu.memory_space<hbm>>)
    } else {
    }
    %gt3A_717 = arith.constant 1 : i32
    %gt3A_718 = arith.cmpi sgt, %while3A_714, %gt3A_717 : i32
    %convert_element_type3A_719 = arith.extui %gt3A_718 : i1 to i32
    %cond3A_720 = arith.constant 0 : i32
    %cond3A_721 = arith.cmpi ne, %convert_element_type3A_719, %cond3A_720 : i32
    scf.if %cond3A_721 {
      %dma_wait3A = arith.constant 1 : i32
      %dma_wait3A_752 = arith.constant 0 : i32
      %dma_wait3A_753 = tpu.memref_slice %arg12[%dma_wait3A_752] : memref<256xf32, #tpu.memory_space<vmem>> -> memref<32xf32, #tpu.memory_space<vmem>>
      %dma_wait3A_754 = arith.constant 0 : i32
      %dma_wait3A_755 = tpu.memref_slice %arg4[%dma_wait3A_754] : memref<524288xf32, #tpu.memory_space<hbm>> -> memref<32xf32, #tpu.memory_space<hbm>>
      %dma_wait3A_756 = tpu.memref_slice %arg14[%dma_wait3A] : memref<8x!tpu.dma_semaphore, #tpu.memory_space<semaphore_mem>> -> memref<1x!tpu.dma_semaphore, #tpu.memory_space<semaphore_mem>>
      %dma_wait3A_757 = tpu.memref_squeeze %dma_wait3A_756 : memref<1x!tpu.dma_semaphore, #tpu.memory_space<semaphore_mem>> -> memref<!tpu.dma_semaphore, #tpu.memory_space<semaphore_mem>>
      %dma_wait3A_758 = arith.constant 0 : i32
      %dma_wait3A_759 = tpu.memref_slice %arg4[%dma_wait3A_758] : memref<524288xf32, #tpu.memory_space<hbm>> -> memref<32xf32, #tpu.memory_space<hbm>>
      %dma_wait3A_760 = arith.constant 0 : i32
      %dma_wait3A_761 = tpu.memref_slice %arg12[%dma_wait3A_760] : memref<256xf32, #tpu.memory_space<vmem>> -> memref<32xf32, #tpu.memory_space<vmem>>
      tpu.wait_dma2 semaphore(%dma_wait3A_757 : memref<!tpu.dma_semaphore, #tpu.memory_space<semaphore_mem>>) src(%dma_wait3A_761 : memref<32xf32, #tpu.memory_space<vmem>>) dst(%dma_wait3A_759 : memref<32xf32, #tpu.memory_space<hbm>>)
    } else {
    }
    %gt3A_722 = arith.constant 2 : i32
    %gt3A_723 = arith.cmpi sgt, %while3A_714, %gt3A_722 : i32
    %convert_element_type3A_724 = arith.extui %gt3A_723 : i1 to i32
    %cond3A_725 = arith.constant 0 : i32
    %cond3A_726 = arith.cmpi ne, %convert_element_type3A_724, %cond3A_725 : i32
    scf.if %cond3A_726 {
      %dma_wait3A = arith.constant 2 : i32
      %dma_wait3A_752 = arith.constant 0 : i32
      %dma_wait3A_753 = tpu.memref_slice %arg12[%dma_wait3A_752] : memref<256xf32, #tpu.memory_space<vmem>> -> memref<32xf32, #tpu.memory_space<vmem>>
      %dma_wait3A_754 = arith.constant 0 : i32
      %dma_wait3A_755 = tpu.memref_slice %arg4[%dma_wait3A_754] : memref<524288xf32, #tpu.memory_space<hbm>> -> memref<32xf32, #tpu.memory_space<hbm>>
      %dma_wait3A_756 = tpu.memref_slice %arg14[%dma_wait3A] : memref<8x!tpu.dma_semaphore, #tpu.memory_space<semaphore_mem>> -> memref<1x!tpu.dma_semaphore, #tpu.memory_space<semaphore_mem>>
      %dma_wait3A_757 = tpu.memref_squeeze %dma_wait3A_756 : memref<1x!tpu.dma_semaphore, #tpu.memory_space<semaphore_mem>> -> memref<!tpu.dma_semaphore, #tpu.memory_space<semaphore_mem>>
      %dma_wait3A_758 = arith.constant 0 : i32
      %dma_wait3A_759 = tpu.memref_slice %arg4[%dma_wait3A_758] : memref<524288xf32, #tpu.memory_space<hbm>> -> memref<32xf32, #tpu.memory_space<hbm>>
      %dma_wait3A_760 = arith.constant 0 : i32
      %dma_wait3A_761 = tpu.memref_slice %arg12[%dma_wait3A_760] : memref<256xf32, #tpu.memory_space<vmem>> -> memref<32xf32, #tpu.memory_space<vmem>>
      tpu.wait_dma2 semaphore(%dma_wait3A_757 : memref<!tpu.dma_semaphore, #tpu.memory_space<semaphore_mem>>) src(%dma_wait3A_761 : memref<32xf32, #tpu.memory_space<vmem>>) dst(%dma_wait3A_759 : memref<32xf32, #tpu.memory_space<hbm>>)
    } else {
    }
    %gt3A_727 = arith.constant 3 : i32
    %gt3A_728 = arith.cmpi sgt, %while3A_714, %gt3A_727 : i32
    %convert_element_type3A_729 = arith.extui %gt3A_728 : i1 to i32
    %cond3A_730 = arith.constant 0 : i32
    %cond3A_731 = arith.cmpi ne, %convert_element_type3A_729, %cond3A_730 : i32
    scf.if %cond3A_731 {
      %dma_wait3A = arith.constant 3 : i32
      %dma_wait3A_752 = arith.constant 0 : i32
      %dma_wait3A_753 = tpu.memref_slice %arg12[%dma_wait3A_752] : memref<256xf32, #tpu.memory_space<vmem>> -> memref<32xf32, #tpu.memory_space<vmem>>
      %dma_wait3A_754 = arith.constant 0 : i32
      %dma_wait3A_755 = tpu.memref_slice %arg4[%dma_wait3A_754] : memref<524288xf32, #tpu.memory_space<hbm>> -> memref<32xf32, #tpu.memory_space<hbm>>
      %dma_wait3A_756 = tpu.memref_slice %arg14[%dma_wait3A] : memref<8x!tpu.dma_semaphore, #tpu.memory_space<semaphore_mem>> -> memref<1x!tpu.dma_semaphore, #tpu.memory_space<semaphore_mem>>
      %dma_wait3A_757 = tpu.memref_squeeze %dma_wait3A_756 : memref<1x!tpu.dma_semaphore, #tpu.memory_space<semaphore_mem>> -> memref<!tpu.dma_semaphore, #tpu.memory_space<semaphore_mem>>
      %dma_wait3A_758 = arith.constant 0 : i32
      %dma_wait3A_759 = tpu.memref_slice %arg4[%dma_wait3A_758] : memref<524288xf32, #tpu.memory_space<hbm>> -> memref<32xf32, #tpu.memory_space<hbm>>
      %dma_wait3A_760 = arith.constant 0 : i32
      %dma_wait3A_761 = tpu.memref_slice %arg12[%dma_wait3A_760] : memref<256xf32, #tpu.memory_space<vmem>> -> memref<32xf32, #tpu.memory_space<vmem>>
      tpu.wait_dma2 semaphore(%dma_wait3A_757 : memref<!tpu.dma_semaphore, #tpu.memory_space<semaphore_mem>>) src(%dma_wait3A_761 : memref<32xf32, #tpu.memory_space<vmem>>) dst(%dma_wait3A_759 : memref<32xf32, #tpu.memory_space<hbm>>)
    } else {
    }
    %gt3A_732 = arith.constant 4 : i32
    %gt3A_733 = arith.cmpi sgt, %while3A_714, %gt3A_732 : i32
    %convert_element_type3A_734 = arith.extui %gt3A_733 : i1 to i32
    %cond3A_735 = arith.constant 0 : i32
    %cond3A_736 = arith.cmpi ne, %convert_element_type3A_734, %cond3A_735 : i32
    scf.if %cond3A_736 {
      %dma_wait3A = arith.constant 4 : i32
      %dma_wait3A_752 = arith.constant 0 : i32
      %dma_wait3A_753 = tpu.memref_slice %arg12[%dma_wait3A_752] : memref<256xf32, #tpu.memory_space<vmem>> -> memref<32xf32, #tpu.memory_space<vmem>>
      %dma_wait3A_754 = arith.constant 0 : i32
      %dma_wait3A_755 = tpu.memref_slice %arg4[%dma_wait3A_754] : memref<524288xf32, #tpu.memory_space<hbm>> -> memref<32xf32, #tpu.memory_space<hbm>>
      %dma_wait3A_756 = tpu.memref_slice %arg14[%dma_wait3A] : memref<8x!tpu.dma_semaphore, #tpu.memory_space<semaphore_mem>> -> memref<1x!tpu.dma_semaphore, #tpu.memory_space<semaphore_mem>>
      %dma_wait3A_757 = tpu.memref_squeeze %dma_wait3A_756 : memref<1x!tpu.dma_semaphore, #tpu.memory_space<semaphore_mem>> -> memref<!tpu.dma_semaphore, #tpu.memory_space<semaphore_mem>>
      %dma_wait3A_758 = arith.constant 0 : i32
      %dma_wait3A_759 = tpu.memref_slice %arg4[%dma_wait3A_758] : memref<524288xf32, #tpu.memory_space<hbm>> -> memref<32xf32, #tpu.memory_space<hbm>>
      %dma_wait3A_760 = arith.constant 0 : i32
      %dma_wait3A_761 = tpu.memref_slice %arg12[%dma_wait3A_760] : memref<256xf32, #tpu.memory_space<vmem>> -> memref<32xf32, #tpu.memory_space<vmem>>
      tpu.wait_dma2 semaphore(%dma_wait3A_757 : memref<!tpu.dma_semaphore, #tpu.memory_space<semaphore_mem>>) src(%dma_wait3A_761 : memref<32xf32, #tpu.memory_space<vmem>>) dst(%dma_wait3A_759 : memref<32xf32, #tpu.memory_space<hbm>>)
    } else {
    }
    %gt3A_737 = arith.constant 5 : i32
    %gt3A_738 = arith.cmpi sgt, %while3A_714, %gt3A_737 : i32
    %convert_element_type3A_739 = arith.extui %gt3A_738 : i1 to i32
    %cond3A_740 = arith.constant 0 : i32
    %cond3A_741 = arith.cmpi ne, %convert_element_type3A_739, %cond3A_740 : i32
    scf.if %cond3A_741 {
      %dma_wait3A = arith.constant 5 : i32
      %dma_wait3A_752 = arith.constant 0 : i32
      %dma_wait3A_753 = tpu.memref_slice %arg12[%dma_wait3A_752] : memref<256xf32, #tpu.memory_space<vmem>> -> memref<32xf32, #tpu.memory_space<vmem>>
      %dma_wait3A_754 = arith.constant 0 : i32
      %dma_wait3A_755 = tpu.memref_slice %arg4[%dma_wait3A_754] : memref<524288xf32, #tpu.memory_space<hbm>> -> memref<32xf32, #tpu.memory_space<hbm>>
      %dma_wait3A_756 = tpu.memref_slice %arg14[%dma_wait3A] : memref<8x!tpu.dma_semaphore, #tpu.memory_space<semaphore_mem>> -> memref<1x!tpu.dma_semaphore, #tpu.memory_space<semaphore_mem>>
      %dma_wait3A_757 = tpu.memref_squeeze %dma_wait3A_756 : memref<1x!tpu.dma_semaphore, #tpu.memory_space<semaphore_mem>> -> memref<!tpu.dma_semaphore, #tpu.memory_space<semaphore_mem>>
      %dma_wait3A_758 = arith.constant 0 : i32
      %dma_wait3A_759 = tpu.memref_slice %arg4[%dma_wait3A_758] : memref<524288xf32, #tpu.memory_space<hbm>> -> memref<32xf32, #tpu.memory_space<hbm>>
      %dma_wait3A_760 = arith.constant 0 : i32
      %dma_wait3A_761 = tpu.memref_slice %arg12[%dma_wait3A_760] : memref<256xf32, #tpu.memory_space<vmem>> -> memref<32xf32, #tpu.memory_space<vmem>>
      tpu.wait_dma2 semaphore(%dma_wait3A_757 : memref<!tpu.dma_semaphore, #tpu.memory_space<semaphore_mem>>) src(%dma_wait3A_761 : memref<32xf32, #tpu.memory_space<vmem>>) dst(%dma_wait3A_759 : memref<32xf32, #tpu.memory_space<hbm>>)
    } else {
    }
    %gt3A_742 = arith.constant 6 : i32
    %gt3A_743 = arith.cmpi sgt, %while3A_714, %gt3A_742 : i32
    %convert_element_type3A_744 = arith.extui %gt3A_743 : i1 to i32
    %cond3A_745 = arith.constant 0 : i32
    %cond3A_746 = arith.cmpi ne, %convert_element_type3A_744, %cond3A_745 : i32
    scf.if %cond3A_746 {
      %dma_wait3A = arith.constant 6 : i32
      %dma_wait3A_752 = arith.constant 0 : i32
      %dma_wait3A_753 = tpu.memref_slice %arg12[%dma_wait3A_752] : memref<256xf32, #tpu.memory_space<vmem>> -> memref<32xf32, #tpu.memory_space<vmem>>
      %dma_wait3A_754 = arith.constant 0 : i32
      %dma_wait3A_755 = tpu.memref_slice %arg4[%dma_wait3A_754] : memref<524288xf32, #tpu.memory_space<hbm>> -> memref<32xf32, #tpu.memory_space<hbm>>
      %dma_wait3A_756 = tpu.memref_slice %arg14[%dma_wait3A] : memref<8x!tpu.dma_semaphore, #tpu.memory_space<semaphore_mem>> -> memref<1x!tpu.dma_semaphore, #tpu.memory_space<semaphore_mem>>
      %dma_wait3A_757 = tpu.memref_squeeze %dma_wait3A_756 : memref<1x!tpu.dma_semaphore, #tpu.memory_space<semaphore_mem>> -> memref<!tpu.dma_semaphore, #tpu.memory_space<semaphore_mem>>
      %dma_wait3A_758 = arith.constant 0 : i32
      %dma_wait3A_759 = tpu.memref_slice %arg4[%dma_wait3A_758] : memref<524288xf32, #tpu.memory_space<hbm>> -> memref<32xf32, #tpu.memory_space<hbm>>
      %dma_wait3A_760 = arith.constant 0 : i32
      %dma_wait3A_761 = tpu.memref_slice %arg12[%dma_wait3A_760] : memref<256xf32, #tpu.memory_space<vmem>> -> memref<32xf32, #tpu.memory_space<vmem>>
      tpu.wait_dma2 semaphore(%dma_wait3A_757 : memref<!tpu.dma_semaphore, #tpu.memory_space<semaphore_mem>>) src(%dma_wait3A_761 : memref<32xf32, #tpu.memory_space<vmem>>) dst(%dma_wait3A_759 : memref<32xf32, #tpu.memory_space<hbm>>)
    } else {
    }
    %gt3A_747 = arith.constant 7 : i32
    %gt3A_748 = arith.cmpi sgt, %while3A_714, %gt3A_747 : i32
    %convert_element_type3A_749 = arith.extui %gt3A_748 : i1 to i32
    %cond3A_750 = arith.constant 0 : i32
    %cond3A_751 = arith.cmpi ne, %convert_element_type3A_749, %cond3A_750 : i32
    scf.if %cond3A_751 {
      %dma_wait3A = arith.constant 7 : i32
      %dma_wait3A_752 = arith.constant 0 : i32
      %dma_wait3A_753 = tpu.memref_slice %arg12[%dma_wait3A_752] : memref<256xf32, #tpu.memory_space<vmem>> -> memref<32xf32, #tpu.memory_space<vmem>>
      %dma_wait3A_754 = arith.constant 0 : i32
      %dma_wait3A_755 = tpu.memref_slice %arg4[%dma_wait3A_754] : memref<524288xf32, #tpu.memory_space<hbm>> -> memref<32xf32, #tpu.memory_space<hbm>>
      %dma_wait3A_756 = tpu.memref_slice %arg14[%dma_wait3A] : memref<8x!tpu.dma_semaphore, #tpu.memory_space<semaphore_mem>> -> memref<1x!tpu.dma_semaphore, #tpu.memory_space<semaphore_mem>>
      %dma_wait3A_757 = tpu.memref_squeeze %dma_wait3A_756 : memref<1x!tpu.dma_semaphore, #tpu.memory_space<semaphore_mem>> -> memref<!tpu.dma_semaphore, #tpu.memory_space<semaphore_mem>>
      %dma_wait3A_758 = arith.constant 0 : i32
      %dma_wait3A_759 = tpu.memref_slice %arg4[%dma_wait3A_758] : memref<524288xf32, #tpu.memory_space<hbm>> -> memref<32xf32, #tpu.memory_space<hbm>>
      %dma_wait3A_760 = arith.constant 0 : i32
      %dma_wait3A_761 = tpu.memref_slice %arg12[%dma_wait3A_760] : memref<256xf32, #tpu.memory_space<vmem>> -> memref<32xf32, #tpu.memory_space<vmem>>
      tpu.wait_dma2 semaphore(%dma_wait3A_757 : memref<!tpu.dma_semaphore, #tpu.memory_space<semaphore_mem>>) src(%dma_wait3A_761 : memref<32xf32, #tpu.memory_space<vmem>>) dst(%dma_wait3A_759 : memref<32xf32, #tpu.memory_space<hbm>>)
    } else {
    }
    return
  }
}

</mosaic_0001>

<sc_bundles>
// kernel: kernel.3.cloned.1.call-start
scs
__scs_entry_jumppad:
0x0: {  	(pc) =	sbr.rel $0x88, $3  }
0x1: {  	(tag) =	ssettag $0x0;
	lr =	simm.s32 $0x1  }
0x2: {  	[smem:$0x3F9F] =	sst lr;
	_ =	strace $0xD0000000  }
0x3: {  	_ = 	snop  }
0x4: {  	_ = 	snop  }
0x5: {  	_ = 	snop  }
0x6: {  	_ = 	snop  }
0x7: {  	_ = 	snop  }
__scs_overlays_trampoline_lowered:
0x8: {  	[smem:$0x3FAE] =	sst s0  }
0x9: {  	[smem:$0x3FAF] =	sst s1  }
0xa: {  	[smem:$0x3FB0] =	sst s2  }
0xb: {  	[smem:$0x3FB1] =	sst s3  }
0xc: {  	[smem:$0x3FB2] =	sst s4  }
0xd: {  	[smem:$0x3FB3] =	sst s5  }
0xe: {  	[smem:$0x3FB4] =	sst s6  }
0xf: {  	[smem:$0x3FB5] =	sst s7  }
0x10: {  	[smem:$0x3FB6] =	sst s8  }
0x11: {  	[smem:$0x3FB7] =	sst s9;
	s0 =	simm.s32 @!p0 $0x0  }
0x12: {  	s1 =	sld [smem:$0x3F9D];
	s0 =	simm.s32 @p0 $0x1  }
0x13: {  	[smem:$0x3FB8] =	sst s0;
	s0 =	simm.s32 @!p1 $0x0  }
0x14: {  	s2 =	sld [smem:$0x3F9C];
	s0 =	simm.s32 @p1 $0x1  }
0x15: {  	[smem:$0x3FB9] =	sst s0;
	s0 =	simm.s32 @!p2 $0x0  }
0x16: {  	s3 =	sld [smem:$0x3FDB];
	s0 =	simm.s32 @p2 $0x1  }
0x17: {  	s4 =	simm.s32 $0x1BF5;
	[smem:$0x3FBB] =	sst s0  }
0x18: {  	s0 =	sld [smem:$0x3F9E];
	_ =	swait.ge [sflag:s4], $0x0  }
0x19: {  	s7 =	sld [smem:$0x3F9F]  }
0x1a: {  	s8 =	sadd.s32 $0xFFFFE003, lr  }
0x1b: {  	s9 =	sadd.s32 $0xFFFFFEF7, lr;
	s5 =	simm.s32 $0xFFFFFFFF;
	p2 =	slt.u32 s8, $0xFFFFF086  }
0x1c: {  	p1 =	slt.u32 s9, $0xF7A;
	s5 =	simm.s32 @!p2 $0x0  }
0x1d: {  	s5 =	simm.s32 @p1 $0x1;
	p0 =	seq.s32 s7, s2  }
0x1e: {  	s7 =	smul.u32 @!p0 $0xF7A, s2;
	p2 =	seq.s32 @!p0 s5, $0x0  }
0x1f: {  	s9 =	smul.u32 $0xF7A, s1;
	s8 =	simm.s32 @!p0 $0x1BF5;
	p2 =	por !p2, p0  }
0x20: {  	[sflag:s8] =	ssyncset.s32 @!p0 $0xFFFFF086;
	s6 =	sadd.s32 @!p0 s3, s7;
	s7 =	simm.s32 @!p0 $0x108  }
0x21: {  	s3 =	sadd.s32 s3, s9;
	s6 =	sadd.s32 @!p0 $0x88, s6;
	s7 =	simm.s32 @p2 $0x1082  }
0x22: {  	[simem:s7], [sflag:s8] =	dma.local @!p0 [hbm:s6], $0xF7A  }
0x23: {  	s9 =	sor.u32 $0xD0000000, s2;
	s6 =	simm.s32 $0x108;
	_ =	swait.ge @!p0 [sflag:s8], $0x0  }
0x24: {  	s3 =	sadd.s32 $0x88, s3;
	s6 =	simm.s32 @!p1 $0x1082;
	[sflag:s4] =	ssyncset.s32 $0xFFFFF086  }
0x25: {  	[simem:s6], [sflag:s4] =	dma.local [hbm:s3], $0xF7A  }
0x26: {  	[smem:$0x3F9F] =	sst s1;
	(tag) =	ssettag s2;
	_ =	strace s9  }
0x27: {  	s1 =	sld [smem:$0x3FAF]  }
0x28: {  	s2 =	sld [smem:$0x3FB0]  }
0x29: {  	s4 =	sld [smem:$0x3FB2]  }
0x2a: {  	p0 =	seq.s32 s5, $0x0;
	s5 =	sld [smem:$0x3FB3]  }
0x2b: {  	s6 =	sld [smem:$0x3FB4]  }
0x2c: {  	s7 =	sld [smem:$0x3FB5]  }
0x2d: {  	s3 =	simm.s32 $0x108;
	s8 =	sld [smem:$0x3FB6]  }
0x2e: {  	s3 =	simm.s32 @!p0 $0x1082;
	s9 =	sld [smem:$0x3FB7]  }
0x2f: {  	lr =	sadd.s32 s0, s3;
	s0 =	sld [smem:$0x3FAE]  }
0x30: {  	s3 =	sld [smem:$0x3FB1]  }
0x31: {  	[smem:$0x3FBA] =	sst s10  }
0x32: {  	s10 =	sld [smem:$0x3FB8];
	_ =	sdelay $0x3  }
0x33: {  	p0 =	seq.s32 s10, $0x1;
	s10 =	sld [smem:$0x3FBA];
	_ =	sdelay $0x3  }
0x34: {  	[smem:$0x3FBA] =	sst s10  }
0x35: {  	s10 =	sld [smem:$0x3FB9];
	_ =	sdelay $0x3  }
0x36: {  	p1 =	seq.s32 s10, $0x1;
	s10 =	sld [smem:$0x3FBA];
	_ =	sdelay $0x3  }
0x37: {  	[smem:$0x3FBA] =	sst s10  }
0x38: {  	s10 =	sld [smem:$0x3FBB]  }
0x39: {  	_ = 	snop;
	(pc) =	sbr.ind lr, $3  }
0x3a: {  	_ = 	snop  }
0x3b: {  	_ = 	snop  }
0x3c: {  	p2 =	seq.s32 s10, $0x1;
	s10 =	sld [smem:$0x3FBA]  }
0x3d: {  	_ =	shalt  }
0x3e: {  	_ =	shalt  }
0x3f: {  	_ =	shalt  }
0x40: {  	_ =	shalt  }
0x41: {  	_ =	shalt  }
0x42: {  	_ =	shalt  }
0x43: {  	_ =	shalt  }
0x44: {  	_ =	shalt  }
0x45: {  	_ =	shalt  }
0x46: {  	_ =	shalt  }
0x47: {  	_ =	shalt  }
0x48: {  	_ =	shalt  }
0x49: {  	_ =	shalt  }
0x4a: {  	_ =	shalt  }
0x4b: {  	_ =	shalt  }
0x4c: {  	_ =	shalt  }
0x4d: {  	_ =	shalt  }
0x4e: {  	_ =	shalt  }
0x4f: {  	_ =	shalt  }
0x50: {  	_ =	shalt  }
0x51: {  	_ =	shalt  }
0x52: {  	_ =	shalt  }
0x53: {  	_ =	shalt  }
0x54: {  	_ =	shalt  }
0x55: {  	_ =	shalt  }
0x56: {  	_ =	shalt  }
0x57: {  	_ =	shalt  }
0x58: {  	_ =	shalt  }
0x59: {  	_ =	shalt  }
0x5a: {  	_ =	shalt  }
0x5b: {  	_ =	shalt  }
0x5c: {  	_ =	shalt  }
0x5d: {  	_ =	shalt  }
0x5e: {  	_ =	shalt  }
0x5f: {  	_ =	shalt  }
0x60: {  	_ =	shalt  }
0x61: {  	_ =	shalt  }
0x62: {  	_ =	shalt  }
0x63: {  	_ =	shalt  }
0x64: {  	_ =	shalt  }
0x65: {  	_ =	shalt  }
0x66: {  	_ =	shalt  }
0x67: {  	_ =	shalt  }
0x68: {  	_ =	shalt  }
0x69: {  	_ =	shalt  }
0x6a: {  	_ =	shalt  }
0x6b: {  	_ =	shalt  }
0x6c: {  	_ =	shalt  }
0x6d: {  	_ =	shalt  }
0x6e: {  	_ =	shalt  }
0x6f: {  	_ =	shalt  }
0x70: {  	_ =	shalt  }
0x71: {  	_ =	shalt  }
0x72: {  	_ =	shalt  }
0x73: {  	_ =	shalt  }
0x74: {  	_ =	shalt  }
0x75: {  	_ =	shalt  }
0x76: {  	_ =	shalt  }
0x77: {  	_ =	shalt  }
0x78: {  	_ =	shalt  }
0x79: {  	_ =	shalt  }
0x7a: {  	_ =	shalt  }
0x7b: {  	_ =	shalt  }
0x7c: {  	_ =	shalt  }
0x7d: {  	_ =	shalt  }
0x7e: {  	_ =	shalt  }
0x7f: {  	_ =	shalt  }
0x80: {  	_ =	shalt  }
0x81: {  	_ =	shalt  }
0x82: {  	_ =	shalt  }
0x83: {  	_ =	shalt  }
0x84: {  	_ =	shalt  }
0x85: {  	_ =	shalt  }
0x86: {  	_ =	shalt  }
0x87: {  	_ =	shalt  }
.Lfunc_end0:
.L_simem_size_0:
called_computation_lowered:
.L_overlay_start_0:
0x88: {  	s2 =	sld [smem:$0x3FD9]  }
0x89: {  	s3 =	sld [smem:$0x3FFE];
	_ =	sdelay $0x1  }
0x8a: {  	s1 =	srdreg.scid  }
0x8b: {  	s0 =	sand.u32 $0x1, s1  }
0x8c: {  	s18 =	sshll.u32 s0, $0xA;
	s2 =	sadd.s32 s3, s2  }
0x8d: {  	s2 =	sadd.s32 s2, s18  }
0x8e: {  	[smem:$0x3FC6] =	sst s2  }
0x8f: {  	_ = 	snop  }
0x90: {  	s2 =	sld [smem:$0x3FC9]  }
0x91: {  	s19 =	sld [smem:$0x3FC8]  }
0x92: {  	s4 =	sld [smem:$0x3FD0];
	(tm) =	ssettm $0x1  }
0x93: {  	s5 =	sld [smem:$0x3FFB];
	_ =	sdelay $0x3  }
0x94: {  	_ =	strace s5  }
0x95: {  	s5 =	sld [smem:$0x3FFC];
	_ =	sdelay $0x3  }
0x96: {  	_ =	strace s5  }
0x97: {  	s5 =	sld [smem:$0x3FFD];
	_ =	sdelay $0x3  }
0x98: {  	_ =	strace s5  }
0x99: {  	_ =	strace $0x8FFFFFFF  }
0x9a: {  	s20 =	sld [smem:$0x3FDB];
	_ =	sdelay $0x1  }
0x9b: {  	s6 =	simm.s32 $_scs_section_size  }
0x9c: {  	s7 =	simm.s32 $_size__tile_overlayer_lowered;
	s8 =	simm.s32 $_tile_overlayer_lowered  }
0x9d: {  	s23 =	simm.s32 $0x1BFF;
	s22 =	sshll.u32 s8, $0x1;
	s5 =	sadd.s32 s6, s20  }
0x9e: {  	s9 =	simm.s32 $0x0;
	s21 =	sshll.u32 s7, $0x1;
	s7 =	sadd.s32 s22, s5  }
0x9f: {  	[timem:s9], [sflag:s23] =	dma.local [hbm:s7], s21  }
0xa0: {  	_ =	swait.ge [sflag:s23], s21  }
0xa1: {  	s6 =	ssub.s32 $0x0, s21;
	[sflag:s23] =	ssyncset.done $0x0  }
0xa2: {  	[sflag:s23] =	ssyncadd.s32 s6;
	_ =	sdelay $0x1  }
0xa3: {  	s24 =	simm.s32 $0x1B8B  }
0xa4: {  	_ =	swait.ge [sflag:s24], $0x1  }
0xa5: {  	[sflag:s24] =	ssyncset.done $0x0  }
0xa6: {  	s25 =	simm.s32 $0x1B8E;
	[sflag:s24] =	ssyncadd.s32 $0xFFFFFFFF  }
0xa7: {  	s26 =	simm.s32 $execute0_lowered;
	[smem:$0x3FD2] =	sst s25  }
0xa8: {  	s6 =	sshll.u32 s26, $0x1;
	_ =	strace $0x80000046;
	[dreg:$0x1] =	wrdreg $0xFFFFFFFF  }
0xa9: {  	s28 =	simm.s32 $_size_execute0_lowered;
	s5 =	sadd.s32 s5, s6;
	[dreg:$0x0] =	wrdreg $0x0  }
0xaa: {  	s6 =	sshll.u32 s28, $0x1;
	[dreg:$0x2] =	wrdreg s5  }
0xab: {  	[dreg:$0x3] =	wrdreg s6  }
0xac: {  	[dreg:$0x4] =	wrdreg $0xC0  }
0xad: {  	_ =	task [dreg:s9], $0x5FFFF  }
0xae: {  	[dreg:$0x1] =	wrdreg $0xFFFFFFFF  }
0xaf: {  	[dreg:$0x0] =	wrdreg $0x60  }
0xb0: {  	[dreg:$0x2] =	wrdreg s2  }
0xb1: {  	[dreg:$0x3] =	wrdreg s19  }
0xb2: {  	[dreg:$0x4] =	wrdreg s4  }
0xb3: {  	[dreg:$0x5] =	wrdreg $0x9  }
0xb4: {  	_ =	task.clear_ibuf [dreg:s9], $0x6FFFF;
	_ =	strace $0x90000046  }
0xb5: {  	s29 =	simm.s32 $0x9;
	_ =	strace $0x80000048  }
0xb6: {  	_ =	swait.ge [sflag:s29], $0x1  }
0xb7: {  	[sflag:s29] =	ssyncadd.s32 $0xFFFFFFFF  }
0xb8: {  	_ =	strace $0x90000048  }
0xb9: {  	_ =	sfence  }
0xba: {  	s30 =	sld [smem:$0x0];
	_ =	sdelay $0x2  }
0xbb: {  	s31 =	sshll.u32 s1, $0xD;
	s1 =	sshrl.u32 s1, $0x2  }
0xbc: {  	s3 =	sand.u32 $0x4000, s31;
	s1 =	sadd.s32 s1, s30  }
0xbd: {  	s0 =	sor.u32 s3, s0;
	s1 =	sshll.u32 s1, $0x11  }
0xbe: {  	s0 =	sor.u32 s1, s0  }
0xbf: {  	s0 =	sadd.s32 $0x8F2B, s0  }
0xc0: {  	[sflag:s0] =	ssyncadd.remote.s32 $0x1  }
0xc1: {  	_ =	sfence.sel $0xFFFF  }
0xc2: {  	[dreg:$0x0] =	wrdreg $0xFFFFFFFF;
	(pc) =	sbr.abs _section_cstart, $3  }
0xc3: {  	[dreg:$0x1] =	wrdreg $0xFFFFFFFF  }
0xc4: {  	_ =	task.clear_ibuf [dreg:s9], $0x2FFFF;
	_ =	strace $0x9FFFFFFF  }
0xc5: {  	(tm) =	ssettm $0x7FFFFFFF  }
tec
execute0_lowered:
.L_overlay_start_1:
0x0: {  	(tag) =	ssettag $0x1  }
0x1: {  	s1 =	rddreg [dreg:$0x0]  }
0x2: {  	s3 =	rddreg [dreg:$0x1]  }
0x3: {  	s4 =	rddreg [dreg:$0x2]  }
0x4: {  	s0 =	srdreg.scid;
	s6 =	stileid.u32;
	s5 =	simm.s32 $0x0  }
0x5: {  	s18 =	simm.s32 $0x400;
	s22 =	simm.s32 $0x8900;
	s23 =	simm.s32 $0x7A1400  }
0x6: {  	s25 =	simm.s32 $0x8A00;
	s28 =	simm.s32 $0x0;
	s0 =	sand.u32 $0x1, s0  }
0x7: {  	v1 =	vimm.s32 $0x0;
	s6 =	sshll.u32 s6, $0x1;
	[smem:$0x7FF] =	sst s5;
	s29 =	sadd.s32 $0x10, s1  }
0x8: {  	v2 =	vlaneseq.u32;
	v3 =	vimm.s32 $0x1;
	vm0 =	vmmov $0x1;
	s30 =	sadd.s32 $0x20, s1;
	s31 =	sadd.s32 $0x30, s1;
	s11 =	sadd.s32 $0x40, s1  }
.Ltmp0:
0x9: {  	vm4 =	vcmask $0xF14;
	vm5 =	vcmask $0x1318;
	vm6 =	vcmask $0x171C;
	s2 =	ssub.s32 $0x2, s0;
	s0 =	sor.u32 s0, s6;
	(pc) =	sbr.rel .LBB2_1-.Ltmp0, $4  }
0xa: {  	vm7 =	vcmask $0x1B20;
	vm8 =	vcmask $0x1F24;
	vm9 =	vcmask $0x2328;
	_ =	strace $0x80000047;
	[dreg:$0x5] =	wrdreg s29;
	s7 =	sshrl.u32 s2, $0x1  }
0xb: {  	vm10 =	vcmask $0x272C;
	vm11 =	vcmask $0x2B30;
	v4 =	vmul.u32 $0x80, v2;
	[dreg:$0x6] =	wrdreg s30;
	s6 =	smul.u32 $0xF5, s0;
	s2 =	ssub.s32 s2, s7  }
0xc: {  	vm12 =	vcmask $0x2F34;
	vm13 =	vcmask $0x3338;
	vm14 =	vcmask $0x373C;
	s12 =	sadd.s32 $0x50, s1;
	[dreg:$0x7] =	wrdreg s31;
	s26 =	smax.u32 s2, $0x1  }
0xd: {  	vm15 =	vmmov $0x7fff;
	s13 =	sadd.s32 $0x60, s1;
	s14 =	sadd.s32 $0x70, s1;
	v5 =	vor.u32 $0x800, v4;
	v0 =	vmov s6;
	[dreg:$0x4] =	wrdreg s26  }
.LBB2_28:
0xe: {  	s28 =	sadd.s32 $0x1, s28;
	s0 =	rddreg [dreg:$0x4]  }
0xf: {  	p0 =	sne.s32 s28, s0  }
.Ltmp1:
0x10: {  	_ = 	snop;
	(pc) =	sbr.rel @!p0 .LBB2_29-.Ltmp1, $1  }
0x11: {  	_ =	sdelay $0x3  }
.LBB2_1:
0x12: {  	[tilespmem:$0x8900] =	vst v1  }
0x13: {  	[tilespmem:$0x8910] =	vst v1  }
0x14: {  	[tilespmem:$0x8920] =	vst v1  }
0x15: {  	[tilespmem:$0x8930] =	vst v1  }
0x16: {  	[tilespmem:$0x8940] =	vst v1  }
0x17: {  	[tilespmem:$0x8950] =	vst v1  }
0x18: {  	[tilespmem:$0x8960] =	vst v1  }
0x19: {  	[tilespmem:$0x8970] =	vst v1  }
0x1a: {  	[tilespmem:$0x8980] =	vst v1  }
0x1b: {  	[tilespmem:$0x8990] =	vst v1  }
0x1c: {  	[tilespmem:$0x89A0] =	vst v1  }
0x1d: {  	[tilespmem:$0x89B0] =	vst v1  }
0x1e: {  	[tilespmem:$0x89C0] =	vst v1  }
0x1f: {  	[tilespmem:$0x89D0] =	vst v1  }
0x20: {  	[tilespmem:$0x89E0] =	vst v1  }
0x21: {  	[tilespmem:$0x89F0] =	vst v1  }
0x22: {  	[tilespmem:s5], [sflag:$0x19] =	stream.linear.gather [hbm4b:s1+s5], $0x80, $0x38;
	[tilespmem:$0x18D80] =	vst v63  }
0x23: {  	s0 =	rddreg [dreg:$0x5];
	s2 =	simm.s32 $0x100  }
0x24: {  	[tilespmem:s2], [sflag:$0x19] =	stream.linear.gather [hbm4b:s0+s5], $0x80, $0x38;
	[tilespmem:$0x18D80] =	vst v63  }
0x25: {  	s20 =	rddreg [dreg:$0x6];
	s21 =	simm.s32 $0x200  }
0x26: {  	[tilespmem:s21], [sflag:$0x19] =	stream.linear.gather [hbm4b:s20+s5], $0x80, $0x38;
	[tilespmem:$0x18D80] =	vst v63  }
0x27: {  	s24 =	rddreg [dreg:$0x7];
	s26 =	simm.s32 $0x300  }
0x28: {  	[tilespmem:s26], [sflag:$0x19] =	stream.linear.gather [hbm4b:s24+s5], $0x80, $0x38;
	[tilespmem:$0x18D80] =	vst v63  }
0x29: {  	_ = 	snop  }
0x2a: {  	[tilespmem:s18], [sflag:$0x19] =	stream.linear.gather [hbm4b:s11+s5], $0x80, $0x38;
	[tilespmem:$0x18D80] =	vst v63  }
0x2b: {  	s29 =	simm.s32 $0x500  }
0x2c: {  	[tilespmem:s29], [sflag:$0x19] =	stream.linear.gather [hbm4b:s12+s5], $0x80, $0x38;
	[tilespmem:$0x18D80] =	vst v63  }
0x2d: {  	s30 =	simm.s32 $0x600;
	s31 =	simm.s32 $0x700  }
0x2e: {  	[tilespmem:s30], [sflag:$0x19] =	stream.linear.gather [hbm4b:s13+s5], $0x80, $0x38;
	[tilespmem:$0x18D80] =	vst v63  }
0x2f: {  	s15 =	simm.s32 $0x0;
	s0 =	simm.s32 $0x0;
	s2 =	simm.s32 $0x0  }
0x30: {  	[tilespmem:s31], [sflag:$0x19] =	stream.linear.gather [hbm4b:s14+s5], $0x80, $0x38;
	[tilespmem:$0x18D80] =	vst v63  }
.LBB2_2:
0x31: {  	s7 =	smov.u32 s15;
	s8 =	sand.u32 $0x1, s15  }
0x32: {  	s15 =	sadd.s32 $0x1, s15;
	s9 =	sadd.s32 $0x19, s8;
	p0 =	seq.s32 s7, $0xF  }
0x33: {  	_ =	swait.ge [sflag:s9], $0x400;
	s7 =	sand.u32 @!p0 $0x1, s15;
	s16 =	sshll.u32 @!p0 s15, $0x7  }
0x34: {  	s17 =	simm.s32 @!p0 $0x0;
	[sflag:s9] =	ssyncset.done $0x0;
	s16 =	sadd.s32 @!p0 s1, s16  }
0x35: {  	[sflag:s9] =	ssyncadd.s32 $0xFFFFFC00;
	s9 =	sadd.s32 @!p0 $0x19, s7;
	s7 =	sshll.u32 @!p0 s7, $0x7  }
0x36: {  	[tilespmem:s7], [sflag:s9] =	stream.linear.gather @!p0 [hbm4b:s16+s17], $0x80, $0x38;
	[tilespmem:$0x18D80] =	vst v63  }
0x37: {  	s19 =	sadd.s32 @!p0 $0x10, s16;
	s20 =	sor.u32 @!p0 $0x100, s7  }
0x38: {  	[tilespmem:s20], [sflag:s9] =	stream.linear.gather @!p0 [hbm4b:s19+s17], $0x80, $0x38;
	[tilespmem:$0x18D80] =	vst v63  }
0x39: {  	s19 =	sadd.s32 @!p0 $0x20, s16;
	s20 =	sor.u32 @!p0 $0x200, s7  }
0x3a: {  	[tilespmem:s20], [sflag:s9] =	stream.linear.gather @!p0 [hbm4b:s19+s17], $0x80, $0x38;
	[tilespmem:$0x18D80] =	vst v63  }
0x3b: {  	s19 =	sadd.s32 @!p0 $0x30, s16;
	s20 =	sor.u32 @!p0 $0x300, s7  }
0x3c: {  	[tilespmem:s20], [sflag:s9] =	stream.linear.gather @!p0 [hbm4b:s19+s17], $0x80, $0x38;
	[tilespmem:$0x18D80] =	vst v63  }
0x3d: {  	s19 =	sadd.s32 @!p0 $0x40, s16;
	s20 =	sor.u32 @!p0 $0x400, s7  }
0x3e: {  	[tilespmem:s20], [sflag:s9] =	stream.linear.gather @!p0 [hbm4b:s19+s17], $0x80, $0x38;
	[tilespmem:$0x18D80] =	vst v63  }
0x3f: {  	s19 =	sadd.s32 @!p0 $0x50, s16;
	s20 =	sor.u32 @!p0 $0x500, s7  }
0x40: {  	[tilespmem:s20], [sflag:s9] =	stream.linear.gather @!p0 [hbm4b:s19+s17], $0x80, $0x38;
	[tilespmem:$0x18D80] =	vst v63  }
0x41: {  	s19 =	sadd.s32 @!p0 $0x60, s16;
	s20 =	sor.u32 @!p0 $0x600, s7  }
0x42: {  	[tilespmem:s20], [sflag:s9] =	stream.linear.gather @!p0 [hbm4b:s19+s17], $0x80, $0x38;
	[tilespmem:$0x18D80] =	vst v63  }
0x43: {  	s21 =	simm.s32 $0x0;
	s16 =	sadd.s32 @!p0 $0x70, s16;
	s7 =	sor.u32 @!p0 $0x700, s7  }
0x44: {  	[tilespmem:s7], [sflag:s9] =	stream.linear.gather @!p0 [hbm4b:s16+s17], $0x80, $0x38;
	[tilespmem:$0x18D80] =	vst v63  }
0x45: {  	s24 =	sand.u32 $0x700, s21;
	s16 =	sshll.u32 s8, $0x7  }
0x46: {  	s7 =	sand.u32 $0x70, s21;
	s8 =	sor.u32 s24, s16  }
0x47: {  	s7 =	sadd.s32 s7, s8  }
0x48: {  	v6 =	vld [tilespmem:s7+$0x0];
	_ =	sdelay $0x4  }
0x49: {  	v7 =	vshra.s32 v6, $0x7  }
0x4a: {  	v7 =	vsub.s32 v7, v0  }
0x4b: {  	vm1 =	vlt.u32 v7, $0xF5  }
0x4c: {  	v8 =	vsel vm1, $0x1, v1  }
0x4d: {  	(xrf0) =	vadd.scan.msk.s32 $0xffff, v8;
	_ =	sdelay $0x2  }
0x4e: {  	v6 =	vshll.u32 v6, $0xE  }
0x4f: {  	v6 =	vand.u32 $0x1FC000, v6;
	v8 =	vshll.u32 v7, $0x15  }
0x50: {  	s26 =	sadd.s32 $0x0, s0;
	v6 =	vor.u32 v6, v8  }
0x51: {  	s17 =	simm.s32 $0x20;
	v6 =	vadd.s32 s26, v6;
	v9, _, _ =	vpop (xrf0)  }
0x52: {  	s29 =	simm.s32 $0x10;
	s30 =	sand.u32 $0x700, s17;
	v6 =	vadd.s32 v2, v6;
	(v2sf) =	vpush v9, $0xF  }
0x53: {  	s8 =	sor.u32 s30, s16;
	s7 =	sand.u32 $0x70, s29;
	[tilespmem:s2+$0x800] =	vst.msk vm1, v6  }
0x54: {  	s7 =	sadd.s32 s7, s8;
	[tilespmem:v7+s22+$0x0] =	vst.idx.msk vm1, v3  }
0x55: {  	v7 =	vld [tilespmem:s7+$0x0];
	_ =	sdelay $0x4  }
0x56: {  	v6 =	vshra.s32 v7, $0x7  }
0x57: {  	v7 =	vshll.u32 v7, $0xE;
	v6 =	vsub.s32 v6, v0  }
0x58: {  	v7 =	vand.u32 $0x1FC000, v7;
	v8 =	vshll.u32 v6, $0x15;
	vm1 =	vlt.u32 v6, $0xF5  }
0x59: {  	v7 =	vor.u32 v7, v8;
	v8 =	vsel vm1, $0x1, v1  }
0x5a: {  	(xrf0) =	vadd.scan.msk.s32 $0xffff, v8  }
0x5b: {  	s31 =	sadd.s32 $0x10, s0  }
0x5c: {  	v7 =	vadd.s32 s31, v7  }
0x5d: {  	s7 =	simm.s32 $0x20;
	v7 =	vadd.s32 v2, v7;
	s8 =	spop (v2sf)  }
.LBB2_3:
0x5e: {  	s17 =	sadd.s32 $0x20, s17  }
0x5f: {  	s2 =	sadd.s32 s2, s8;
	s8 =	smov.u32 s7;
	s9 =	sadd.s32 $0x10, s7  }
0x60: {  	p0 =	seq.s32 s7, $0x3F0;
	s19 =	sand.u32 $0x700, s17;
	[tilespmem:s2+$0x800] =	vst.msk vm1, v7;
	v7, _, _ =	vpop (xrf0)  }
0x61: {  	s7 =	sand.u32 $0x70, s8;
	s19 =	sor.u32 s19, s16;
	[tilespmem:v6+s22+$0x0] =	vst.idx.msk vm1, v3;
	(v2sf) =	vpush v7, $0xF  }
0x62: {  	s7 =	sadd.s32 s7, s19  }
0x63: {  	v7 =	vld [tilespmem:s7+$0x0];
	_ =	sdelay $0x4  }
0x64: {  	v6 =	vshra.s32 v7, $0x7  }
0x65: {  	v7 =	vshll.u32 v7, $0xE;
	v6 =	vsub.s32 v6, v0  }
0x66: {  	v7 =	vand.u32 $0x1FC000, v7;
	vm1 =	vlt.u32 v6, $0xF5;
	v8 =	vshll.u32 v6, $0x15  }
0x67: {  	s7 =	sadd.s32 s8, s0;
	v7 =	vor.u32 v7, v8;
	v8 =	vsel vm1, $0x1, v1  }
.Ltmp2:
0x68: {  	v7 =	vadd.s32 s7, v7;
	(xrf0) =	vadd.scan.msk.s32 $0xffff, v8;
	(pc) =	sbr.rel @!p0 .LBB2_3-.Ltmp2, $2  }
0x69: {  	v7 =	vadd.s32 v2, v7;
	_ =	sdelay $0x2  }
0x6a: {  	s7 =	smov.u32 s9;
	s8 =	spop (v2sf)  }
0x6b: {  	_ = 	snop  }
0x6c: {  	v8, _, _ =	vpop (xrf0)  }
0x6d: {  	(v2sf) =	vpush v8, $0xF;
	_ =	sdelay $0xa  }
0x6e: {  	p0 =	seq.s32 s15, $0x10  }
.Ltmp3:
0x6f: {  	_ = 	snop;
	(pc) =	sbr.rel @!p0 .LBB2_2-.Ltmp3, $4  }
0x70: {  	_ = 	snop  }
0x71: {  	s2 =	sadd.s32 s2, s8  }
0x72: {  	[tilespmem:s2+$0x800] =	vst.msk vm1, v7;
	s7 =	spop (v2sf)  }
0x73: {  	s0 =	sadd.s32 $0x400, s0;
	[tilespmem:v6+s22+$0x0] =	vst.idx.msk vm1, v3;
	s2 =	sadd.s32 s2, s7  }
0x74: {  	s7 =	simm.s32 $0x8900  }
0x75: {  	v6 =	vld [tilespmem:s7+$0x0];
	_ =	sdelay $0x4  }
0x76: {  	(xrf0) =	vadd.scan.msk.s32 $0xffff, v6;
	_ =	sdelay $0x5  }
0x77: {  	v7, _, _ =	vpop (xrf0)  }
0x78: {  	s0 =	simm.s32 $0x0;
	(v2sf) =	vpush v7, $0xF  }
0x79: {  	v8 =	vsub.s32 s0, v6  }
0x7a: {  	s15 =	simm.s32 $0x8A00;
	v8 =	vadd.s32 v7, v8  }
0x7b: {  	vm1 =	vgt.s32 v6, $0x0;
	v6 =	vor.u32 s0, v2;
	[tilespmem:s15+$0x0] =	vst v8  }
0x7c: {  	s17 =	simm.s32 $0x8910;
	[tilespmem:s0+$0x8B00] =	vst.msk vm1, v6  }
0x7d: {  	s16 =	simm.s32 $0x10;
	s19 =	simm.s32 $0x20;
	v6 =	vld [tilespmem:s17+$0x0]  }
.LBB2_6:
0x7e: {  	p0 =	sne.s32 s19, $0xF0;
	_ =	sdelay $0x3  }
0x7f: {  	vm1 =	vgt.s32 v6, $0x0;
	(xrf0) =	vadd.scan.msk.s32 $0xffff, v6;
	_ =	sdelay $0x4  }
0x80: {  	s7 =	spop (v2sf)  }
0x81: {  	v7, _, _ =	vpop (xrf0);
	s0 =	sadd.s32 s0, s7  }
0x82: {  	v6 =	vsub.s32 s0, v6;
	(v2sf) =	vpush v7, $0xF  }
.Ltmp4:
0x83: {  	s15 =	sadd.s32 $0x10, s15;
	v6 =	vadd.s32 v7, v6;
	(pc) =	sbr.rel @p0 .LBB2_6-.Ltmp4, $4  }
0x84: {  	[tilespmem:s15+$0x0] =	vst v6;
	v6 =	vor.u32 s16, v2;
	s16 =	smov.u32 s19  }
0x85: {  	[tilespmem:s0+$0x8B00] =	vst.msk vm1, v6  }
0x86: {  	s17 =	sadd.s32 $0x10, s17  }
0x87: {  	s19 =	sadd.s32 $0x10, s19;
	v6 =	vld [tilespmem:s17+$0x0]  }
0x88: {  	_ =	sdelay $0x4  }
0x89: {  	(xrf0) =	vadd.scan.msk.s32 $0xffff, v6;
	_ =	sdelay $0x3  }
0x8a: {  	s7 =	spop (v2sf)  }
0x8b: {  	s0 =	sadd.s32 s0, s7  }
0x8c: {  	v7, _, _ =	vpop (xrf0);
	v8 =	vsub.s32 s0, v6  }
0x8d: {  	s9 =	sadd.s32 $0x10, s15;
	v8 =	vadd.s32 v7, v8  }
0x8e: {  	vm1 =	vgt.s32 v6, $0x0;
	v6 =	vor.u32 s16, v2;
	[tilespmem:s9+$0x0] =	vst v8  }
0x8f: {  	[tilespmem:s0+$0x8B00] =	vst.msk vm1, v6  }
0x90: {  	v6 =	vld [tilespmem:$0x8B00];
	_ =	sdelay $0x4  }
0x91: {  	v6 =	vnsel vm0, $0x0, v6  }
0x92: {  	(xrf0) =	vadd.scan.msk.s32 $0xffff, v6;
	_ =	sdelay $0x5  }
0x93: {  	(v2sf) =	vpush v7, $0xF;
	v6, _, _ =	vpop (xrf0)  }
0x94: {  	(v2sf) =	vpush v6, $0xF;
	_ =	sdelay $0xd  }
0x95: {  	s15 =	spop (v2sf)  }
0x96: {  	s7 =	spop (v2sf)  }
0x97: {  	p0 =	sgt.s32 s7, $0x0  }
0x98: {  	s7 =	simm.s32 @!p0 $0x0  }
0x99: {  	s7 =	smin.u32 s7, $0xFF  }
0x9a: {  	s7 =	sadd.s32 s6, s7  }
0x9b: {  	s7 =	smin.u32 s7, $0x1E84  }
0x9c: {  	s7 =	sshll.u32 s7, $0x7  }
0x9d: {  	s8 =	simm.s32 $0x8C80;
	s7 =	sadd.s32 s3, s7  }
0x9e: {  	[tilespmem:s8], [sflag:$0x1] =	stream.strided.gather [hbm4b:s7+s18], $0x1000, s23, s18, $0x38;
	[tilespmem:$0x18D80] =	vst v63  }
0x9f: {  	v6 =	vld [tilespmem:$0x8B00];
	_ =	sdelay $0x3  }
0xa0: {  	vm1 =	vcmask $0x308  }
0xa1: {  	v6 =	vsel vm1, $0x0, v6  }
0xa2: {  	(xrf0) =	vadd.scan.msk.s32 $0xffff, v6;
	_ =	sdelay $0x5  }
0xa3: {  	v6, _, _ =	vpop (xrf0)  }
0xa4: {  	(v2sf) =	vpush v6, $0xF;
	_ =	sdelay $0xe  }
0xa5: {  	s7 =	spop (v2sf)  }
0xa6: {  	p0 =	sgt.s32 s7, $0x0  }
0xa7: {  	s7 =	simm.s32 @!p0 $0x0  }
0xa8: {  	s7 =	smin.u32 s7, $0xFF  }
0xa9: {  	s7 =	sadd.s32 s6, s7  }
0xaa: {  	s7 =	smin.u32 s7, $0x1E84  }
0xab: {  	s7 =	sshll.u32 s7, $0x7  }
0xac: {  	s10 =	simm.s32 $0x9C80;
	s7 =	sadd.s32 s3, s7  }
0xad: {  	[tilespmem:s10], [sflag:$0x2] =	stream.strided.gather [hbm4b:s7+s18], $0x1000, s23, s18, $0x38;
	[tilespmem:$0x18D80] =	vst v63  }
0xae: {  	v6 =	vld [tilespmem:$0x8B00];
	_ =	sdelay $0x3  }
0xaf: {  	vm1 =	vcmask $0x70C  }
0xb0: {  	v6 =	vsel vm1, $0x0, v6  }
0xb1: {  	(xrf0) =	vadd.scan.msk.s32 $0xffff, v6;
	_ =	sdelay $0x5  }
0xb2: {  	v6, _, _ =	vpop (xrf0)  }
0xb3: {  	(v2sf) =	vpush v6, $0xF;
	_ =	sdelay $0xe  }
0xb4: {  	s7 =	spop (v2sf)  }
0xb5: {  	p0 =	sgt.s32 s7, $0x0  }
0xb6: {  	s7 =	simm.s32 @!p0 $0x0  }
0xb7: {  	s7 =	smin.u32 s7, $0xFF  }
0xb8: {  	s7 =	sadd.s32 s6, s7  }
0xb9: {  	s7 =	smin.u32 s7, $0x1E84  }
0xba: {  	s7 =	sshll.u32 s7, $0x7  }
0xbb: {  	s16 =	simm.s32 $0xAC80;
	s7 =	sadd.s32 s3, s7  }
0xbc: {  	[tilespmem:s16], [sflag:$0x3] =	stream.strided.gather [hbm4b:s7+s18], $0x1000, s23, s18, $0x38;
	[tilespmem:$0x18D80] =	vst v63  }
0xbd: {  	v6 =	vld [tilespmem:$0x8B00];
	_ =	sdelay $0x3  }
0xbe: {  	vm1 =	vcmask $0xB10  }
0xbf: {  	v6 =	vsel vm1, $0x0, v6  }
0xc0: {  	(xrf0) =	vadd.scan.msk.s32 $0xffff, v6;
	_ =	sdelay $0x5  }
0xc1: {  	v6, _, _ =	vpop (xrf0)  }
0xc2: {  	(v2sf) =	vpush v6, $0xF;
	_ =	sdelay $0xe  }
0xc3: {  	s7 =	spop (v2sf)  }
0xc4: {  	p0 =	sgt.s32 s7, $0x0  }
0xc5: {  	s7 =	simm.s32 @!p0 $0x0  }
0xc6: {  	s7 =	smin.u32 s7, $0xFF  }
0xc7: {  	s7 =	sadd.s32 s6, s7  }
0xc8: {  	s7 =	smin.u32 s7, $0x1E84  }
0xc9: {  	s7 =	sshll.u32 s7, $0x7  }
0xca: {  	s17 =	simm.s32 $0xBC80;
	s7 =	sadd.s32 s3, s7  }
0xcb: {  	[tilespmem:s17], [sflag:$0x4] =	stream.strided.gather [hbm4b:s7+s18], $0x1000, s23, s18, $0x38;
	[tilespmem:$0x18D80] =	vst v63  }
0xcc: {  	v6 =	vld [tilespmem:$0x8B00];
	_ =	sdelay $0x4  }
0xcd: {  	v6 =	vsel vm4, $0x0, v6  }
0xce: {  	(xrf0) =	vadd.scan.msk.s32 $0xffff, v6;
	_ =	sdelay $0x5  }
0xcf: {  	v6, _, _ =	vpop (xrf0)  }
0xd0: {  	(v2sf) =	vpush v6, $0xF;
	_ =	sdelay $0xe  }
0xd1: {  	s7 =	spop (v2sf)  }
0xd2: {  	p0 =	sgt.s32 s7, $0x0  }
0xd3: {  	s7 =	simm.s32 @!p0 $0x0  }
0xd4: {  	s7 =	smin.u32 s7, $0xFF  }
0xd5: {  	s7 =	sadd.s32 s6, s7  }
0xd6: {  	s7 =	smin.u32 s7, $0x1E84  }
0xd7: {  	s7 =	sshll.u32 s7, $0x7  }
0xd8: {  	s19 =	simm.s32 $0xCC80;
	s7 =	sadd.s32 s3, s7  }
0xd9: {  	[tilespmem:s19], [sflag:$0x5] =	stream.strided.gather [hbm4b:s7+s18], $0x1000, s23, s18, $0x38;
	[tilespmem:$0x18D80] =	vst v63  }
0xda: {  	v6 =	vld [tilespmem:$0x8B00];
	_ =	sdelay $0x4  }
0xdb: {  	v6 =	vsel vm5, $0x0, v6  }
0xdc: {  	(xrf0) =	vadd.scan.msk.s32 $0xffff, v6;
	_ =	sdelay $0x5  }
0xdd: {  	v6, _, _ =	vpop (xrf0)  }
0xde: {  	(v2sf) =	vpush v6, $0xF;
	_ =	sdelay $0xe  }
0xdf: {  	s7 =	spop (v2sf)  }
0xe0: {  	p0 =	sgt.s32 s7, $0x0  }
0xe1: {  	s7 =	simm.s32 @!p0 $0x0  }
0xe2: {  	s7 =	smin.u32 s7, $0xFF  }
0xe3: {  	s7 =	sadd.s32 s6, s7  }
0xe4: {  	s7 =	smin.u32 s7, $0x1E84  }
0xe5: {  	s7 =	sshll.u32 s7, $0x7  }
0xe6: {  	s20 =	simm.s32 $0xDC80;
	s7 =	sadd.s32 s3, s7  }
0xe7: {  	[tilespmem:s20], [sflag:$0x6] =	stream.strided.gather [hbm4b:s7+s18], $0x1000, s23, s18, $0x38;
	[tilespmem:$0x18D80] =	vst v63  }
0xe8: {  	v6 =	vld [tilespmem:$0x8B00];
	_ =	sdelay $0x4  }
0xe9: {  	v6 =	vsel vm6, $0x0, v6  }
0xea: {  	(xrf0) =	vadd.scan.msk.s32 $0xffff, v6;
	_ =	sdelay $0x5  }
0xeb: {  	v6, _, _ =	vpop (xrf0)  }
0xec: {  	(v2sf) =	vpush v6, $0xF;
	_ =	sdelay $0xe  }
0xed: {  	s7 =	spop (v2sf)  }
0xee: {  	p0 =	sgt.s32 s7, $0x0  }
0xef: {  	s7 =	simm.s32 @!p0 $0x0  }
0xf0: {  	s7 =	smin.u32 s7, $0xFF  }
0xf1: {  	s7 =	sadd.s32 s6, s7  }
0xf2: {  	s7 =	smin.u32 s7, $0x1E84  }
0xf3: {  	s7 =	sshll.u32 s7, $0x7  }
0xf4: {  	s21 =	simm.s32 $0xEC80;
	s7 =	sadd.s32 s3, s7  }
0xf5: {  	[tilespmem:s21], [sflag:$0x7] =	stream.strided.gather [hbm4b:s7+s18], $0x1000, s23, s18, $0x38;
	[tilespmem:$0x18D80] =	vst v63  }
0xf6: {  	v6 =	vld [tilespmem:$0x8B00];
	_ =	sdelay $0x4  }
0xf7: {  	v6 =	vsel vm7, $0x0, v6  }
0xf8: {  	(xrf0) =	vadd.scan.msk.s32 $0xffff, v6;
	_ =	sdelay $0x5  }
0xf9: {  	v6, _, _ =	vpop (xrf0)  }
0xfa: {  	(v2sf) =	vpush v6, $0xF;
	_ =	sdelay $0xe  }
0xfb: {  	s7 =	spop (v2sf)  }
0xfc: {  	p0 =	sgt.s32 s7, $0x0  }
0xfd: {  	s7 =	simm.s32 @!p0 $0x0  }
0xfe: {  	s7 =	smin.u32 s7, $0xFF  }
0xff: {  	s7 =	sadd.s32 s6, s7  }
0x100: {  	s7 =	smin.u32 s7, $0x1E84  }
0x101: {  	s7 =	sshll.u32 s7, $0x7  }
0x102: {  	s24 =	simm.s32 $0xFC80;
	s7 =	sadd.s32 s3, s7  }
0x103: {  	[tilespmem:s24], [sflag:$0x8] =	stream.strided.gather [hbm4b:s7+s18], $0x1000, s23, s18, $0x38;
	[tilespmem:$0x18D80] =	vst v63  }
0x104: {  	v6 =	vld [tilespmem:$0x8B00];
	_ =	sdelay $0x4  }
0x105: {  	v6 =	vsel vm8, $0x0, v6  }
0x106: {  	(xrf0) =	vadd.scan.msk.s32 $0xffff, v6;
	_ =	sdelay $0x5  }
0x107: {  	v6, _, _ =	vpop (xrf0)  }
0x108: {  	(v2sf) =	vpush v6, $0xF;
	_ =	sdelay $0xe  }
0x109: {  	s7 =	spop (v2sf)  }
0x10a: {  	p0 =	sgt.s32 s7, $0x0  }
0x10b: {  	s7 =	simm.s32 @!p0 $0x0  }
0x10c: {  	s7 =	smin.u32 s7, $0xFF  }
0x10d: {  	s7 =	sadd.s32 s6, s7  }
0x10e: {  	s7 =	smin.u32 s7, $0x1E84  }
0x10f: {  	s7 =	sshll.u32 s7, $0x7  }
0x110: {  	s26 =	simm.s32 $0x10C80;
	s7 =	sadd.s32 s3, s7  }
0x111: {  	[tilespmem:s26], [sflag:$0x9] =	stream.strided.gather [hbm4b:s7+s18], $0x1000, s23, s18, $0x38;
	[tilespmem:$0x18D80] =	vst v63  }
0x112: {  	v6 =	vld [tilespmem:$0x8B00];
	_ =	sdelay $0x4  }
0x113: {  	v6 =	vsel vm9, $0x0, v6  }
0x114: {  	(xrf0) =	vadd.scan.msk.s32 $0xffff, v6;
	_ =	sdelay $0x5  }
0x115: {  	v6, _, _ =	vpop (xrf0)  }
0x116: {  	(v2sf) =	vpush v6, $0xF;
	_ =	sdelay $0xe  }
0x117: {  	s7 =	spop (v2sf)  }
0x118: {  	p0 =	sgt.s32 s7, $0x0  }
0x119: {  	s7 =	simm.s32 @!p0 $0x0  }
0x11a: {  	s7 =	smin.u32 s7, $0xFF  }
0x11b: {  	s7 =	sadd.s32 s6, s7  }
0x11c: {  	s7 =	smin.u32 s7, $0x1E84  }
0x11d: {  	s7 =	sshll.u32 s7, $0x7  }
0x11e: {  	s9 =	simm.s32 $0x11C80;
	s7 =	sadd.s32 s3, s7  }
0x11f: {  	[tilespmem:s9], [sflag:$0xA] =	stream.strided.gather [hbm4b:s7+s18], $0x1000, s23, s18, $0x38;
	[tilespmem:$0x18D80] =	vst v63  }
0x120: {  	v6 =	vld [tilespmem:$0x8B00];
	_ =	sdelay $0x4  }
0x121: {  	v6 =	vsel vm10, $0x0, v6  }
0x122: {  	(xrf0) =	vadd.scan.msk.s32 $0xffff, v6;
	_ =	sdelay $0x5  }
0x123: {  	v6, _, _ =	vpop (xrf0)  }
0x124: {  	(v2sf) =	vpush v6, $0xF;
	_ =	sdelay $0xe  }
0x125: {  	s7 =	spop (v2sf)  }
0x126: {  	p0 =	sgt.s32 s7, $0x0  }
0x127: {  	s7 =	simm.s32 @!p0 $0x0  }
0x128: {  	s7 =	smin.u32 s7, $0xFF  }
0x129: {  	s7 =	sadd.s32 s6, s7  }
0x12a: {  	s7 =	smin.u32 s7, $0x1E84  }
0x12b: {  	s7 =	sshll.u32 s7, $0x7  }
0x12c: {  	s10 =	simm.s32 $0x12C80;
	s7 =	sadd.s32 s3, s7  }
0x12d: {  	[tilespmem:s10], [sflag:$0xB] =	stream.strided.gather [hbm4b:s7+s18], $0x1000, s23, s18, $0x38;
	[tilespmem:$0x18D80] =	vst v63  }
0x12e: {  	v6 =	vld [tilespmem:$0x8B00];
	_ =	sdelay $0x4  }
0x12f: {  	v6 =	vsel vm11, $0x0, v6  }
0x130: {  	(xrf0) =	vadd.scan.msk.s32 $0xffff, v6;
	_ =	sdelay $0x5  }
0x131: {  	v6, _, _ =	vpop (xrf0)  }
0x132: {  	(v2sf) =	vpush v6, $0xF;
	_ =	sdelay $0xe  }
0x133: {  	s7 =	spop (v2sf)  }
0x134: {  	p0 =	sgt.s32 s7, $0x0  }
0x135: {  	s7 =	simm.s32 @!p0 $0x0  }
0x136: {  	s7 =	smin.u32 s7, $0xFF  }
0x137: {  	s7 =	sadd.s32 s6, s7  }
0x138: {  	s7 =	smin.u32 s7, $0x1E84  }
0x139: {  	s7 =	sshll.u32 s7, $0x7  }
0x13a: {  	s16 =	simm.s32 $0x13C80;
	s7 =	sadd.s32 s3, s7  }
0x13b: {  	[tilespmem:s16], [sflag:$0xC] =	stream.strided.gather [hbm4b:s7+s18], $0x1000, s23, s18, $0x38;
	[tilespmem:$0x18D80] =	vst v63  }
0x13c: {  	v6 =	vld [tilespmem:$0x8B00];
	_ =	sdelay $0x4  }
0x13d: {  	v6 =	vsel vm12, $0x0, v6  }
0x13e: {  	(xrf0) =	vadd.scan.msk.s32 $0xffff, v6;
	_ =	sdelay $0x5  }
0x13f: {  	v6, _, _ =	vpop (xrf0)  }
0x140: {  	(v2sf) =	vpush v6, $0xF;
	_ =	sdelay $0xe  }
0x141: {  	s7 =	spop (v2sf)  }
0x142: {  	p0 =	sgt.s32 s7, $0x0  }
0x143: {  	s7 =	simm.s32 @!p0 $0x0  }
0x144: {  	s7 =	smin.u32 s7, $0xFF  }
0x145: {  	s7 =	sadd.s32 s6, s7  }
0x146: {  	s7 =	smin.u32 s7, $0x1E84  }
0x147: {  	s7 =	sshll.u32 s7, $0x7  }
0x148: {  	s17 =	simm.s32 $0x14C80;
	s7 =	sadd.s32 s3, s7  }
0x149: {  	[tilespmem:s17], [sflag:$0xD] =	stream.strided.gather [hbm4b:s7+s18], $0x1000, s23, s18, $0x38;
	[tilespmem:$0x18D80] =	vst v63  }
0x14a: {  	v6 =	vld [tilespmem:$0x8B00];
	_ =	sdelay $0x4  }
0x14b: {  	v6 =	vsel vm13, $0x0, v6  }
0x14c: {  	(xrf0) =	vadd.scan.msk.s32 $0xffff, v6;
	_ =	sdelay $0x5  }
0x14d: {  	v6, _, _ =	vpop (xrf0)  }
0x14e: {  	(v2sf) =	vpush v6, $0xF;
	_ =	sdelay $0xe  }
0x14f: {  	s7 =	spop (v2sf)  }
0x150: {  	p0 =	sgt.s32 s7, $0x0  }
0x151: {  	s7 =	simm.s32 @!p0 $0x0  }
0x152: {  	s7 =	smin.u32 s7, $0xFF  }
0x153: {  	s7 =	sadd.s32 s6, s7  }
0x154: {  	s7 =	smin.u32 s7, $0x1E84  }
0x155: {  	s7 =	sshll.u32 s7, $0x7  }
0x156: {  	s19 =	simm.s32 $0x15C80;
	s7 =	sadd.s32 s3, s7  }
0x157: {  	[tilespmem:s19], [sflag:$0xE] =	stream.strided.gather [hbm4b:s7+s18], $0x1000, s23, s18, $0x38;
	[tilespmem:$0x18D80] =	vst v63  }
0x158: {  	v6 =	vld [tilespmem:$0x8B00];
	_ =	sdelay $0x4  }
0x159: {  	v6 =	vsel vm14, $0x0, v6  }
0x15a: {  	(xrf0) =	vadd.scan.msk.s32 $0xffff, v6;
	_ =	sdelay $0x5  }
0x15b: {  	v6, _, _ =	vpop (xrf0)  }
0x15c: {  	(v2sf) =	vpush v6, $0xF;
	_ =	sdelay $0xe  }
0x15d: {  	s7 =	spop (v2sf)  }
0x15e: {  	p0 =	sgt.s32 s7, $0x0  }
0x15f: {  	s7 =	simm.s32 @!p0 $0x0  }
0x160: {  	s7 =	smin.u32 s7, $0xFF  }
0x161: {  	s7 =	sadd.s32 s6, s7  }
0x162: {  	s7 =	smin.u32 s7, $0x1E84  }
0x163: {  	s7 =	sshll.u32 s7, $0x7  }
0x164: {  	s20 =	simm.s32 $0x16C80;
	s7 =	sadd.s32 s3, s7  }
0x165: {  	[tilespmem:s20], [sflag:$0xF] =	stream.strided.gather [hbm4b:s7+s18], $0x1000, s23, s18, $0x38;
	[tilespmem:$0x18D80] =	vst v63  }
0x166: {  	v6 =	vld [tilespmem:$0x8B00];
	_ =	sdelay $0x4  }
0x167: {  	v6 =	vsel vm15, $0x0, v6  }
0x168: {  	(xrf0) =	vadd.scan.msk.s32 $0xffff, v6;
	_ =	sdelay $0x5  }
0x169: {  	v6, _, _ =	vpop (xrf0)  }
0x16a: {  	(v2sf) =	vpush v6, $0xF;
	_ =	sdelay $0xe  }
0x16b: {  	s0 =	sadd.s32 s0, s15;
	s7 =	spop (v2sf)  }
0x16c: {  	s0 =	sadd.s32 $0x7, s0;
	p0 =	sgt.s32 s7, $0x0  }
0x16d: {  	s31 =	sshra.s32 s0, $0x3;
	s7 =	simm.s32 @!p0 $0x0  }
0x16e: {  	s29 =	simm.s32 $0x0;
	s30 =	smov.u32 s31;
	s7 =	smin.u32 s7, $0xFF  }
.Ltmp5:
0x16f: {  	s26 =	sadd.s32 $0xF, s2;
	s7 =	sadd.s32 s6, s7;
	(pc) =	sbr.rel .LBB2_8-.Ltmp5, $4  }
0x170: {  	s24 =	simm.s32 $0x17C80;
	s0 =	sshra.s32 s26, $0x4;
	s7 =	smin.u32 s7, $0x1E84  }
0x171: {  	v6 =	vmov s2;
	s2 =	simm.s32 $0x0;
	p0 =	sgt.s32 s31, $0x2;
	s7 =	sshll.u32 s7, $0x7  }
0x172: {  	s30 =	simm.s32 @!p0 $0x2;
	p0 =	slt.s32 s0, $0x1;
	s21 =	sadd.s32 s3, s7  }
0x173: {  	[tilespmem:s24], [sflag:$0x10] =	stream.strided.gather [hbm4b:s21+s18], $0x1000, s23, s18, $0x38;
	[tilespmem:$0x18D80] =	vst v63  }
.LBB2_25:
0x174: {  	s2 =	sadd.s32 $0x1, s2  }
0x175: {  	p1 =	sne.s32 s2, s30  }
.Ltmp6:
0x176: {  	_ = 	snop;
	(pc) =	sbr.rel @!p1 .LBB2_26-.Ltmp6, $1  }
0x177: {  	_ =	sdelay $0x3  }
.LBB2_8:
0x178: {  	s19 =	sshll.u32 s2, $0x3  }
0x179: {  	s15 =	sand.u32 $0x8, s19  }
0x17a: {  	s17 =	sor.u32 $0x1, s15  }
0x17b: {  	_ =	swait.ge [sflag:s17], $0x1000  }
0x17c: {  	[sflag:s17] =	ssyncset.done $0x0  }
0x17d: {  	s7 =	sor.u32 $0x2, s15;
	[sflag:s17] =	ssyncadd.s32 $0xFFFFF000  }
0x17e: {  	_ =	swait.ge [sflag:s7], $0x1000  }
0x17f: {  	[sflag:s7] =	ssyncset.done $0x0  }
0x180: {  	s16 =	sor.u32 $0x3, s15;
	[sflag:s7] =	ssyncadd.s32 $0xFFFFF000  }
0x181: {  	_ =	swait.ge [sflag:s16], $0x1000  }
0x182: {  	[sflag:s16] =	ssyncset.done $0x0  }
0x183: {  	s20 =	sor.u32 $0x4, s15;
	[sflag:s16] =	ssyncadd.s32 $0xFFFFF000  }
0x184: {  	_ =	swait.ge [sflag:s20], $0x1000  }
0x185: {  	[sflag:s20] =	ssyncset.done $0x0  }
0x186: {  	s21 =	sor.u32 $0x5, s15;
	[sflag:s20] =	ssyncadd.s32 $0xFFFFF000  }
0x187: {  	_ =	swait.ge [sflag:s21], $0x1000  }
0x188: {  	[sflag:s21] =	ssyncset.done $0x0  }
0x189: {  	s24 =	sor.u32 $0x6, s15;
	[sflag:s21] =	ssyncadd.s32 $0xFFFFF000  }
0x18a: {  	_ =	swait.ge [sflag:s24], $0x1000  }
0x18b: {  	[sflag:s24] =	ssyncset.done $0x0  }
0x18c: {  	s26 =	sor.u32 $0x7, s15;
	[sflag:s24] =	ssyncadd.s32 $0xFFFFF000  }
0x18d: {  	_ =	swait.ge [sflag:s26], $0x1000  }
.Ltmp7:
0x18e: {  	[sflag:s26] =	ssyncset.done $0x0;
	(pc) =	sbr.rel @p0 .LBB2_23-.Ltmp7, $4  }
0x18f: {  	s16 =	sadd.s32 $0x8, s15;
	[sflag:s26] =	ssyncadd.s32 $0xFFFFF000  }
0x190: {  	_ =	swait.ge [sflag:s16], $0x1000  }
0x191: {  	[sflag:s16] =	ssyncset.done $0x0  }
0x192: {  	[sflag:s16] =	ssyncadd.s32 $0xFFFFF000  }
0x193: {  	p2 =	seq.s32 s0, $0x1  }
.Ltmp8:
0x194: {  	_ = 	snop;
	(pc) =	sbr.rel @p2 .LBB2_10-.Ltmp8, $3  }
0x195: {  	_ =	sdelay $0x1  }
0x196: {  	s7 =	sadd.s32 $0x8, s19;
	s26 =	simm.s32 $0x800  }
0x197: {  	v7 =	vmov s19;
	s19 =	simm.s32 $0x0;
	p1 =	por $0x0, $0x0;
	v8 =	vmov s7;
	v9 =	vld [tilespmem:s26+$0x0];
	s7 =	sadd.s32 $0xFFFFFFFF, s0  }
0x198: {  	_ =	sdelay $0x3  }
0x199: {  	v10 =	vshrl.u32 v9, $0x15  }
0x19a: {  	v10 =	vand.u32 $0xFF, v10;
	_ =	sdelay $0x4  }
0x19b: {  	v10 =	vld.idx.msk [tilespmem:v10+s25+$0x0], $0xffff;
	_ =	sdelay $0x3  }
0x19c: {  	v11 =	vor.u32 s19, v2  }
0x19d: {  	vm2 =	vlt.s32 v11, v6;
	vm1 =	vlt.s32 v10, v8  }
0x19e: {  	p2 =	seq.s32 s7, $0x1;
	vm3 =	vge.s32 v10, v7;
	vm1 =	vmand vm1, vm2  }
.Ltmp9:
0x19f: {  	vm1 =	vmand vm1, vm3;
	(pc) =	sbr.rel @p2 .LBB2_15-.Ltmp9, $4  }
0x1a0: {  	v9 =	vand.u32 $0x1FFFFF, v9;
	v11 =	vshll.u32 v10, $0x15;
	v10 =	vsel vm1, $0x1, v1  }
0x1a1: {  	v9 =	vor.u32 v9, v11;
	(xrf0) =	vadd.scan.msk.s32 $0xffff, v10  }
0x1a2: {  	s24 =	simm.s32 $0x810;
	s26 =	sadd.s32 $0xFFFFFFFF, s7;
	[tilespmem:s19+$0x4880] =	vst.msk vm1, v9  }
0x1a3: {  	p1 =	por $0x1, $0x1;
	s21 =	simm.s32 $0x0;
	s20 =	simm.s32 $0x0;
	v9 =	vld [tilespmem:s24+$0x0]  }
.LBB2_16:
0x1a4: {  	p2 =	seq.s32 s26, $0x1;
	_ =	sdelay $0x2  }
0x1a5: {  	v10, _, _ =	vpop (xrf0)  }
0x1a6: {  	v11 =	vshrl.u32 v9, $0x15;
	v9 =	vand.u32 $0x1FFFFF, v9;
	(v2sf) =	vpush v10, $0xF  }
0x1a7: {  	v10 =	vand.u32 $0xFF, v11;
	_ =	sdelay $0x4  }
0x1a8: {  	v10 =	vld.idx.msk [tilespmem:v10+s25+$0x0], $0xffff;
	_ =	sdelay $0x3  }
0x1a9: {  	s21 =	sadd.s32 $0x10, s21  }
0x1aa: {  	v11 =	vor.u32 s21, v2  }
0x1ab: {  	vm2 =	vlt.s32 v11, v6;
	vm1 =	vlt.s32 v10, v8;
	v11 =	vshll.u32 v10, $0x15  }
0x1ac: {  	vm3 =	vge.s32 v10, v7;
	vm1 =	vmand vm1, vm2  }
.Ltmp10:
0x1ad: {  	vm1 =	vmand vm1, vm3;
	(pc) =	sbr.rel @!p2 .LBB2_16-.Ltmp10, $4  }
0x1ae: {  	v10 =	vsel vm1, $0x1, v1;
	s7 =	spop (v2sf)  }
0x1af: {  	v9 =	vor.u32 v9, v11;
	(xrf0) =	vadd.scan.msk.s32 $0xffff, v10;
	s20 =	sadd.s32 s20, s7  }
0x1b0: {  	s24 =	sadd.s32 $0x10, s24;
	[tilespmem:s20+$0x4880] =	vst.msk vm1, v9  }
0x1b1: {  	s26 =	sadd.s32 $0xFFFFFFFF, s26;
	v9 =	vld [tilespmem:s24+$0x0]  }
.LBB2_17:
0x1b2: {  	_ =	sdelay $0x3  }
0x1b3: {  	v10 =	vshrl.u32 v9, $0x15  }
0x1b4: {  	v10 =	vand.u32 $0xFF, v10;
	_ =	sdelay $0x4  }
0x1b5: {  	v10 =	vld.idx.msk [tilespmem:v10+s25+$0x0], $0xffff;
	_ =	sdelay $0x1  }
0x1b6: {  	s7 =	sadd.s32 @p1 $0x10, s21;
	s8 =	simm.s32 $0x0  }
0x1b7: {  	s8 =	smov.u32 @p1 s7  }
0x1b8: {  	v11 =	vor.u32 s8, v2  }
0x1b9: {  	vm2 =	vlt.s32 v11, v6;
	vm1 =	vlt.s32 v10, v8  }
0x1ba: {  	vm3 =	vge.s32 v10, v7;
	vm1 =	vmand vm1, vm2  }
0x1bb: {  	vm1 =	vmand vm1, vm3  }
0x1bc: {  	v7 =	vsel vm1, $0x1, v1  }
0x1bd: {  	(xrf0) =	vadd.scan.msk.s32 $0xffff, v7;
	_ =	sdelay $0x3  }
0x1be: {  	v7, _, _ =	vpop @p1 (xrf0)  }
0x1bf: {  	(v2sf) =	vpush @p1 v7, $0xF  }
0x1c0: {  	v7, _, _ =	vpop (xrf0)  }
0x1c1: {  	(v2sf) =	vpush v7, $0xF;
	_ =	sdelay $0xc  }
0x1c2: {  	s7 =	spop @p1 (v2sf)  }
0x1c3: {  	v8 =	vshll.u32 v10, $0x15;
	v7 =	vand.u32 $0x1FFFFF, v9;
	s7 =	sadd.s32 @p1 s20, s7  }
0x1c4: {  	v7 =	vor.u32 v7, v8;
	s19 =	smov.u32 @p1 s7;
	s26 =	spop (v2sf)  }
0x1c5: {  	[tilespmem:s19+$0x4880] =	vst.msk vm1, v7;
	s20 =	sadd.s32 s19, s26  }
0x1c6: {  	p1 =	slt.s32 s20, $0x1  }
.Ltmp11:
0x1c7: {  	_ = 	snop;
	(pc) =	sbr.rel @p1 .LBB2_23-.Ltmp11, $1  }
0x1c8: {  	_ =	sdelay $0x3  }
0x1c9: {  	p2 =	sne.s32 s20, $0x1  }
.Ltmp12:
0x1ca: {  	_ = 	snop;
	(pc) =	sbr.rel @!p2 .LBB2_13-.Ltmp12, $3  }
0x1cb: {  	_ =	sdelay $0x1  }
0x1cc: {  	s24 =	simm.s32 $0x0  }
0x1cd: {  	s21 =	simm.s32 $0x1;
	p1 =	por $0x0, $0x0;
	s9 =	sand.u32 $0x7FFFFFF0, s24  }
0x1ce: {  	v7 =	vld [tilespmem:s9+$0x4880];
	_ =	sdelay $0x1  }
0x1cf: {  	s7 =	sand.u32 $0xF, s24  }
0x1d0: {  	v8 =	vmov s7  }
0x1d1: {  	vm1 =	veq.s32 v8, v2  }
0x1d2: {  	v7 =	vnsel vm1, $0x0, v7  }
0x1d3: {  	(xrf0) =	vadd.scan.msk.s32 $0xffff, v7;
	_ =	sdelay $0x5  }
0x1d4: {  	v7, _, _ =	vpop (xrf0)  }
0x1d5: {  	(v2sf) =	vpush v7, $0xF;
	_ =	sdelay $0xe  }
0x1d6: {  	s10 =	spop (v2sf)  }
0x1d7: {  	s8 =	sshrl.u32 s10, $0xE  }
0x1d8: {  	s8 =	sand.u32 $0x7F, s8  }
0x1d9: {  	s19 =	sadd.s32 $0x0, s29;
	v7 =	vmov s8  }
0x1da: {  	p1 =	slt.s32 s19, $0x8;
	s8 =	sand.u32 $0x7, s19;
	v8 =	vor.u32 v4, v7  }
0x1db: {  	s24 =	sshrl.u32 s10, $0x15;
	v7 =	vor.u32 v5, v7;
	s19 =	sadd.s32 @!p1 $0x11, s8  }
0x1dc: {  	s9 =	sand.u32 $0x7, s24;
	_ =	swait.ge @!p1 [sflag:s19], $0x20  }
0x1dd: {  	s9 =	sor.u32 s15, s9;
	[sflag:s19] =	ssyncset.done @!p1 $0x0  }
0x1de: {  	s9 =	sshll.u32 s9, $0xC;
	[sflag:s19] =	ssyncadd.s32 @!p1 $0xFFFFFFE0  }
0x1df: {  	v8 =	vld.idx.msk [tilespmem:v8+s9+$0x8C80], $0xffff  }
0x1e0: {  	p2 =	sne.s32 s20, $0x2;
	v7 =	vld.idx.msk [tilespmem:v7+s9+$0x8C80], $0xffff  }
.Ltmp13:
0x1e1: {  	_ = 	snop;
	(pc) =	sbr.rel @!p2 .LBB2_19-.Ltmp13, $4  }
0x1e2: {  	_ = 	snop  }
0x1e3: {  	s7 =	sshll.u32 s10, $0x2;
	s24 =	sand.u32 $0x7FFFFFF0, s21;
	s26 =	sshll.u32 s8, $0x5  }
0x1e4: {  	s10 =	sand.u32 $0xFFFC, s7;
	s7 =	sadd.s32 $0x11, s8;
	[tilespmem:s26+$0x18C80] =	vst v8;
	s26 =	sadd.s32 $0x18C80, s26  }
0x1e5: {  	s8 =	sadd.s32 s4, s10;
	s19 =	simm.s32 $0x2;
	p1 =	por $0x1, $0x1;
	[tilespmem:s26+$0x10] =	vst v7  }
.LBB2_20:
0x1e6: {  	[hbm4b:s8+s5] =	stream.linear.scatter [tilespmem:s26], [sflag:s7], $0x20, $0x38;
	[tilespmem:$0x18D80] =	vst v63  }
0x1e7: {  	s7 =	smov.u32 s19;
	v7 =	vld [tilespmem:s24+$0x4880];
	s24 =	sand.u32 $0x7FFFFFF0, s19;
	s19 =	sadd.s32 $0x1, s19  }
0x1e8: {  	p2 =	sne.s32 s20, s19  }
0x1e9: {  	s8 =	sand.u32 $0xF, s21  }
0x1ea: {  	v8 =	vmov s8  }
0x1eb: {  	vm1 =	veq.s32 v8, v2  }
0x1ec: {  	v7 =	vnsel vm1, $0x0, v7  }
0x1ed: {  	(xrf0) =	vadd.scan.msk.s32 $0xffff, v7;
	_ =	sdelay $0x5  }
0x1ee: {  	v7, _, _ =	vpop (xrf0)  }
0x1ef: {  	(v2sf) =	vpush v7, $0xF;
	_ =	sdelay $0xe  }
0x1f0: {  	s8 =	spop (v2sf)  }
0x1f1: {  	s9 =	sshrl.u32 s8, $0x15;
	s10 =	sshrl.u32 s8, $0xE;
	s8 =	sshll.u32 s8, $0x2  }
0x1f2: {  	s9 =	sand.u32 $0x7, s9;
	s10 =	sand.u32 $0x7F, s10;
	s8 =	sand.u32 $0xFFFC, s8  }
0x1f3: {  	s26 =	sadd.s32 s21, s29;
	s21 =	smov.u32 s7;
	s9 =	sor.u32 s15, s9;
	v7 =	vmov s10  }
0x1f4: {  	s7 =	sand.u32 $0x7, s26;
	p3 =	slt.s32 s26, $0x8;
	v8 =	vor.u32 v4, v7;
	v7 =	vor.u32 v5, v7  }
0x1f5: {  	s10 =	sadd.s32 @!p3 $0x11, s7  }
0x1f6: {  	_ =	swait.ge @!p3 [sflag:s10], $0x20  }
0x1f7: {  	[sflag:s10] =	ssyncset.done @!p3 $0x0  }
0x1f8: {  	s9 =	sshll.u32 s9, $0xC;
	[sflag:s10] =	ssyncadd.s32 @!p3 $0xFFFFFFE0  }
0x1f9: {  	v8 =	vld.idx.msk [tilespmem:v8+s9+$0x8C80], $0xffff  }
0x1fa: {  	v7 =	vld.idx.msk [tilespmem:v7+s9+$0x8C80], $0xffff;
	_ =	sdelay $0x1  }
.Ltmp14:
0x1fb: {  	(pc) =	sbr.rel @p2 .LBB2_20-.Ltmp14, $4  }
0x1fc: {  	_ = 	snop  }
0x1fd: {  	s9 =	sshll.u32 s7, $0x5  }
0x1fe: {  	s26 =	sadd.s32 $0x18C80, s9;
	[tilespmem:s9+$0x18C80] =	vst v8  }
0x1ff: {  	s8 =	sadd.s32 s4, s8;
	s7 =	sadd.s32 $0x11, s7;
	[tilespmem:s26+$0x10] =	vst v7  }
0x200: {  	s9 =	smov.u32 s24;
	s24 =	smov.u32 s21  }
.LBB2_22:
0x201: {  	[hbm4b:s8+s5] =	stream.linear.scatter @p1 [tilespmem:s26], [sflag:s7], $0x20, $0x38;
	[tilespmem:$0x18D80] =	vst v63  }
0x202: {  	v7 =	vld [tilespmem:s9+$0x4880];
	_ =	sdelay $0x1  }
0x203: {  	s21 =	sand.u32 $0xF, s24  }
0x204: {  	v8 =	vmov s21  }
0x205: {  	vm1 =	veq.s32 v8, v2  }
0x206: {  	v7 =	vnsel vm1, $0x0, v7  }
0x207: {  	(xrf0) =	vadd.scan.msk.s32 $0xffff, v7;
	_ =	sdelay $0x5  }
0x208: {  	v7, _, _ =	vpop (xrf0)  }
0x209: {  	(v2sf) =	vpush v7, $0xF;
	_ =	sdelay $0xe  }
0x20a: {  	s26 =	spop (v2sf)  }
0x20b: {  	s20 =	sshrl.u32 s26, $0xE  }
0x20c: {  	s8 =	sand.u32 $0x7F, s20  }
0x20d: {  	s21 =	sadd.s32 s24, s29;
	v7 =	vmov s8  }
0x20e: {  	p1 =	slt.s32 s21, $0x8;
	s8 =	sand.u32 $0x7, s21;
	v8 =	vor.u32 v4, v7  }
0x20f: {  	s24 =	sshrl.u32 s26, $0x15;
	v7 =	vor.u32 v5, v7;
	s10 =	sadd.s32 @!p1 $0x11, s8  }
0x210: {  	s9 =	sand.u32 $0x7, s24;
	_ =	swait.ge @!p1 [sflag:s10], $0x20  }
0x211: {  	s9 =	sor.u32 s15, s9;
	[sflag:s10] =	ssyncset.done @!p1 $0x0  }
0x212: {  	s9 =	sshll.u32 s9, $0xC;
	[sflag:s10] =	ssyncadd.s32 @!p1 $0xFFFFFFE0  }
0x213: {  	v8 =	vld.idx.msk [tilespmem:v8+s9+$0x8C80], $0xffff  }
0x214: {  	v7 =	vld.idx.msk [tilespmem:v7+s9+$0x8C80], $0xffff;
	_ =	sdelay $0x2  }
0x215: {  	s7 =	sshll.u32 s26, $0x2;
	s26 =	sshll.u32 s8, $0x5  }
0x216: {  	s7 =	sand.u32 $0xFFFC, s7;
	s9 =	sadd.s32 $0x18C80, s26;
	[tilespmem:s26+$0x18C80] =	vst v8  }
0x217: {  	s29 =	sadd.s32 s19, s29;
	s7 =	sadd.s32 s4, s7;
	s8 =	sadd.s32 $0x11, s8;
	[tilespmem:s9+$0x10] =	vst v7  }
0x218: {  	[hbm4b:s7+s5] =	stream.linear.scatter [tilespmem:s9], [sflag:s8], $0x20, $0x38;
	[tilespmem:$0x18D80] =	vst v63  }
.LBB2_23:
0x219: {  	s7 =	sadd.s32 $0x2, s2  }
0x21a: {  	p1 =	sle.s32 s31, s7  }
.Ltmp15:
0x21b: {  	_ = 	snop;
	(pc) =	sbr.rel @p1 .LBB2_25-.Ltmp15, $1  }
0x21c: {  	_ =	sdelay $0x3  }
0x21d: {  	s7 =	sshll.u32 s7, $0x3  }
0x21e: {  	s20 =	sand.u32 $0xFFFFFFF0, s7  }
0x21f: {  	v7 =	vld [tilespmem:s20+$0x8B00];
	_ =	sdelay $0x1  }
0x220: {  	s21 =	sand.u32 $0x8, s7  }
0x221: {  	v8 =	vmov s21  }
0x222: {  	vm1 =	veq.s32 v8, v2  }
0x223: {  	v7 =	vnsel vm1, $0x0, v7  }
0x224: {  	(xrf0) =	vadd.scan.msk.s32 $0xffff, v7;
	_ =	sdelay $0x5  }
0x225: {  	v7, _, _ =	vpop (xrf0)  }
0x226: {  	(v2sf) =	vpush v7, $0xF;
	_ =	sdelay $0xe  }
0x227: {  	s7 =	spop (v2sf)  }
0x228: {  	p1 =	sgt.s32 s7, $0x0  }
0x229: {  	s7 =	simm.s32 @!p1 $0x0  }
0x22a: {  	s7 =	smin.u32 s7, $0xFF  }
0x22b: {  	s7 =	sadd.s32 s6, s7  }
0x22c: {  	s7 =	smin.u32 s7, $0x1E84  }
0x22d: {  	s19 =	sshll.u32 s15, $0xC;
	s7 =	sshll.u32 s7, $0x7  }
0x22e: {  	s8 =	sadd.s32 $0x8C80, s19;
	s7 =	sadd.s32 s3, s7  }
0x22f: {  	[tilespmem:s8], [sflag:s17] =	stream.strided.gather [hbm4b:s7+s18], $0x1000, s23, s18, $0x38;
	[tilespmem:$0x18D80] =	vst v63  }
0x230: {  	v7 =	vld [tilespmem:s20+$0x8B00];
	_ =	sdelay $0x1  }
0x231: {  	s24 =	sor.u32 $0x1, s21  }
0x232: {  	v8 =	vmov s24  }
0x233: {  	vm1 =	veq.s32 v8, v2  }
0x234: {  	v7 =	vnsel vm1, $0x0, v7  }
0x235: {  	(xrf0) =	vadd.scan.msk.s32 $0xffff, v7;
	_ =	sdelay $0x5  }
0x236: {  	v7, _, _ =	vpop (xrf0)  }
0x237: {  	(v2sf) =	vpush v7, $0xF;
	_ =	sdelay $0xe  }
0x238: {  	s7 =	spop (v2sf)  }
0x239: {  	p1 =	sgt.s32 s7, $0x0  }
0x23a: {  	s7 =	simm.s32 @!p1 $0x0  }
0x23b: {  	s7 =	smin.u32 s7, $0xFF  }
0x23c: {  	s7 =	sadd.s32 s6, s7  }
0x23d: {  	s7 =	smin.u32 s7, $0x1E84  }
0x23e: {  	s7 =	sshll.u32 s7, $0x7  }
0x23f: {  	s9 =	sadd.s32 $0x2, s15;
	s26 =	sadd.s32 $0x9C80, s19;
	s7 =	sadd.s32 s3, s7  }
0x240: {  	[tilespmem:s26], [sflag:s9] =	stream.strided.gather [hbm4b:s7+s18], $0x1000, s23, s18, $0x38;
	[tilespmem:$0x18D80] =	vst v63  }
0x241: {  	v7 =	vld [tilespmem:s20+$0x8B00];
	_ =	sdelay $0x1  }
0x242: {  	s8 =	sor.u32 $0x2, s21  }
0x243: {  	v8 =	vmov s8  }
0x244: {  	vm1 =	veq.s32 v8, v2  }
0x245: {  	v7 =	vnsel vm1, $0x0, v7  }
0x246: {  	(xrf0) =	vadd.scan.msk.s32 $0xffff, v7;
	_ =	sdelay $0x5  }
0x247: {  	v7, _, _ =	vpop (xrf0)  }
0x248: {  	(v2sf) =	vpush v7, $0xF;
	_ =	sdelay $0xe  }
0x249: {  	s7 =	spop (v2sf)  }
0x24a: {  	p1 =	sgt.s32 s7, $0x0  }
0x24b: {  	s7 =	simm.s32 @!p1 $0x0  }
0x24c: {  	s7 =	smin.u32 s7, $0xFF  }
0x24d: {  	s7 =	sadd.s32 s6, s7  }
0x24e: {  	s7 =	smin.u32 s7, $0x1E84  }
0x24f: {  	s7 =	sshll.u32 s7, $0x7  }
0x250: {  	s10 =	sadd.s32 $0x3, s15;
	s9 =	sadd.s32 $0xAC80, s19;
	s7 =	sadd.s32 s3, s7  }
0x251: {  	[tilespmem:s9], [sflag:s10] =	stream.strided.gather [hbm4b:s7+s18], $0x1000, s23, s18, $0x38;
	[tilespmem:$0x18D80] =	vst v63  }
0x252: {  	v7 =	vld [tilespmem:s20+$0x8B00];
	_ =	sdelay $0x1  }
0x253: {  	s17 =	sor.u32 $0x3, s21  }
0x254: {  	v8 =	vmov s17  }
0x255: {  	vm1 =	veq.s32 v8, v2  }
0x256: {  	v7 =	vnsel vm1, $0x0, v7  }
0x257: {  	(xrf0) =	vadd.scan.msk.s32 $0xffff, v7;
	_ =	sdelay $0x5  }
0x258: {  	v7, _, _ =	vpop (xrf0)  }
0x259: {  	(v2sf) =	vpush v7, $0xF;
	_ =	sdelay $0xe  }
0x25a: {  	s7 =	spop (v2sf)  }
0x25b: {  	p1 =	sgt.s32 s7, $0x0  }
0x25c: {  	s7 =	simm.s32 @!p1 $0x0  }
0x25d: {  	s7 =	smin.u32 s7, $0xFF  }
0x25e: {  	s7 =	sadd.s32 s6, s7  }
0x25f: {  	s7 =	smin.u32 s7, $0x1E84  }
0x260: {  	s7 =	sshll.u32 s7, $0x7  }
0x261: {  	s24 =	sadd.s32 $0xBC80, s19;
	s26 =	sadd.s32 $0x4, s15;
	s7 =	sadd.s32 s3, s7  }
0x262: {  	[tilespmem:s24], [sflag:s26] =	stream.strided.gather [hbm4b:s7+s18], $0x1000, s23, s18, $0x38;
	[tilespmem:$0x18D80] =	vst v63  }
0x263: {  	v7 =	vld [tilespmem:s20+$0x8B00];
	_ =	sdelay $0x1  }
0x264: {  	s8 =	sor.u32 $0x4, s21  }
0x265: {  	v8 =	vmov s8  }
0x266: {  	vm1 =	veq.s32 v8, v2  }
0x267: {  	v7 =	vnsel vm1, $0x0, v7  }
0x268: {  	(xrf0) =	vadd.scan.msk.s32 $0xffff, v7;
	_ =	sdelay $0x5  }
0x269: {  	v7, _, _ =	vpop (xrf0)  }
0x26a: {  	(v2sf) =	vpush v7, $0xF;
	_ =	sdelay $0xe  }
0x26b: {  	s7 =	spop (v2sf)  }
0x26c: {  	p1 =	sgt.s32 s7, $0x0  }
0x26d: {  	s7 =	simm.s32 @!p1 $0x0  }
0x26e: {  	s7 =	smin.u32 s7, $0xFF  }
0x26f: {  	s7 =	sadd.s32 s6, s7  }
0x270: {  	s7 =	smin.u32 s7, $0x1E84  }
0x271: {  	s7 =	sshll.u32 s7, $0x7  }
0x272: {  	s9 =	sadd.s32 $0xCC80, s19;
	s10 =	sadd.s32 $0x5, s15;
	s7 =	sadd.s32 s3, s7  }
0x273: {  	[tilespmem:s9], [sflag:s10] =	stream.strided.gather [hbm4b:s7+s18], $0x1000, s23, s18, $0x38;
	[tilespmem:$0x18D80] =	vst v63  }
0x274: {  	v7 =	vld [tilespmem:s20+$0x8B00];
	_ =	sdelay $0x1  }
0x275: {  	s17 =	sor.u32 $0x5, s21  }
0x276: {  	v8 =	vmov s17  }
0x277: {  	vm1 =	veq.s32 v8, v2  }
0x278: {  	v7 =	vnsel vm1, $0x0, v7  }
0x279: {  	(xrf0) =	vadd.scan.msk.s32 $0xffff, v7;
	_ =	sdelay $0x5  }
0x27a: {  	v7, _, _ =	vpop (xrf0)  }
0x27b: {  	(v2sf) =	vpush v7, $0xF;
	_ =	sdelay $0xe  }
0x27c: {  	s7 =	spop (v2sf)  }
0x27d: {  	p1 =	sgt.s32 s7, $0x0  }
0x27e: {  	s7 =	simm.s32 @!p1 $0x0  }
0x27f: {  	s7 =	smin.u32 s7, $0xFF  }
0x280: {  	s7 =	sadd.s32 s6, s7  }
0x281: {  	s7 =	smin.u32 s7, $0x1E84  }
0x282: {  	s7 =	sshll.u32 s7, $0x7  }
0x283: {  	s24 =	sadd.s32 $0xDC80, s19;
	s26 =	sadd.s32 $0x6, s15;
	s7 =	sadd.s32 s3, s7  }
0x284: {  	[tilespmem:s24], [sflag:s26] =	stream.strided.gather [hbm4b:s7+s18], $0x1000, s23, s18, $0x38;
	[tilespmem:$0x18D80] =	vst v63  }
0x285: {  	v7 =	vld [tilespmem:s20+$0x8B00];
	_ =	sdelay $0x1  }
0x286: {  	s9 =	sor.u32 $0x6, s21  }
0x287: {  	v8 =	vmov s9  }
0x288: {  	vm1 =	veq.s32 v8, v2  }
0x289: {  	v7 =	vnsel vm1, $0x0, v7  }
0x28a: {  	(xrf0) =	vadd.scan.msk.s32 $0xffff, v7;
	_ =	sdelay $0x5  }
0x28b: {  	v7, _, _ =	vpop (xrf0)  }
0x28c: {  	(v2sf) =	vpush v7, $0xF;
	_ =	sdelay $0xe  }
0x28d: {  	s7 =	spop (v2sf)  }
0x28e: {  	p1 =	sgt.s32 s7, $0x0  }
0x28f: {  	s7 =	simm.s32 @!p1 $0x0  }
0x290: {  	s7 =	smin.u32 s7, $0xFF  }
0x291: {  	s7 =	sadd.s32 s6, s7  }
0x292: {  	s7 =	smin.u32 s7, $0x1E84  }
0x293: {  	s7 =	sshll.u32 s7, $0x7  }
0x294: {  	s17 =	sadd.s32 $0x7, s15;
	s10 =	sadd.s32 $0xEC80, s19;
	s7 =	sadd.s32 s3, s7  }
0x295: {  	[tilespmem:s10], [sflag:s17] =	stream.strided.gather [hbm4b:s7+s18], $0x1000, s23, s18, $0x38;
	[tilespmem:$0x18D80] =	vst v63  }
0x296: {  	v7 =	vld [tilespmem:s20+$0x8B00];
	_ =	sdelay $0x1  }
0x297: {  	s24 =	sor.u32 $0x7, s21  }
0x298: {  	v8 =	vmov s24  }
0x299: {  	vm1 =	veq.s32 v8, v2  }
0x29a: {  	v7 =	vnsel vm1, $0x0, v7  }
0x29b: {  	(xrf0) =	vadd.scan.msk.s32 $0xffff, v7;
	_ =	sdelay $0x5  }
0x29c: {  	v7, _, _ =	vpop (xrf0)  }
0x29d: {  	(v2sf) =	vpush v7, $0xF;
	_ =	sdelay $0xe  }
0x29e: {  	s7 =	spop (v2sf)  }
0x29f: {  	p1 =	sgt.s32 s7, $0x0  }
0x2a0: {  	s7 =	simm.s32 @!p1 $0x0  }
0x2a1: {  	s7 =	smin.u32 s7, $0xFF  }
.Ltmp16:
0x2a2: {  	s7 =	sadd.s32 s6, s7;
	(pc) =	sbr.rel .LBB2_25-.Ltmp16, $4  }
0x2a3: {  	s7 =	smin.u32 s7, $0x1E84  }
0x2a4: {  	s7 =	sshll.u32 s7, $0x7  }
0x2a5: {  	s26 =	sadd.s32 $0xFC80, s19;
	s7 =	sadd.s32 s3, s7  }
0x2a6: {  	[tilespmem:s26], [sflag:s16] =	stream.strided.gather [hbm4b:s7+s18], $0x1000, s23, s18, $0x38;
	[tilespmem:$0x18D80] =	vst v63  }
.LBB2_10:
.Ltmp17:
0x2a7: {  	(pc) =	sbr.rel .LBB2_17-.Ltmp17, $2  }
0x2a8: {  	_ =	sdelay $0x2  }
0x2a9: {  	s21 =	simm.s32 $0x0;
	s20 =	simm.s32 $0x0  }
.LBB2_15:
.Ltmp18:
0x2aa: {  	(pc) =	sbr.rel .LBB2_17-.Ltmp18, $2  }
0x2ab: {  	_ =	sdelay $0x2  }
0x2ac: {  	s21 =	simm.s32 $0x0;
	s20 =	simm.s32 $0x0  }
.LBB2_13:
.Ltmp19:
0x2ad: {  	(pc) =	sbr.rel .LBB2_22-.Ltmp19, $2  }
0x2ae: {  	_ =	sdelay $0x2  }
0x2af: {  	s19 =	simm.s32 $0x1  }
.LBB2_19:
.Ltmp20:
0x2b0: {  	(pc) =	sbr.rel .LBB2_22-.Ltmp20, $2  }
0x2b1: {  	_ =	sdelay $0x2  }
0x2b2: {  	s9 =	smov.u32 s24;
	s24 =	simm.s32 $0x1  }
.LBB2_26:
0x2b3: {  	p0 =	slt.s32 s29, $0x1  }
0x2b4: {  	s0 =	simm.s32 @!p0 $0x11  }
0x2b5: {  	p1 =	seq.s32 @!p0 s29, $0x1;
	_ =	swait.ge @!p0 [sflag:s0], $0x20  }
0x2b6: {  	p1 =	por p0, p1;
	[sflag:s0] =	ssyncset.done @!p0 $0x0  }
0x2b7: {  	[sflag:s0] =	ssyncadd.s32 @!p0 $0xFFFFFFE0;
	p0 =	slt.u32 @!p1 s29, $0x3  }
0x2b8: {  	p0 =	por p1, p0  }
.Ltmp21:
0x2b9: {  	_ = 	snop;
	(pc) =	sbr.rel @p0 .LBB2_28-.Ltmp21, $4  }
0x2ba: {  	s0 =	simm.s32 @!p1 $0x12  }
0x2bb: {  	_ =	swait.ge @!p1 [sflag:s0], $0x20  }
0x2bc: {  	[sflag:s0] =	ssyncset.done @!p1 $0x0  }
0x2bd: {  	[sflag:s0] =	ssyncadd.s32 @!p1 $0xFFFFFFE0  }
0x2be: {  	p0 =	seq.s32 s29, $0x3  }
0x2bf: {  	p1 =	slt.u32 @!p0 s29, $0x5  }
0x2c0: {  	s0 =	simm.s32 $0x13;
	p2 =	por p1, p0  }
0x2c1: {  	_ =	swait.ge [sflag:s0], $0x20;
	p3 =	seq.s32 @!p2 s29, $0x5  }
0x2c2: {  	[sflag:s0] =	ssyncset.done $0x0;
	s2 =	simm.s32 @!p3 $0x0;
	p4 =	por @!p0 p3, p1  }
0x2c3: {  	[sflag:s0] =	ssyncadd.s32 $0xFFFFFFE0;
	s2 =	simm.s32 @p3 $0x1;
	p4 =	por p4, p0  }
0x2c4: {  	s0 =	simm.s32 @!p0 $0x14;
	[smem:$0x7FD] =	sst s2;
	p5 =	slt.u32 @!p4 s29, $0x7  }
0x2c5: {  	_ =	swait.ge @!p0 [sflag:s0], $0x20;
	s2 =	simm.s32 @!p5 $0x0  }
0x2c6: {  	[sflag:s0] =	ssyncset.done @!p0 $0x0;
	s2 =	simm.s32 @p5 $0x1  }
0x2c7: {  	[sflag:s0] =	ssyncadd.s32 @!p0 $0xFFFFFFE0;
	s0 =	simm.s32 @!p2 $0x15;
	[smem:$0x7FC] =	sst s2  }
0x2c8: {  	_ =	swait.ge @!p2 [sflag:s0], $0x20  }
0x2c9: {  	[sflag:s0] =	ssyncset.done @!p2 $0x0  }
0x2ca: {  	[sflag:s0] =	ssyncadd.s32 @!p2 $0xFFFFFFE0;
	s0 =	simm.s32 @!p4 $0x16  }
0x2cb: {  	_ =	swait.ge @!p4 [sflag:s0], $0x20  }
0x2cc: {  	p6 =	por @!p2 p5, p3;
	s30 =	sld [smem:$0x7FC]  }
0x2cd: {  	p6 =	por @!p0 p6, p1;
	s31 =	sld [smem:$0x7FD]  }
0x2ce: {  	p6 =	por p6, p0  }
0x2cf: {  	p5 =	seq.s32 @!p6 s29, $0x7;
	p3 =	seq.s32 s30, $0x1  }
0x2d0: {  	[sflag:s0] =	ssyncset.done @!p4 $0x0;
	p5 =	por @!p4 p5, p3;
	p3 =	seq.s32 s31, $0x1  }
0x2d1: {  	[sflag:s0] =	ssyncadd.s32 @!p4 $0xFFFFFFE0;
	s0 =	simm.s32 @!p6 $0x17;
	p2 =	por @!p2 p5, p3  }
0x2d2: {  	_ =	swait.ge @!p6 [sflag:s0], $0x20;
	p1 =	por @!p0 p2, p1  }
.Ltmp22:
0x2d3: {  	[sflag:s0] =	ssyncset.done @!p6 $0x0;
	p0 =	por p1, p0;
	(pc) =	sbr.rel .LBB2_28-.Ltmp22, $4  }
0x2d4: {  	[sflag:s0] =	ssyncadd.s32 @!p6 $0xFFFFFFE0;
	s0 =	simm.s32 @!p0 $0x18  }
0x2d5: {  	_ =	swait.ge @!p0 [sflag:s0], $0x20  }
0x2d6: {  	[sflag:s0] =	ssyncset.done @!p0 $0x0  }
0x2d7: {  	[sflag:s0] =	ssyncadd.s32 @!p0 $0xFFFFFFE0  }
.LBB2_29:
0x2d8: {  	_ =	sfence.sel $0x180000  }
0x2d9: {  	[bflag:$0x0] =	sbarrier.arrive $0xFFFF  }
0x2da: {  	_ =	strace $0x90000047  }
0x2db: {  	s0 =	stileid.u32;
	[bflag:$0x2] =	sbarrier.arrive $0xFFFF  }
0x2dc: {  	p0 =	sne.s32 s0, $0x0;
	s0 =	rddreg [dreg:$0x3]  }
0x2dd: {  	s0 =	sadd.s32 @!p0 $0x100000, s0  }
0x2de: {  	[sflag:s0] =	ssyncadd.tile.s32 @!p0 $0x1;
	_ =	shalt  }
.Lfunc_end2:
_tile_overlayer_lowered:
.L_overlay_start_2:
0x2df: {  	(tag) =	ssettag $0x2  }
0x2e0: {  	s0 =	rddreg [dreg:$0x0];
	s2 =	stileid.u32  }
0x2e1: {  	s1 =	rddreg [dreg:$0x1];
	p0 =	sne.s32 s2, $0x0  }
0x2e2: {  	s3 =	rddreg [dreg:$0x2];
	[bflag:$0x3] =	sbarrier.arrive $0xFFFF;
	s2 =	simm.s32 @!p0 $0x1C1B  }
0x2e3: {  	[timem:s3], [sflag:s2] =	dma.local @!p0 [hbm:s0], s1  }
0x2e4: {  	s0 =	simm.s32 @!p0 $0x1B  }
0x2e5: {  	_ =	swait.ge @!p0 [sflag:s0], s1  }
0x2e6: {  	s1 =	ssub.s32 @!p0 $0x0, s1;
	[sflag:s0] =	ssyncset.done @!p0 $0x0  }
0x2e7: {  	[sflag:s0] =	ssyncadd.s32 @!p0 s1  }
0x2e8: {  	[bflag:$0x3] =	sbarrier.arrive $0xFFFF  }
0x2e9: {  	_ =	shalt  }

</sc_bundles>
